<compile_context>
chip_gen: v7x
topology: tpu7x:2x2x1
jax: 0.10.2.dev20260603
libtpu: 0.0.44.dev20260713+nightly
codegen_flags: <defaults>
</compile_context>

<pallas_src>
import functools

import jax
import jax.numpy as jnp
from jax import lax
from jax.experimental import pallas as pl
from jax.experimental.pallas import tpu as pltpu
from jax.experimental.pallas import tpu_sc as plsc

_THRESHOLDS = (
    60 * 1000,
    5 * 60 * 1000,
    30 * 60 * 1000,
    120 * 60 * 1000,
    24 * 60 * 60 * 1000,
    7 * 24 * 60 * 60 * 1000,
)
_DIM = 64
_LANES = 16


@functools.lru_cache(maxsize=None)
def _build_sc_call(B: int):
    info = plsc.get_sparse_core_info()
    nw = info.num_cores * info.num_subcores
    assert B % nw == 0
    b_per_w = B // nw
    chunk = 1024
    assert b_per_w % chunk == 0
    n_chunks = b_per_w // chunk

    mesh = plsc.VectorSubcoreMesh(core_axis_name="c", subcore_axis_name="s")

    @functools.partial(
        pl.kernel,
        mesh=mesh,
        compiler_params=pltpu.CompilerParams(use_tc_tiling_on_sc=False),
        out_type=jax.ShapeDtypeStruct((B, _DIM), jnp.float32),
        scratch_types=[
            pltpu.VMEM((b_per_w,), jnp.int32),
            pltpu.VMEM((chunk,), jnp.int32),
            pltpu.VMEM((chunk, _DIM), jnp.float32),
            pltpu.SemaphoreType.DMA,
        ],
    )
    def sc_kernel(delta_hbm, w_hbm, out_hbm, delta_v, idx_v, rows_v, sem):
        wid = lax.axis_index("s") * info.num_cores + lax.axis_index("c")
        base = wid * b_per_w
        pltpu.sync_copy(delta_hbm.at[pl.ds(base, b_per_w)], delta_v)

        for c in range(n_chunks):
            def bucket_body(i, carry, c=c):
                d = delta_v[pl.ds(c * chunk + i * _LANES, _LANES)]
                b = jnp.zeros((_LANES,), jnp.int32)
                for t in _THRESHOLDS:
                    b = b + jnp.where(d >= t, 1, 0).astype(jnp.int32)
                idx_v[pl.ds(i * _LANES, _LANES)] = b
                return carry

            lax.fori_loop(0, chunk // _LANES, bucket_body, 0)
            pltpu.async_copy(w_hbm.at[idx_v], rows_v, sem).wait()
            pltpu.sync_copy(rows_v, out_hbm.at[pl.ds(base + c * chunk, chunk)])

    return sc_kernel


def kernel(time_delta_ms, W):
    n, t = time_delta_ms.shape
    flat = time_delta_ms.reshape(n * t)
    out = _build_sc_call(n * t)(flat, W)
    return out.reshape(n, t, _DIM)

# --- scband reference (transcript-rebuilt; emitter-appended) ---
"""Pipeline reference for scband-temporal-encoding-57664230916397 (READ-ONLY COPY).

The authoritative reference and input builder live on the scoring server;
editing this copy changes nothing except your own understanding.
"""

import jax, jax.numpy as jnp
import numpy as np

TIME_BUCKETS_MS = [60 * 1000, 5 * 60 * 1000, 30 * 60 * 1000, 120 * 60 * 1000, 24 * 60 * 60 * 1000, 7 * 24 * 60 * 60 * 1000]
NUM_BUCKETS = 7
EMBEDDING_DIM = 64


def time_delta_to_bucket(time_delta_ms):
    buckets = jnp.zeros(time_delta_ms.shape, dtype=jnp.int32)
    for i, threshold in enumerate(TIME_BUCKETS_MS):
        buckets = jnp.where(time_delta_ms >= threshold, jnp.int32(i + 1), buckets)
    return buckets


def setup_inputs(seed: int = 0) -> dict:
    key = jax.random.key(seed)
    k1, k2 = jax.random.split(key)
    time_delta_ms = jax.random.randint(k1, (4096, 200), 0, 1000000000, dtype=jnp.int32)
    W = 0.02 * jax.random.normal(k2, (NUM_BUCKETS, EMBEDDING_DIM), dtype=jnp.float32)
    return {"time_delta_ms": time_delta_ms, "W": W}


def reference(time_delta_ms, W):
    buckets = time_delta_to_bucket(time_delta_ms)
    buckets = jnp.clip(buckets, 0, NUM_BUCKETS - 1)
    embeddings = jnp.take(W, buckets, axis=0)
    return embeddings

if __name__ == "__main__":
    import jax
    _d = setup_inputs()
    print(jax.jit(kernel)(*tuple(_d.values())))

</pallas_src>

<mosaic_0001>
#map = affine_map<(d0, d1) -> (0)>
#map1 = affine_map<(d0, d1) -> (0, 0)>
module attributes {stable_mosaic.version = 14 : i64} {
  func.func @sc_kernel(%arg0: i32, %arg1: i32, %arg2: memref<819200xi32, #tpu.memory_space<hbm>>, %arg3: memref<7x64xf32, #tpu.memory_space<hbm>>, %arg4: memref<819200x64xf32, #tpu.memory_space<hbm>>, %arg5: memref<25600xi32, #tpu.memory_space<vmem>>, %arg6: memref<1024xi32, #tpu.memory_space<vmem>>, %arg7: memref<1024x64xf32, #tpu.memory_space<vmem>>, %arg8: memref<!tpu.dma_semaphore, #tpu.memory_space<semaphore_mem>>) attributes {dimension_semantics = [#tpu.dimension_semantics<core_parallel>, #tpu.dimension_semantics<subcore_parallel>], iteration_bounds = array<i64: 2, 16>, scalar_prefetch = 0 : i64, scratch_operands = 4 : i64, tpu.core_type = #tpu.core_type<sc_vector_subcore>, window_params = [{transform_indices = #map}, {transform_indices = #map1}, {transform_indices = #map1}]} {
    %mul3A = arith.constant 2 : i32
    %mul3A_0 = arith.muli %arg1, %mul3A : i32
    %add3A = arith.addi %mul3A_0, %arg0 : i32
    %mul3A_1 = arith.constant 25600 : i32
    %mul3A_2 = arith.muli %add3A, %mul3A_1 : i32
    "tpu.region"() ({
      %run_scoped3A = tpu.sem_alloc : memref<!tpu.dma_semaphore, #tpu.memory_space<semaphore_mem>>
      %dma_start3A_350 = tpu.memref_slice %arg2[%mul3A_2] : memref<819200xi32, #tpu.memory_space<hbm>> -> memref<25600xi32, #tpu.memory_space<hbm>>
      %dma_start3A_351 = tpu.memref_slice %arg2[%mul3A_2] : memref<819200xi32, #tpu.memory_space<hbm>> -> memref<25600xi32, #tpu.memory_space<hbm>>
      tpu.enqueue_dma source(%dma_start3A_351 : memref<25600xi32, #tpu.memory_space<hbm>>) target(%arg5 : memref<25600xi32, #tpu.memory_space<vmem>>) target_semaphore(%run_scoped3A : memref<!tpu.dma_semaphore, #tpu.memory_space<semaphore_mem>>)
      %dma_wait3A_352 = tpu.memref_slice %arg2[%mul3A_2] : memref<819200xi32, #tpu.memory_space<hbm>> -> memref<25600xi32, #tpu.memory_space<hbm>>
      %dma_wait3A_353 = tpu.memref_slice %arg2[%mul3A_2] : memref<819200xi32, #tpu.memory_space<hbm>> -> memref<25600xi32, #tpu.memory_space<hbm>>
      tpu.wait_dma2 semaphore(%run_scoped3A : memref<!tpu.dma_semaphore, #tpu.memory_space<semaphore_mem>>) src(%dma_wait3A_353 : memref<25600xi32, #tpu.memory_space<hbm>>) dst(%arg5 : memref<25600xi32, #tpu.memory_space<vmem>>)
      tpu.yield
    }) : () -> ()
    %scan3A = arith.constant 0 : i32
    %scan3A_3 = arith.constant 0 : i32
    %scan3A_4 = arith.constant 64 : i32
    %scan3A_5 = arith.addi %scan3A_3, %scan3A_4 : i32
    %scan3A_6 = arith.constant 1 : i32
    scf.for %scan3A_350 = %scan3A_3 to %scan3A_5 step %scan3A_6  : i32 {
      %mul3A_351 = arith.constant 16 : i32
      %mul3A_352 = arith.muli %scan3A_350, %mul3A_351 : i32
      %add3A_353 = arith.constant 0 : i32
      %add3A_354 = arith.addi %add3A_353, %mul3A_352 : i32
      %get3A = arith.index_cast %add3A_354 : i32 to index
      %get3A_355 = tpu.vector_load %arg5[%get3A] {strides = array<i32>} : memref<25600xi32, #tpu.memory_space<vmem>>, vector<16xi32>,
      %get3A_356 = vector.shape_cast %get3A_355 : vector<16xi32> to vector<16xi32>
      %broadcast_in_dim3A = arith.constant 0 : i32
      %broadcast_in_dim3A_357 = vector.broadcast %broadcast_in_dim3A : i32 to vector<16xi32>
      %ge3A = arith.constant 60000 : i32
      %ge3A_358 = vector.broadcast %ge3A : i32 to vector<16xi32>
      %ge3A_359 = arith.cmpi sge, %get3A_356, %ge3A_358 : vector<16xi32>
      %jit3A = arith.constant 1 : i32
      %jit3A_360 = arith.constant 0 : i32
      %broadcast_in_dim3A_361 = vector.broadcast %jit3A : i32 to vector<16xi32>
      %broadcast_in_dim3A_362 = vector.broadcast %jit3A_360 : i32 to vector<16xi32>
      %select_n3A = arith.select %ge3A_359, %broadcast_in_dim3A_361, %broadcast_in_dim3A_362 : vector<16xi1>, vector<16xi32>
      %add3A_363 = arith.addi %broadcast_in_dim3A_357, %select_n3A : vector<16xi32>
      %ge3A_364 = arith.constant 300000 : i32
      %ge3A_365 = vector.broadcast %ge3A_364 : i32 to vector<16xi32>
      %ge3A_366 = arith.cmpi sge, %get3A_356, %ge3A_365 : vector<16xi32>
      %jit3A_367 = arith.constant 1 : i32
      %jit3A_368 = arith.constant 0 : i32
      %broadcast_in_dim3A_369 = vector.broadcast %jit3A_367 : i32 to vector<16xi32>
      %broadcast_in_dim3A_370 = vector.broadcast %jit3A_368 : i32 to vector<16xi32>
      %select_n3A_371 = arith.select %ge3A_366, %broadcast_in_dim3A_369, %broadcast_in_dim3A_370 : vector<16xi1>, vector<16xi32>
      %add3A_372 = arith.addi %add3A_363, %select_n3A_371 : vector<16xi32>
      %ge3A_373 = arith.constant 1800000 : i32
      %ge3A_374 = vector.broadcast %ge3A_373 : i32 to vector<16xi32>
      %ge3A_375 = arith.cmpi sge, %get3A_356, %ge3A_374 : vector<16xi32>
      %jit3A_376 = arith.constant 1 : i32
      %jit3A_377 = arith.constant 0 : i32
      %broadcast_in_dim3A_378 = vector.broadcast %jit3A_376 : i32 to vector<16xi32>
      %broadcast_in_dim3A_379 = vector.broadcast %jit3A_377 : i32 to vector<16xi32>
      %select_n3A_380 = arith.select %ge3A_375, %broadcast_in_dim3A_378, %broadcast_in_dim3A_379 : vector<16xi1>, vector<16xi32>
      %add3A_381 = arith.addi %add3A_372, %select_n3A_380 : vector<16xi32>
      %ge3A_382 = arith.constant 7200000 : i32
      %ge3A_383 = vector.broadcast %ge3A_382 : i32 to vector<16xi32>
      %ge3A_384 = arith.cmpi sge, %get3A_356, %ge3A_383 : vector<16xi32>
      %jit3A_385 = arith.constant 1 : i32
      %jit3A_386 = arith.constant 0 : i32
      %broadcast_in_dim3A_387 = vector.broadcast %jit3A_385 : i32 to vector<16xi32>
      %broadcast_in_dim3A_388 = vector.broadcast %jit3A_386 : i32 to vector<16xi32>
      %select_n3A_389 = arith.select %ge3A_384, %broadcast_in_dim3A_387, %broadcast_in_dim3A_388 : vector<16xi1>, vector<16xi32>
      %add3A_390 = arith.addi %add3A_381, %select_n3A_389 : vector<16xi32>
      %ge3A_391 = arith.constant 86400000 : i32
      %ge3A_392 = vector.broadcast %ge3A_391 : i32 to vector<16xi32>
      %ge3A_393 = arith.cmpi sge, %get3A_356, %ge3A_392 : vector<16xi32>
      %jit3A_394 = arith.constant 1 : i32
      %jit3A_395 = arith.constant 0 : i32
      %broadcast_in_dim3A_396 = vector.broadcast %jit3A_394 : i32 to vector<16xi32>
      %broadcast_in_dim3A_397 = vector.broadcast %jit3A_395 : i32 to vector<16xi32>
      %select_n3A_398 = arith.select %ge3A_393, %broadcast_in_dim3A_396, %broadcast_in_dim3A_397 : vector<16xi1>, vector<16xi32>
      %add3A_399 = arith.addi %add3A_390, %select_n3A_398 : vector<16xi32>
      %ge3A_400 = arith.constant 604800000 : i32
      %ge3A_401 = vector.broadcast %ge3A_400 : i32 to vector<16xi32>
      %ge3A_402 = arith.cmpi sge, %get3A_356, %ge3A_401 : vector<16xi32>
      %jit3A_403 = arith.constant 1 : i32
      %jit3A_404 = arith.constant 0 : i32
      %broadcast_in_dim3A_405 = vector.broadcast %jit3A_403 : i32 to vector<16xi32>
      %broadcast_in_dim3A_406 = vector.broadcast %jit3A_404 : i32 to vector<16xi32>
      %select_n3A_407 = arith.select %ge3A_402, %broadcast_in_dim3A_405, %broadcast_in_dim3A_406 : vector<16xi1>, vector<16xi32>
      %add3A_408 = arith.addi %add3A_399, %select_n3A_407 : vector<16xi32>
      %mul3A_409 = arith.constant 16 : i32
      %mul3A_410 = arith.muli %scan3A_350, %mul3A_409 : i32
      %swap3A = arith.index_cast %mul3A_410 : i32 to index
      %swap3A_411 = tpu.vector_load %arg6[%swap3A] {strides = array<i32>} : memref<1024xi32, #tpu.memory_space<vmem>>, vector<16xi32>,
      %swap3A_412 = vector.shape_cast %swap3A_411 : vector<16xi32> to vector<16xi32>
      %swap3A_413 = vector.shape_cast %add3A_408 : vector<16xi32> to vector<16xi32>
      tpu.vector_store %arg6[%swap3A], %swap3A_413 {strides = array<i32>} : memref<1024xi32, #tpu.memory_space<vmem>>, vector<16xi32>,
    }
    %scan3A_7 = arith.constant 64 : i32
    %dma_start3A = arith.constant 0 : i32
    %dma_start3A_8 = arith.constant 0 : i32
    %dma_start3A_9 = tpu.memref_slice %arg3[%dma_start3A, %dma_start3A_8] : memref<7x64xf32, #tpu.memory_space<hbm>> -> memref<7x64xf32, #tpu.memory_space<hbm>>
    tpu.enqueue_indirect_dma source(%dma_start3A_9 : memref<7x64xf32, #tpu.memory_space<hbm>>) target(%arg7 : memref<1024x64xf32, #tpu.memory_space<vmem>>) offsets(%arg6 : memref<1024xi32, #tpu.memory_space<vmem>>) semaphore(%arg8 : memref<!tpu.dma_semaphore, #tpu.memory_space<semaphore_mem>>)
    %dma_wait3A = arith.constant 0 : i32
    %dma_wait3A_10 = arith.constant 0 : i32
    %dma_wait3A_11 = tpu.memref_slice %arg3[%dma_wait3A, %dma_wait3A_10] : memref<7x64xf32, #tpu.memory_space<hbm>> -> memref<7x64xf32, #tpu.memory_space<hbm>>
    tpu.wait_indirect_dma semaphore(%arg8 : memref<!tpu.dma_semaphore, #tpu.memory_space<semaphore_mem>>) src(%dma_wait3A_11 : memref<7x64xf32, #tpu.memory_space<hbm>>) dst(%arg7 : memref<1024x64xf32, #tpu.memory_space<vmem>>)
    %add3A_12 = arith.constant 0 : i32
    %add3A_13 = arith.addi %mul3A_2, %add3A_12 : i32
    "tpu.region"() ({
      %run_scoped3A = tpu.sem_alloc : memref<!tpu.dma_semaphore, #tpu.memory_space<semaphore_mem>>
      %dma_start3A_350 = arith.constant 0 : i32
      %dma_start3A_351 = tpu.memref_slice %arg4[%add3A_13, %dma_start3A_350] : memref<819200x64xf32, #tpu.memory_space<hbm>> -> memref<1024x64xf32, #tpu.memory_space<hbm>>
      %dma_start3A_352 = arith.constant 0 : i32
      %dma_start3A_353 = tpu.memref_slice %arg4[%add3A_13, %dma_start3A_352] : memref<819200x64xf32, #tpu.memory_space<hbm>> -> memref<1024x64xf32, #tpu.memory_space<hbm>>
      tpu.enqueue_dma source(%arg7 : memref<1024x64xf32, #tpu.memory_space<vmem>>) target(%dma_start3A_353 : memref<1024x64xf32, #tpu.memory_space<hbm>>) target_semaphore(%run_scoped3A : memref<!tpu.dma_semaphore, #tpu.memory_space<semaphore_mem>>)
      %dma_wait3A_354 = arith.constant 0 : i32
      %dma_wait3A_355 = tpu.memref_slice %arg4[%add3A_13, %dma_wait3A_354] : memref<819200x64xf32, #tpu.memory_space<hbm>> -> memref<1024x64xf32, #tpu.memory_space<hbm>>
      %dma_wait3A_356 = arith.constant 0 : i32
      %dma_wait3A_357 = tpu.memref_slice %arg4[%add3A_13, %dma_wait3A_356] : memref<819200x64xf32, #tpu.memory_space<hbm>> -> memref<1024x64xf32, #tpu.memory_space<hbm>>
      tpu.wait_dma2 semaphore(%run_scoped3A : memref<!tpu.dma_semaphore, #tpu.memory_space<semaphore_mem>>) src(%arg7 : memref<1024x64xf32, #tpu.memory_space<vmem>>) dst(%dma_wait3A_357 : memref<1024x64xf32, #tpu.memory_space<hbm>>)
      tpu.yield
    }) : () -> ()
    %scan3A_14 = arith.constant 0 : i32
    %scan3A_15 = arith.constant 0 : i32
    %scan3A_16 = arith.constant 64 : i32
    %scan3A_17 = arith.addi %scan3A_15, %scan3A_16 : i32
    %scan3A_18 = arith.constant 1 : i32
    scf.for %scan3A_350 = %scan3A_15 to %scan3A_17 step %scan3A_18  : i32 {
      %mul3A_351 = arith.constant 16 : i32
      %mul3A_352 = arith.muli %scan3A_350, %mul3A_351 : i32
      %add3A_353 = arith.constant 1024 : i32
      %add3A_354 = arith.addi %add3A_353, %mul3A_352 : i32
      %get3A = arith.index_cast %add3A_354 : i32 to index
      %get3A_355 = tpu.vector_load %arg5[%get3A] {strides = array<i32>} : memref<25600xi32, #tpu.memory_space<vmem>>, vector<16xi32>,
      %get3A_356 = vector.shape_cast %get3A_355 : vector<16xi32> to vector<16xi32>
      %broadcast_in_dim3A = arith.constant 0 : i32
      %broadcast_in_dim3A_357 = vector.broadcast %broadcast_in_dim3A : i32 to vector<16xi32>
      %ge3A = arith.constant 60000 : i32
      %ge3A_358 = vector.broadcast %ge3A : i32 to vector<16xi32>
      %ge3A_359 = arith.cmpi sge, %get3A_356, %ge3A_358 : vector<16xi32>
      %jit3A = arith.constant 1 : i32
      %jit3A_360 = arith.constant 0 : i32
      %broadcast_in_dim3A_361 = vector.broadcast %jit3A : i32 to vector<16xi32>
      %broadcast_in_dim3A_362 = vector.broadcast %jit3A_360 : i32 to vector<16xi32>
      %select_n3A = arith.select %ge3A_359, %broadcast_in_dim3A_361, %broadcast_in_dim3A_362 : vector<16xi1>, vector<16xi32>
      %add3A_363 = arith.addi %broadcast_in_dim3A_357, %select_n3A : vector<16xi32>
      %ge3A_364 = arith.constant 300000 : i32
      %ge3A_365 = vector.broadcast %ge3A_364 : i32 to vector<16xi32>
      %ge3A_366 = arith.cmpi sge, %get3A_356, %ge3A_365 : vector<16xi32>
      %jit3A_367 = arith.constant 1 : i32
      %jit3A_368 = arith.constant 0 : i32
      %broadcast_in_dim3A_369 = vector.broadcast %jit3A_367 : i32 to vector<16xi32>
      %broadcast_in_dim3A_370 = vector.broadcast %jit3A_368 : i32 to vector<16xi32>
      %select_n3A_371 = arith.select %ge3A_366, %broadcast_in_dim3A_369, %broadcast_in_dim3A_370 : vector<16xi1>, vector<16xi32>
      %add3A_372 = arith.addi %add3A_363, %select_n3A_371 : vector<16xi32>
      %ge3A_373 = arith.constant 1800000 : i32
      %ge3A_374 = vector.broadcast %ge3A_373 : i32 to vector<16xi32>
      %ge3A_375 = arith.cmpi sge, %get3A_356, %ge3A_374 : vector<16xi32>
      %jit3A_376 = arith.constant 1 : i32
      %jit3A_377 = arith.constant 0 : i32
      %broadcast_in_dim3A_378 = vector.broadcast %jit3A_376 : i32 to vector<16xi32>
      %broadcast_in_dim3A_379 = vector.broadcast %jit3A_377 : i32 to vector<16xi32>
      %select_n3A_380 = arith.select %ge3A_375, %broadcast_in_dim3A_378, %broadcast_in_dim3A_379 : vector<16xi1>, vector<16xi32>
      %add3A_381 = arith.addi %add3A_372, %select_n3A_380 : vector<16xi32>
      %ge3A_382 = arith.constant 7200000 : i32
      %ge3A_383 = vector.broadcast %ge3A_382 : i32 to vector<16xi32>
      %ge3A_384 = arith.cmpi sge, %get3A_356, %ge3A_383 : vector<16xi32>
      %jit3A_385 = arith.constant 1 : i32
      %jit3A_386 = arith.constant 0 : i32
      %broadcast_in_dim3A_387 = vector.broadcast %jit3A_385 : i32 to vector<16xi32>
      %broadcast_in_dim3A_388 = vector.broadcast %jit3A_386 : i32 to vector<16xi32>
      %select_n3A_389 = arith.select %ge3A_384, %broadcast_in_dim3A_387, %broadcast_in_dim3A_388 : vector<16xi1>, vector<16xi32>
      %add3A_390 = arith.addi %add3A_381, %select_n3A_389 : vector<16xi32>
      %ge3A_391 = arith.constant 86400000 : i32
      %ge3A_392 = vector.broadcast %ge3A_391 : i32 to vector<16xi32>
      %ge3A_393 = arith.cmpi sge, %get3A_356, %ge3A_392 : vector<16xi32>
      %jit3A_394 = arith.constant 1 : i32
      %jit3A_395 = arith.constant 0 : i32
      %broadcast_in_dim3A_396 = vector.broadcast %jit3A_394 : i32 to vector<16xi32>
      %broadcast_in_dim3A_397 = vector.broadcast %jit3A_395 : i32 to vector<16xi32>
      %select_n3A_398 = arith.select %ge3A_393, %broadcast_in_dim3A_396, %broadcast_in_dim3A_397 : vector<16xi1>, vector<16xi32>
      %add3A_399 = arith.addi %add3A_390, %select_n3A_398 : vector<16xi32>
      %ge3A_400 = arith.constant 604800000 : i32
      %ge3A_401 = vector.broadcast %ge3A_400 : i32 to vector<16xi32>
      %ge3A_402 = arith.cmpi sge, %get3A_356, %ge3A_401 : vector<16xi32>
      %jit3A_403 = arith.constant 1 : i32
      %jit3A_404 = arith.constant 0 : i32
      %broadcast_in_dim3A_405 = vector.broadcast %jit3A_403 : i32 to vector<16xi32>
      %broadcast_in_dim3A_406 = vector.broadcast %jit3A_404 : i32 to vector<16xi32>
      %select_n3A_407 = arith.select %ge3A_402, %broadcast_in_dim3A_405, %broadcast_in_dim3A_406 : vector<16xi1>, vector<16xi32>
      %add3A_408 = arith.addi %add3A_399, %select_n3A_407 : vector<16xi32>
      %mul3A_409 = arith.constant 16 : i32
      %mul3A_410 = arith.muli %scan3A_350, %mul3A_409 : i32
      %swap3A = arith.index_cast %mul3A_410 : i32 to index
      %swap3A_411 = tpu.vector_load %arg6[%swap3A] {strides = array<i32>} : memref<1024xi32, #tpu.memory_space<vmem>>, vector<16xi32>,
      %swap3A_412 = vector.shape_cast %swap3A_411 : vector<16xi32> to vector<16xi32>
      %swap3A_413 = vector.shape_cast %add3A_408 : vector<16xi32> to vector<16xi32>
      tpu.vector_store %arg6[%swap3A], %swap3A_413 {strides = array<i32>} : memref<1024xi32, #tpu.memory_space<vmem>>, vector<16xi32>,
    }
    %scan3A_19 = arith.constant 64 : i32
    %dma_start3A_20 = arith.constant 0 : i32
    %dma_start3A_21 = arith.constant 0 : i32
    %dma_start3A_22 = tpu.memref_slice %arg3[%dma_start3A_20, %dma_start3A_21] : memref<7x64xf32, #tpu.memory_space<hbm>> -> memref<7x64xf32, #tpu.memory_space<hbm>>
    tpu.enqueue_indirect_dma source(%dma_start3A_22 : memref<7x64xf32, #tpu.memory_space<hbm>>) target(%arg7 : memref<1024x64xf32, #tpu.memory_space<vmem>>) offsets(%arg6 : memref<1024xi32, #tpu.memory_space<vmem>>) semaphore(%arg8 : memref<!tpu.dma_semaphore, #tpu.memory_space<semaphore_mem>>)
    %dma_wait3A_23 = arith.constant 0 : i32
    %dma_wait3A_24 = arith.constant 0 : i32
    %dma_wait3A_25 = tpu.memref_slice %arg3[%dma_wait3A_23, %dma_wait3A_24] : memref<7x64xf32, #tpu.memory_space<hbm>> -> memref<7x64xf32, #tpu.memory_space<hbm>>
    tpu.wait_indirect_dma semaphore(%arg8 : memref<!tpu.dma_semaphore, #tpu.memory_space<semaphore_mem>>) src(%dma_wait3A_25 : memref<7x64xf32, #tpu.memory_space<hbm>>) dst(%arg7 : memref<1024x64xf32, #tpu.memory_space<vmem>>)
    %add3A_26 = arith.constant 1024 : i32
    %add3A_27 = arith.addi %mul3A_2, %add3A_26 : i32
    "tpu.region"() ({
      %run_scoped3A = tpu.sem_alloc : memref<!tpu.dma_semaphore, #tpu.memory_space<semaphore_mem>>
      %dma_start3A_350 = arith.constant 0 : i32
      %dma_start3A_351 = tpu.memref_slice %arg4[%add3A_27, %dma_start3A_350] : memref<819200x64xf32, #tpu.memory_space<hbm>> -> memref<1024x64xf32, #tpu.memory_space<hbm>>
      %dma_start3A_352 = arith.constant 0 : i32
      %dma_start3A_353 = tpu.memref_slice %arg4[%add3A_27, %dma_start3A_352] : memref<819200x64xf32, #tpu.memory_space<hbm>> -> memref<1024x64xf32, #tpu.memory_space<hbm>>
      tpu.enqueue_dma source(%arg7 : memref<1024x64xf32, #tpu.memory_space<vmem>>) target(%dma_start3A_353 : memref<1024x64xf32, #tpu.memory_space<hbm>>) target_semaphore(%run_scoped3A : memref<!tpu.dma_semaphore, #tpu.memory_space<semaphore_mem>>)
      %dma_wait3A_354 = arith.constant 0 : i32
      %dma_wait3A_355 = tpu.memref_slice %arg4[%add3A_27, %dma_wait3A_354] : memref<819200x64xf32, #tpu.memory_space<hbm>> -> memref<1024x64xf32, #tpu.memory_space<hbm>>
      %dma_wait3A_356 = arith.constant 0 : i32
      %dma_wait3A_357 = tpu.memref_slice %arg4[%add3A_27, %dma_wait3A_356] : memref<819200x64xf32, #tpu.memory_space<hbm>> -> memref<1024x64xf32, #tpu.memory_space<hbm>>
      tpu.wait_dma2 semaphore(%run_scoped3A : memref<!tpu.dma_semaphore, #tpu.memory_space<semaphore_mem>>) src(%arg7 : memref<1024x64xf32, #tpu.memory_space<vmem>>) dst(%dma_wait3A_357 : memref<1024x64xf32, #tpu.memory_space<hbm>>)
      tpu.yield
    }) : () -> ()
    %scan3A_28 = arith.constant 0 : i32
    %scan3A_29 = arith.constant 0 : i32
    %scan3A_30 = arith.constant 64 : i32
    %scan3A_31 = arith.addi %scan3A_29, %scan3A_30 : i32
    %scan3A_32 = arith.constant 1 : i32
    scf.for %scan3A_350 = %scan3A_29 to %scan3A_31 step %scan3A_32  : i32 {
      %mul3A_351 = arith.constant 16 : i32
      %mul3A_352 = arith.muli %scan3A_350, %mul3A_351 : i32
      %add3A_353 = arith.constant 2048 : i32
      %add3A_354 = arith.addi %add3A_353, %mul3A_352 : i32
      %get3A = arith.index_cast %add3A_354 : i32 to index
      %get3A_355 = tpu.vector_load %arg5[%get3A] {strides = array<i32>} : memref<25600xi32, #tpu.memory_space<vmem>>, vector<16xi32>,
      %get3A_356 = vector.shape_cast %get3A_355 : vector<16xi32> to vector<16xi32>
      %broadcast_in_dim3A = arith.constant 0 : i32
      %broadcast_in_dim3A_357 = vector.broadcast %broadcast_in_dim3A : i32 to vector<16xi32>
      %ge3A = arith.constant 60000 : i32
      %ge3A_358 = vector.broadcast %ge3A : i32 to vector<16xi32>
      %ge3A_359 = arith.cmpi sge, %get3A_356, %ge3A_358 : vector<16xi32>
      %jit3A = arith.constant 1 : i32
      %jit3A_360 = arith.constant 0 : i32
      %broadcast_in_dim3A_361 = vector.broadcast %jit3A : i32 to vector<16xi32>
      %broadcast_in_dim3A_362 = vector.broadcast %jit3A_360 : i32 to vector<16xi32>
      %select_n3A = arith.select %ge3A_359, %broadcast_in_dim3A_361, %broadcast_in_dim3A_362 : vector<16xi1>, vector<16xi32>
      %add3A_363 = arith.addi %broadcast_in_dim3A_357, %select_n3A : vector<16xi32>
      %ge3A_364 = arith.constant 300000 : i32
      %ge3A_365 = vector.broadcast %ge3A_364 : i32 to vector<16xi32>
      %ge3A_366 = arith.cmpi sge, %get3A_356, %ge3A_365 : vector<16xi32>
      %jit3A_367 = arith.constant 1 : i32
      %jit3A_368 = arith.constant 0 : i32
      %broadcast_in_dim3A_369 = vector.broadcast %jit3A_367 : i32 to vector<16xi32>
      %broadcast_in_dim3A_370 = vector.broadcast %jit3A_368 : i32 to vector<16xi32>
      %select_n3A_371 = arith.select %ge3A_366, %broadcast_in_dim3A_369, %broadcast_in_dim3A_370 : vector<16xi1>, vector<16xi32>
      %add3A_372 = arith.addi %add3A_363, %select_n3A_371 : vector<16xi32>
      %ge3A_373 = arith.constant 1800000 : i32
      %ge3A_374 = vector.broadcast %ge3A_373 : i32 to vector<16xi32>
      %ge3A_375 = arith.cmpi sge, %get3A_356, %ge3A_374 : vector<16xi32>
      %jit3A_376 = arith.constant 1 : i32
      %jit3A_377 = arith.constant 0 : i32
      %broadcast_in_dim3A_378 = vector.broadcast %jit3A_376 : i32 to vector<16xi32>
      %broadcast_in_dim3A_379 = vector.broadcast %jit3A_377 : i32 to vector<16xi32>
      %select_n3A_380 = arith.select %ge3A_375, %broadcast_in_dim3A_378, %broadcast_in_dim3A_379 : vector<16xi1>, vector<16xi32>
      %add3A_381 = arith.addi %add3A_372, %select_n3A_380 : vector<16xi32>
      %ge3A_382 = arith.constant 7200000 : i32
      %ge3A_383 = vector.broadcast %ge3A_382 : i32 to vector<16xi32>
      %ge3A_384 = arith.cmpi sge, %get3A_356, %ge3A_383 : vector<16xi32>
      %jit3A_385 = arith.constant 1 : i32
      %jit3A_386 = arith.constant 0 : i32
      %broadcast_in_dim3A_387 = vector.broadcast %jit3A_385 : i32 to vector<16xi32>
      %broadcast_in_dim3A_388 = vector.broadcast %jit3A_386 : i32 to vector<16xi32>
      %select_n3A_389 = arith.select %ge3A_384, %broadcast_in_dim3A_387, %broadcast_in_dim3A_388 : vector<16xi1>, vector<16xi32>
      %add3A_390 = arith.addi %add3A_381, %select_n3A_389 : vector<16xi32>
      %ge3A_391 = arith.constant 86400000 : i32
      %ge3A_392 = vector.broadcast %ge3A_391 : i32 to vector<16xi32>
      %ge3A_393 = arith.cmpi sge, %get3A_356, %ge3A_392 : vector<16xi32>
      %jit3A_394 = arith.constant 1 : i32
      %jit3A_395 = arith.constant 0 : i32
      %broadcast_in_dim3A_396 = vector.broadcast %jit3A_394 : i32 to vector<16xi32>
      %broadcast_in_dim3A_397 = vector.broadcast %jit3A_395 : i32 to vector<16xi32>
      %select_n3A_398 = arith.select %ge3A_393, %broadcast_in_dim3A_396, %broadcast_in_dim3A_397 : vector<16xi1>, vector<16xi32>
      %add3A_399 = arith.addi %add3A_390, %select_n3A_398 : vector<16xi32>
      %ge3A_400 = arith.constant 604800000 : i32
      %ge3A_401 = vector.broadcast %ge3A_400 : i32 to vector<16xi32>
      %ge3A_402 = arith.cmpi sge, %get3A_356, %ge3A_401 : vector<16xi32>
      %jit3A_403 = arith.constant 1 : i32
      %jit3A_404 = arith.constant 0 : i32
      %broadcast_in_dim3A_405 = vector.broadcast %jit3A_403 : i32 to vector<16xi32>
      %broadcast_in_dim3A_406 = vector.broadcast %jit3A_404 : i32 to vector<16xi32>
      %select_n3A_407 = arith.select %ge3A_402, %broadcast_in_dim3A_405, %broadcast_in_dim3A_406 : vector<16xi1>, vector<16xi32>
      %add3A_408 = arith.addi %add3A_399, %select_n3A_407 : vector<16xi32>
      %mul3A_409 = arith.constant 16 : i32
      %mul3A_410 = arith.muli %scan3A_350, %mul3A_409 : i32
      %swap3A = arith.index_cast %mul3A_410 : i32 to index
      %swap3A_411 = tpu.vector_load %arg6[%swap3A] {strides = array<i32>} : memref<1024xi32, #tpu.memory_space<vmem>>, vector<16xi32>,
      %swap3A_412 = vector.shape_cast %swap3A_411 : vector<16xi32> to vector<16xi32>
      %swap3A_413 = vector.shape_cast %add3A_408 : vector<16xi32> to vector<16xi32>
      tpu.vector_store %arg6[%swap3A], %swap3A_413 {strides = array<i32>} : memref<1024xi32, #tpu.memory_space<vmem>>, vector<16xi32>,
    }
    %scan3A_33 = arith.constant 64 : i32
    %dma_start3A_34 = arith.constant 0 : i32
    %dma_start3A_35 = arith.constant 0 : i32
    %dma_start3A_36 = tpu.memref_slice %arg3[%dma_start3A_34, %dma_start3A_35] : memref<7x64xf32, #tpu.memory_space<hbm>> -> memref<7x64xf32, #tpu.memory_space<hbm>>
    tpu.enqueue_indirect_dma source(%dma_start3A_36 : memref<7x64xf32, #tpu.memory_space<hbm>>) target(%arg7 : memref<1024x64xf32, #tpu.memory_space<vmem>>) offsets(%arg6 : memref<1024xi32, #tpu.memory_space<vmem>>) semaphore(%arg8 : memref<!tpu.dma_semaphore, #tpu.memory_space<semaphore_mem>>)
    %dma_wait3A_37 = arith.constant 0 : i32
    %dma_wait3A_38 = arith.constant 0 : i32
    %dma_wait3A_39 = tpu.memref_slice %arg3[%dma_wait3A_37, %dma_wait3A_38] : memref<7x64xf32, #tpu.memory_space<hbm>> -> memref<7x64xf32, #tpu.memory_space<hbm>>
    tpu.wait_indirect_dma semaphore(%arg8 : memref<!tpu.dma_semaphore, #tpu.memory_space<semaphore_mem>>) src(%dma_wait3A_39 : memref<7x64xf32, #tpu.memory_space<hbm>>) dst(%arg7 : memref<1024x64xf32, #tpu.memory_space<vmem>>)
    %add3A_40 = arith.constant 2048 : i32
    %add3A_41 = arith.addi %mul3A_2, %add3A_40 : i32
    "tpu.region"() ({
      %run_scoped3A = tpu.sem_alloc : memref<!tpu.dma_semaphore, #tpu.memory_space<semaphore_mem>>
      %dma_start3A_350 = arith.constant 0 : i32
      %dma_start3A_351 = tpu.memref_slice %arg4[%add3A_41, %dma_start3A_350] : memref<819200x64xf32, #tpu.memory_space<hbm>> -> memref<1024x64xf32, #tpu.memory_space<hbm>>
      %dma_start3A_352 = arith.constant 0 : i32
      %dma_start3A_353 = tpu.memref_slice %arg4[%add3A_41, %dma_start3A_352] : memref<819200x64xf32, #tpu.memory_space<hbm>> -> memref<1024x64xf32, #tpu.memory_space<hbm>>
      tpu.enqueue_dma source(%arg7 : memref<1024x64xf32, #tpu.memory_space<vmem>>) target(%dma_start3A_353 : memref<1024x64xf32, #tpu.memory_space<hbm>>) target_semaphore(%run_scoped3A : memref<!tpu.dma_semaphore, #tpu.memory_space<semaphore_mem>>)
      %dma_wait3A_354 = arith.constant 0 : i32
      %dma_wait3A_355 = tpu.memref_slice %arg4[%add3A_41, %dma_wait3A_354] : memref<819200x64xf32, #tpu.memory_space<hbm>> -> memref<1024x64xf32, #tpu.memory_space<hbm>>
      %dma_wait3A_356 = arith.constant 0 : i32
      %dma_wait3A_357 = tpu.memref_slice %arg4[%add3A_41, %dma_wait3A_356] : memref<819200x64xf32, #tpu.memory_space<hbm>> -> memref<1024x64xf32, #tpu.memory_space<hbm>>
      tpu.wait_dma2 semaphore(%run_scoped3A : memref<!tpu.dma_semaphore, #tpu.memory_space<semaphore_mem>>) src(%arg7 : memref<1024x64xf32, #tpu.memory_space<vmem>>) dst(%dma_wait3A_357 : memref<1024x64xf32, #tpu.memory_space<hbm>>)
      tpu.yield
    }) : () -> ()
    %scan3A_42 = arith.constant 0 : i32
    %scan3A_43 = arith.constant 0 : i32
    %scan3A_44 = arith.constant 64 : i32
    %scan3A_45 = arith.addi %scan3A_43, %scan3A_44 : i32
    %scan3A_46 = arith.constant 1 : i32
    scf.for %scan3A_350 = %scan3A_43 to %scan3A_45 step %scan3A_46  : i32 {
      %mul3A_351 = arith.constant 16 : i32
      %mul3A_352 = arith.muli %scan3A_350, %mul3A_351 : i32
      %add3A_353 = arith.constant 3072 : i32
      %add3A_354 = arith.addi %add3A_353, %mul3A_352 : i32
      %get3A = arith.index_cast %add3A_354 : i32 to index
      %get3A_355 = tpu.vector_load %arg5[%get3A] {strides = array<i32>} : memref<25600xi32, #tpu.memory_space<vmem>>, vector<16xi32>,
      %get3A_356 = vector.shape_cast %get3A_355 : vector<16xi32> to vector<16xi32>
      %broadcast_in_dim3A = arith.constant 0 : i32
      %broadcast_in_dim3A_357 = vector.broadcast %broadcast_in_dim3A : i32 to vector<16xi32>
      %ge3A = arith.constant 60000 : i32
      %ge3A_358 = vector.broadcast %ge3A : i32 to vector<16xi32>
      %ge3A_359 = arith.cmpi sge, %get3A_356, %ge3A_358 : vector<16xi32>
      %jit3A = arith.constant 1 : i32
      %jit3A_360 = arith.constant 0 : i32
      %broadcast_in_dim3A_361 = vector.broadcast %jit3A : i32 to vector<16xi32>
      %broadcast_in_dim3A_362 = vector.broadcast %jit3A_360 : i32 to vector<16xi32>
      %select_n3A = arith.select %ge3A_359, %broadcast_in_dim3A_361, %broadcast_in_dim3A_362 : vector<16xi1>, vector<16xi32>
      %add3A_363 = arith.addi %broadcast_in_dim3A_357, %select_n3A : vector<16xi32>
      %ge3A_364 = arith.constant 300000 : i32
      %ge3A_365 = vector.broadcast %ge3A_364 : i32 to vector<16xi32>
      %ge3A_366 = arith.cmpi sge, %get3A_356, %ge3A_365 : vector<16xi32>
      %jit3A_367 = arith.constant 1 : i32
      %jit3A_368 = arith.constant 0 : i32
      %broadcast_in_dim3A_369 = vector.broadcast %jit3A_367 : i32 to vector<16xi32>
      %broadcast_in_dim3A_370 = vector.broadcast %jit3A_368 : i32 to vector<16xi32>
      %select_n3A_371 = arith.select %ge3A_366, %broadcast_in_dim3A_369, %broadcast_in_dim3A_370 : vector<16xi1>, vector<16xi32>
      %add3A_372 = arith.addi %add3A_363, %select_n3A_371 : vector<16xi32>
      %ge3A_373 = arith.constant 1800000 : i32
      %ge3A_374 = vector.broadcast %ge3A_373 : i32 to vector<16xi32>
      %ge3A_375 = arith.cmpi sge, %get3A_356, %ge3A_374 : vector<16xi32>
      %jit3A_376 = arith.constant 1 : i32
      %jit3A_377 = arith.constant 0 : i32
      %broadcast_in_dim3A_378 = vector.broadcast %jit3A_376 : i32 to vector<16xi32>
      %broadcast_in_dim3A_379 = vector.broadcast %jit3A_377 : i32 to vector<16xi32>
      %select_n3A_380 = arith.select %ge3A_375, %broadcast_in_dim3A_378, %broadcast_in_dim3A_379 : vector<16xi1>, vector<16xi32>
      %add3A_381 = arith.addi %add3A_372, %select_n3A_380 : vector<16xi32>
      %ge3A_382 = arith.constant 7200000 : i32
      %ge3A_383 = vector.broadcast %ge3A_382 : i32 to vector<16xi32>
      %ge3A_384 = arith.cmpi sge, %get3A_356, %ge3A_383 : vector<16xi32>
      %jit3A_385 = arith.constant 1 : i32
      %jit3A_386 = arith.constant 0 : i32
      %broadcast_in_dim3A_387 = vector.broadcast %jit3A_385 : i32 to vector<16xi32>
      %broadcast_in_dim3A_388 = vector.broadcast %jit3A_386 : i32 to vector<16xi32>
      %select_n3A_389 = arith.select %ge3A_384, %broadcast_in_dim3A_387, %broadcast_in_dim3A_388 : vector<16xi1>, vector<16xi32>
      %add3A_390 = arith.addi %add3A_381, %select_n3A_389 : vector<16xi32>
      %ge3A_391 = arith.constant 86400000 : i32
      %ge3A_392 = vector.broadcast %ge3A_391 : i32 to vector<16xi32>
      %ge3A_393 = arith.cmpi sge, %get3A_356, %ge3A_392 : vector<16xi32>
      %jit3A_394 = arith.constant 1 : i32
      %jit3A_395 = arith.constant 0 : i32
      %broadcast_in_dim3A_396 = vector.broadcast %jit3A_394 : i32 to vector<16xi32>
      %broadcast_in_dim3A_397 = vector.broadcast %jit3A_395 : i32 to vector<16xi32>
      %select_n3A_398 = arith.select %ge3A_393, %broadcast_in_dim3A_396, %broadcast_in_dim3A_397 : vector<16xi1>, vector<16xi32>
      %add3A_399 = arith.addi %add3A_390, %select_n3A_398 : vector<16xi32>
      %ge3A_400 = arith.constant 604800000 : i32
      %ge3A_401 = vector.broadcast %ge3A_400 : i32 to vector<16xi32>
      %ge3A_402 = arith.cmpi sge, %get3A_356, %ge3A_401 : vector<16xi32>
      %jit3A_403 = arith.constant 1 : i32
      %jit3A_404 = arith.constant 0 : i32
      %broadcast_in_dim3A_405 = vector.broadcast %jit3A_403 : i32 to vector<16xi32>
      %broadcast_in_dim3A_406 = vector.broadcast %jit3A_404 : i32 to vector<16xi32>
      %select_n3A_407 = arith.select %ge3A_402, %broadcast_in_dim3A_405, %broadcast_in_dim3A_406 : vector<16xi1>, vector<16xi32>
      %add3A_408 = arith.addi %add3A_399, %select_n3A_407 : vector<16xi32>
      %mul3A_409 = arith.constant 16 : i32
      %mul3A_410 = arith.muli %scan3A_350, %mul3A_409 : i32
      %swap3A = arith.index_cast %mul3A_410 : i32 to index
      %swap3A_411 = tpu.vector_load %arg6[%swap3A] {strides = array<i32>} : memref<1024xi32, #tpu.memory_space<vmem>>, vector<16xi32>,
      %swap3A_412 = vector.shape_cast %swap3A_411 : vector<16xi32> to vector<16xi32>
      %swap3A_413 = vector.shape_cast %add3A_408 : vector<16xi32> to vector<16xi32>
      tpu.vector_store %arg6[%swap3A], %swap3A_413 {strides = array<i32>} : memref<1024xi32, #tpu.memory_space<vmem>>, vector<16xi32>,
    }
    %scan3A_47 = arith.constant 64 : i32
    %dma_start3A_48 = arith.constant 0 : i32
    %dma_start3A_49 = arith.constant 0 : i32
    %dma_start3A_50 = tpu.memref_slice %arg3[%dma_start3A_48, %dma_start3A_49] : memref<7x64xf32, #tpu.memory_space<hbm>> -> memref<7x64xf32, #tpu.memory_space<hbm>>
    tpu.enqueue_indirect_dma source(%dma_start3A_50 : memref<7x64xf32, #tpu.memory_space<hbm>>) target(%arg7 : memref<1024x64xf32, #tpu.memory_space<vmem>>) offsets(%arg6 : memref<1024xi32, #tpu.memory_space<vmem>>) semaphore(%arg8 : memref<!tpu.dma_semaphore, #tpu.memory_space<semaphore_mem>>)
    %dma_wait3A_51 = arith.constant 0 : i32
    %dma_wait3A_52 = arith.constant 0 : i32
    %dma_wait3A_53 = tpu.memref_slice %arg3[%dma_wait3A_51, %dma_wait3A_52] : memref<7x64xf32, #tpu.memory_space<hbm>> -> memref<7x64xf32, #tpu.memory_space<hbm>>
    tpu.wait_indirect_dma semaphore(%arg8 : memref<!tpu.dma_semaphore, #tpu.memory_space<semaphore_mem>>) src(%dma_wait3A_53 : memref<7x64xf32, #tpu.memory_space<hbm>>) dst(%arg7 : memref<1024x64xf32, #tpu.memory_space<vmem>>)
    %add3A_54 = arith.constant 3072 : i32
    %add3A_55 = arith.addi %mul3A_2, %add3A_54 : i32
    "tpu.region"() ({
      %run_scoped3A = tpu.sem_alloc : memref<!tpu.dma_semaphore, #tpu.memory_space<semaphore_mem>>
      %dma_start3A_350 = arith.constant 0 : i32
      %dma_start3A_351 = tpu.memref_slice %arg4[%add3A_55, %dma_start3A_350] : memref<819200x64xf32, #tpu.memory_space<hbm>> -> memref<1024x64xf32, #tpu.memory_space<hbm>>
      %dma_start3A_352 = arith.constant 0 : i32
      %dma_start3A_353 = tpu.memref_slice %arg4[%add3A_55, %dma_start3A_352] : memref<819200x64xf32, #tpu.memory_space<hbm>> -> memref<1024x64xf32, #tpu.memory_space<hbm>>
      tpu.enqueue_dma source(%arg7 : memref<1024x64xf32, #tpu.memory_space<vmem>>) target(%dma_start3A_353 : memref<1024x64xf32, #tpu.memory_space<hbm>>) target_semaphore(%run_scoped3A : memref<!tpu.dma_semaphore, #tpu.memory_space<semaphore_mem>>)
      %dma_wait3A_354 = arith.constant 0 : i32
      %dma_wait3A_355 = tpu.memref_slice %arg4[%add3A_55, %dma_wait3A_354] : memref<819200x64xf32, #tpu.memory_space<hbm>> -> memref<1024x64xf32, #tpu.memory_space<hbm>>
      %dma_wait3A_356 = arith.constant 0 : i32
      %dma_wait3A_357 = tpu.memref_slice %arg4[%add3A_55, %dma_wait3A_356] : memref<819200x64xf32, #tpu.memory_space<hbm>> -> memref<1024x64xf32, #tpu.memory_space<hbm>>
      tpu.wait_dma2 semaphore(%run_scoped3A : memref<!tpu.dma_semaphore, #tpu.memory_space<semaphore_mem>>) src(%arg7 : memref<1024x64xf32, #tpu.memory_space<vmem>>) dst(%dma_wait3A_357 : memref<1024x64xf32, #tpu.memory_space<hbm>>)
      tpu.yield
    }) : () -> ()
    %scan3A_56 = arith.constant 0 : i32
    %scan3A_57 = arith.constant 0 : i32
    %scan3A_58 = arith.constant 64 : i32
    %scan3A_59 = arith.addi %scan3A_57, %scan3A_58 : i32
    %scan3A_60 = arith.constant 1 : i32
    scf.for %scan3A_350 = %scan3A_57 to %scan3A_59 step %scan3A_60  : i32 {
      %mul3A_351 = arith.constant 16 : i32
      %mul3A_352 = arith.muli %scan3A_350, %mul3A_351 : i32
      %add3A_353 = arith.constant 4096 : i32
      %add3A_354 = arith.addi %add3A_353, %mul3A_352 : i32
      %get3A = arith.index_cast %add3A_354 : i32 to index
      %get3A_355 = tpu.vector_load %arg5[%get3A] {strides = array<i32>} : memref<25600xi32, #tpu.memory_space<vmem>>, vector<16xi32>,
      %get3A_356 = vector.shape_cast %get3A_355 : vector<16xi32> to vector<16xi32>
      %broadcast_in_dim3A = arith.constant 0 : i32
      %broadcast_in_dim3A_357 = vector.broadcast %broadcast_in_dim3A : i32 to vector<16xi32>
      %ge3A = arith.constant 60000 : i32
      %ge3A_358 = vector.broadcast %ge3A : i32 to vector<16xi32>
      %ge3A_359 = arith.cmpi sge, %get3A_356, %ge3A_358 : vector<16xi32>
      %jit3A = arith.constant 1 : i32
      %jit3A_360 = arith.constant 0 : i32
      %broadcast_in_dim3A_361 = vector.broadcast %jit3A : i32 to vector<16xi32>
      %broadcast_in_dim3A_362 = vector.broadcast %jit3A_360 : i32 to vector<16xi32>
      %select_n3A = arith.select %ge3A_359, %broadcast_in_dim3A_361, %broadcast_in_dim3A_362 : vector<16xi1>, vector<16xi32>
      %add3A_363 = arith.addi %broadcast_in_dim3A_357, %select_n3A : vector<16xi32>
      %ge3A_364 = arith.constant 300000 : i32
      %ge3A_365 = vector.broadcast %ge3A_364 : i32 to vector<16xi32>
      %ge3A_366 = arith.cmpi sge, %get3A_356, %ge3A_365 : vector<16xi32>
      %jit3A_367 = arith.constant 1 : i32
      %jit3A_368 = arith.constant 0 : i32
      %broadcast_in_dim3A_369 = vector.broadcast %jit3A_367 : i32 to vector<16xi32>
      %broadcast_in_dim3A_370 = vector.broadcast %jit3A_368 : i32 to vector<16xi32>
      %select_n3A_371 = arith.select %ge3A_366, %broadcast_in_dim3A_369, %broadcast_in_dim3A_370 : vector<16xi1>, vector<16xi32>
      %add3A_372 = arith.addi %add3A_363, %select_n3A_371 : vector<16xi32>
      %ge3A_373 = arith.constant 1800000 : i32
      %ge3A_374 = vector.broadcast %ge3A_373 : i32 to vector<16xi32>
      %ge3A_375 = arith.cmpi sge, %get3A_356, %ge3A_374 : vector<16xi32>
      %jit3A_376 = arith.constant 1 : i32
      %jit3A_377 = arith.constant 0 : i32
      %broadcast_in_dim3A_378 = vector.broadcast %jit3A_376 : i32 to vector<16xi32>
      %broadcast_in_dim3A_379 = vector.broadcast %jit3A_377 : i32 to vector<16xi32>
      %select_n3A_380 = arith.select %ge3A_375, %broadcast_in_dim3A_378, %broadcast_in_dim3A_379 : vector<16xi1>, vector<16xi32>
      %add3A_381 = arith.addi %add3A_372, %select_n3A_380 : vector<16xi32>
      %ge3A_382 = arith.constant 7200000 : i32
      %ge3A_383 = vector.broadcast %ge3A_382 : i32 to vector<16xi32>
      %ge3A_384 = arith.cmpi sge, %get3A_356, %ge3A_383 : vector<16xi32>
      %jit3A_385 = arith.constant 1 : i32
      %jit3A_386 = arith.constant 0 : i32
      %broadcast_in_dim3A_387 = vector.broadcast %jit3A_385 : i32 to vector<16xi32>
      %broadcast_in_dim3A_388 = vector.broadcast %jit3A_386 : i32 to vector<16xi32>
      %select_n3A_389 = arith.select %ge3A_384, %broadcast_in_dim3A_387, %broadcast_in_dim3A_388 : vector<16xi1>, vector<16xi32>
      %add3A_390 = arith.addi %add3A_381, %select_n3A_389 : vector<16xi32>
      %ge3A_391 = arith.constant 86400000 : i32
      %ge3A_392 = vector.broadcast %ge3A_391 : i32 to vector<16xi32>
      %ge3A_393 = arith.cmpi sge, %get3A_356, %ge3A_392 : vector<16xi32>
      %jit3A_394 = arith.constant 1 : i32
      %jit3A_395 = arith.constant 0 : i32
      %broadcast_in_dim3A_396 = vector.broadcast %jit3A_394 : i32 to vector<16xi32>
      %broadcast_in_dim3A_397 = vector.broadcast %jit3A_395 : i32 to vector<16xi32>
      %select_n3A_398 = arith.select %ge3A_393, %broadcast_in_dim3A_396, %broadcast_in_dim3A_397 : vector<16xi1>, vector<16xi32>
      %add3A_399 = arith.addi %add3A_390, %select_n3A_398 : vector<16xi32>
      %ge3A_400 = arith.constant 604800000 : i32
      %ge3A_401 = vector.broadcast %ge3A_400 : i32 to vector<16xi32>
      %ge3A_402 = arith.cmpi sge, %get3A_356, %ge3A_401 : vector<16xi32>
      %jit3A_403 = arith.constant 1 : i32
      %jit3A_404 = arith.constant 0 : i32
      %broadcast_in_dim3A_405 = vector.broadcast %jit3A_403 : i32 to vector<16xi32>
      %broadcast_in_dim3A_406 = vector.broadcast %jit3A_404 : i32 to vector<16xi32>
      %select_n3A_407 = arith.select %ge3A_402, %broadcast_in_dim3A_405, %broadcast_in_dim3A_406 : vector<16xi1>, vector<16xi32>
      %add3A_408 = arith.addi %add3A_399, %select_n3A_407 : vector<16xi32>
      %mul3A_409 = arith.constant 16 : i32
      %mul3A_410 = arith.muli %scan3A_350, %mul3A_409 : i32
      %swap3A = arith.index_cast %mul3A_410 : i32 to index
      %swap3A_411 = tpu.vector_load %arg6[%swap3A] {strides = array<i32>} : memref<1024xi32, #tpu.memory_space<vmem>>, vector<16xi32>,
      %swap3A_412 = vector.shape_cast %swap3A_411 : vector<16xi32> to vector<16xi32>
      %swap3A_413 = vector.shape_cast %add3A_408 : vector<16xi32> to vector<16xi32>
      tpu.vector_store %arg6[%swap3A], %swap3A_413 {strides = array<i32>} : memref<1024xi32, #tpu.memory_space<vmem>>, vector<16xi32>,
    }
    %scan3A_61 = arith.constant 64 : i32
    %dma_start3A_62 = arith.constant 0 : i32
    %dma_start3A_63 = arith.constant 0 : i32
    %dma_start3A_64 = tpu.memref_slice %arg3[%dma_start3A_62, %dma_start3A_63] : memref<7x64xf32, #tpu.memory_space<hbm>> -> memref<7x64xf32, #tpu.memory_space<hbm>>
    tpu.enqueue_indirect_dma source(%dma_start3A_64 : memref<7x64xf32, #tpu.memory_space<hbm>>) target(%arg7 : memref<1024x64xf32, #tpu.memory_space<vmem>>) offsets(%arg6 : memref<1024xi32, #tpu.memory_space<vmem>>) semaphore(%arg8 : memref<!tpu.dma_semaphore, #tpu.memory_space<semaphore_mem>>)
    %dma_wait3A_65 = arith.constant 0 : i32
    %dma_wait3A_66 = arith.constant 0 : i32
    %dma_wait3A_67 = tpu.memref_slice %arg3[%dma_wait3A_65, %dma_wait3A_66] : memref<7x64xf32, #tpu.memory_space<hbm>> -> memref<7x64xf32, #tpu.memory_space<hbm>>
    tpu.wait_indirect_dma semaphore(%arg8 : memref<!tpu.dma_semaphore, #tpu.memory_space<semaphore_mem>>) src(%dma_wait3A_67 : memref<7x64xf32, #tpu.memory_space<hbm>>) dst(%arg7 : memref<1024x64xf32, #tpu.memory_space<vmem>>)
    %add3A_68 = arith.constant 4096 : i32
    %add3A_69 = arith.addi %mul3A_2, %add3A_68 : i32
    "tpu.region"() ({
      %run_scoped3A = tpu.sem_alloc : memref<!tpu.dma_semaphore, #tpu.memory_space<semaphore_mem>>
      %dma_start3A_350 = arith.constant 0 : i32
      %dma_start3A_351 = tpu.memref_slice %arg4[%add3A_69, %dma_start3A_350] : memref<819200x64xf32, #tpu.memory_space<hbm>> -> memref<1024x64xf32, #tpu.memory_space<hbm>>
      %dma_start3A_352 = arith.constant 0 : i32
      %dma_start3A_353 = tpu.memref_slice %arg4[%add3A_69, %dma_start3A_352] : memref<819200x64xf32, #tpu.memory_space<hbm>> -> memref<1024x64xf32, #tpu.memory_space<hbm>>
      tpu.enqueue_dma source(%arg7 : memref<1024x64xf32, #tpu.memory_space<vmem>>) target(%dma_start3A_353 : memref<1024x64xf32, #tpu.memory_space<hbm>>) target_semaphore(%run_scoped3A : memref<!tpu.dma_semaphore, #tpu.memory_space<semaphore_mem>>)
      %dma_wait3A_354 = arith.constant 0 : i32
      %dma_wait3A_355 = tpu.memref_slice %arg4[%add3A_69, %dma_wait3A_354] : memref<819200x64xf32, #tpu.memory_space<hbm>> -> memref<1024x64xf32, #tpu.memory_space<hbm>>
      %dma_wait3A_356 = arith.constant 0 : i32
      %dma_wait3A_357 = tpu.memref_slice %arg4[%add3A_69, %dma_wait3A_356] : memref<819200x64xf32, #tpu.memory_space<hbm>> -> memref<1024x64xf32, #tpu.memory_space<hbm>>
      tpu.wait_dma2 semaphore(%run_scoped3A : memref<!tpu.dma_semaphore, #tpu.memory_space<semaphore_mem>>) src(%arg7 : memref<1024x64xf32, #tpu.memory_space<vmem>>) dst(%dma_wait3A_357 : memref<1024x64xf32, #tpu.memory_space<hbm>>)
      tpu.yield
    }) : () -> ()
    %scan3A_70 = arith.constant 0 : i32
    %scan3A_71 = arith.constant 0 : i32
    %scan3A_72 = arith.constant 64 : i32
    %scan3A_73 = arith.addi %scan3A_71, %scan3A_72 : i32
    %scan3A_74 = arith.constant 1 : i32
    scf.for %scan3A_350 = %scan3A_71 to %scan3A_73 step %scan3A_74  : i32 {
      %mul3A_351 = arith.constant 16 : i32
      %mul3A_352 = arith.muli %scan3A_350, %mul3A_351 : i32
      %add3A_353 = arith.constant 5120 : i32
      %add3A_354 = arith.addi %add3A_353, %mul3A_352 : i32
      %get3A = arith.index_cast %add3A_354 : i32 to index
      %get3A_355 = tpu.vector_load %arg5[%get3A] {strides = array<i32>} : memref<25600xi32, #tpu.memory_space<vmem>>, vector<16xi32>,
      %get3A_356 = vector.shape_cast %get3A_355 : vector<16xi32> to vector<16xi32>
      %broadcast_in_dim3A = arith.constant 0 : i32
      %broadcast_in_dim3A_357 = vector.broadcast %broadcast_in_dim3A : i32 to vector<16xi32>
      %ge3A = arith.constant 60000 : i32
      %ge3A_358 = vector.broadcast %ge3A : i32 to vector<16xi32>
      %ge3A_359 = arith.cmpi sge, %get3A_356, %ge3A_358 : vector<16xi32>
      %jit3A = arith.constant 1 : i32
      %jit3A_360 = arith.constant 0 : i32
      %broadcast_in_dim3A_361 = vector.broadcast %jit3A : i32 to vector<16xi32>
      %broadcast_in_dim3A_362 = vector.broadcast %jit3A_360 : i32 to vector<16xi32>
      %select_n3A = arith.select %ge3A_359, %broadcast_in_dim3A_361, %broadcast_in_dim3A_362 : vector<16xi1>, vector<16xi32>
      %add3A_363 = arith.addi %broadcast_in_dim3A_357, %select_n3A : vector<16xi32>
      %ge3A_364 = arith.constant 300000 : i32
      %ge3A_365 = vector.broadcast %ge3A_364 : i32 to vector<16xi32>
      %ge3A_366 = arith.cmpi sge, %get3A_356, %ge3A_365 : vector<16xi32>
      %jit3A_367 = arith.constant 1 : i32
      %jit3A_368 = arith.constant 0 : i32
      %broadcast_in_dim3A_369 = vector.broadcast %jit3A_367 : i32 to vector<16xi32>
      %broadcast_in_dim3A_370 = vector.broadcast %jit3A_368 : i32 to vector<16xi32>
      %select_n3A_371 = arith.select %ge3A_366, %broadcast_in_dim3A_369, %broadcast_in_dim3A_370 : vector<16xi1>, vector<16xi32>
      %add3A_372 = arith.addi %add3A_363, %select_n3A_371 : vector<16xi32>
      %ge3A_373 = arith.constant 1800000 : i32
      %ge3A_374 = vector.broadcast %ge3A_373 : i32 to vector<16xi32>
      %ge3A_375 = arith.cmpi sge, %get3A_356, %ge3A_374 : vector<16xi32>
      %jit3A_376 = arith.constant 1 : i32
      %jit3A_377 = arith.constant 0 : i32
      %broadcast_in_dim3A_378 = vector.broadcast %jit3A_376 : i32 to vector<16xi32>
      %broadcast_in_dim3A_379 = vector.broadcast %jit3A_377 : i32 to vector<16xi32>
      %select_n3A_380 = arith.select %ge3A_375, %broadcast_in_dim3A_378, %broadcast_in_dim3A_379 : vector<16xi1>, vector<16xi32>
      %add3A_381 = arith.addi %add3A_372, %select_n3A_380 : vector<16xi32>
      %ge3A_382 = arith.constant 7200000 : i32
      %ge3A_383 = vector.broadcast %ge3A_382 : i32 to vector<16xi32>
      %ge3A_384 = arith.cmpi sge, %get3A_356, %ge3A_383 : vector<16xi32>
      %jit3A_385 = arith.constant 1 : i32
      %jit3A_386 = arith.constant 0 : i32
      %broadcast_in_dim3A_387 = vector.broadcast %jit3A_385 : i32 to vector<16xi32>
      %broadcast_in_dim3A_388 = vector.broadcast %jit3A_386 : i32 to vector<16xi32>
      %select_n3A_389 = arith.select %ge3A_384, %broadcast_in_dim3A_387, %broadcast_in_dim3A_388 : vector<16xi1>, vector<16xi32>
      %add3A_390 = arith.addi %add3A_381, %select_n3A_389 : vector<16xi32>
      %ge3A_391 = arith.constant 86400000 : i32
      %ge3A_392 = vector.broadcast %ge3A_391 : i32 to vector<16xi32>
      %ge3A_393 = arith.cmpi sge, %get3A_356, %ge3A_392 : vector<16xi32>
      %jit3A_394 = arith.constant 1 : i32
      %jit3A_395 = arith.constant 0 : i32
      %broadcast_in_dim3A_396 = vector.broadcast %jit3A_394 : i32 to vector<16xi32>
      %broadcast_in_dim3A_397 = vector.broadcast %jit3A_395 : i32 to vector<16xi32>
      %select_n3A_398 = arith.select %ge3A_393, %broadcast_in_dim3A_396, %broadcast_in_dim3A_397 : vector<16xi1>, vector<16xi32>
      %add3A_399 = arith.addi %add3A_390, %select_n3A_398 : vector<16xi32>
      %ge3A_400 = arith.constant 604800000 : i32
      %ge3A_401 = vector.broadcast %ge3A_400 : i32 to vector<16xi32>
      %ge3A_402 = arith.cmpi sge, %get3A_356, %ge3A_401 : vector<16xi32>
      %jit3A_403 = arith.constant 1 : i32
      %jit3A_404 = arith.constant 0 : i32
      %broadcast_in_dim3A_405 = vector.broadcast %jit3A_403 : i32 to vector<16xi32>
      %broadcast_in_dim3A_406 = vector.broadcast %jit3A_404 : i32 to vector<16xi32>
      %select_n3A_407 = arith.select %ge3A_402, %broadcast_in_dim3A_405, %broadcast_in_dim3A_406 : vector<16xi1>, vector<16xi32>
      %add3A_408 = arith.addi %add3A_399, %select_n3A_407 : vector<16xi32>
      %mul3A_409 = arith.constant 16 : i32
      %mul3A_410 = arith.muli %scan3A_350, %mul3A_409 : i32
      %swap3A = arith.index_cast %mul3A_410 : i32 to index
      %swap3A_411 = tpu.vector_load %arg6[%swap3A] {strides = array<i32>} : memref<1024xi32, #tpu.memory_space<vmem>>, vector<16xi32>,
      %swap3A_412 = vector.shape_cast %swap3A_411 : vector<16xi32> to vector<16xi32>
      %swap3A_413 = vector.shape_cast %add3A_408 : vector<16xi32> to vector<16xi32>
      tpu.vector_store %arg6[%swap3A], %swap3A_413 {strides = array<i32>} : memref<1024xi32, #tpu.memory_space<vmem>>, vector<16xi32>,
    }
    %scan3A_75 = arith.constant 64 : i32
    %dma_start3A_76 = arith.constant 0 : i32
    %dma_start3A_77 = arith.constant 0 : i32
    %dma_start3A_78 = tpu.memref_slice %arg3[%dma_start3A_76, %dma_start3A_77] : memref<7x64xf32, #tpu.memory_space<hbm>> -> memref<7x64xf32, #tpu.memory_space<hbm>>
    tpu.enqueue_indirect_dma source(%dma_start3A_78 : memref<7x64xf32, #tpu.memory_space<hbm>>) target(%arg7 : memref<1024x64xf32, #tpu.memory_space<vmem>>) offsets(%arg6 : memref<1024xi32, #tpu.memory_space<vmem>>) semaphore(%arg8 : memref<!tpu.dma_semaphore, #tpu.memory_space<semaphore_mem>>)
    %dma_wait3A_79 = arith.constant 0 : i32
    %dma_wait3A_80 = arith.constant 0 : i32
    %dma_wait3A_81 = tpu.memref_slice %arg3[%dma_wait3A_79, %dma_wait3A_80] : memref<7x64xf32, #tpu.memory_space<hbm>> -> memref<7x64xf32, #tpu.memory_space<hbm>>
    tpu.wait_indirect_dma semaphore(%arg8 : memref<!tpu.dma_semaphore, #tpu.memory_space<semaphore_mem>>) src(%dma_wait3A_81 : memref<7x64xf32, #tpu.memory_space<hbm>>) dst(%arg7 : memref<1024x64xf32, #tpu.memory_space<vmem>>)
    %add3A_82 = arith.constant 5120 : i32
    %add3A_83 = arith.addi %mul3A_2, %add3A_82 : i32
    "tpu.region"() ({
      %run_scoped3A = tpu.sem_alloc : memref<!tpu.dma_semaphore, #tpu.memory_space<semaphore_mem>>
      %dma_start3A_350 = arith.constant 0 : i32
      %dma_start3A_351 = tpu.memref_slice %arg4[%add3A_83, %dma_start3A_350] : memref<819200x64xf32, #tpu.memory_space<hbm>> -> memref<1024x64xf32, #tpu.memory_space<hbm>>
      %dma_start3A_352 = arith.constant 0 : i32
      %dma_start3A_353 = tpu.memref_slice %arg4[%add3A_83, %dma_start3A_352] : memref<819200x64xf32, #tpu.memory_space<hbm>> -> memref<1024x64xf32, #tpu.memory_space<hbm>>
      tpu.enqueue_dma source(%arg7 : memref<1024x64xf32, #tpu.memory_space<vmem>>) target(%dma_start3A_353 : memref<1024x64xf32, #tpu.memory_space<hbm>>) target_semaphore(%run_scoped3A : memref<!tpu.dma_semaphore, #tpu.memory_space<semaphore_mem>>)
      %dma_wait3A_354 = arith.constant 0 : i32
      %dma_wait3A_355 = tpu.memref_slice %arg4[%add3A_83, %dma_wait3A_354] : memref<819200x64xf32, #tpu.memory_space<hbm>> -> memref<1024x64xf32, #tpu.memory_space<hbm>>
      %dma_wait3A_356 = arith.constant 0 : i32
      %dma_wait3A_357 = tpu.memref_slice %arg4[%add3A_83, %dma_wait3A_356] : memref<819200x64xf32, #tpu.memory_space<hbm>> -> memref<1024x64xf32, #tpu.memory_space<hbm>>
      tpu.wait_dma2 semaphore(%run_scoped3A : memref<!tpu.dma_semaphore, #tpu.memory_space<semaphore_mem>>) src(%arg7 : memref<1024x64xf32, #tpu.memory_space<vmem>>) dst(%dma_wait3A_357 : memref<1024x64xf32, #tpu.memory_space<hbm>>)
      tpu.yield
    }) : () -> ()
    %scan3A_84 = arith.constant 0 : i32
    %scan3A_85 = arith.constant 0 : i32
    %scan3A_86 = arith.constant 64 : i32
    %scan3A_87 = arith.addi %scan3A_85, %scan3A_86 : i32
    %scan3A_88 = arith.constant 1 : i32
    scf.for %scan3A_350 = %scan3A_85 to %scan3A_87 step %scan3A_88  : i32 {
      %mul3A_351 = arith.constant 16 : i32
      %mul3A_352 = arith.muli %scan3A_350, %mul3A_351 : i32
      %add3A_353 = arith.constant 6144 : i32
      %add3A_354 = arith.addi %add3A_353, %mul3A_352 : i32
      %get3A = arith.index_cast %add3A_354 : i32 to index
      %get3A_355 = tpu.vector_load %arg5[%get3A] {strides = array<i32>} : memref<25600xi32, #tpu.memory_space<vmem>>, vector<16xi32>,
      %get3A_356 = vector.shape_cast %get3A_355 : vector<16xi32> to vector<16xi32>
      %broadcast_in_dim3A = arith.constant 0 : i32
      %broadcast_in_dim3A_357 = vector.broadcast %broadcast_in_dim3A : i32 to vector<16xi32>
      %ge3A = arith.constant 60000 : i32
      %ge3A_358 = vector.broadcast %ge3A : i32 to vector<16xi32>
      %ge3A_359 = arith.cmpi sge, %get3A_356, %ge3A_358 : vector<16xi32>
      %jit3A = arith.constant 1 : i32
      %jit3A_360 = arith.constant 0 : i32
      %broadcast_in_dim3A_361 = vector.broadcast %jit3A : i32 to vector<16xi32>
      %broadcast_in_dim3A_362 = vector.broadcast %jit3A_360 : i32 to vector<16xi32>
      %select_n3A = arith.select %ge3A_359, %broadcast_in_dim3A_361, %broadcast_in_dim3A_362 : vector<16xi1>, vector<16xi32>
      %add3A_363 = arith.addi %broadcast_in_dim3A_357, %select_n3A : vector<16xi32>
      %ge3A_364 = arith.constant 300000 : i32
      %ge3A_365 = vector.broadcast %ge3A_364 : i32 to vector<16xi32>
      %ge3A_366 = arith.cmpi sge, %get3A_356, %ge3A_365 : vector<16xi32>
      %jit3A_367 = arith.constant 1 : i32
      %jit3A_368 = arith.constant 0 : i32
      %broadcast_in_dim3A_369 = vector.broadcast %jit3A_367 : i32 to vector<16xi32>
      %broadcast_in_dim3A_370 = vector.broadcast %jit3A_368 : i32 to vector<16xi32>
      %select_n3A_371 = arith.select %ge3A_366, %broadcast_in_dim3A_369, %broadcast_in_dim3A_370 : vector<16xi1>, vector<16xi32>
      %add3A_372 = arith.addi %add3A_363, %select_n3A_371 : vector<16xi32>
      %ge3A_373 = arith.constant 1800000 : i32
      %ge3A_374 = vector.broadcast %ge3A_373 : i32 to vector<16xi32>
      %ge3A_375 = arith.cmpi sge, %get3A_356, %ge3A_374 : vector<16xi32>
      %jit3A_376 = arith.constant 1 : i32
      %jit3A_377 = arith.constant 0 : i32
      %broadcast_in_dim3A_378 = vector.broadcast %jit3A_376 : i32 to vector<16xi32>
      %broadcast_in_dim3A_379 = vector.broadcast %jit3A_377 : i32 to vector<16xi32>
      %select_n3A_380 = arith.select %ge3A_375, %broadcast_in_dim3A_378, %broadcast_in_dim3A_379 : vector<16xi1>, vector<16xi32>
      %add3A_381 = arith.addi %add3A_372, %select_n3A_380 : vector<16xi32>
      %ge3A_382 = arith.constant 7200000 : i32
      %ge3A_383 = vector.broadcast %ge3A_382 : i32 to vector<16xi32>
      %ge3A_384 = arith.cmpi sge, %get3A_356, %ge3A_383 : vector<16xi32>
      %jit3A_385 = arith.constant 1 : i32
      %jit3A_386 = arith.constant 0 : i32
      %broadcast_in_dim3A_387 = vector.broadcast %jit3A_385 : i32 to vector<16xi32>
      %broadcast_in_dim3A_388 = vector.broadcast %jit3A_386 : i32 to vector<16xi32>
      %select_n3A_389 = arith.select %ge3A_384, %broadcast_in_dim3A_387, %broadcast_in_dim3A_388 : vector<16xi1>, vector<16xi32>
      %add3A_390 = arith.addi %add3A_381, %select_n3A_389 : vector<16xi32>
      %ge3A_391 = arith.constant 86400000 : i32
      %ge3A_392 = vector.broadcast %ge3A_391 : i32 to vector<16xi32>
      %ge3A_393 = arith.cmpi sge, %get3A_356, %ge3A_392 : vector<16xi32>
      %jit3A_394 = arith.constant 1 : i32
      %jit3A_395 = arith.constant 0 : i32
      %broadcast_in_dim3A_396 = vector.broadcast %jit3A_394 : i32 to vector<16xi32>
      %broadcast_in_dim3A_397 = vector.broadcast %jit3A_395 : i32 to vector<16xi32>
      %select_n3A_398 = arith.select %ge3A_393, %broadcast_in_dim3A_396, %broadcast_in_dim3A_397 : vector<16xi1>, vector<16xi32>
      %add3A_399 = arith.addi %add3A_390, %select_n3A_398 : vector<16xi32>
      %ge3A_400 = arith.constant 604800000 : i32
      %ge3A_401 = vector.broadcast %ge3A_400 : i32 to vector<16xi32>
      %ge3A_402 = arith.cmpi sge, %get3A_356, %ge3A_401 : vector<16xi32>
      %jit3A_403 = arith.constant 1 : i32
      %jit3A_404 = arith.constant 0 : i32
      %broadcast_in_dim3A_405 = vector.broadcast %jit3A_403 : i32 to vector<16xi32>
      %broadcast_in_dim3A_406 = vector.broadcast %jit3A_404 : i32 to vector<16xi32>
      %select_n3A_407 = arith.select %ge3A_402, %broadcast_in_dim3A_405, %broadcast_in_dim3A_406 : vector<16xi1>, vector<16xi32>
      %add3A_408 = arith.addi %add3A_399, %select_n3A_407 : vector<16xi32>
      %mul3A_409 = arith.constant 16 : i32
      %mul3A_410 = arith.muli %scan3A_350, %mul3A_409 : i32
      %swap3A = arith.index_cast %mul3A_410 : i32 to index
      %swap3A_411 = tpu.vector_load %arg6[%swap3A] {strides = array<i32>} : memref<1024xi32, #tpu.memory_space<vmem>>, vector<16xi32>,
      %swap3A_412 = vector.shape_cast %swap3A_411 : vector<16xi32> to vector<16xi32>
      %swap3A_413 = vector.shape_cast %add3A_408 : vector<16xi32> to vector<16xi32>
      tpu.vector_store %arg6[%swap3A], %swap3A_413 {strides = array<i32>} : memref<1024xi32, #tpu.memory_space<vmem>>, vector<16xi32>,
    }
    %scan3A_89 = arith.constant 64 : i32
    %dma_start3A_90 = arith.constant 0 : i32
    %dma_start3A_91 = arith.constant 0 : i32
    %dma_start3A_92 = tpu.memref_slice %arg3[%dma_start3A_90, %dma_start3A_91] : memref<7x64xf32, #tpu.memory_space<hbm>> -> memref<7x64xf32, #tpu.memory_space<hbm>>
    tpu.enqueue_indirect_dma source(%dma_start3A_92 : memref<7x64xf32, #tpu.memory_space<hbm>>) target(%arg7 : memref<1024x64xf32, #tpu.memory_space<vmem>>) offsets(%arg6 : memref<1024xi32, #tpu.memory_space<vmem>>) semaphore(%arg8 : memref<!tpu.dma_semaphore, #tpu.memory_space<semaphore_mem>>)
    %dma_wait3A_93 = arith.constant 0 : i32
    %dma_wait3A_94 = arith.constant 0 : i32
    %dma_wait3A_95 = tpu.memref_slice %arg3[%dma_wait3A_93, %dma_wait3A_94] : memref<7x64xf32, #tpu.memory_space<hbm>> -> memref<7x64xf32, #tpu.memory_space<hbm>>
    tpu.wait_indirect_dma semaphore(%arg8 : memref<!tpu.dma_semaphore, #tpu.memory_space<semaphore_mem>>) src(%dma_wait3A_95 : memref<7x64xf32, #tpu.memory_space<hbm>>) dst(%arg7 : memref<1024x64xf32, #tpu.memory_space<vmem>>)
    %add3A_96 = arith.constant 6144 : i32
    %add3A_97 = arith.addi %mul3A_2, %add3A_96 : i32
    "tpu.region"() ({
      %run_scoped3A = tpu.sem_alloc : memref<!tpu.dma_semaphore, #tpu.memory_space<semaphore_mem>>
      %dma_start3A_350 = arith.constant 0 : i32
      %dma_start3A_351 = tpu.memref_slice %arg4[%add3A_97, %dma_start3A_350] : memref<819200x64xf32, #tpu.memory_space<hbm>> -> memref<1024x64xf32, #tpu.memory_space<hbm>>
      %dma_start3A_352 = arith.constant 0 : i32
      %dma_start3A_353 = tpu.memref_slice %arg4[%add3A_97, %dma_start3A_352] : memref<819200x64xf32, #tpu.memory_space<hbm>> -> memref<1024x64xf32, #tpu.memory_space<hbm>>
      tpu.enqueue_dma source(%arg7 : memref<1024x64xf32, #tpu.memory_space<vmem>>) target(%dma_start3A_353 : memref<1024x64xf32, #tpu.memory_space<hbm>>) target_semaphore(%run_scoped3A : memref<!tpu.dma_semaphore, #tpu.memory_space<semaphore_mem>>)
      %dma_wait3A_354 = arith.constant 0 : i32
      %dma_wait3A_355 = tpu.memref_slice %arg4[%add3A_97, %dma_wait3A_354] : memref<819200x64xf32, #tpu.memory_space<hbm>> -> memref<1024x64xf32, #tpu.memory_space<hbm>>
      %dma_wait3A_356 = arith.constant 0 : i32
      %dma_wait3A_357 = tpu.memref_slice %arg4[%add3A_97, %dma_wait3A_356] : memref<819200x64xf32, #tpu.memory_space<hbm>> -> memref<1024x64xf32, #tpu.memory_space<hbm>>
      tpu.wait_dma2 semaphore(%run_scoped3A : memref<!tpu.dma_semaphore, #tpu.memory_space<semaphore_mem>>) src(%arg7 : memref<1024x64xf32, #tpu.memory_space<vmem>>) dst(%dma_wait3A_357 : memref<1024x64xf32, #tpu.memory_space<hbm>>)
      tpu.yield
    }) : () -> ()
    %scan3A_98 = arith.constant 0 : i32
    %scan3A_99 = arith.constant 0 : i32
    %scan3A_100 = arith.constant 64 : i32
    %scan3A_101 = arith.addi %scan3A_99, %scan3A_100 : i32
    %scan3A_102 = arith.constant 1 : i32
    scf.for %scan3A_350 = %scan3A_99 to %scan3A_101 step %scan3A_102  : i32 {
      %mul3A_351 = arith.constant 16 : i32
      %mul3A_352 = arith.muli %scan3A_350, %mul3A_351 : i32
      %add3A_353 = arith.constant 7168 : i32
      %add3A_354 = arith.addi %add3A_353, %mul3A_352 : i32
      %get3A = arith.index_cast %add3A_354 : i32 to index
      %get3A_355 = tpu.vector_load %arg5[%get3A] {strides = array<i32>} : memref<25600xi32, #tpu.memory_space<vmem>>, vector<16xi32>,
      %get3A_356 = vector.shape_cast %get3A_355 : vector<16xi32> to vector<16xi32>
      %broadcast_in_dim3A = arith.constant 0 : i32
      %broadcast_in_dim3A_357 = vector.broadcast %broadcast_in_dim3A : i32 to vector<16xi32>
      %ge3A = arith.constant 60000 : i32
      %ge3A_358 = vector.broadcast %ge3A : i32 to vector<16xi32>
      %ge3A_359 = arith.cmpi sge, %get3A_356, %ge3A_358 : vector<16xi32>
      %jit3A = arith.constant 1 : i32
      %jit3A_360 = arith.constant 0 : i32
      %broadcast_in_dim3A_361 = vector.broadcast %jit3A : i32 to vector<16xi32>
      %broadcast_in_dim3A_362 = vector.broadcast %jit3A_360 : i32 to vector<16xi32>
      %select_n3A = arith.select %ge3A_359, %broadcast_in_dim3A_361, %broadcast_in_dim3A_362 : vector<16xi1>, vector<16xi32>
      %add3A_363 = arith.addi %broadcast_in_dim3A_357, %select_n3A : vector<16xi32>
      %ge3A_364 = arith.constant 300000 : i32
      %ge3A_365 = vector.broadcast %ge3A_364 : i32 to vector<16xi32>
      %ge3A_366 = arith.cmpi sge, %get3A_356, %ge3A_365 : vector<16xi32>
      %jit3A_367 = arith.constant 1 : i32
      %jit3A_368 = arith.constant 0 : i32
      %broadcast_in_dim3A_369 = vector.broadcast %jit3A_367 : i32 to vector<16xi32>
      %broadcast_in_dim3A_370 = vector.broadcast %jit3A_368 : i32 to vector<16xi32>
      %select_n3A_371 = arith.select %ge3A_366, %broadcast_in_dim3A_369, %broadcast_in_dim3A_370 : vector<16xi1>, vector<16xi32>
      %add3A_372 = arith.addi %add3A_363, %select_n3A_371 : vector<16xi32>
      %ge3A_373 = arith.constant 1800000 : i32
      %ge3A_374 = vector.broadcast %ge3A_373 : i32 to vector<16xi32>
      %ge3A_375 = arith.cmpi sge, %get3A_356, %ge3A_374 : vector<16xi32>
      %jit3A_376 = arith.constant 1 : i32
      %jit3A_377 = arith.constant 0 : i32
      %broadcast_in_dim3A_378 = vector.broadcast %jit3A_376 : i32 to vector<16xi32>
      %broadcast_in_dim3A_379 = vector.broadcast %jit3A_377 : i32 to vector<16xi32>
      %select_n3A_380 = arith.select %ge3A_375, %broadcast_in_dim3A_378, %broadcast_in_dim3A_379 : vector<16xi1>, vector<16xi32>
      %add3A_381 = arith.addi %add3A_372, %select_n3A_380 : vector<16xi32>
      %ge3A_382 = arith.constant 7200000 : i32
      %ge3A_383 = vector.broadcast %ge3A_382 : i32 to vector<16xi32>
      %ge3A_384 = arith.cmpi sge, %get3A_356, %ge3A_383 : vector<16xi32>
      %jit3A_385 = arith.constant 1 : i32
      %jit3A_386 = arith.constant 0 : i32
      %broadcast_in_dim3A_387 = vector.broadcast %jit3A_385 : i32 to vector<16xi32>
      %broadcast_in_dim3A_388 = vector.broadcast %jit3A_386 : i32 to vector<16xi32>
      %select_n3A_389 = arith.select %ge3A_384, %broadcast_in_dim3A_387, %broadcast_in_dim3A_388 : vector<16xi1>, vector<16xi32>
      %add3A_390 = arith.addi %add3A_381, %select_n3A_389 : vector<16xi32>
      %ge3A_391 = arith.constant 86400000 : i32
      %ge3A_392 = vector.broadcast %ge3A_391 : i32 to vector<16xi32>
      %ge3A_393 = arith.cmpi sge, %get3A_356, %ge3A_392 : vector<16xi32>
      %jit3A_394 = arith.constant 1 : i32
      %jit3A_395 = arith.constant 0 : i32
      %broadcast_in_dim3A_396 = vector.broadcast %jit3A_394 : i32 to vector<16xi32>
      %broadcast_in_dim3A_397 = vector.broadcast %jit3A_395 : i32 to vector<16xi32>
      %select_n3A_398 = arith.select %ge3A_393, %broadcast_in_dim3A_396, %broadcast_in_dim3A_397 : vector<16xi1>, vector<16xi32>
      %add3A_399 = arith.addi %add3A_390, %select_n3A_398 : vector<16xi32>
      %ge3A_400 = arith.constant 604800000 : i32
      %ge3A_401 = vector.broadcast %ge3A_400 : i32 to vector<16xi32>
      %ge3A_402 = arith.cmpi sge, %get3A_356, %ge3A_401 : vector<16xi32>
      %jit3A_403 = arith.constant 1 : i32
      %jit3A_404 = arith.constant 0 : i32
      %broadcast_in_dim3A_405 = vector.broadcast %jit3A_403 : i32 to vector<16xi32>
      %broadcast_in_dim3A_406 = vector.broadcast %jit3A_404 : i32 to vector<16xi32>
      %select_n3A_407 = arith.select %ge3A_402, %broadcast_in_dim3A_405, %broadcast_in_dim3A_406 : vector<16xi1>, vector<16xi32>
      %add3A_408 = arith.addi %add3A_399, %select_n3A_407 : vector<16xi32>
      %mul3A_409 = arith.constant 16 : i32
      %mul3A_410 = arith.muli %scan3A_350, %mul3A_409 : i32
      %swap3A = arith.index_cast %mul3A_410 : i32 to index
      %swap3A_411 = tpu.vector_load %arg6[%swap3A] {strides = array<i32>} : memref<1024xi32, #tpu.memory_space<vmem>>, vector<16xi32>,
      %swap3A_412 = vector.shape_cast %swap3A_411 : vector<16xi32> to vector<16xi32>
      %swap3A_413 = vector.shape_cast %add3A_408 : vector<16xi32> to vector<16xi32>
      tpu.vector_store %arg6[%swap3A], %swap3A_413 {strides = array<i32>} : memref<1024xi32, #tpu.memory_space<vmem>>, vector<16xi32>,
    }
    %scan3A_103 = arith.constant 64 : i32
    %dma_start3A_104 = arith.constant 0 : i32
    %dma_start3A_105 = arith.constant 0 : i32
    %dma_start3A_106 = tpu.memref_slice %arg3[%dma_start3A_104, %dma_start3A_105] : memref<7x64xf32, #tpu.memory_space<hbm>> -> memref<7x64xf32, #tpu.memory_space<hbm>>
    tpu.enqueue_indirect_dma source(%dma_start3A_106 : memref<7x64xf32, #tpu.memory_space<hbm>>) target(%arg7 : memref<1024x64xf32, #tpu.memory_space<vmem>>) offsets(%arg6 : memref<1024xi32, #tpu.memory_space<vmem>>) semaphore(%arg8 : memref<!tpu.dma_semaphore, #tpu.memory_space<semaphore_mem>>)
    %dma_wait3A_107 = arith.constant 0 : i32
    %dma_wait3A_108 = arith.constant 0 : i32
    %dma_wait3A_109 = tpu.memref_slice %arg3[%dma_wait3A_107, %dma_wait3A_108] : memref<7x64xf32, #tpu.memory_space<hbm>> -> memref<7x64xf32, #tpu.memory_space<hbm>>
    tpu.wait_indirect_dma semaphore(%arg8 : memref<!tpu.dma_semaphore, #tpu.memory_space<semaphore_mem>>) src(%dma_wait3A_109 : memref<7x64xf32, #tpu.memory_space<hbm>>) dst(%arg7 : memref<1024x64xf32, #tpu.memory_space<vmem>>)
    %add3A_110 = arith.constant 7168 : i32
    %add3A_111 = arith.addi %mul3A_2, %add3A_110 : i32
    "tpu.region"() ({
      %run_scoped3A = tpu.sem_alloc : memref<!tpu.dma_semaphore, #tpu.memory_space<semaphore_mem>>
      %dma_start3A_350 = arith.constant 0 : i32
      %dma_start3A_351 = tpu.memref_slice %arg4[%add3A_111, %dma_start3A_350] : memref<819200x64xf32, #tpu.memory_space<hbm>> -> memref<1024x64xf32, #tpu.memory_space<hbm>>
      %dma_start3A_352 = arith.constant 0 : i32
      %dma_start3A_353 = tpu.memref_slice %arg4[%add3A_111, %dma_start3A_352] : memref<819200x64xf32, #tpu.memory_space<hbm>> -> memref<1024x64xf32, #tpu.memory_space<hbm>>
      tpu.enqueue_dma source(%arg7 : memref<1024x64xf32, #tpu.memory_space<vmem>>) target(%dma_start3A_353 : memref<1024x64xf32, #tpu.memory_space<hbm>>) target_semaphore(%run_scoped3A : memref<!tpu.dma_semaphore, #tpu.memory_space<semaphore_mem>>)
      %dma_wait3A_354 = arith.constant 0 : i32
      %dma_wait3A_355 = tpu.memref_slice %arg4[%add3A_111, %dma_wait3A_354] : memref<819200x64xf32, #tpu.memory_space<hbm>> -> memref<1024x64xf32, #tpu.memory_space<hbm>>
      %dma_wait3A_356 = arith.constant 0 : i32
      %dma_wait3A_357 = tpu.memref_slice %arg4[%add3A_111, %dma_wait3A_356] : memref<819200x64xf32, #tpu.memory_space<hbm>> -> memref<1024x64xf32, #tpu.memory_space<hbm>>
      tpu.wait_dma2 semaphore(%run_scoped3A : memref<!tpu.dma_semaphore, #tpu.memory_space<semaphore_mem>>) src(%arg7 : memref<1024x64xf32, #tpu.memory_space<vmem>>) dst(%dma_wait3A_357 : memref<1024x64xf32, #tpu.memory_space<hbm>>)
      tpu.yield
    }) : () -> ()
    %scan3A_112 = arith.constant 0 : i32
    %scan3A_113 = arith.constant 0 : i32
    %scan3A_114 = arith.constant 64 : i32
    %scan3A_115 = arith.addi %scan3A_113, %scan3A_114 : i32
    %scan3A_116 = arith.constant 1 : i32
    scf.for %scan3A_350 = %scan3A_113 to %scan3A_115 step %scan3A_116  : i32 {
      %mul3A_351 = arith.constant 16 : i32
      %mul3A_352 = arith.muli %scan3A_350, %mul3A_351 : i32
      %add3A_353 = arith.constant 8192 : i32
      %add3A_354 = arith.addi %add3A_353, %mul3A_352 : i32
      %get3A = arith.index_cast %add3A_354 : i32 to index
      %get3A_355 = tpu.vector_load %arg5[%get3A] {strides = array<i32>} : memref<25600xi32, #tpu.memory_space<vmem>>, vector<16xi32>,
      %get3A_356 = vector.shape_cast %get3A_355 : vector<16xi32> to vector<16xi32>
      %broadcast_in_dim3A = arith.constant 0 : i32
      %broadcast_in_dim3A_357 = vector.broadcast %broadcast_in_dim3A : i32 to vector<16xi32>
      %ge3A = arith.constant 60000 : i32
      %ge3A_358 = vector.broadcast %ge3A : i32 to vector<16xi32>
      %ge3A_359 = arith.cmpi sge, %get3A_356, %ge3A_358 : vector<16xi32>
      %jit3A = arith.constant 1 : i32
      %jit3A_360 = arith.constant 0 : i32
      %broadcast_in_dim3A_361 = vector.broadcast %jit3A : i32 to vector<16xi32>
      %broadcast_in_dim3A_362 = vector.broadcast %jit3A_360 : i32 to vector<16xi32>
      %select_n3A = arith.select %ge3A_359, %broadcast_in_dim3A_361, %broadcast_in_dim3A_362 : vector<16xi1>, vector<16xi32>
      %add3A_363 = arith.addi %broadcast_in_dim3A_357, %select_n3A : vector<16xi32>
      %ge3A_364 = arith.constant 300000 : i32
      %ge3A_365 = vector.broadcast %ge3A_364 : i32 to vector<16xi32>
      %ge3A_366 = arith.cmpi sge, %get3A_356, %ge3A_365 : vector<16xi32>
      %jit3A_367 = arith.constant 1 : i32
      %jit3A_368 = arith.constant 0 : i32
      %broadcast_in_dim3A_369 = vector.broadcast %jit3A_367 : i32 to vector<16xi32>
      %broadcast_in_dim3A_370 = vector.broadcast %jit3A_368 : i32 to vector<16xi32>
      %select_n3A_371 = arith.select %ge3A_366, %broadcast_in_dim3A_369, %broadcast_in_dim3A_370 : vector<16xi1>, vector<16xi32>
      %add3A_372 = arith.addi %add3A_363, %select_n3A_371 : vector<16xi32>
      %ge3A_373 = arith.constant 1800000 : i32
      %ge3A_374 = vector.broadcast %ge3A_373 : i32 to vector<16xi32>
      %ge3A_375 = arith.cmpi sge, %get3A_356, %ge3A_374 : vector<16xi32>
      %jit3A_376 = arith.constant 1 : i32
      %jit3A_377 = arith.constant 0 : i32
      %broadcast_in_dim3A_378 = vector.broadcast %jit3A_376 : i32 to vector<16xi32>
      %broadcast_in_dim3A_379 = vector.broadcast %jit3A_377 : i32 to vector<16xi32>
      %select_n3A_380 = arith.select %ge3A_375, %broadcast_in_dim3A_378, %broadcast_in_dim3A_379 : vector<16xi1>, vector<16xi32>
      %add3A_381 = arith.addi %add3A_372, %select_n3A_380 : vector<16xi32>
      %ge3A_382 = arith.constant 7200000 : i32
      %ge3A_383 = vector.broadcast %ge3A_382 : i32 to vector<16xi32>
      %ge3A_384 = arith.cmpi sge, %get3A_356, %ge3A_383 : vector<16xi32>
      %jit3A_385 = arith.constant 1 : i32
      %jit3A_386 = arith.constant 0 : i32
      %broadcast_in_dim3A_387 = vector.broadcast %jit3A_385 : i32 to vector<16xi32>
      %broadcast_in_dim3A_388 = vector.broadcast %jit3A_386 : i32 to vector<16xi32>
      %select_n3A_389 = arith.select %ge3A_384, %broadcast_in_dim3A_387, %broadcast_in_dim3A_388 : vector<16xi1>, vector<16xi32>
      %add3A_390 = arith.addi %add3A_381, %select_n3A_389 : vector<16xi32>
      %ge3A_391 = arith.constant 86400000 : i32
      %ge3A_392 = vector.broadcast %ge3A_391 : i32 to vector<16xi32>
      %ge3A_393 = arith.cmpi sge, %get3A_356, %ge3A_392 : vector<16xi32>
      %jit3A_394 = arith.constant 1 : i32
      %jit3A_395 = arith.constant 0 : i32
      %broadcast_in_dim3A_396 = vector.broadcast %jit3A_394 : i32 to vector<16xi32>
      %broadcast_in_dim3A_397 = vector.broadcast %jit3A_395 : i32 to vector<16xi32>
      %select_n3A_398 = arith.select %ge3A_393, %broadcast_in_dim3A_396, %broadcast_in_dim3A_397 : vector<16xi1>, vector<16xi32>
      %add3A_399 = arith.addi %add3A_390, %select_n3A_398 : vector<16xi32>
      %ge3A_400 = arith.constant 604800000 : i32
      %ge3A_401 = vector.broadcast %ge3A_400 : i32 to vector<16xi32>
      %ge3A_402 = arith.cmpi sge, %get3A_356, %ge3A_401 : vector<16xi32>
      %jit3A_403 = arith.constant 1 : i32
      %jit3A_404 = arith.constant 0 : i32
      %broadcast_in_dim3A_405 = vector.broadcast %jit3A_403 : i32 to vector<16xi32>
      %broadcast_in_dim3A_406 = vector.broadcast %jit3A_404 : i32 to vector<16xi32>
      %select_n3A_407 = arith.select %ge3A_402, %broadcast_in_dim3A_405, %broadcast_in_dim3A_406 : vector<16xi1>, vector<16xi32>
      %add3A_408 = arith.addi %add3A_399, %select_n3A_407 : vector<16xi32>
      %mul3A_409 = arith.constant 16 : i32
      %mul3A_410 = arith.muli %scan3A_350, %mul3A_409 : i32
      %swap3A = arith.index_cast %mul3A_410 : i32 to index
      %swap3A_411 = tpu.vector_load %arg6[%swap3A] {strides = array<i32>} : memref<1024xi32, #tpu.memory_space<vmem>>, vector<16xi32>,
      %swap3A_412 = vector.shape_cast %swap3A_411 : vector<16xi32> to vector<16xi32>
      %swap3A_413 = vector.shape_cast %add3A_408 : vector<16xi32> to vector<16xi32>
      tpu.vector_store %arg6[%swap3A], %swap3A_413 {strides = array<i32>} : memref<1024xi32, #tpu.memory_space<vmem>>, vector<16xi32>,
    }
    %scan3A_117 = arith.constant 64 : i32
    %dma_start3A_118 = arith.constant 0 : i32
    %dma_start3A_119 = arith.constant 0 : i32
    %dma_start3A_120 = tpu.memref_slice %arg3[%dma_start3A_118, %dma_start3A_119] : memref<7x64xf32, #tpu.memory_space<hbm>> -> memref<7x64xf32, #tpu.memory_space<hbm>>
    tpu.enqueue_indirect_dma source(%dma_start3A_120 : memref<7x64xf32, #tpu.memory_space<hbm>>) target(%arg7 : memref<1024x64xf32, #tpu.memory_space<vmem>>) offsets(%arg6 : memref<1024xi32, #tpu.memory_space<vmem>>) semaphore(%arg8 : memref<!tpu.dma_semaphore, #tpu.memory_space<semaphore_mem>>)
    %dma_wait3A_121 = arith.constant 0 : i32
    %dma_wait3A_122 = arith.constant 0 : i32
    %dma_wait3A_123 = tpu.memref_slice %arg3[%dma_wait3A_121, %dma_wait3A_122] : memref<7x64xf32, #tpu.memory_space<hbm>> -> memref<7x64xf32, #tpu.memory_space<hbm>>
    tpu.wait_indirect_dma semaphore(%arg8 : memref<!tpu.dma_semaphore, #tpu.memory_space<semaphore_mem>>) src(%dma_wait3A_123 : memref<7x64xf32, #tpu.memory_space<hbm>>) dst(%arg7 : memref<1024x64xf32, #tpu.memory_space<vmem>>)
    %add3A_124 = arith.constant 8192 : i32
    %add3A_125 = arith.addi %mul3A_2, %add3A_124 : i32
    "tpu.region"() ({
      %run_scoped3A = tpu.sem_alloc : memref<!tpu.dma_semaphore, #tpu.memory_space<semaphore_mem>>
      %dma_start3A_350 = arith.constant 0 : i32
      %dma_start3A_351 = tpu.memref_slice %arg4[%add3A_125, %dma_start3A_350] : memref<819200x64xf32, #tpu.memory_space<hbm>> -> memref<1024x64xf32, #tpu.memory_space<hbm>>
      %dma_start3A_352 = arith.constant 0 : i32
      %dma_start3A_353 = tpu.memref_slice %arg4[%add3A_125, %dma_start3A_352] : memref<819200x64xf32, #tpu.memory_space<hbm>> -> memref<1024x64xf32, #tpu.memory_space<hbm>>
      tpu.enqueue_dma source(%arg7 : memref<1024x64xf32, #tpu.memory_space<vmem>>) target(%dma_start3A_353 : memref<1024x64xf32, #tpu.memory_space<hbm>>) target_semaphore(%run_scoped3A : memref<!tpu.dma_semaphore, #tpu.memory_space<semaphore_mem>>)
      %dma_wait3A_354 = arith.constant 0 : i32
      %dma_wait3A_355 = tpu.memref_slice %arg4[%add3A_125, %dma_wait3A_354] : memref<819200x64xf32, #tpu.memory_space<hbm>> -> memref<1024x64xf32, #tpu.memory_space<hbm>>
      %dma_wait3A_356 = arith.constant 0 : i32
      %dma_wait3A_357 = tpu.memref_slice %arg4[%add3A_125, %dma_wait3A_356] : memref<819200x64xf32, #tpu.memory_space<hbm>> -> memref<1024x64xf32, #tpu.memory_space<hbm>>
      tpu.wait_dma2 semaphore(%run_scoped3A : memref<!tpu.dma_semaphore, #tpu.memory_space<semaphore_mem>>) src(%arg7 : memref<1024x64xf32, #tpu.memory_space<vmem>>) dst(%dma_wait3A_357 : memref<1024x64xf32, #tpu.memory_space<hbm>>)
      tpu.yield
    }) : () -> ()
    %scan3A_126 = arith.constant 0 : i32
    %scan3A_127 = arith.constant 0 : i32
    %scan3A_128 = arith.constant 64 : i32
    %scan3A_129 = arith.addi %scan3A_127, %scan3A_128 : i32
    %scan3A_130 = arith.constant 1 : i32
    scf.for %scan3A_350 = %scan3A_127 to %scan3A_129 step %scan3A_130  : i32 {
      %mul3A_351 = arith.constant 16 : i32
      %mul3A_352 = arith.muli %scan3A_350, %mul3A_351 : i32
      %add3A_353 = arith.constant 9216 : i32
      %add3A_354 = arith.addi %add3A_353, %mul3A_352 : i32
      %get3A = arith.index_cast %add3A_354 : i32 to index
      %get3A_355 = tpu.vector_load %arg5[%get3A] {strides = array<i32>} : memref<25600xi32, #tpu.memory_space<vmem>>, vector<16xi32>,
      %get3A_356 = vector.shape_cast %get3A_355 : vector<16xi32> to vector<16xi32>
      %broadcast_in_dim3A = arith.constant 0 : i32
      %broadcast_in_dim3A_357 = vector.broadcast %broadcast_in_dim3A : i32 to vector<16xi32>
      %ge3A = arith.constant 60000 : i32
      %ge3A_358 = vector.broadcast %ge3A : i32 to vector<16xi32>
      %ge3A_359 = arith.cmpi sge, %get3A_356, %ge3A_358 : vector<16xi32>
      %jit3A = arith.constant 1 : i32
      %jit3A_360 = arith.constant 0 : i32
      %broadcast_in_dim3A_361 = vector.broadcast %jit3A : i32 to vector<16xi32>
      %broadcast_in_dim3A_362 = vector.broadcast %jit3A_360 : i32 to vector<16xi32>
      %select_n3A = arith.select %ge3A_359, %broadcast_in_dim3A_361, %broadcast_in_dim3A_362 : vector<16xi1>, vector<16xi32>
      %add3A_363 = arith.addi %broadcast_in_dim3A_357, %select_n3A : vector<16xi32>
      %ge3A_364 = arith.constant 300000 : i32
      %ge3A_365 = vector.broadcast %ge3A_364 : i32 to vector<16xi32>
      %ge3A_366 = arith.cmpi sge, %get3A_356, %ge3A_365 : vector<16xi32>
      %jit3A_367 = arith.constant 1 : i32
      %jit3A_368 = arith.constant 0 : i32
      %broadcast_in_dim3A_369 = vector.broadcast %jit3A_367 : i32 to vector<16xi32>
      %broadcast_in_dim3A_370 = vector.broadcast %jit3A_368 : i32 to vector<16xi32>
      %select_n3A_371 = arith.select %ge3A_366, %broadcast_in_dim3A_369, %broadcast_in_dim3A_370 : vector<16xi1>, vector<16xi32>
      %add3A_372 = arith.addi %add3A_363, %select_n3A_371 : vector<16xi32>
      %ge3A_373 = arith.constant 1800000 : i32
      %ge3A_374 = vector.broadcast %ge3A_373 : i32 to vector<16xi32>
      %ge3A_375 = arith.cmpi sge, %get3A_356, %ge3A_374 : vector<16xi32>
      %jit3A_376 = arith.constant 1 : i32
      %jit3A_377 = arith.constant 0 : i32
      %broadcast_in_dim3A_378 = vector.broadcast %jit3A_376 : i32 to vector<16xi32>
      %broadcast_in_dim3A_379 = vector.broadcast %jit3A_377 : i32 to vector<16xi32>
      %select_n3A_380 = arith.select %ge3A_375, %broadcast_in_dim3A_378, %broadcast_in_dim3A_379 : vector<16xi1>, vector<16xi32>
      %add3A_381 = arith.addi %add3A_372, %select_n3A_380 : vector<16xi32>
      %ge3A_382 = arith.constant 7200000 : i32
      %ge3A_383 = vector.broadcast %ge3A_382 : i32 to vector<16xi32>
      %ge3A_384 = arith.cmpi sge, %get3A_356, %ge3A_383 : vector<16xi32>
      %jit3A_385 = arith.constant 1 : i32
      %jit3A_386 = arith.constant 0 : i32
      %broadcast_in_dim3A_387 = vector.broadcast %jit3A_385 : i32 to vector<16xi32>
      %broadcast_in_dim3A_388 = vector.broadcast %jit3A_386 : i32 to vector<16xi32>
      %select_n3A_389 = arith.select %ge3A_384, %broadcast_in_dim3A_387, %broadcast_in_dim3A_388 : vector<16xi1>, vector<16xi32>
      %add3A_390 = arith.addi %add3A_381, %select_n3A_389 : vector<16xi32>
      %ge3A_391 = arith.constant 86400000 : i32
      %ge3A_392 = vector.broadcast %ge3A_391 : i32 to vector<16xi32>
      %ge3A_393 = arith.cmpi sge, %get3A_356, %ge3A_392 : vector<16xi32>
      %jit3A_394 = arith.constant 1 : i32
      %jit3A_395 = arith.constant 0 : i32
      %broadcast_in_dim3A_396 = vector.broadcast %jit3A_394 : i32 to vector<16xi32>
      %broadcast_in_dim3A_397 = vector.broadcast %jit3A_395 : i32 to vector<16xi32>
      %select_n3A_398 = arith.select %ge3A_393, %broadcast_in_dim3A_396, %broadcast_in_dim3A_397 : vector<16xi1>, vector<16xi32>
      %add3A_399 = arith.addi %add3A_390, %select_n3A_398 : vector<16xi32>
      %ge3A_400 = arith.constant 604800000 : i32
      %ge3A_401 = vector.broadcast %ge3A_400 : i32 to vector<16xi32>
      %ge3A_402 = arith.cmpi sge, %get3A_356, %ge3A_401 : vector<16xi32>
      %jit3A_403 = arith.constant 1 : i32
      %jit3A_404 = arith.constant 0 : i32
      %broadcast_in_dim3A_405 = vector.broadcast %jit3A_403 : i32 to vector<16xi32>
      %broadcast_in_dim3A_406 = vector.broadcast %jit3A_404 : i32 to vector<16xi32>
      %select_n3A_407 = arith.select %ge3A_402, %broadcast_in_dim3A_405, %broadcast_in_dim3A_406 : vector<16xi1>, vector<16xi32>
      %add3A_408 = arith.addi %add3A_399, %select_n3A_407 : vector<16xi32>
      %mul3A_409 = arith.constant 16 : i32
      %mul3A_410 = arith.muli %scan3A_350, %mul3A_409 : i32
      %swap3A = arith.index_cast %mul3A_410 : i32 to index
      %swap3A_411 = tpu.vector_load %arg6[%swap3A] {strides = array<i32>} : memref<1024xi32, #tpu.memory_space<vmem>>, vector<16xi32>,
      %swap3A_412 = vector.shape_cast %swap3A_411 : vector<16xi32> to vector<16xi32>
      %swap3A_413 = vector.shape_cast %add3A_408 : vector<16xi32> to vector<16xi32>
      tpu.vector_store %arg6[%swap3A], %swap3A_413 {strides = array<i32>} : memref<1024xi32, #tpu.memory_space<vmem>>, vector<16xi32>,
    }
    %scan3A_131 = arith.constant 64 : i32
    %dma_start3A_132 = arith.constant 0 : i32
    %dma_start3A_133 = arith.constant 0 : i32
    %dma_start3A_134 = tpu.memref_slice %arg3[%dma_start3A_132, %dma_start3A_133] : memref<7x64xf32, #tpu.memory_space<hbm>> -> memref<7x64xf32, #tpu.memory_space<hbm>>
    tpu.enqueue_indirect_dma source(%dma_start3A_134 : memref<7x64xf32, #tpu.memory_space<hbm>>) target(%arg7 : memref<1024x64xf32, #tpu.memory_space<vmem>>) offsets(%arg6 : memref<1024xi32, #tpu.memory_space<vmem>>) semaphore(%arg8 : memref<!tpu.dma_semaphore, #tpu.memory_space<semaphore_mem>>)
    %dma_wait3A_135 = arith.constant 0 : i32
    %dma_wait3A_136 = arith.constant 0 : i32
    %dma_wait3A_137 = tpu.memref_slice %arg3[%dma_wait3A_135, %dma_wait3A_136] : memref<7x64xf32, #tpu.memory_space<hbm>> -> memref<7x64xf32, #tpu.memory_space<hbm>>
    tpu.wait_indirect_dma semaphore(%arg8 : memref<!tpu.dma_semaphore, #tpu.memory_space<semaphore_mem>>) src(%dma_wait3A_137 : memref<7x64xf32, #tpu.memory_space<hbm>>) dst(%arg7 : memref<1024x64xf32, #tpu.memory_space<vmem>>)
    %add3A_138 = arith.constant 9216 : i32
    %add3A_139 = arith.addi %mul3A_2, %add3A_138 : i32
    "tpu.region"() ({
      %run_scoped3A = tpu.sem_alloc : memref<!tpu.dma_semaphore, #tpu.memory_space<semaphore_mem>>
      %dma_start3A_350 = arith.constant 0 : i32
      %dma_start3A_351 = tpu.memref_slice %arg4[%add3A_139, %dma_start3A_350] : memref<819200x64xf32, #tpu.memory_space<hbm>> -> memref<1024x64xf32, #tpu.memory_space<hbm>>
      %dma_start3A_352 = arith.constant 0 : i32
      %dma_start3A_353 = tpu.memref_slice %arg4[%add3A_139, %dma_start3A_352] : memref<819200x64xf32, #tpu.memory_space<hbm>> -> memref<1024x64xf32, #tpu.memory_space<hbm>>
      tpu.enqueue_dma source(%arg7 : memref<1024x64xf32, #tpu.memory_space<vmem>>) target(%dma_start3A_353 : memref<1024x64xf32, #tpu.memory_space<hbm>>) target_semaphore(%run_scoped3A : memref<!tpu.dma_semaphore, #tpu.memory_space<semaphore_mem>>)
      %dma_wait3A_354 = arith.constant 0 : i32
      %dma_wait3A_355 = tpu.memref_slice %arg4[%add3A_139, %dma_wait3A_354] : memref<819200x64xf32, #tpu.memory_space<hbm>> -> memref<1024x64xf32, #tpu.memory_space<hbm>>
      %dma_wait3A_356 = arith.constant 0 : i32
      %dma_wait3A_357 = tpu.memref_slice %arg4[%add3A_139, %dma_wait3A_356] : memref<819200x64xf32, #tpu.memory_space<hbm>> -> memref<1024x64xf32, #tpu.memory_space<hbm>>
      tpu.wait_dma2 semaphore(%run_scoped3A : memref<!tpu.dma_semaphore, #tpu.memory_space<semaphore_mem>>) src(%arg7 : memref<1024x64xf32, #tpu.memory_space<vmem>>) dst(%dma_wait3A_357 : memref<1024x64xf32, #tpu.memory_space<hbm>>)
      tpu.yield
    }) : () -> ()
    %scan3A_140 = arith.constant 0 : i32
    %scan3A_141 = arith.constant 0 : i32
    %scan3A_142 = arith.constant 64 : i32
    %scan3A_143 = arith.addi %scan3A_141, %scan3A_142 : i32
    %scan3A_144 = arith.constant 1 : i32
    scf.for %scan3A_350 = %scan3A_141 to %scan3A_143 step %scan3A_144  : i32 {
      %mul3A_351 = arith.constant 16 : i32
      %mul3A_352 = arith.muli %scan3A_350, %mul3A_351 : i32
      %add3A_353 = arith.constant 10240 : i32
      %add3A_354 = arith.addi %add3A_353, %mul3A_352 : i32
      %get3A = arith.index_cast %add3A_354 : i32 to index
      %get3A_355 = tpu.vector_load %arg5[%get3A] {strides = array<i32>} : memref<25600xi32, #tpu.memory_space<vmem>>, vector<16xi32>,
      %get3A_356 = vector.shape_cast %get3A_355 : vector<16xi32> to vector<16xi32>
      %broadcast_in_dim3A = arith.constant 0 : i32
      %broadcast_in_dim3A_357 = vector.broadcast %broadcast_in_dim3A : i32 to vector<16xi32>
      %ge3A = arith.constant 60000 : i32
      %ge3A_358 = vector.broadcast %ge3A : i32 to vector<16xi32>
      %ge3A_359 = arith.cmpi sge, %get3A_356, %ge3A_358 : vector<16xi32>
      %jit3A = arith.constant 1 : i32
      %jit3A_360 = arith.constant 0 : i32
      %broadcast_in_dim3A_361 = vector.broadcast %jit3A : i32 to vector<16xi32>
      %broadcast_in_dim3A_362 = vector.broadcast %jit3A_360 : i32 to vector<16xi32>
      %select_n3A = arith.select %ge3A_359, %broadcast_in_dim3A_361, %broadcast_in_dim3A_362 : vector<16xi1>, vector<16xi32>
      %add3A_363 = arith.addi %broadcast_in_dim3A_357, %select_n3A : vector<16xi32>
      %ge3A_364 = arith.constant 300000 : i32
      %ge3A_365 = vector.broadcast %ge3A_364 : i32 to vector<16xi32>
      %ge3A_366 = arith.cmpi sge, %get3A_356, %ge3A_365 : vector<16xi32>
      %jit3A_367 = arith.constant 1 : i32
      %jit3A_368 = arith.constant 0 : i32
      %broadcast_in_dim3A_369 = vector.broadcast %jit3A_367 : i32 to vector<16xi32>
      %broadcast_in_dim3A_370 = vector.broadcast %jit3A_368 : i32 to vector<16xi32>
      %select_n3A_371 = arith.select %ge3A_366, %broadcast_in_dim3A_369, %broadcast_in_dim3A_370 : vector<16xi1>, vector<16xi32>
      %add3A_372 = arith.addi %add3A_363, %select_n3A_371 : vector<16xi32>
      %ge3A_373 = arith.constant 1800000 : i32
      %ge3A_374 = vector.broadcast %ge3A_373 : i32 to vector<16xi32>
      %ge3A_375 = arith.cmpi sge, %get3A_356, %ge3A_374 : vector<16xi32>
      %jit3A_376 = arith.constant 1 : i32
      %jit3A_377 = arith.constant 0 : i32
      %broadcast_in_dim3A_378 = vector.broadcast %jit3A_376 : i32 to vector<16xi32>
      %broadcast_in_dim3A_379 = vector.broadcast %jit3A_377 : i32 to vector<16xi32>
      %select_n3A_380 = arith.select %ge3A_375, %broadcast_in_dim3A_378, %broadcast_in_dim3A_379 : vector<16xi1>, vector<16xi32>
      %add3A_381 = arith.addi %add3A_372, %select_n3A_380 : vector<16xi32>
      %ge3A_382 = arith.constant 7200000 : i32
      %ge3A_383 = vector.broadcast %ge3A_382 : i32 to vector<16xi32>
      %ge3A_384 = arith.cmpi sge, %get3A_356, %ge3A_383 : vector<16xi32>
      %jit3A_385 = arith.constant 1 : i32
      %jit3A_386 = arith.constant 0 : i32
      %broadcast_in_dim3A_387 = vector.broadcast %jit3A_385 : i32 to vector<16xi32>
      %broadcast_in_dim3A_388 = vector.broadcast %jit3A_386 : i32 to vector<16xi32>
      %select_n3A_389 = arith.select %ge3A_384, %broadcast_in_dim3A_387, %broadcast_in_dim3A_388 : vector<16xi1>, vector<16xi32>
      %add3A_390 = arith.addi %add3A_381, %select_n3A_389 : vector<16xi32>
      %ge3A_391 = arith.constant 86400000 : i32
      %ge3A_392 = vector.broadcast %ge3A_391 : i32 to vector<16xi32>
      %ge3A_393 = arith.cmpi sge, %get3A_356, %ge3A_392 : vector<16xi32>
      %jit3A_394 = arith.constant 1 : i32
      %jit3A_395 = arith.constant 0 : i32
      %broadcast_in_dim3A_396 = vector.broadcast %jit3A_394 : i32 to vector<16xi32>
      %broadcast_in_dim3A_397 = vector.broadcast %jit3A_395 : i32 to vector<16xi32>
      %select_n3A_398 = arith.select %ge3A_393, %broadcast_in_dim3A_396, %broadcast_in_dim3A_397 : vector<16xi1>, vector<16xi32>
      %add3A_399 = arith.addi %add3A_390, %select_n3A_398 : vector<16xi32>
      %ge3A_400 = arith.constant 604800000 : i32
      %ge3A_401 = vector.broadcast %ge3A_400 : i32 to vector<16xi32>
      %ge3A_402 = arith.cmpi sge, %get3A_356, %ge3A_401 : vector<16xi32>
      %jit3A_403 = arith.constant 1 : i32
      %jit3A_404 = arith.constant 0 : i32
      %broadcast_in_dim3A_405 = vector.broadcast %jit3A_403 : i32 to vector<16xi32>
      %broadcast_in_dim3A_406 = vector.broadcast %jit3A_404 : i32 to vector<16xi32>
      %select_n3A_407 = arith.select %ge3A_402, %broadcast_in_dim3A_405, %broadcast_in_dim3A_406 : vector<16xi1>, vector<16xi32>
      %add3A_408 = arith.addi %add3A_399, %select_n3A_407 : vector<16xi32>
      %mul3A_409 = arith.constant 16 : i32
      %mul3A_410 = arith.muli %scan3A_350, %mul3A_409 : i32
      %swap3A = arith.index_cast %mul3A_410 : i32 to index
      %swap3A_411 = tpu.vector_load %arg6[%swap3A] {strides = array<i32>} : memref<1024xi32, #tpu.memory_space<vmem>>, vector<16xi32>,
      %swap3A_412 = vector.shape_cast %swap3A_411 : vector<16xi32> to vector<16xi32>
      %swap3A_413 = vector.shape_cast %add3A_408 : vector<16xi32> to vector<16xi32>
      tpu.vector_store %arg6[%swap3A], %swap3A_413 {strides = array<i32>} : memref<1024xi32, #tpu.memory_space<vmem>>, vector<16xi32>,
    }
    %scan3A_145 = arith.constant 64 : i32
    %dma_start3A_146 = arith.constant 0 : i32
    %dma_start3A_147 = arith.constant 0 : i32
    %dma_start3A_148 = tpu.memref_slice %arg3[%dma_start3A_146, %dma_start3A_147] : memref<7x64xf32, #tpu.memory_space<hbm>> -> memref<7x64xf32, #tpu.memory_space<hbm>>
    tpu.enqueue_indirect_dma source(%dma_start3A_148 : memref<7x64xf32, #tpu.memory_space<hbm>>) target(%arg7 : memref<1024x64xf32, #tpu.memory_space<vmem>>) offsets(%arg6 : memref<1024xi32, #tpu.memory_space<vmem>>) semaphore(%arg8 : memref<!tpu.dma_semaphore, #tpu.memory_space<semaphore_mem>>)
    %dma_wait3A_149 = arith.constant 0 : i32
    %dma_wait3A_150 = arith.constant 0 : i32
    %dma_wait3A_151 = tpu.memref_slice %arg3[%dma_wait3A_149, %dma_wait3A_150] : memref<7x64xf32, #tpu.memory_space<hbm>> -> memref<7x64xf32, #tpu.memory_space<hbm>>
    tpu.wait_indirect_dma semaphore(%arg8 : memref<!tpu.dma_semaphore, #tpu.memory_space<semaphore_mem>>) src(%dma_wait3A_151 : memref<7x64xf32, #tpu.memory_space<hbm>>) dst(%arg7 : memref<1024x64xf32, #tpu.memory_space<vmem>>)
    %add3A_152 = arith.constant 10240 : i32
    %add3A_153 = arith.addi %mul3A_2, %add3A_152 : i32
    "tpu.region"() ({
      %run_scoped3A = tpu.sem_alloc : memref<!tpu.dma_semaphore, #tpu.memory_space<semaphore_mem>>
      %dma_start3A_350 = arith.constant 0 : i32
      %dma_start3A_351 = tpu.memref_slice %arg4[%add3A_153, %dma_start3A_350] : memref<819200x64xf32, #tpu.memory_space<hbm>> -> memref<1024x64xf32, #tpu.memory_space<hbm>>
      %dma_start3A_352 = arith.constant 0 : i32
      %dma_start3A_353 = tpu.memref_slice %arg4[%add3A_153, %dma_start3A_352] : memref<819200x64xf32, #tpu.memory_space<hbm>> -> memref<1024x64xf32, #tpu.memory_space<hbm>>
      tpu.enqueue_dma source(%arg7 : memref<1024x64xf32, #tpu.memory_space<vmem>>) target(%dma_start3A_353 : memref<1024x64xf32, #tpu.memory_space<hbm>>) target_semaphore(%run_scoped3A : memref<!tpu.dma_semaphore, #tpu.memory_space<semaphore_mem>>)
      %dma_wait3A_354 = arith.constant 0 : i32
      %dma_wait3A_355 = tpu.memref_slice %arg4[%add3A_153, %dma_wait3A_354] : memref<819200x64xf32, #tpu.memory_space<hbm>> -> memref<1024x64xf32, #tpu.memory_space<hbm>>
      %dma_wait3A_356 = arith.constant 0 : i32
      %dma_wait3A_357 = tpu.memref_slice %arg4[%add3A_153, %dma_wait3A_356] : memref<819200x64xf32, #tpu.memory_space<hbm>> -> memref<1024x64xf32, #tpu.memory_space<hbm>>
      tpu.wait_dma2 semaphore(%run_scoped3A : memref<!tpu.dma_semaphore, #tpu.memory_space<semaphore_mem>>) src(%arg7 : memref<1024x64xf32, #tpu.memory_space<vmem>>) dst(%dma_wait3A_357 : memref<1024x64xf32, #tpu.memory_space<hbm>>)
      tpu.yield
    }) : () -> ()
    %scan3A_154 = arith.constant 0 : i32
    %scan3A_155 = arith.constant 0 : i32
    %scan3A_156 = arith.constant 64 : i32
    %scan3A_157 = arith.addi %scan3A_155, %scan3A_156 : i32
    %scan3A_158 = arith.constant 1 : i32
    scf.for %scan3A_350 = %scan3A_155 to %scan3A_157 step %scan3A_158  : i32 {
      %mul3A_351 = arith.constant 16 : i32
      %mul3A_352 = arith.muli %scan3A_350, %mul3A_351 : i32
      %add3A_353 = arith.constant 11264 : i32
      %add3A_354 = arith.addi %add3A_353, %mul3A_352 : i32
      %get3A = arith.index_cast %add3A_354 : i32 to index
      %get3A_355 = tpu.vector_load %arg5[%get3A] {strides = array<i32>} : memref<25600xi32, #tpu.memory_space<vmem>>, vector<16xi32>,
      %get3A_356 = vector.shape_cast %get3A_355 : vector<16xi32> to vector<16xi32>
      %broadcast_in_dim3A = arith.constant 0 : i32
      %broadcast_in_dim3A_357 = vector.broadcast %broadcast_in_dim3A : i32 to vector<16xi32>
      %ge3A = arith.constant 60000 : i32
      %ge3A_358 = vector.broadcast %ge3A : i32 to vector<16xi32>
      %ge3A_359 = arith.cmpi sge, %get3A_356, %ge3A_358 : vector<16xi32>
      %jit3A = arith.constant 1 : i32
      %jit3A_360 = arith.constant 0 : i32
      %broadcast_in_dim3A_361 = vector.broadcast %jit3A : i32 to vector<16xi32>
      %broadcast_in_dim3A_362 = vector.broadcast %jit3A_360 : i32 to vector<16xi32>
      %select_n3A = arith.select %ge3A_359, %broadcast_in_dim3A_361, %broadcast_in_dim3A_362 : vector<16xi1>, vector<16xi32>
      %add3A_363 = arith.addi %broadcast_in_dim3A_357, %select_n3A : vector<16xi32>
      %ge3A_364 = arith.constant 300000 : i32
      %ge3A_365 = vector.broadcast %ge3A_364 : i32 to vector<16xi32>
      %ge3A_366 = arith.cmpi sge, %get3A_356, %ge3A_365 : vector<16xi32>
      %jit3A_367 = arith.constant 1 : i32
      %jit3A_368 = arith.constant 0 : i32
      %broadcast_in_dim3A_369 = vector.broadcast %jit3A_367 : i32 to vector<16xi32>
      %broadcast_in_dim3A_370 = vector.broadcast %jit3A_368 : i32 to vector<16xi32>
      %select_n3A_371 = arith.select %ge3A_366, %broadcast_in_dim3A_369, %broadcast_in_dim3A_370 : vector<16xi1>, vector<16xi32>
      %add3A_372 = arith.addi %add3A_363, %select_n3A_371 : vector<16xi32>
      %ge3A_373 = arith.constant 1800000 : i32
      %ge3A_374 = vector.broadcast %ge3A_373 : i32 to vector<16xi32>
      %ge3A_375 = arith.cmpi sge, %get3A_356, %ge3A_374 : vector<16xi32>
      %jit3A_376 = arith.constant 1 : i32
      %jit3A_377 = arith.constant 0 : i32
      %broadcast_in_dim3A_378 = vector.broadcast %jit3A_376 : i32 to vector<16xi32>
      %broadcast_in_dim3A_379 = vector.broadcast %jit3A_377 : i32 to vector<16xi32>
      %select_n3A_380 = arith.select %ge3A_375, %broadcast_in_dim3A_378, %broadcast_in_dim3A_379 : vector<16xi1>, vector<16xi32>
      %add3A_381 = arith.addi %add3A_372, %select_n3A_380 : vector<16xi32>
      %ge3A_382 = arith.constant 7200000 : i32
      %ge3A_383 = vector.broadcast %ge3A_382 : i32 to vector<16xi32>
      %ge3A_384 = arith.cmpi sge, %get3A_356, %ge3A_383 : vector<16xi32>
      %jit3A_385 = arith.constant 1 : i32
      %jit3A_386 = arith.constant 0 : i32
      %broadcast_in_dim3A_387 = vector.broadcast %jit3A_385 : i32 to vector<16xi32>
      %broadcast_in_dim3A_388 = vector.broadcast %jit3A_386 : i32 to vector<16xi32>
      %select_n3A_389 = arith.select %ge3A_384, %broadcast_in_dim3A_387, %broadcast_in_dim3A_388 : vector<16xi1>, vector<16xi32>
      %add3A_390 = arith.addi %add3A_381, %select_n3A_389 : vector<16xi32>
      %ge3A_391 = arith.constant 86400000 : i32
      %ge3A_392 = vector.broadcast %ge3A_391 : i32 to vector<16xi32>
      %ge3A_393 = arith.cmpi sge, %get3A_356, %ge3A_392 : vector<16xi32>
      %jit3A_394 = arith.constant 1 : i32
      %jit3A_395 = arith.constant 0 : i32
      %broadcast_in_dim3A_396 = vector.broadcast %jit3A_394 : i32 to vector<16xi32>
      %broadcast_in_dim3A_397 = vector.broadcast %jit3A_395 : i32 to vector<16xi32>
      %select_n3A_398 = arith.select %ge3A_393, %broadcast_in_dim3A_396, %broadcast_in_dim3A_397 : vector<16xi1>, vector<16xi32>
      %add3A_399 = arith.addi %add3A_390, %select_n3A_398 : vector<16xi32>
      %ge3A_400 = arith.constant 604800000 : i32
      %ge3A_401 = vector.broadcast %ge3A_400 : i32 to vector<16xi32>
      %ge3A_402 = arith.cmpi sge, %get3A_356, %ge3A_401 : vector<16xi32>
      %jit3A_403 = arith.constant 1 : i32
      %jit3A_404 = arith.constant 0 : i32
      %broadcast_in_dim3A_405 = vector.broadcast %jit3A_403 : i32 to vector<16xi32>
      %broadcast_in_dim3A_406 = vector.broadcast %jit3A_404 : i32 to vector<16xi32>
      %select_n3A_407 = arith.select %ge3A_402, %broadcast_in_dim3A_405, %broadcast_in_dim3A_406 : vector<16xi1>, vector<16xi32>
      %add3A_408 = arith.addi %add3A_399, %select_n3A_407 : vector<16xi32>
      %mul3A_409 = arith.constant 16 : i32
      %mul3A_410 = arith.muli %scan3A_350, %mul3A_409 : i32
      %swap3A = arith.index_cast %mul3A_410 : i32 to index
      %swap3A_411 = tpu.vector_load %arg6[%swap3A] {strides = array<i32>} : memref<1024xi32, #tpu.memory_space<vmem>>, vector<16xi32>,
      %swap3A_412 = vector.shape_cast %swap3A_411 : vector<16xi32> to vector<16xi32>
      %swap3A_413 = vector.shape_cast %add3A_408 : vector<16xi32> to vector<16xi32>
      tpu.vector_store %arg6[%swap3A], %swap3A_413 {strides = array<i32>} : memref<1024xi32, #tpu.memory_space<vmem>>, vector<16xi32>,
    }
    %scan3A_159 = arith.constant 64 : i32
    %dma_start3A_160 = arith.constant 0 : i32
    %dma_start3A_161 = arith.constant 0 : i32
    %dma_start3A_162 = tpu.memref_slice %arg3[%dma_start3A_160, %dma_start3A_161] : memref<7x64xf32, #tpu.memory_space<hbm>> -> memref<7x64xf32, #tpu.memory_space<hbm>>
    tpu.enqueue_indirect_dma source(%dma_start3A_162 : memref<7x64xf32, #tpu.memory_space<hbm>>) target(%arg7 : memref<1024x64xf32, #tpu.memory_space<vmem>>) offsets(%arg6 : memref<1024xi32, #tpu.memory_space<vmem>>) semaphore(%arg8 : memref<!tpu.dma_semaphore, #tpu.memory_space<semaphore_mem>>)
    %dma_wait3A_163 = arith.constant 0 : i32
    %dma_wait3A_164 = arith.constant 0 : i32
    %dma_wait3A_165 = tpu.memref_slice %arg3[%dma_wait3A_163, %dma_wait3A_164] : memref<7x64xf32, #tpu.memory_space<hbm>> -> memref<7x64xf32, #tpu.memory_space<hbm>>
    tpu.wait_indirect_dma semaphore(%arg8 : memref<!tpu.dma_semaphore, #tpu.memory_space<semaphore_mem>>) src(%dma_wait3A_165 : memref<7x64xf32, #tpu.memory_space<hbm>>) dst(%arg7 : memref<1024x64xf32, #tpu.memory_space<vmem>>)
    %add3A_166 = arith.constant 11264 : i32
    %add3A_167 = arith.addi %mul3A_2, %add3A_166 : i32
    "tpu.region"() ({
      %run_scoped3A = tpu.sem_alloc : memref<!tpu.dma_semaphore, #tpu.memory_space<semaphore_mem>>
      %dma_start3A_350 = arith.constant 0 : i32
      %dma_start3A_351 = tpu.memref_slice %arg4[%add3A_167, %dma_start3A_350] : memref<819200x64xf32, #tpu.memory_space<hbm>> -> memref<1024x64xf32, #tpu.memory_space<hbm>>
      %dma_start3A_352 = arith.constant 0 : i32
      %dma_start3A_353 = tpu.memref_slice %arg4[%add3A_167, %dma_start3A_352] : memref<819200x64xf32, #tpu.memory_space<hbm>> -> memref<1024x64xf32, #tpu.memory_space<hbm>>
      tpu.enqueue_dma source(%arg7 : memref<1024x64xf32, #tpu.memory_space<vmem>>) target(%dma_start3A_353 : memref<1024x64xf32, #tpu.memory_space<hbm>>) target_semaphore(%run_scoped3A : memref<!tpu.dma_semaphore, #tpu.memory_space<semaphore_mem>>)
      %dma_wait3A_354 = arith.constant 0 : i32
      %dma_wait3A_355 = tpu.memref_slice %arg4[%add3A_167, %dma_wait3A_354] : memref<819200x64xf32, #tpu.memory_space<hbm>> -> memref<1024x64xf32, #tpu.memory_space<hbm>>
      %dma_wait3A_356 = arith.constant 0 : i32
      %dma_wait3A_357 = tpu.memref_slice %arg4[%add3A_167, %dma_wait3A_356] : memref<819200x64xf32, #tpu.memory_space<hbm>> -> memref<1024x64xf32, #tpu.memory_space<hbm>>
      tpu.wait_dma2 semaphore(%run_scoped3A : memref<!tpu.dma_semaphore, #tpu.memory_space<semaphore_mem>>) src(%arg7 : memref<1024x64xf32, #tpu.memory_space<vmem>>) dst(%dma_wait3A_357 : memref<1024x64xf32, #tpu.memory_space<hbm>>)
      tpu.yield
    }) : () -> ()
    %scan3A_168 = arith.constant 0 : i32
    %scan3A_169 = arith.constant 0 : i32
    %scan3A_170 = arith.constant 64 : i32
    %scan3A_171 = arith.addi %scan3A_169, %scan3A_170 : i32
    %scan3A_172 = arith.constant 1 : i32
    scf.for %scan3A_350 = %scan3A_169 to %scan3A_171 step %scan3A_172  : i32 {
      %mul3A_351 = arith.constant 16 : i32
      %mul3A_352 = arith.muli %scan3A_350, %mul3A_351 : i32
      %add3A_353 = arith.constant 12288 : i32
      %add3A_354 = arith.addi %add3A_353, %mul3A_352 : i32
      %get3A = arith.index_cast %add3A_354 : i32 to index
      %get3A_355 = tpu.vector_load %arg5[%get3A] {strides = array<i32>} : memref<25600xi32, #tpu.memory_space<vmem>>, vector<16xi32>,
      %get3A_356 = vector.shape_cast %get3A_355 : vector<16xi32> to vector<16xi32>
      %broadcast_in_dim3A = arith.constant 0 : i32
      %broadcast_in_dim3A_357 = vector.broadcast %broadcast_in_dim3A : i32 to vector<16xi32>
      %ge3A = arith.constant 60000 : i32
      %ge3A_358 = vector.broadcast %ge3A : i32 to vector<16xi32>
      %ge3A_359 = arith.cmpi sge, %get3A_356, %ge3A_358 : vector<16xi32>
      %jit3A = arith.constant 1 : i32
      %jit3A_360 = arith.constant 0 : i32
      %broadcast_in_dim3A_361 = vector.broadcast %jit3A : i32 to vector<16xi32>
      %broadcast_in_dim3A_362 = vector.broadcast %jit3A_360 : i32 to vector<16xi32>
      %select_n3A = arith.select %ge3A_359, %broadcast_in_dim3A_361, %broadcast_in_dim3A_362 : vector<16xi1>, vector<16xi32>
      %add3A_363 = arith.addi %broadcast_in_dim3A_357, %select_n3A : vector<16xi32>
      %ge3A_364 = arith.constant 300000 : i32
      %ge3A_365 = vector.broadcast %ge3A_364 : i32 to vector<16xi32>
      %ge3A_366 = arith.cmpi sge, %get3A_356, %ge3A_365 : vector<16xi32>
      %jit3A_367 = arith.constant 1 : i32
      %jit3A_368 = arith.constant 0 : i32
      %broadcast_in_dim3A_369 = vector.broadcast %jit3A_367 : i32 to vector<16xi32>
      %broadcast_in_dim3A_370 = vector.broadcast %jit3A_368 : i32 to vector<16xi32>
      %select_n3A_371 = arith.select %ge3A_366, %broadcast_in_dim3A_369, %broadcast_in_dim3A_370 : vector<16xi1>, vector<16xi32>
      %add3A_372 = arith.addi %add3A_363, %select_n3A_371 : vector<16xi32>
      %ge3A_373 = arith.constant 1800000 : i32
      %ge3A_374 = vector.broadcast %ge3A_373 : i32 to vector<16xi32>
      %ge3A_375 = arith.cmpi sge, %get3A_356, %ge3A_374 : vector<16xi32>
      %jit3A_376 = arith.constant 1 : i32
      %jit3A_377 = arith.constant 0 : i32
      %broadcast_in_dim3A_378 = vector.broadcast %jit3A_376 : i32 to vector<16xi32>
      %broadcast_in_dim3A_379 = vector.broadcast %jit3A_377 : i32 to vector<16xi32>
      %select_n3A_380 = arith.select %ge3A_375, %broadcast_in_dim3A_378, %broadcast_in_dim3A_379 : vector<16xi1>, vector<16xi32>
      %add3A_381 = arith.addi %add3A_372, %select_n3A_380 : vector<16xi32>
      %ge3A_382 = arith.constant 7200000 : i32
      %ge3A_383 = vector.broadcast %ge3A_382 : i32 to vector<16xi32>
      %ge3A_384 = arith.cmpi sge, %get3A_356, %ge3A_383 : vector<16xi32>
      %jit3A_385 = arith.constant 1 : i32
      %jit3A_386 = arith.constant 0 : i32
      %broadcast_in_dim3A_387 = vector.broadcast %jit3A_385 : i32 to vector<16xi32>
      %broadcast_in_dim3A_388 = vector.broadcast %jit3A_386 : i32 to vector<16xi32>
      %select_n3A_389 = arith.select %ge3A_384, %broadcast_in_dim3A_387, %broadcast_in_dim3A_388 : vector<16xi1>, vector<16xi32>
      %add3A_390 = arith.addi %add3A_381, %select_n3A_389 : vector<16xi32>
      %ge3A_391 = arith.constant 86400000 : i32
      %ge3A_392 = vector.broadcast %ge3A_391 : i32 to vector<16xi32>
      %ge3A_393 = arith.cmpi sge, %get3A_356, %ge3A_392 : vector<16xi32>
      %jit3A_394 = arith.constant 1 : i32
      %jit3A_395 = arith.constant 0 : i32
      %broadcast_in_dim3A_396 = vector.broadcast %jit3A_394 : i32 to vector<16xi32>
      %broadcast_in_dim3A_397 = vector.broadcast %jit3A_395 : i32 to vector<16xi32>
      %select_n3A_398 = arith.select %ge3A_393, %broadcast_in_dim3A_396, %broadcast_in_dim3A_397 : vector<16xi1>, vector<16xi32>
      %add3A_399 = arith.addi %add3A_390, %select_n3A_398 : vector<16xi32>
      %ge3A_400 = arith.constant 604800000 : i32
      %ge3A_401 = vector.broadcast %ge3A_400 : i32 to vector<16xi32>
      %ge3A_402 = arith.cmpi sge, %get3A_356, %ge3A_401 : vector<16xi32>
      %jit3A_403 = arith.constant 1 : i32
      %jit3A_404 = arith.constant 0 : i32
      %broadcast_in_dim3A_405 = vector.broadcast %jit3A_403 : i32 to vector<16xi32>
      %broadcast_in_dim3A_406 = vector.broadcast %jit3A_404 : i32 to vector<16xi32>
      %select_n3A_407 = arith.select %ge3A_402, %broadcast_in_dim3A_405, %broadcast_in_dim3A_406 : vector<16xi1>, vector<16xi32>
      %add3A_408 = arith.addi %add3A_399, %select_n3A_407 : vector<16xi32>
      %mul3A_409 = arith.constant 16 : i32
      %mul3A_410 = arith.muli %scan3A_350, %mul3A_409 : i32
      %swap3A = arith.index_cast %mul3A_410 : i32 to index
      %swap3A_411 = tpu.vector_load %arg6[%swap3A] {strides = array<i32>} : memref<1024xi32, #tpu.memory_space<vmem>>, vector<16xi32>,
      %swap3A_412 = vector.shape_cast %swap3A_411 : vector<16xi32> to vector<16xi32>
      %swap3A_413 = vector.shape_cast %add3A_408 : vector<16xi32> to vector<16xi32>
      tpu.vector_store %arg6[%swap3A], %swap3A_413 {strides = array<i32>} : memref<1024xi32, #tpu.memory_space<vmem>>, vector<16xi32>,
    }
    %scan3A_173 = arith.constant 64 : i32
    %dma_start3A_174 = arith.constant 0 : i32
    %dma_start3A_175 = arith.constant 0 : i32
    %dma_start3A_176 = tpu.memref_slice %arg3[%dma_start3A_174, %dma_start3A_175] : memref<7x64xf32, #tpu.memory_space<hbm>> -> memref<7x64xf32, #tpu.memory_space<hbm>>
    tpu.enqueue_indirect_dma source(%dma_start3A_176 : memref<7x64xf32, #tpu.memory_space<hbm>>) target(%arg7 : memref<1024x64xf32, #tpu.memory_space<vmem>>) offsets(%arg6 : memref<1024xi32, #tpu.memory_space<vmem>>) semaphore(%arg8 : memref<!tpu.dma_semaphore, #tpu.memory_space<semaphore_mem>>)
    %dma_wait3A_177 = arith.constant 0 : i32
    %dma_wait3A_178 = arith.constant 0 : i32
    %dma_wait3A_179 = tpu.memref_slice %arg3[%dma_wait3A_177, %dma_wait3A_178] : memref<7x64xf32, #tpu.memory_space<hbm>> -> memref<7x64xf32, #tpu.memory_space<hbm>>
    tpu.wait_indirect_dma semaphore(%arg8 : memref<!tpu.dma_semaphore, #tpu.memory_space<semaphore_mem>>) src(%dma_wait3A_179 : memref<7x64xf32, #tpu.memory_space<hbm>>) dst(%arg7 : memref<1024x64xf32, #tpu.memory_space<vmem>>)
    %add3A_180 = arith.constant 12288 : i32
    %add3A_181 = arith.addi %mul3A_2, %add3A_180 : i32
    "tpu.region"() ({
      %run_scoped3A = tpu.sem_alloc : memref<!tpu.dma_semaphore, #tpu.memory_space<semaphore_mem>>
      %dma_start3A_350 = arith.constant 0 : i32
      %dma_start3A_351 = tpu.memref_slice %arg4[%add3A_181, %dma_start3A_350] : memref<819200x64xf32, #tpu.memory_space<hbm>> -> memref<1024x64xf32, #tpu.memory_space<hbm>>
      %dma_start3A_352 = arith.constant 0 : i32
      %dma_start3A_353 = tpu.memref_slice %arg4[%add3A_181, %dma_start3A_352] : memref<819200x64xf32, #tpu.memory_space<hbm>> -> memref<1024x64xf32, #tpu.memory_space<hbm>>
      tpu.enqueue_dma source(%arg7 : memref<1024x64xf32, #tpu.memory_space<vmem>>) target(%dma_start3A_353 : memref<1024x64xf32, #tpu.memory_space<hbm>>) target_semaphore(%run_scoped3A : memref<!tpu.dma_semaphore, #tpu.memory_space<semaphore_mem>>)
      %dma_wait3A_354 = arith.constant 0 : i32
      %dma_wait3A_355 = tpu.memref_slice %arg4[%add3A_181, %dma_wait3A_354] : memref<819200x64xf32, #tpu.memory_space<hbm>> -> memref<1024x64xf32, #tpu.memory_space<hbm>>
      %dma_wait3A_356 = arith.constant 0 : i32
      %dma_wait3A_357 = tpu.memref_slice %arg4[%add3A_181, %dma_wait3A_356] : memref<819200x64xf32, #tpu.memory_space<hbm>> -> memref<1024x64xf32, #tpu.memory_space<hbm>>
      tpu.wait_dma2 semaphore(%run_scoped3A : memref<!tpu.dma_semaphore, #tpu.memory_space<semaphore_mem>>) src(%arg7 : memref<1024x64xf32, #tpu.memory_space<vmem>>) dst(%dma_wait3A_357 : memref<1024x64xf32, #tpu.memory_space<hbm>>)
      tpu.yield
    }) : () -> ()
    %scan3A_182 = arith.constant 0 : i32
    %scan3A_183 = arith.constant 0 : i32
    %scan3A_184 = arith.constant 64 : i32
    %scan3A_185 = arith.addi %scan3A_183, %scan3A_184 : i32
    %scan3A_186 = arith.constant 1 : i32
    scf.for %scan3A_350 = %scan3A_183 to %scan3A_185 step %scan3A_186  : i32 {
      %mul3A_351 = arith.constant 16 : i32
      %mul3A_352 = arith.muli %scan3A_350, %mul3A_351 : i32
      %add3A_353 = arith.constant 13312 : i32
      %add3A_354 = arith.addi %add3A_353, %mul3A_352 : i32
      %get3A = arith.index_cast %add3A_354 : i32 to index
      %get3A_355 = tpu.vector_load %arg5[%get3A] {strides = array<i32>} : memref<25600xi32, #tpu.memory_space<vmem>>, vector<16xi32>,
      %get3A_356 = vector.shape_cast %get3A_355 : vector<16xi32> to vector<16xi32>
      %broadcast_in_dim3A = arith.constant 0 : i32
      %broadcast_in_dim3A_357 = vector.broadcast %broadcast_in_dim3A : i32 to vector<16xi32>
      %ge3A = arith.constant 60000 : i32
      %ge3A_358 = vector.broadcast %ge3A : i32 to vector<16xi32>
      %ge3A_359 = arith.cmpi sge, %get3A_356, %ge3A_358 : vector<16xi32>
      %jit3A = arith.constant 1 : i32
      %jit3A_360 = arith.constant 0 : i32
      %broadcast_in_dim3A_361 = vector.broadcast %jit3A : i32 to vector<16xi32>
      %broadcast_in_dim3A_362 = vector.broadcast %jit3A_360 : i32 to vector<16xi32>
      %select_n3A = arith.select %ge3A_359, %broadcast_in_dim3A_361, %broadcast_in_dim3A_362 : vector<16xi1>, vector<16xi32>
      %add3A_363 = arith.addi %broadcast_in_dim3A_357, %select_n3A : vector<16xi32>
      %ge3A_364 = arith.constant 300000 : i32
      %ge3A_365 = vector.broadcast %ge3A_364 : i32 to vector<16xi32>
      %ge3A_366 = arith.cmpi sge, %get3A_356, %ge3A_365 : vector<16xi32>
      %jit3A_367 = arith.constant 1 : i32
      %jit3A_368 = arith.constant 0 : i32
      %broadcast_in_dim3A_369 = vector.broadcast %jit3A_367 : i32 to vector<16xi32>
      %broadcast_in_dim3A_370 = vector.broadcast %jit3A_368 : i32 to vector<16xi32>
      %select_n3A_371 = arith.select %ge3A_366, %broadcast_in_dim3A_369, %broadcast_in_dim3A_370 : vector<16xi1>, vector<16xi32>
      %add3A_372 = arith.addi %add3A_363, %select_n3A_371 : vector<16xi32>
      %ge3A_373 = arith.constant 1800000 : i32
      %ge3A_374 = vector.broadcast %ge3A_373 : i32 to vector<16xi32>
      %ge3A_375 = arith.cmpi sge, %get3A_356, %ge3A_374 : vector<16xi32>
      %jit3A_376 = arith.constant 1 : i32
      %jit3A_377 = arith.constant 0 : i32
      %broadcast_in_dim3A_378 = vector.broadcast %jit3A_376 : i32 to vector<16xi32>
      %broadcast_in_dim3A_379 = vector.broadcast %jit3A_377 : i32 to vector<16xi32>
      %select_n3A_380 = arith.select %ge3A_375, %broadcast_in_dim3A_378, %broadcast_in_dim3A_379 : vector<16xi1>, vector<16xi32>
      %add3A_381 = arith.addi %add3A_372, %select_n3A_380 : vector<16xi32>
      %ge3A_382 = arith.constant 7200000 : i32
      %ge3A_383 = vector.broadcast %ge3A_382 : i32 to vector<16xi32>
      %ge3A_384 = arith.cmpi sge, %get3A_356, %ge3A_383 : vector<16xi32>
      %jit3A_385 = arith.constant 1 : i32
      %jit3A_386 = arith.constant 0 : i32
      %broadcast_in_dim3A_387 = vector.broadcast %jit3A_385 : i32 to vector<16xi32>
      %broadcast_in_dim3A_388 = vector.broadcast %jit3A_386 : i32 to vector<16xi32>
      %select_n3A_389 = arith.select %ge3A_384, %broadcast_in_dim3A_387, %broadcast_in_dim3A_388 : vector<16xi1>, vector<16xi32>
      %add3A_390 = arith.addi %add3A_381, %select_n3A_389 : vector<16xi32>
      %ge3A_391 = arith.constant 86400000 : i32
      %ge3A_392 = vector.broadcast %ge3A_391 : i32 to vector<16xi32>
      %ge3A_393 = arith.cmpi sge, %get3A_356, %ge3A_392 : vector<16xi32>
      %jit3A_394 = arith.constant 1 : i32
      %jit3A_395 = arith.constant 0 : i32
      %broadcast_in_dim3A_396 = vector.broadcast %jit3A_394 : i32 to vector<16xi32>
      %broadcast_in_dim3A_397 = vector.broadcast %jit3A_395 : i32 to vector<16xi32>
      %select_n3A_398 = arith.select %ge3A_393, %broadcast_in_dim3A_396, %broadcast_in_dim3A_397 : vector<16xi1>, vector<16xi32>
      %add3A_399 = arith.addi %add3A_390, %select_n3A_398 : vector<16xi32>
      %ge3A_400 = arith.constant 604800000 : i32
      %ge3A_401 = vector.broadcast %ge3A_400 : i32 to vector<16xi32>
      %ge3A_402 = arith.cmpi sge, %get3A_356, %ge3A_401 : vector<16xi32>
      %jit3A_403 = arith.constant 1 : i32
      %jit3A_404 = arith.constant 0 : i32
      %broadcast_in_dim3A_405 = vector.broadcast %jit3A_403 : i32 to vector<16xi32>
      %broadcast_in_dim3A_406 = vector.broadcast %jit3A_404 : i32 to vector<16xi32>
      %select_n3A_407 = arith.select %ge3A_402, %broadcast_in_dim3A_405, %broadcast_in_dim3A_406 : vector<16xi1>, vector<16xi32>
      %add3A_408 = arith.addi %add3A_399, %select_n3A_407 : vector<16xi32>
      %mul3A_409 = arith.constant 16 : i32
      %mul3A_410 = arith.muli %scan3A_350, %mul3A_409 : i32
      %swap3A = arith.index_cast %mul3A_410 : i32 to index
      %swap3A_411 = tpu.vector_load %arg6[%swap3A] {strides = array<i32>} : memref<1024xi32, #tpu.memory_space<vmem>>, vector<16xi32>,
      %swap3A_412 = vector.shape_cast %swap3A_411 : vector<16xi32> to vector<16xi32>
      %swap3A_413 = vector.shape_cast %add3A_408 : vector<16xi32> to vector<16xi32>
      tpu.vector_store %arg6[%swap3A], %swap3A_413 {strides = array<i32>} : memref<1024xi32, #tpu.memory_space<vmem>>, vector<16xi32>,
    }
    %scan3A_187 = arith.constant 64 : i32
    %dma_start3A_188 = arith.constant 0 : i32
    %dma_start3A_189 = arith.constant 0 : i32
    %dma_start3A_190 = tpu.memref_slice %arg3[%dma_start3A_188, %dma_start3A_189] : memref<7x64xf32, #tpu.memory_space<hbm>> -> memref<7x64xf32, #tpu.memory_space<hbm>>
    tpu.enqueue_indirect_dma source(%dma_start3A_190 : memref<7x64xf32, #tpu.memory_space<hbm>>) target(%arg7 : memref<1024x64xf32, #tpu.memory_space<vmem>>) offsets(%arg6 : memref<1024xi32, #tpu.memory_space<vmem>>) semaphore(%arg8 : memref<!tpu.dma_semaphore, #tpu.memory_space<semaphore_mem>>)
    %dma_wait3A_191 = arith.constant 0 : i32
    %dma_wait3A_192 = arith.constant 0 : i32
    %dma_wait3A_193 = tpu.memref_slice %arg3[%dma_wait3A_191, %dma_wait3A_192] : memref<7x64xf32, #tpu.memory_space<hbm>> -> memref<7x64xf32, #tpu.memory_space<hbm>>
    tpu.wait_indirect_dma semaphore(%arg8 : memref<!tpu.dma_semaphore, #tpu.memory_space<semaphore_mem>>) src(%dma_wait3A_193 : memref<7x64xf32, #tpu.memory_space<hbm>>) dst(%arg7 : memref<1024x64xf32, #tpu.memory_space<vmem>>)
    %add3A_194 = arith.constant 13312 : i32
    %add3A_195 = arith.addi %mul3A_2, %add3A_194 : i32
    "tpu.region"() ({
      %run_scoped3A = tpu.sem_alloc : memref<!tpu.dma_semaphore, #tpu.memory_space<semaphore_mem>>
      %dma_start3A_350 = arith.constant 0 : i32
      %dma_start3A_351 = tpu.memref_slice %arg4[%add3A_195, %dma_start3A_350] : memref<819200x64xf32, #tpu.memory_space<hbm>> -> memref<1024x64xf32, #tpu.memory_space<hbm>>
      %dma_start3A_352 = arith.constant 0 : i32
      %dma_start3A_353 = tpu.memref_slice %arg4[%add3A_195, %dma_start3A_352] : memref<819200x64xf32, #tpu.memory_space<hbm>> -> memref<1024x64xf32, #tpu.memory_space<hbm>>
      tpu.enqueue_dma source(%arg7 : memref<1024x64xf32, #tpu.memory_space<vmem>>) target(%dma_start3A_353 : memref<1024x64xf32, #tpu.memory_space<hbm>>) target_semaphore(%run_scoped3A : memref<!tpu.dma_semaphore, #tpu.memory_space<semaphore_mem>>)
      %dma_wait3A_354 = arith.constant 0 : i32
      %dma_wait3A_355 = tpu.memref_slice %arg4[%add3A_195, %dma_wait3A_354] : memref<819200x64xf32, #tpu.memory_space<hbm>> -> memref<1024x64xf32, #tpu.memory_space<hbm>>
      %dma_wait3A_356 = arith.constant 0 : i32
      %dma_wait3A_357 = tpu.memref_slice %arg4[%add3A_195, %dma_wait3A_356] : memref<819200x64xf32, #tpu.memory_space<hbm>> -> memref<1024x64xf32, #tpu.memory_space<hbm>>
      tpu.wait_dma2 semaphore(%run_scoped3A : memref<!tpu.dma_semaphore, #tpu.memory_space<semaphore_mem>>) src(%arg7 : memref<1024x64xf32, #tpu.memory_space<vmem>>) dst(%dma_wait3A_357 : memref<1024x64xf32, #tpu.memory_space<hbm>>)
      tpu.yield
    }) : () -> ()
    %scan3A_196 = arith.constant 0 : i32
    %scan3A_197 = arith.constant 0 : i32
    %scan3A_198 = arith.constant 64 : i32
    %scan3A_199 = arith.addi %scan3A_197, %scan3A_198 : i32
    %scan3A_200 = arith.constant 1 : i32
    scf.for %scan3A_350 = %scan3A_197 to %scan3A_199 step %scan3A_200  : i32 {
      %mul3A_351 = arith.constant 16 : i32
      %mul3A_352 = arith.muli %scan3A_350, %mul3A_351 : i32
      %add3A_353 = arith.constant 14336 : i32
      %add3A_354 = arith.addi %add3A_353, %mul3A_352 : i32
      %get3A = arith.index_cast %add3A_354 : i32 to index
      %get3A_355 = tpu.vector_load %arg5[%get3A] {strides = array<i32>} : memref<25600xi32, #tpu.memory_space<vmem>>, vector<16xi32>,
      %get3A_356 = vector.shape_cast %get3A_355 : vector<16xi32> to vector<16xi32>
      %broadcast_in_dim3A = arith.constant 0 : i32
      %broadcast_in_dim3A_357 = vector.broadcast %broadcast_in_dim3A : i32 to vector<16xi32>
      %ge3A = arith.constant 60000 : i32
      %ge3A_358 = vector.broadcast %ge3A : i32 to vector<16xi32>
      %ge3A_359 = arith.cmpi sge, %get3A_356, %ge3A_358 : vector<16xi32>
      %jit3A = arith.constant 1 : i32
      %jit3A_360 = arith.constant 0 : i32
      %broadcast_in_dim3A_361 = vector.broadcast %jit3A : i32 to vector<16xi32>
      %broadcast_in_dim3A_362 = vector.broadcast %jit3A_360 : i32 to vector<16xi32>
      %select_n3A = arith.select %ge3A_359, %broadcast_in_dim3A_361, %broadcast_in_dim3A_362 : vector<16xi1>, vector<16xi32>
      %add3A_363 = arith.addi %broadcast_in_dim3A_357, %select_n3A : vector<16xi32>
      %ge3A_364 = arith.constant 300000 : i32
      %ge3A_365 = vector.broadcast %ge3A_364 : i32 to vector<16xi32>
      %ge3A_366 = arith.cmpi sge, %get3A_356, %ge3A_365 : vector<16xi32>
      %jit3A_367 = arith.constant 1 : i32
      %jit3A_368 = arith.constant 0 : i32
      %broadcast_in_dim3A_369 = vector.broadcast %jit3A_367 : i32 to vector<16xi32>
      %broadcast_in_dim3A_370 = vector.broadcast %jit3A_368 : i32 to vector<16xi32>
      %select_n3A_371 = arith.select %ge3A_366, %broadcast_in_dim3A_369, %broadcast_in_dim3A_370 : vector<16xi1>, vector<16xi32>
      %add3A_372 = arith.addi %add3A_363, %select_n3A_371 : vector<16xi32>
      %ge3A_373 = arith.constant 1800000 : i32
      %ge3A_374 = vector.broadcast %ge3A_373 : i32 to vector<16xi32>
      %ge3A_375 = arith.cmpi sge, %get3A_356, %ge3A_374 : vector<16xi32>
      %jit3A_376 = arith.constant 1 : i32
      %jit3A_377 = arith.constant 0 : i32
      %broadcast_in_dim3A_378 = vector.broadcast %jit3A_376 : i32 to vector<16xi32>
      %broadcast_in_dim3A_379 = vector.broadcast %jit3A_377 : i32 to vector<16xi32>
      %select_n3A_380 = arith.select %ge3A_375, %broadcast_in_dim3A_378, %broadcast_in_dim3A_379 : vector<16xi1>, vector<16xi32>
      %add3A_381 = arith.addi %add3A_372, %select_n3A_380 : vector<16xi32>
      %ge3A_382 = arith.constant 7200000 : i32
      %ge3A_383 = vector.broadcast %ge3A_382 : i32 to vector<16xi32>
      %ge3A_384 = arith.cmpi sge, %get3A_356, %ge3A_383 : vector<16xi32>
      %jit3A_385 = arith.constant 1 : i32
      %jit3A_386 = arith.constant 0 : i32
      %broadcast_in_dim3A_387 = vector.broadcast %jit3A_385 : i32 to vector<16xi32>
      %broadcast_in_dim3A_388 = vector.broadcast %jit3A_386 : i32 to vector<16xi32>
      %select_n3A_389 = arith.select %ge3A_384, %broadcast_in_dim3A_387, %broadcast_in_dim3A_388 : vector<16xi1>, vector<16xi32>
      %add3A_390 = arith.addi %add3A_381, %select_n3A_389 : vector<16xi32>
      %ge3A_391 = arith.constant 86400000 : i32
      %ge3A_392 = vector.broadcast %ge3A_391 : i32 to vector<16xi32>
      %ge3A_393 = arith.cmpi sge, %get3A_356, %ge3A_392 : vector<16xi32>
      %jit3A_394 = arith.constant 1 : i32
      %jit3A_395 = arith.constant 0 : i32
      %broadcast_in_dim3A_396 = vector.broadcast %jit3A_394 : i32 to vector<16xi32>
      %broadcast_in_dim3A_397 = vector.broadcast %jit3A_395 : i32 to vector<16xi32>
      %select_n3A_398 = arith.select %ge3A_393, %broadcast_in_dim3A_396, %broadcast_in_dim3A_397 : vector<16xi1>, vector<16xi32>
      %add3A_399 = arith.addi %add3A_390, %select_n3A_398 : vector<16xi32>
      %ge3A_400 = arith.constant 604800000 : i32
      %ge3A_401 = vector.broadcast %ge3A_400 : i32 to vector<16xi32>
      %ge3A_402 = arith.cmpi sge, %get3A_356, %ge3A_401 : vector<16xi32>
      %jit3A_403 = arith.constant 1 : i32
      %jit3A_404 = arith.constant 0 : i32
      %broadcast_in_dim3A_405 = vector.broadcast %jit3A_403 : i32 to vector<16xi32>
      %broadcast_in_dim3A_406 = vector.broadcast %jit3A_404 : i32 to vector<16xi32>
      %select_n3A_407 = arith.select %ge3A_402, %broadcast_in_dim3A_405, %broadcast_in_dim3A_406 : vector<16xi1>, vector<16xi32>
      %add3A_408 = arith.addi %add3A_399, %select_n3A_407 : vector<16xi32>
      %mul3A_409 = arith.constant 16 : i32
      %mul3A_410 = arith.muli %scan3A_350, %mul3A_409 : i32
      %swap3A = arith.index_cast %mul3A_410 : i32 to index
      %swap3A_411 = tpu.vector_load %arg6[%swap3A] {strides = array<i32>} : memref<1024xi32, #tpu.memory_space<vmem>>, vector<16xi32>,
      %swap3A_412 = vector.shape_cast %swap3A_411 : vector<16xi32> to vector<16xi32>
      %swap3A_413 = vector.shape_cast %add3A_408 : vector<16xi32> to vector<16xi32>
      tpu.vector_store %arg6[%swap3A], %swap3A_413 {strides = array<i32>} : memref<1024xi32, #tpu.memory_space<vmem>>, vector<16xi32>,
    }
    %scan3A_201 = arith.constant 64 : i32
    %dma_start3A_202 = arith.constant 0 : i32
    %dma_start3A_203 = arith.constant 0 : i32
    %dma_start3A_204 = tpu.memref_slice %arg3[%dma_start3A_202, %dma_start3A_203] : memref<7x64xf32, #tpu.memory_space<hbm>> -> memref<7x64xf32, #tpu.memory_space<hbm>>
    tpu.enqueue_indirect_dma source(%dma_start3A_204 : memref<7x64xf32, #tpu.memory_space<hbm>>) target(%arg7 : memref<1024x64xf32, #tpu.memory_space<vmem>>) offsets(%arg6 : memref<1024xi32, #tpu.memory_space<vmem>>) semaphore(%arg8 : memref<!tpu.dma_semaphore, #tpu.memory_space<semaphore_mem>>)
    %dma_wait3A_205 = arith.constant 0 : i32
    %dma_wait3A_206 = arith.constant 0 : i32
    %dma_wait3A_207 = tpu.memref_slice %arg3[%dma_wait3A_205, %dma_wait3A_206] : memref<7x64xf32, #tpu.memory_space<hbm>> -> memref<7x64xf32, #tpu.memory_space<hbm>>
    tpu.wait_indirect_dma semaphore(%arg8 : memref<!tpu.dma_semaphore, #tpu.memory_space<semaphore_mem>>) src(%dma_wait3A_207 : memref<7x64xf32, #tpu.memory_space<hbm>>) dst(%arg7 : memref<1024x64xf32, #tpu.memory_space<vmem>>)
    %add3A_208 = arith.constant 14336 : i32
    %add3A_209 = arith.addi %mul3A_2, %add3A_208 : i32
    "tpu.region"() ({
      %run_scoped3A = tpu.sem_alloc : memref<!tpu.dma_semaphore, #tpu.memory_space<semaphore_mem>>
      %dma_start3A_350 = arith.constant 0 : i32
      %dma_start3A_351 = tpu.memref_slice %arg4[%add3A_209, %dma_start3A_350] : memref<819200x64xf32, #tpu.memory_space<hbm>> -> memref<1024x64xf32, #tpu.memory_space<hbm>>
      %dma_start3A_352 = arith.constant 0 : i32
      %dma_start3A_353 = tpu.memref_slice %arg4[%add3A_209, %dma_start3A_352] : memref<819200x64xf32, #tpu.memory_space<hbm>> -> memref<1024x64xf32, #tpu.memory_space<hbm>>
      tpu.enqueue_dma source(%arg7 : memref<1024x64xf32, #tpu.memory_space<vmem>>) target(%dma_start3A_353 : memref<1024x64xf32, #tpu.memory_space<hbm>>) target_semaphore(%run_scoped3A : memref<!tpu.dma_semaphore, #tpu.memory_space<semaphore_mem>>)
      %dma_wait3A_354 = arith.constant 0 : i32
      %dma_wait3A_355 = tpu.memref_slice %arg4[%add3A_209, %dma_wait3A_354] : memref<819200x64xf32, #tpu.memory_space<hbm>> -> memref<1024x64xf32, #tpu.memory_space<hbm>>
      %dma_wait3A_356 = arith.constant 0 : i32
      %dma_wait3A_357 = tpu.memref_slice %arg4[%add3A_209, %dma_wait3A_356] : memref<819200x64xf32, #tpu.memory_space<hbm>> -> memref<1024x64xf32, #tpu.memory_space<hbm>>
      tpu.wait_dma2 semaphore(%run_scoped3A : memref<!tpu.dma_semaphore, #tpu.memory_space<semaphore_mem>>) src(%arg7 : memref<1024x64xf32, #tpu.memory_space<vmem>>) dst(%dma_wait3A_357 : memref<1024x64xf32, #tpu.memory_space<hbm>>)
      tpu.yield
    }) : () -> ()
    %scan3A_210 = arith.constant 0 : i32
    %scan3A_211 = arith.constant 0 : i32
    %scan3A_212 = arith.constant 64 : i32
    %scan3A_213 = arith.addi %scan3A_211, %scan3A_212 : i32
    %scan3A_214 = arith.constant 1 : i32
    scf.for %scan3A_350 = %scan3A_211 to %scan3A_213 step %scan3A_214  : i32 {
      %mul3A_351 = arith.constant 16 : i32
      %mul3A_352 = arith.muli %scan3A_350, %mul3A_351 : i32
      %add3A_353 = arith.constant 15360 : i32
      %add3A_354 = arith.addi %add3A_353, %mul3A_352 : i32
      %get3A = arith.index_cast %add3A_354 : i32 to index
      %get3A_355 = tpu.vector_load %arg5[%get3A] {strides = array<i32>} : memref<25600xi32, #tpu.memory_space<vmem>>, vector<16xi32>,
      %get3A_356 = vector.shape_cast %get3A_355 : vector<16xi32> to vector<16xi32>
      %broadcast_in_dim3A = arith.constant 0 : i32
      %broadcast_in_dim3A_357 = vector.broadcast %broadcast_in_dim3A : i32 to vector<16xi32>
      %ge3A = arith.constant 60000 : i32
      %ge3A_358 = vector.broadcast %ge3A : i32 to vector<16xi32>
      %ge3A_359 = arith.cmpi sge, %get3A_356, %ge3A_358 : vector<16xi32>
      %jit3A = arith.constant 1 : i32
      %jit3A_360 = arith.constant 0 : i32
      %broadcast_in_dim3A_361 = vector.broadcast %jit3A : i32 to vector<16xi32>
      %broadcast_in_dim3A_362 = vector.broadcast %jit3A_360 : i32 to vector<16xi32>
      %select_n3A = arith.select %ge3A_359, %broadcast_in_dim3A_361, %broadcast_in_dim3A_362 : vector<16xi1>, vector<16xi32>
      %add3A_363 = arith.addi %broadcast_in_dim3A_357, %select_n3A : vector<16xi32>
      %ge3A_364 = arith.constant 300000 : i32
      %ge3A_365 = vector.broadcast %ge3A_364 : i32 to vector<16xi32>
      %ge3A_366 = arith.cmpi sge, %get3A_356, %ge3A_365 : vector<16xi32>
      %jit3A_367 = arith.constant 1 : i32
      %jit3A_368 = arith.constant 0 : i32
      %broadcast_in_dim3A_369 = vector.broadcast %jit3A_367 : i32 to vector<16xi32>
      %broadcast_in_dim3A_370 = vector.broadcast %jit3A_368 : i32 to vector<16xi32>
      %select_n3A_371 = arith.select %ge3A_366, %broadcast_in_dim3A_369, %broadcast_in_dim3A_370 : vector<16xi1>, vector<16xi32>
      %add3A_372 = arith.addi %add3A_363, %select_n3A_371 : vector<16xi32>
      %ge3A_373 = arith.constant 1800000 : i32
      %ge3A_374 = vector.broadcast %ge3A_373 : i32 to vector<16xi32>
      %ge3A_375 = arith.cmpi sge, %get3A_356, %ge3A_374 : vector<16xi32>
      %jit3A_376 = arith.constant 1 : i32
      %jit3A_377 = arith.constant 0 : i32
      %broadcast_in_dim3A_378 = vector.broadcast %jit3A_376 : i32 to vector<16xi32>
      %broadcast_in_dim3A_379 = vector.broadcast %jit3A_377 : i32 to vector<16xi32>
      %select_n3A_380 = arith.select %ge3A_375, %broadcast_in_dim3A_378, %broadcast_in_dim3A_379 : vector<16xi1>, vector<16xi32>
      %add3A_381 = arith.addi %add3A_372, %select_n3A_380 : vector<16xi32>
      %ge3A_382 = arith.constant 7200000 : i32
      %ge3A_383 = vector.broadcast %ge3A_382 : i32 to vector<16xi32>
      %ge3A_384 = arith.cmpi sge, %get3A_356, %ge3A_383 : vector<16xi32>
      %jit3A_385 = arith.constant 1 : i32
      %jit3A_386 = arith.constant 0 : i32
      %broadcast_in_dim3A_387 = vector.broadcast %jit3A_385 : i32 to vector<16xi32>
      %broadcast_in_dim3A_388 = vector.broadcast %jit3A_386 : i32 to vector<16xi32>
      %select_n3A_389 = arith.select %ge3A_384, %broadcast_in_dim3A_387, %broadcast_in_dim3A_388 : vector<16xi1>, vector<16xi32>
      %add3A_390 = arith.addi %add3A_381, %select_n3A_389 : vector<16xi32>
      %ge3A_391 = arith.constant 86400000 : i32
      %ge3A_392 = vector.broadcast %ge3A_391 : i32 to vector<16xi32>
      %ge3A_393 = arith.cmpi sge, %get3A_356, %ge3A_392 : vector<16xi32>
      %jit3A_394 = arith.constant 1 : i32
      %jit3A_395 = arith.constant 0 : i32
      %broadcast_in_dim3A_396 = vector.broadcast %jit3A_394 : i32 to vector<16xi32>
      %broadcast_in_dim3A_397 = vector.broadcast %jit3A_395 : i32 to vector<16xi32>
      %select_n3A_398 = arith.select %ge3A_393, %broadcast_in_dim3A_396, %broadcast_in_dim3A_397 : vector<16xi1>, vector<16xi32>
      %add3A_399 = arith.addi %add3A_390, %select_n3A_398 : vector<16xi32>
      %ge3A_400 = arith.constant 604800000 : i32
      %ge3A_401 = vector.broadcast %ge3A_400 : i32 to vector<16xi32>
      %ge3A_402 = arith.cmpi sge, %get3A_356, %ge3A_401 : vector<16xi32>
      %jit3A_403 = arith.constant 1 : i32
      %jit3A_404 = arith.constant 0 : i32
      %broadcast_in_dim3A_405 = vector.broadcast %jit3A_403 : i32 to vector<16xi32>
      %broadcast_in_dim3A_406 = vector.broadcast %jit3A_404 : i32 to vector<16xi32>
      %select_n3A_407 = arith.select %ge3A_402, %broadcast_in_dim3A_405, %broadcast_in_dim3A_406 : vector<16xi1>, vector<16xi32>
      %add3A_408 = arith.addi %add3A_399, %select_n3A_407 : vector<16xi32>
      %mul3A_409 = arith.constant 16 : i32
      %mul3A_410 = arith.muli %scan3A_350, %mul3A_409 : i32
      %swap3A = arith.index_cast %mul3A_410 : i32 to index
      %swap3A_411 = tpu.vector_load %arg6[%swap3A] {strides = array<i32>} : memref<1024xi32, #tpu.memory_space<vmem>>, vector<16xi32>,
      %swap3A_412 = vector.shape_cast %swap3A_411 : vector<16xi32> to vector<16xi32>
      %swap3A_413 = vector.shape_cast %add3A_408 : vector<16xi32> to vector<16xi32>
      tpu.vector_store %arg6[%swap3A], %swap3A_413 {strides = array<i32>} : memref<1024xi32, #tpu.memory_space<vmem>>, vector<16xi32>,
    }
    %scan3A_215 = arith.constant 64 : i32
    %dma_start3A_216 = arith.constant 0 : i32
    %dma_start3A_217 = arith.constant 0 : i32
    %dma_start3A_218 = tpu.memref_slice %arg3[%dma_start3A_216, %dma_start3A_217] : memref<7x64xf32, #tpu.memory_space<hbm>> -> memref<7x64xf32, #tpu.memory_space<hbm>>
    tpu.enqueue_indirect_dma source(%dma_start3A_218 : memref<7x64xf32, #tpu.memory_space<hbm>>) target(%arg7 : memref<1024x64xf32, #tpu.memory_space<vmem>>) offsets(%arg6 : memref<1024xi32, #tpu.memory_space<vmem>>) semaphore(%arg8 : memref<!tpu.dma_semaphore, #tpu.memory_space<semaphore_mem>>)
    %dma_wait3A_219 = arith.constant 0 : i32
    %dma_wait3A_220 = arith.constant 0 : i32
    %dma_wait3A_221 = tpu.memref_slice %arg3[%dma_wait3A_219, %dma_wait3A_220] : memref<7x64xf32, #tpu.memory_space<hbm>> -> memref<7x64xf32, #tpu.memory_space<hbm>>
    tpu.wait_indirect_dma semaphore(%arg8 : memref<!tpu.dma_semaphore, #tpu.memory_space<semaphore_mem>>) src(%dma_wait3A_221 : memref<7x64xf32, #tpu.memory_space<hbm>>) dst(%arg7 : memref<1024x64xf32, #tpu.memory_space<vmem>>)
    %add3A_222 = arith.constant 15360 : i32
    %add3A_223 = arith.addi %mul3A_2, %add3A_222 : i32
    "tpu.region"() ({
      %run_scoped3A = tpu.sem_alloc : memref<!tpu.dma_semaphore, #tpu.memory_space<semaphore_mem>>
      %dma_start3A_350 = arith.constant 0 : i32
      %dma_start3A_351 = tpu.memref_slice %arg4[%add3A_223, %dma_start3A_350] : memref<819200x64xf32, #tpu.memory_space<hbm>> -> memref<1024x64xf32, #tpu.memory_space<hbm>>
      %dma_start3A_352 = arith.constant 0 : i32
      %dma_start3A_353 = tpu.memref_slice %arg4[%add3A_223, %dma_start3A_352] : memref<819200x64xf32, #tpu.memory_space<hbm>> -> memref<1024x64xf32, #tpu.memory_space<hbm>>
      tpu.enqueue_dma source(%arg7 : memref<1024x64xf32, #tpu.memory_space<vmem>>) target(%dma_start3A_353 : memref<1024x64xf32, #tpu.memory_space<hbm>>) target_semaphore(%run_scoped3A : memref<!tpu.dma_semaphore, #tpu.memory_space<semaphore_mem>>)
      %dma_wait3A_354 = arith.constant 0 : i32
      %dma_wait3A_355 = tpu.memref_slice %arg4[%add3A_223, %dma_wait3A_354] : memref<819200x64xf32, #tpu.memory_space<hbm>> -> memref<1024x64xf32, #tpu.memory_space<hbm>>
      %dma_wait3A_356 = arith.constant 0 : i32
      %dma_wait3A_357 = tpu.memref_slice %arg4[%add3A_223, %dma_wait3A_356] : memref<819200x64xf32, #tpu.memory_space<hbm>> -> memref<1024x64xf32, #tpu.memory_space<hbm>>
      tpu.wait_dma2 semaphore(%run_scoped3A : memref<!tpu.dma_semaphore, #tpu.memory_space<semaphore_mem>>) src(%arg7 : memref<1024x64xf32, #tpu.memory_space<vmem>>) dst(%dma_wait3A_357 : memref<1024x64xf32, #tpu.memory_space<hbm>>)
      tpu.yield
    }) : () -> ()
    %scan3A_224 = arith.constant 0 : i32
    %scan3A_225 = arith.constant 0 : i32
    %scan3A_226 = arith.constant 64 : i32
    %scan3A_227 = arith.addi %scan3A_225, %scan3A_226 : i32
    %scan3A_228 = arith.constant 1 : i32
    scf.for %scan3A_350 = %scan3A_225 to %scan3A_227 step %scan3A_228  : i32 {
      %mul3A_351 = arith.constant 16 : i32
      %mul3A_352 = arith.muli %scan3A_350, %mul3A_351 : i32
      %add3A_353 = arith.constant 16384 : i32
      %add3A_354 = arith.addi %add3A_353, %mul3A_352 : i32
      %get3A = arith.index_cast %add3A_354 : i32 to index
      %get3A_355 = tpu.vector_load %arg5[%get3A] {strides = array<i32>} : memref<25600xi32, #tpu.memory_space<vmem>>, vector<16xi32>,
      %get3A_356 = vector.shape_cast %get3A_355 : vector<16xi32> to vector<16xi32>
      %broadcast_in_dim3A = arith.constant 0 : i32
      %broadcast_in_dim3A_357 = vector.broadcast %broadcast_in_dim3A : i32 to vector<16xi32>
      %ge3A = arith.constant 60000 : i32
      %ge3A_358 = vector.broadcast %ge3A : i32 to vector<16xi32>
      %ge3A_359 = arith.cmpi sge, %get3A_356, %ge3A_358 : vector<16xi32>
      %jit3A = arith.constant 1 : i32
      %jit3A_360 = arith.constant 0 : i32
      %broadcast_in_dim3A_361 = vector.broadcast %jit3A : i32 to vector<16xi32>
      %broadcast_in_dim3A_362 = vector.broadcast %jit3A_360 : i32 to vector<16xi32>
      %select_n3A = arith.select %ge3A_359, %broadcast_in_dim3A_361, %broadcast_in_dim3A_362 : vector<16xi1>, vector<16xi32>
      %add3A_363 = arith.addi %broadcast_in_dim3A_357, %select_n3A : vector<16xi32>
      %ge3A_364 = arith.constant 300000 : i32
      %ge3A_365 = vector.broadcast %ge3A_364 : i32 to vector<16xi32>
      %ge3A_366 = arith.cmpi sge, %get3A_356, %ge3A_365 : vector<16xi32>
      %jit3A_367 = arith.constant 1 : i32
      %jit3A_368 = arith.constant 0 : i32
      %broadcast_in_dim3A_369 = vector.broadcast %jit3A_367 : i32 to vector<16xi32>
      %broadcast_in_dim3A_370 = vector.broadcast %jit3A_368 : i32 to vector<16xi32>
      %select_n3A_371 = arith.select %ge3A_366, %broadcast_in_dim3A_369, %broadcast_in_dim3A_370 : vector<16xi1>, vector<16xi32>
      %add3A_372 = arith.addi %add3A_363, %select_n3A_371 : vector<16xi32>
      %ge3A_373 = arith.constant 1800000 : i32
      %ge3A_374 = vector.broadcast %ge3A_373 : i32 to vector<16xi32>
      %ge3A_375 = arith.cmpi sge, %get3A_356, %ge3A_374 : vector<16xi32>
      %jit3A_376 = arith.constant 1 : i32
      %jit3A_377 = arith.constant 0 : i32
      %broadcast_in_dim3A_378 = vector.broadcast %jit3A_376 : i32 to vector<16xi32>
      %broadcast_in_dim3A_379 = vector.broadcast %jit3A_377 : i32 to vector<16xi32>
      %select_n3A_380 = arith.select %ge3A_375, %broadcast_in_dim3A_378, %broadcast_in_dim3A_379 : vector<16xi1>, vector<16xi32>
      %add3A_381 = arith.addi %add3A_372, %select_n3A_380 : vector<16xi32>
      %ge3A_382 = arith.constant 7200000 : i32
      %ge3A_383 = vector.broadcast %ge3A_382 : i32 to vector<16xi32>
      %ge3A_384 = arith.cmpi sge, %get3A_356, %ge3A_383 : vector<16xi32>
      %jit3A_385 = arith.constant 1 : i32
      %jit3A_386 = arith.constant 0 : i32
      %broadcast_in_dim3A_387 = vector.broadcast %jit3A_385 : i32 to vector<16xi32>
      %broadcast_in_dim3A_388 = vector.broadcast %jit3A_386 : i32 to vector<16xi32>
      %select_n3A_389 = arith.select %ge3A_384, %broadcast_in_dim3A_387, %broadcast_in_dim3A_388 : vector<16xi1>, vector<16xi32>
      %add3A_390 = arith.addi %add3A_381, %select_n3A_389 : vector<16xi32>
      %ge3A_391 = arith.constant 86400000 : i32
      %ge3A_392 = vector.broadcast %ge3A_391 : i32 to vector<16xi32>
      %ge3A_393 = arith.cmpi sge, %get3A_356, %ge3A_392 : vector<16xi32>
      %jit3A_394 = arith.constant 1 : i32
      %jit3A_395 = arith.constant 0 : i32
      %broadcast_in_dim3A_396 = vector.broadcast %jit3A_394 : i32 to vector<16xi32>
      %broadcast_in_dim3A_397 = vector.broadcast %jit3A_395 : i32 to vector<16xi32>
      %select_n3A_398 = arith.select %ge3A_393, %broadcast_in_dim3A_396, %broadcast_in_dim3A_397 : vector<16xi1>, vector<16xi32>
      %add3A_399 = arith.addi %add3A_390, %select_n3A_398 : vector<16xi32>
      %ge3A_400 = arith.constant 604800000 : i32
      %ge3A_401 = vector.broadcast %ge3A_400 : i32 to vector<16xi32>
      %ge3A_402 = arith.cmpi sge, %get3A_356, %ge3A_401 : vector<16xi32>
      %jit3A_403 = arith.constant 1 : i32
      %jit3A_404 = arith.constant 0 : i32
      %broadcast_in_dim3A_405 = vector.broadcast %jit3A_403 : i32 to vector<16xi32>
      %broadcast_in_dim3A_406 = vector.broadcast %jit3A_404 : i32 to vector<16xi32>
      %select_n3A_407 = arith.select %ge3A_402, %broadcast_in_dim3A_405, %broadcast_in_dim3A_406 : vector<16xi1>, vector<16xi32>
      %add3A_408 = arith.addi %add3A_399, %select_n3A_407 : vector<16xi32>
      %mul3A_409 = arith.constant 16 : i32
      %mul3A_410 = arith.muli %scan3A_350, %mul3A_409 : i32
      %swap3A = arith.index_cast %mul3A_410 : i32 to index
      %swap3A_411 = tpu.vector_load %arg6[%swap3A] {strides = array<i32>} : memref<1024xi32, #tpu.memory_space<vmem>>, vector<16xi32>,
      %swap3A_412 = vector.shape_cast %swap3A_411 : vector<16xi32> to vector<16xi32>
      %swap3A_413 = vector.shape_cast %add3A_408 : vector<16xi32> to vector<16xi32>
      tpu.vector_store %arg6[%swap3A], %swap3A_413 {strides = array<i32>} : memref<1024xi32, #tpu.memory_space<vmem>>, vector<16xi32>,
    }
    %scan3A_229 = arith.constant 64 : i32
    %dma_start3A_230 = arith.constant 0 : i32
    %dma_start3A_231 = arith.constant 0 : i32
    %dma_start3A_232 = tpu.memref_slice %arg3[%dma_start3A_230, %dma_start3A_231] : memref<7x64xf32, #tpu.memory_space<hbm>> -> memref<7x64xf32, #tpu.memory_space<hbm>>
    tpu.enqueue_indirect_dma source(%dma_start3A_232 : memref<7x64xf32, #tpu.memory_space<hbm>>) target(%arg7 : memref<1024x64xf32, #tpu.memory_space<vmem>>) offsets(%arg6 : memref<1024xi32, #tpu.memory_space<vmem>>) semaphore(%arg8 : memref<!tpu.dma_semaphore, #tpu.memory_space<semaphore_mem>>)
    %dma_wait3A_233 = arith.constant 0 : i32
    %dma_wait3A_234 = arith.constant 0 : i32
    %dma_wait3A_235 = tpu.memref_slice %arg3[%dma_wait3A_233, %dma_wait3A_234] : memref<7x64xf32, #tpu.memory_space<hbm>> -> memref<7x64xf32, #tpu.memory_space<hbm>>
    tpu.wait_indirect_dma semaphore(%arg8 : memref<!tpu.dma_semaphore, #tpu.memory_space<semaphore_mem>>) src(%dma_wait3A_235 : memref<7x64xf32, #tpu.memory_space<hbm>>) dst(%arg7 : memref<1024x64xf32, #tpu.memory_space<vmem>>)
    %add3A_236 = arith.constant 16384 : i32
    %add3A_237 = arith.addi %mul3A_2, %add3A_236 : i32
    "tpu.region"() ({
      %run_scoped3A = tpu.sem_alloc : memref<!tpu.dma_semaphore, #tpu.memory_space<semaphore_mem>>
      %dma_start3A_350 = arith.constant 0 : i32
      %dma_start3A_351 = tpu.memref_slice %arg4[%add3A_237, %dma_start3A_350] : memref<819200x64xf32, #tpu.memory_space<hbm>> -> memref<1024x64xf32, #tpu.memory_space<hbm>>
      %dma_start3A_352 = arith.constant 0 : i32
      %dma_start3A_353 = tpu.memref_slice %arg4[%add3A_237, %dma_start3A_352] : memref<819200x64xf32, #tpu.memory_space<hbm>> -> memref<1024x64xf32, #tpu.memory_space<hbm>>
      tpu.enqueue_dma source(%arg7 : memref<1024x64xf32, #tpu.memory_space<vmem>>) target(%dma_start3A_353 : memref<1024x64xf32, #tpu.memory_space<hbm>>) target_semaphore(%run_scoped3A : memref<!tpu.dma_semaphore, #tpu.memory_space<semaphore_mem>>)
      %dma_wait3A_354 = arith.constant 0 : i32
      %dma_wait3A_355 = tpu.memref_slice %arg4[%add3A_237, %dma_wait3A_354] : memref<819200x64xf32, #tpu.memory_space<hbm>> -> memref<1024x64xf32, #tpu.memory_space<hbm>>
      %dma_wait3A_356 = arith.constant 0 : i32
      %dma_wait3A_357 = tpu.memref_slice %arg4[%add3A_237, %dma_wait3A_356] : memref<819200x64xf32, #tpu.memory_space<hbm>> -> memref<1024x64xf32, #tpu.memory_space<hbm>>
      tpu.wait_dma2 semaphore(%run_scoped3A : memref<!tpu.dma_semaphore, #tpu.memory_space<semaphore_mem>>) src(%arg7 : memref<1024x64xf32, #tpu.memory_space<vmem>>) dst(%dma_wait3A_357 : memref<1024x64xf32, #tpu.memory_space<hbm>>)
      tpu.yield
    }) : () -> ()
    %scan3A_238 = arith.constant 0 : i32
    %scan3A_239 = arith.constant 0 : i32
    %scan3A_240 = arith.constant 64 : i32
    %scan3A_241 = arith.addi %scan3A_239, %scan3A_240 : i32
    %scan3A_242 = arith.constant 1 : i32
    scf.for %scan3A_350 = %scan3A_239 to %scan3A_241 step %scan3A_242  : i32 {
      %mul3A_351 = arith.constant 16 : i32
      %mul3A_352 = arith.muli %scan3A_350, %mul3A_351 : i32
      %add3A_353 = arith.constant 17408 : i32
      %add3A_354 = arith.addi %add3A_353, %mul3A_352 : i32
      %get3A = arith.index_cast %add3A_354 : i32 to index
      %get3A_355 = tpu.vector_load %arg5[%get3A] {strides = array<i32>} : memref<25600xi32, #tpu.memory_space<vmem>>, vector<16xi32>,
      %get3A_356 = vector.shape_cast %get3A_355 : vector<16xi32> to vector<16xi32>
      %broadcast_in_dim3A = arith.constant 0 : i32
      %broadcast_in_dim3A_357 = vector.broadcast %broadcast_in_dim3A : i32 to vector<16xi32>
      %ge3A = arith.constant 60000 : i32
      %ge3A_358 = vector.broadcast %ge3A : i32 to vector<16xi32>
      %ge3A_359 = arith.cmpi sge, %get3A_356, %ge3A_358 : vector<16xi32>
      %jit3A = arith.constant 1 : i32
      %jit3A_360 = arith.constant 0 : i32
      %broadcast_in_dim3A_361 = vector.broadcast %jit3A : i32 to vector<16xi32>
      %broadcast_in_dim3A_362 = vector.broadcast %jit3A_360 : i32 to vector<16xi32>
      %select_n3A = arith.select %ge3A_359, %broadcast_in_dim3A_361, %broadcast_in_dim3A_362 : vector<16xi1>, vector<16xi32>
      %add3A_363 = arith.addi %broadcast_in_dim3A_357, %select_n3A : vector<16xi32>
      %ge3A_364 = arith.constant 300000 : i32
      %ge3A_365 = vector.broadcast %ge3A_364 : i32 to vector<16xi32>
      %ge3A_366 = arith.cmpi sge, %get3A_356, %ge3A_365 : vector<16xi32>
      %jit3A_367 = arith.constant 1 : i32
      %jit3A_368 = arith.constant 0 : i32
      %broadcast_in_dim3A_369 = vector.broadcast %jit3A_367 : i32 to vector<16xi32>
      %broadcast_in_dim3A_370 = vector.broadcast %jit3A_368 : i32 to vector<16xi32>
      %select_n3A_371 = arith.select %ge3A_366, %broadcast_in_dim3A_369, %broadcast_in_dim3A_370 : vector<16xi1>, vector<16xi32>
      %add3A_372 = arith.addi %add3A_363, %select_n3A_371 : vector<16xi32>
      %ge3A_373 = arith.constant 1800000 : i32
      %ge3A_374 = vector.broadcast %ge3A_373 : i32 to vector<16xi32>
      %ge3A_375 = arith.cmpi sge, %get3A_356, %ge3A_374 : vector<16xi32>
      %jit3A_376 = arith.constant 1 : i32
      %jit3A_377 = arith.constant 0 : i32
      %broadcast_in_dim3A_378 = vector.broadcast %jit3A_376 : i32 to vector<16xi32>
      %broadcast_in_dim3A_379 = vector.broadcast %jit3A_377 : i32 to vector<16xi32>
      %select_n3A_380 = arith.select %ge3A_375, %broadcast_in_dim3A_378, %broadcast_in_dim3A_379 : vector<16xi1>, vector<16xi32>
      %add3A_381 = arith.addi %add3A_372, %select_n3A_380 : vector<16xi32>
      %ge3A_382 = arith.constant 7200000 : i32
      %ge3A_383 = vector.broadcast %ge3A_382 : i32 to vector<16xi32>
      %ge3A_384 = arith.cmpi sge, %get3A_356, %ge3A_383 : vector<16xi32>
      %jit3A_385 = arith.constant 1 : i32
      %jit3A_386 = arith.constant 0 : i32
      %broadcast_in_dim3A_387 = vector.broadcast %jit3A_385 : i32 to vector<16xi32>
      %broadcast_in_dim3A_388 = vector.broadcast %jit3A_386 : i32 to vector<16xi32>
      %select_n3A_389 = arith.select %ge3A_384, %broadcast_in_dim3A_387, %broadcast_in_dim3A_388 : vector<16xi1>, vector<16xi32>
      %add3A_390 = arith.addi %add3A_381, %select_n3A_389 : vector<16xi32>
      %ge3A_391 = arith.constant 86400000 : i32
      %ge3A_392 = vector.broadcast %ge3A_391 : i32 to vector<16xi32>
      %ge3A_393 = arith.cmpi sge, %get3A_356, %ge3A_392 : vector<16xi32>
      %jit3A_394 = arith.constant 1 : i32
      %jit3A_395 = arith.constant 0 : i32
      %broadcast_in_dim3A_396 = vector.broadcast %jit3A_394 : i32 to vector<16xi32>
      %broadcast_in_dim3A_397 = vector.broadcast %jit3A_395 : i32 to vector<16xi32>
      %select_n3A_398 = arith.select %ge3A_393, %broadcast_in_dim3A_396, %broadcast_in_dim3A_397 : vector<16xi1>, vector<16xi32>
      %add3A_399 = arith.addi %add3A_390, %select_n3A_398 : vector<16xi32>
      %ge3A_400 = arith.constant 604800000 : i32
      %ge3A_401 = vector.broadcast %ge3A_400 : i32 to vector<16xi32>
      %ge3A_402 = arith.cmpi sge, %get3A_356, %ge3A_401 : vector<16xi32>
      %jit3A_403 = arith.constant 1 : i32
      %jit3A_404 = arith.constant 0 : i32
      %broadcast_in_dim3A_405 = vector.broadcast %jit3A_403 : i32 to vector<16xi32>
      %broadcast_in_dim3A_406 = vector.broadcast %jit3A_404 : i32 to vector<16xi32>
      %select_n3A_407 = arith.select %ge3A_402, %broadcast_in_dim3A_405, %broadcast_in_dim3A_406 : vector<16xi1>, vector<16xi32>
      %add3A_408 = arith.addi %add3A_399, %select_n3A_407 : vector<16xi32>
      %mul3A_409 = arith.constant 16 : i32
      %mul3A_410 = arith.muli %scan3A_350, %mul3A_409 : i32
      %swap3A = arith.index_cast %mul3A_410 : i32 to index
      %swap3A_411 = tpu.vector_load %arg6[%swap3A] {strides = array<i32>} : memref<1024xi32, #tpu.memory_space<vmem>>, vector<16xi32>,
      %swap3A_412 = vector.shape_cast %swap3A_411 : vector<16xi32> to vector<16xi32>
      %swap3A_413 = vector.shape_cast %add3A_408 : vector<16xi32> to vector<16xi32>
      tpu.vector_store %arg6[%swap3A], %swap3A_413 {strides = array<i32>} : memref<1024xi32, #tpu.memory_space<vmem>>, vector<16xi32>,
    }
    %scan3A_243 = arith.constant 64 : i32
    %dma_start3A_244 = arith.constant 0 : i32
    %dma_start3A_245 = arith.constant 0 : i32
    %dma_start3A_246 = tpu.memref_slice %arg3[%dma_start3A_244, %dma_start3A_245] : memref<7x64xf32, #tpu.memory_space<hbm>> -> memref<7x64xf32, #tpu.memory_space<hbm>>
    tpu.enqueue_indirect_dma source(%dma_start3A_246 : memref<7x64xf32, #tpu.memory_space<hbm>>) target(%arg7 : memref<1024x64xf32, #tpu.memory_space<vmem>>) offsets(%arg6 : memref<1024xi32, #tpu.memory_space<vmem>>) semaphore(%arg8 : memref<!tpu.dma_semaphore, #tpu.memory_space<semaphore_mem>>)
    %dma_wait3A_247 = arith.constant 0 : i32
    %dma_wait3A_248 = arith.constant 0 : i32
    %dma_wait3A_249 = tpu.memref_slice %arg3[%dma_wait3A_247, %dma_wait3A_248] : memref<7x64xf32, #tpu.memory_space<hbm>> -> memref<7x64xf32, #tpu.memory_space<hbm>>
    tpu.wait_indirect_dma semaphore(%arg8 : memref<!tpu.dma_semaphore, #tpu.memory_space<semaphore_mem>>) src(%dma_wait3A_249 : memref<7x64xf32, #tpu.memory_space<hbm>>) dst(%arg7 : memref<1024x64xf32, #tpu.memory_space<vmem>>)
    %add3A_250 = arith.constant 17408 : i32
    %add3A_251 = arith.addi %mul3A_2, %add3A_250 : i32
    "tpu.region"() ({
      %run_scoped3A = tpu.sem_alloc : memref<!tpu.dma_semaphore, #tpu.memory_space<semaphore_mem>>
      %dma_start3A_350 = arith.constant 0 : i32
      %dma_start3A_351 = tpu.memref_slice %arg4[%add3A_251, %dma_start3A_350] : memref<819200x64xf32, #tpu.memory_space<hbm>> -> memref<1024x64xf32, #tpu.memory_space<hbm>>
      %dma_start3A_352 = arith.constant 0 : i32
      %dma_start3A_353 = tpu.memref_slice %arg4[%add3A_251, %dma_start3A_352] : memref<819200x64xf32, #tpu.memory_space<hbm>> -> memref<1024x64xf32, #tpu.memory_space<hbm>>
      tpu.enqueue_dma source(%arg7 : memref<1024x64xf32, #tpu.memory_space<vmem>>) target(%dma_start3A_353 : memref<1024x64xf32, #tpu.memory_space<hbm>>) target_semaphore(%run_scoped3A : memref<!tpu.dma_semaphore, #tpu.memory_space<semaphore_mem>>)
      %dma_wait3A_354 = arith.constant 0 : i32
      %dma_wait3A_355 = tpu.memref_slice %arg4[%add3A_251, %dma_wait3A_354] : memref<819200x64xf32, #tpu.memory_space<hbm>> -> memref<1024x64xf32, #tpu.memory_space<hbm>>
      %dma_wait3A_356 = arith.constant 0 : i32
      %dma_wait3A_357 = tpu.memref_slice %arg4[%add3A_251, %dma_wait3A_356] : memref<819200x64xf32, #tpu.memory_space<hbm>> -> memref<1024x64xf32, #tpu.memory_space<hbm>>
      tpu.wait_dma2 semaphore(%run_scoped3A : memref<!tpu.dma_semaphore, #tpu.memory_space<semaphore_mem>>) src(%arg7 : memref<1024x64xf32, #tpu.memory_space<vmem>>) dst(%dma_wait3A_357 : memref<1024x64xf32, #tpu.memory_space<hbm>>)
      tpu.yield
    }) : () -> ()
    %scan3A_252 = arith.constant 0 : i32
    %scan3A_253 = arith.constant 0 : i32
    %scan3A_254 = arith.constant 64 : i32
    %scan3A_255 = arith.addi %scan3A_253, %scan3A_254 : i32
    %scan3A_256 = arith.constant 1 : i32
    scf.for %scan3A_350 = %scan3A_253 to %scan3A_255 step %scan3A_256  : i32 {
      %mul3A_351 = arith.constant 16 : i32
      %mul3A_352 = arith.muli %scan3A_350, %mul3A_351 : i32
      %add3A_353 = arith.constant 18432 : i32
      %add3A_354 = arith.addi %add3A_353, %mul3A_352 : i32
      %get3A = arith.index_cast %add3A_354 : i32 to index
      %get3A_355 = tpu.vector_load %arg5[%get3A] {strides = array<i32>} : memref<25600xi32, #tpu.memory_space<vmem>>, vector<16xi32>,
      %get3A_356 = vector.shape_cast %get3A_355 : vector<16xi32> to vector<16xi32>
      %broadcast_in_dim3A = arith.constant 0 : i32
      %broadcast_in_dim3A_357 = vector.broadcast %broadcast_in_dim3A : i32 to vector<16xi32>
      %ge3A = arith.constant 60000 : i32
      %ge3A_358 = vector.broadcast %ge3A : i32 to vector<16xi32>
      %ge3A_359 = arith.cmpi sge, %get3A_356, %ge3A_358 : vector<16xi32>
      %jit3A = arith.constant 1 : i32
      %jit3A_360 = arith.constant 0 : i32
      %broadcast_in_dim3A_361 = vector.broadcast %jit3A : i32 to vector<16xi32>
      %broadcast_in_dim3A_362 = vector.broadcast %jit3A_360 : i32 to vector<16xi32>
      %select_n3A = arith.select %ge3A_359, %broadcast_in_dim3A_361, %broadcast_in_dim3A_362 : vector<16xi1>, vector<16xi32>
      %add3A_363 = arith.addi %broadcast_in_dim3A_357, %select_n3A : vector<16xi32>
      %ge3A_364 = arith.constant 300000 : i32
      %ge3A_365 = vector.broadcast %ge3A_364 : i32 to vector<16xi32>
      %ge3A_366 = arith.cmpi sge, %get3A_356, %ge3A_365 : vector<16xi32>
      %jit3A_367 = arith.constant 1 : i32
      %jit3A_368 = arith.constant 0 : i32
      %broadcast_in_dim3A_369 = vector.broadcast %jit3A_367 : i32 to vector<16xi32>
      %broadcast_in_dim3A_370 = vector.broadcast %jit3A_368 : i32 to vector<16xi32>
      %select_n3A_371 = arith.select %ge3A_366, %broadcast_in_dim3A_369, %broadcast_in_dim3A_370 : vector<16xi1>, vector<16xi32>
      %add3A_372 = arith.addi %add3A_363, %select_n3A_371 : vector<16xi32>
      %ge3A_373 = arith.constant 1800000 : i32
      %ge3A_374 = vector.broadcast %ge3A_373 : i32 to vector<16xi32>
      %ge3A_375 = arith.cmpi sge, %get3A_356, %ge3A_374 : vector<16xi32>
      %jit3A_376 = arith.constant 1 : i32
      %jit3A_377 = arith.constant 0 : i32
      %broadcast_in_dim3A_378 = vector.broadcast %jit3A_376 : i32 to vector<16xi32>
      %broadcast_in_dim3A_379 = vector.broadcast %jit3A_377 : i32 to vector<16xi32>
      %select_n3A_380 = arith.select %ge3A_375, %broadcast_in_dim3A_378, %broadcast_in_dim3A_379 : vector<16xi1>, vector<16xi32>
      %add3A_381 = arith.addi %add3A_372, %select_n3A_380 : vector<16xi32>
      %ge3A_382 = arith.constant 7200000 : i32
      %ge3A_383 = vector.broadcast %ge3A_382 : i32 to vector<16xi32>
      %ge3A_384 = arith.cmpi sge, %get3A_356, %ge3A_383 : vector<16xi32>
      %jit3A_385 = arith.constant 1 : i32
      %jit3A_386 = arith.constant 0 : i32
      %broadcast_in_dim3A_387 = vector.broadcast %jit3A_385 : i32 to vector<16xi32>
      %broadcast_in_dim3A_388 = vector.broadcast %jit3A_386 : i32 to vector<16xi32>
      %select_n3A_389 = arith.select %ge3A_384, %broadcast_in_dim3A_387, %broadcast_in_dim3A_388 : vector<16xi1>, vector<16xi32>
      %add3A_390 = arith.addi %add3A_381, %select_n3A_389 : vector<16xi32>
      %ge3A_391 = arith.constant 86400000 : i32
      %ge3A_392 = vector.broadcast %ge3A_391 : i32 to vector<16xi32>
      %ge3A_393 = arith.cmpi sge, %get3A_356, %ge3A_392 : vector<16xi32>
      %jit3A_394 = arith.constant 1 : i32
      %jit3A_395 = arith.constant 0 : i32
      %broadcast_in_dim3A_396 = vector.broadcast %jit3A_394 : i32 to vector<16xi32>
      %broadcast_in_dim3A_397 = vector.broadcast %jit3A_395 : i32 to vector<16xi32>
      %select_n3A_398 = arith.select %ge3A_393, %broadcast_in_dim3A_396, %broadcast_in_dim3A_397 : vector<16xi1>, vector<16xi32>
      %add3A_399 = arith.addi %add3A_390, %select_n3A_398 : vector<16xi32>
      %ge3A_400 = arith.constant 604800000 : i32
      %ge3A_401 = vector.broadcast %ge3A_400 : i32 to vector<16xi32>
      %ge3A_402 = arith.cmpi sge, %get3A_356, %ge3A_401 : vector<16xi32>
      %jit3A_403 = arith.constant 1 : i32
      %jit3A_404 = arith.constant 0 : i32
      %broadcast_in_dim3A_405 = vector.broadcast %jit3A_403 : i32 to vector<16xi32>
      %broadcast_in_dim3A_406 = vector.broadcast %jit3A_404 : i32 to vector<16xi32>
      %select_n3A_407 = arith.select %ge3A_402, %broadcast_in_dim3A_405, %broadcast_in_dim3A_406 : vector<16xi1>, vector<16xi32>
      %add3A_408 = arith.addi %add3A_399, %select_n3A_407 : vector<16xi32>
      %mul3A_409 = arith.constant 16 : i32
      %mul3A_410 = arith.muli %scan3A_350, %mul3A_409 : i32
      %swap3A = arith.index_cast %mul3A_410 : i32 to index
      %swap3A_411 = tpu.vector_load %arg6[%swap3A] {strides = array<i32>} : memref<1024xi32, #tpu.memory_space<vmem>>, vector<16xi32>,
      %swap3A_412 = vector.shape_cast %swap3A_411 : vector<16xi32> to vector<16xi32>
      %swap3A_413 = vector.shape_cast %add3A_408 : vector<16xi32> to vector<16xi32>
      tpu.vector_store %arg6[%swap3A], %swap3A_413 {strides = array<i32>} : memref<1024xi32, #tpu.memory_space<vmem>>, vector<16xi32>,
    }
    %scan3A_257 = arith.constant 64 : i32
    %dma_start3A_258 = arith.constant 0 : i32
    %dma_start3A_259 = arith.constant 0 : i32
    %dma_start3A_260 = tpu.memref_slice %arg3[%dma_start3A_258, %dma_start3A_259] : memref<7x64xf32, #tpu.memory_space<hbm>> -> memref<7x64xf32, #tpu.memory_space<hbm>>
    tpu.enqueue_indirect_dma source(%dma_start3A_260 : memref<7x64xf32, #tpu.memory_space<hbm>>) target(%arg7 : memref<1024x64xf32, #tpu.memory_space<vmem>>) offsets(%arg6 : memref<1024xi32, #tpu.memory_space<vmem>>) semaphore(%arg8 : memref<!tpu.dma_semaphore, #tpu.memory_space<semaphore_mem>>)
    %dma_wait3A_261 = arith.constant 0 : i32
    %dma_wait3A_262 = arith.constant 0 : i32
    %dma_wait3A_263 = tpu.memref_slice %arg3[%dma_wait3A_261, %dma_wait3A_262] : memref<7x64xf32, #tpu.memory_space<hbm>> -> memref<7x64xf32, #tpu.memory_space<hbm>>
    tpu.wait_indirect_dma semaphore(%arg8 : memref<!tpu.dma_semaphore, #tpu.memory_space<semaphore_mem>>) src(%dma_wait3A_263 : memref<7x64xf32, #tpu.memory_space<hbm>>) dst(%arg7 : memref<1024x64xf32, #tpu.memory_space<vmem>>)
    %add3A_264 = arith.constant 18432 : i32
    %add3A_265 = arith.addi %mul3A_2, %add3A_264 : i32
    "tpu.region"() ({
      %run_scoped3A = tpu.sem_alloc : memref<!tpu.dma_semaphore, #tpu.memory_space<semaphore_mem>>
      %dma_start3A_350 = arith.constant 0 : i32
      %dma_start3A_351 = tpu.memref_slice %arg4[%add3A_265, %dma_start3A_350] : memref<819200x64xf32, #tpu.memory_space<hbm>> -> memref<1024x64xf32, #tpu.memory_space<hbm>>
      %dma_start3A_352 = arith.constant 0 : i32
      %dma_start3A_353 = tpu.memref_slice %arg4[%add3A_265, %dma_start3A_352] : memref<819200x64xf32, #tpu.memory_space<hbm>> -> memref<1024x64xf32, #tpu.memory_space<hbm>>
      tpu.enqueue_dma source(%arg7 : memref<1024x64xf32, #tpu.memory_space<vmem>>) target(%dma_start3A_353 : memref<1024x64xf32, #tpu.memory_space<hbm>>) target_semaphore(%run_scoped3A : memref<!tpu.dma_semaphore, #tpu.memory_space<semaphore_mem>>)
      %dma_wait3A_354 = arith.constant 0 : i32
      %dma_wait3A_355 = tpu.memref_slice %arg4[%add3A_265, %dma_wait3A_354] : memref<819200x64xf32, #tpu.memory_space<hbm>> -> memref<1024x64xf32, #tpu.memory_space<hbm>>
      %dma_wait3A_356 = arith.constant 0 : i32
      %dma_wait3A_357 = tpu.memref_slice %arg4[%add3A_265, %dma_wait3A_356] : memref<819200x64xf32, #tpu.memory_space<hbm>> -> memref<1024x64xf32, #tpu.memory_space<hbm>>
      tpu.wait_dma2 semaphore(%run_scoped3A : memref<!tpu.dma_semaphore, #tpu.memory_space<semaphore_mem>>) src(%arg7 : memref<1024x64xf32, #tpu.memory_space<vmem>>) dst(%dma_wait3A_357 : memref<1024x64xf32, #tpu.memory_space<hbm>>)
      tpu.yield
    }) : () -> ()
    %scan3A_266 = arith.constant 0 : i32
    %scan3A_267 = arith.constant 0 : i32
    %scan3A_268 = arith.constant 64 : i32
    %scan3A_269 = arith.addi %scan3A_267, %scan3A_268 : i32
    %scan3A_270 = arith.constant 1 : i32
    scf.for %scan3A_350 = %scan3A_267 to %scan3A_269 step %scan3A_270  : i32 {
      %mul3A_351 = arith.constant 16 : i32
      %mul3A_352 = arith.muli %scan3A_350, %mul3A_351 : i32
      %add3A_353 = arith.constant 19456 : i32
      %add3A_354 = arith.addi %add3A_353, %mul3A_352 : i32
      %get3A = arith.index_cast %add3A_354 : i32 to index
      %get3A_355 = tpu.vector_load %arg5[%get3A] {strides = array<i32>} : memref<25600xi32, #tpu.memory_space<vmem>>, vector<16xi32>,
      %get3A_356 = vector.shape_cast %get3A_355 : vector<16xi32> to vector<16xi32>
      %broadcast_in_dim3A = arith.constant 0 : i32
      %broadcast_in_dim3A_357 = vector.broadcast %broadcast_in_dim3A : i32 to vector<16xi32>
      %ge3A = arith.constant 60000 : i32
      %ge3A_358 = vector.broadcast %ge3A : i32 to vector<16xi32>
      %ge3A_359 = arith.cmpi sge, %get3A_356, %ge3A_358 : vector<16xi32>
      %jit3A = arith.constant 1 : i32
      %jit3A_360 = arith.constant 0 : i32
      %broadcast_in_dim3A_361 = vector.broadcast %jit3A : i32 to vector<16xi32>
      %broadcast_in_dim3A_362 = vector.broadcast %jit3A_360 : i32 to vector<16xi32>
      %select_n3A = arith.select %ge3A_359, %broadcast_in_dim3A_361, %broadcast_in_dim3A_362 : vector<16xi1>, vector<16xi32>
      %add3A_363 = arith.addi %broadcast_in_dim3A_357, %select_n3A : vector<16xi32>
      %ge3A_364 = arith.constant 300000 : i32
      %ge3A_365 = vector.broadcast %ge3A_364 : i32 to vector<16xi32>
      %ge3A_366 = arith.cmpi sge, %get3A_356, %ge3A_365 : vector<16xi32>
      %jit3A_367 = arith.constant 1 : i32
      %jit3A_368 = arith.constant 0 : i32
      %broadcast_in_dim3A_369 = vector.broadcast %jit3A_367 : i32 to vector<16xi32>
      %broadcast_in_dim3A_370 = vector.broadcast %jit3A_368 : i32 to vector<16xi32>
      %select_n3A_371 = arith.select %ge3A_366, %broadcast_in_dim3A_369, %broadcast_in_dim3A_370 : vector<16xi1>, vector<16xi32>
      %add3A_372 = arith.addi %add3A_363, %select_n3A_371 : vector<16xi32>
      %ge3A_373 = arith.constant 1800000 : i32
      %ge3A_374 = vector.broadcast %ge3A_373 : i32 to vector<16xi32>
      %ge3A_375 = arith.cmpi sge, %get3A_356, %ge3A_374 : vector<16xi32>
      %jit3A_376 = arith.constant 1 : i32
      %jit3A_377 = arith.constant 0 : i32
      %broadcast_in_dim3A_378 = vector.broadcast %jit3A_376 : i32 to vector<16xi32>
      %broadcast_in_dim3A_379 = vector.broadcast %jit3A_377 : i32 to vector<16xi32>
      %select_n3A_380 = arith.select %ge3A_375, %broadcast_in_dim3A_378, %broadcast_in_dim3A_379 : vector<16xi1>, vector<16xi32>
      %add3A_381 = arith.addi %add3A_372, %select_n3A_380 : vector<16xi32>
      %ge3A_382 = arith.constant 7200000 : i32
      %ge3A_383 = vector.broadcast %ge3A_382 : i32 to vector<16xi32>
      %ge3A_384 = arith.cmpi sge, %get3A_356, %ge3A_383 : vector<16xi32>
      %jit3A_385 = arith.constant 1 : i32
      %jit3A_386 = arith.constant 0 : i32
      %broadcast_in_dim3A_387 = vector.broadcast %jit3A_385 : i32 to vector<16xi32>
      %broadcast_in_dim3A_388 = vector.broadcast %jit3A_386 : i32 to vector<16xi32>
      %select_n3A_389 = arith.select %ge3A_384, %broadcast_in_dim3A_387, %broadcast_in_dim3A_388 : vector<16xi1>, vector<16xi32>
      %add3A_390 = arith.addi %add3A_381, %select_n3A_389 : vector<16xi32>
      %ge3A_391 = arith.constant 86400000 : i32
      %ge3A_392 = vector.broadcast %ge3A_391 : i32 to vector<16xi32>
      %ge3A_393 = arith.cmpi sge, %get3A_356, %ge3A_392 : vector<16xi32>
      %jit3A_394 = arith.constant 1 : i32
      %jit3A_395 = arith.constant 0 : i32
      %broadcast_in_dim3A_396 = vector.broadcast %jit3A_394 : i32 to vector<16xi32>
      %broadcast_in_dim3A_397 = vector.broadcast %jit3A_395 : i32 to vector<16xi32>
      %select_n3A_398 = arith.select %ge3A_393, %broadcast_in_dim3A_396, %broadcast_in_dim3A_397 : vector<16xi1>, vector<16xi32>
      %add3A_399 = arith.addi %add3A_390, %select_n3A_398 : vector<16xi32>
      %ge3A_400 = arith.constant 604800000 : i32
      %ge3A_401 = vector.broadcast %ge3A_400 : i32 to vector<16xi32>
      %ge3A_402 = arith.cmpi sge, %get3A_356, %ge3A_401 : vector<16xi32>
      %jit3A_403 = arith.constant 1 : i32
      %jit3A_404 = arith.constant 0 : i32
      %broadcast_in_dim3A_405 = vector.broadcast %jit3A_403 : i32 to vector<16xi32>
      %broadcast_in_dim3A_406 = vector.broadcast %jit3A_404 : i32 to vector<16xi32>
      %select_n3A_407 = arith.select %ge3A_402, %broadcast_in_dim3A_405, %broadcast_in_dim3A_406 : vector<16xi1>, vector<16xi32>
      %add3A_408 = arith.addi %add3A_399, %select_n3A_407 : vector<16xi32>
      %mul3A_409 = arith.constant 16 : i32
      %mul3A_410 = arith.muli %scan3A_350, %mul3A_409 : i32
      %swap3A = arith.index_cast %mul3A_410 : i32 to index
      %swap3A_411 = tpu.vector_load %arg6[%swap3A] {strides = array<i32>} : memref<1024xi32, #tpu.memory_space<vmem>>, vector<16xi32>,
      %swap3A_412 = vector.shape_cast %swap3A_411 : vector<16xi32> to vector<16xi32>
      %swap3A_413 = vector.shape_cast %add3A_408 : vector<16xi32> to vector<16xi32>
      tpu.vector_store %arg6[%swap3A], %swap3A_413 {strides = array<i32>} : memref<1024xi32, #tpu.memory_space<vmem>>, vector<16xi32>,
    }
    %scan3A_271 = arith.constant 64 : i32
    %dma_start3A_272 = arith.constant 0 : i32
    %dma_start3A_273 = arith.constant 0 : i32
    %dma_start3A_274 = tpu.memref_slice %arg3[%dma_start3A_272, %dma_start3A_273] : memref<7x64xf32, #tpu.memory_space<hbm>> -> memref<7x64xf32, #tpu.memory_space<hbm>>
    tpu.enqueue_indirect_dma source(%dma_start3A_274 : memref<7x64xf32, #tpu.memory_space<hbm>>) target(%arg7 : memref<1024x64xf32, #tpu.memory_space<vmem>>) offsets(%arg6 : memref<1024xi32, #tpu.memory_space<vmem>>) semaphore(%arg8 : memref<!tpu.dma_semaphore, #tpu.memory_space<semaphore_mem>>)
    %dma_wait3A_275 = arith.constant 0 : i32
    %dma_wait3A_276 = arith.constant 0 : i32
    %dma_wait3A_277 = tpu.memref_slice %arg3[%dma_wait3A_275, %dma_wait3A_276] : memref<7x64xf32, #tpu.memory_space<hbm>> -> memref<7x64xf32, #tpu.memory_space<hbm>>
    tpu.wait_indirect_dma semaphore(%arg8 : memref<!tpu.dma_semaphore, #tpu.memory_space<semaphore_mem>>) src(%dma_wait3A_277 : memref<7x64xf32, #tpu.memory_space<hbm>>) dst(%arg7 : memref<1024x64xf32, #tpu.memory_space<vmem>>)
    %add3A_278 = arith.constant 19456 : i32
    %add3A_279 = arith.addi %mul3A_2, %add3A_278 : i32
    "tpu.region"() ({
      %run_scoped3A = tpu.sem_alloc : memref<!tpu.dma_semaphore, #tpu.memory_space<semaphore_mem>>
      %dma_start3A_350 = arith.constant 0 : i32
      %dma_start3A_351 = tpu.memref_slice %arg4[%add3A_279, %dma_start3A_350] : memref<819200x64xf32, #tpu.memory_space<hbm>> -> memref<1024x64xf32, #tpu.memory_space<hbm>>
      %dma_start3A_352 = arith.constant 0 : i32
      %dma_start3A_353 = tpu.memref_slice %arg4[%add3A_279, %dma_start3A_352] : memref<819200x64xf32, #tpu.memory_space<hbm>> -> memref<1024x64xf32, #tpu.memory_space<hbm>>
      tpu.enqueue_dma source(%arg7 : memref<1024x64xf32, #tpu.memory_space<vmem>>) target(%dma_start3A_353 : memref<1024x64xf32, #tpu.memory_space<hbm>>) target_semaphore(%run_scoped3A : memref<!tpu.dma_semaphore, #tpu.memory_space<semaphore_mem>>)
      %dma_wait3A_354 = arith.constant 0 : i32
      %dma_wait3A_355 = tpu.memref_slice %arg4[%add3A_279, %dma_wait3A_354] : memref<819200x64xf32, #tpu.memory_space<hbm>> -> memref<1024x64xf32, #tpu.memory_space<hbm>>
      %dma_wait3A_356 = arith.constant 0 : i32
      %dma_wait3A_357 = tpu.memref_slice %arg4[%add3A_279, %dma_wait3A_356] : memref<819200x64xf32, #tpu.memory_space<hbm>> -> memref<1024x64xf32, #tpu.memory_space<hbm>>
      tpu.wait_dma2 semaphore(%run_scoped3A : memref<!tpu.dma_semaphore, #tpu.memory_space<semaphore_mem>>) src(%arg7 : memref<1024x64xf32, #tpu.memory_space<vmem>>) dst(%dma_wait3A_357 : memref<1024x64xf32, #tpu.memory_space<hbm>>)
      tpu.yield
    }) : () -> ()
    %scan3A_280 = arith.constant 0 : i32
    %scan3A_281 = arith.constant 0 : i32
    %scan3A_282 = arith.constant 64 : i32
    %scan3A_283 = arith.addi %scan3A_281, %scan3A_282 : i32
    %scan3A_284 = arith.constant 1 : i32
    scf.for %scan3A_350 = %scan3A_281 to %scan3A_283 step %scan3A_284  : i32 {
      %mul3A_351 = arith.constant 16 : i32
      %mul3A_352 = arith.muli %scan3A_350, %mul3A_351 : i32
      %add3A_353 = arith.constant 20480 : i32
      %add3A_354 = arith.addi %add3A_353, %mul3A_352 : i32
      %get3A = arith.index_cast %add3A_354 : i32 to index
      %get3A_355 = tpu.vector_load %arg5[%get3A] {strides = array<i32>} : memref<25600xi32, #tpu.memory_space<vmem>>, vector<16xi32>,
      %get3A_356 = vector.shape_cast %get3A_355 : vector<16xi32> to vector<16xi32>
      %broadcast_in_dim3A = arith.constant 0 : i32
      %broadcast_in_dim3A_357 = vector.broadcast %broadcast_in_dim3A : i32 to vector<16xi32>
      %ge3A = arith.constant 60000 : i32
      %ge3A_358 = vector.broadcast %ge3A : i32 to vector<16xi32>
      %ge3A_359 = arith.cmpi sge, %get3A_356, %ge3A_358 : vector<16xi32>
      %jit3A = arith.constant 1 : i32
      %jit3A_360 = arith.constant 0 : i32
      %broadcast_in_dim3A_361 = vector.broadcast %jit3A : i32 to vector<16xi32>
      %broadcast_in_dim3A_362 = vector.broadcast %jit3A_360 : i32 to vector<16xi32>
      %select_n3A = arith.select %ge3A_359, %broadcast_in_dim3A_361, %broadcast_in_dim3A_362 : vector<16xi1>, vector<16xi32>
      %add3A_363 = arith.addi %broadcast_in_dim3A_357, %select_n3A : vector<16xi32>
      %ge3A_364 = arith.constant 300000 : i32
      %ge3A_365 = vector.broadcast %ge3A_364 : i32 to vector<16xi32>
      %ge3A_366 = arith.cmpi sge, %get3A_356, %ge3A_365 : vector<16xi32>
      %jit3A_367 = arith.constant 1 : i32
      %jit3A_368 = arith.constant 0 : i32
      %broadcast_in_dim3A_369 = vector.broadcast %jit3A_367 : i32 to vector<16xi32>
      %broadcast_in_dim3A_370 = vector.broadcast %jit3A_368 : i32 to vector<16xi32>
      %select_n3A_371 = arith.select %ge3A_366, %broadcast_in_dim3A_369, %broadcast_in_dim3A_370 : vector<16xi1>, vector<16xi32>
      %add3A_372 = arith.addi %add3A_363, %select_n3A_371 : vector<16xi32>
      %ge3A_373 = arith.constant 1800000 : i32
      %ge3A_374 = vector.broadcast %ge3A_373 : i32 to vector<16xi32>
      %ge3A_375 = arith.cmpi sge, %get3A_356, %ge3A_374 : vector<16xi32>
      %jit3A_376 = arith.constant 1 : i32
      %jit3A_377 = arith.constant 0 : i32
      %broadcast_in_dim3A_378 = vector.broadcast %jit3A_376 : i32 to vector<16xi32>
      %broadcast_in_dim3A_379 = vector.broadcast %jit3A_377 : i32 to vector<16xi32>
      %select_n3A_380 = arith.select %ge3A_375, %broadcast_in_dim3A_378, %broadcast_in_dim3A_379 : vector<16xi1>, vector<16xi32>
      %add3A_381 = arith.addi %add3A_372, %select_n3A_380 : vector<16xi32>
      %ge3A_382 = arith.constant 7200000 : i32
      %ge3A_383 = vector.broadcast %ge3A_382 : i32 to vector<16xi32>
      %ge3A_384 = arith.cmpi sge, %get3A_356, %ge3A_383 : vector<16xi32>
      %jit3A_385 = arith.constant 1 : i32
      %jit3A_386 = arith.constant 0 : i32
      %broadcast_in_dim3A_387 = vector.broadcast %jit3A_385 : i32 to vector<16xi32>
      %broadcast_in_dim3A_388 = vector.broadcast %jit3A_386 : i32 to vector<16xi32>
      %select_n3A_389 = arith.select %ge3A_384, %broadcast_in_dim3A_387, %broadcast_in_dim3A_388 : vector<16xi1>, vector<16xi32>
      %add3A_390 = arith.addi %add3A_381, %select_n3A_389 : vector<16xi32>
      %ge3A_391 = arith.constant 86400000 : i32
      %ge3A_392 = vector.broadcast %ge3A_391 : i32 to vector<16xi32>
      %ge3A_393 = arith.cmpi sge, %get3A_356, %ge3A_392 : vector<16xi32>
      %jit3A_394 = arith.constant 1 : i32
      %jit3A_395 = arith.constant 0 : i32
      %broadcast_in_dim3A_396 = vector.broadcast %jit3A_394 : i32 to vector<16xi32>
      %broadcast_in_dim3A_397 = vector.broadcast %jit3A_395 : i32 to vector<16xi32>
      %select_n3A_398 = arith.select %ge3A_393, %broadcast_in_dim3A_396, %broadcast_in_dim3A_397 : vector<16xi1>, vector<16xi32>
      %add3A_399 = arith.addi %add3A_390, %select_n3A_398 : vector<16xi32>
      %ge3A_400 = arith.constant 604800000 : i32
      %ge3A_401 = vector.broadcast %ge3A_400 : i32 to vector<16xi32>
      %ge3A_402 = arith.cmpi sge, %get3A_356, %ge3A_401 : vector<16xi32>
      %jit3A_403 = arith.constant 1 : i32
      %jit3A_404 = arith.constant 0 : i32
      %broadcast_in_dim3A_405 = vector.broadcast %jit3A_403 : i32 to vector<16xi32>
      %broadcast_in_dim3A_406 = vector.broadcast %jit3A_404 : i32 to vector<16xi32>
      %select_n3A_407 = arith.select %ge3A_402, %broadcast_in_dim3A_405, %broadcast_in_dim3A_406 : vector<16xi1>, vector<16xi32>
      %add3A_408 = arith.addi %add3A_399, %select_n3A_407 : vector<16xi32>
      %mul3A_409 = arith.constant 16 : i32
      %mul3A_410 = arith.muli %scan3A_350, %mul3A_409 : i32
      %swap3A = arith.index_cast %mul3A_410 : i32 to index
      %swap3A_411 = tpu.vector_load %arg6[%swap3A] {strides = array<i32>} : memref<1024xi32, #tpu.memory_space<vmem>>, vector<16xi32>,
      %swap3A_412 = vector.shape_cast %swap3A_411 : vector<16xi32> to vector<16xi32>
      %swap3A_413 = vector.shape_cast %add3A_408 : vector<16xi32> to vector<16xi32>
      tpu.vector_store %arg6[%swap3A], %swap3A_413 {strides = array<i32>} : memref<1024xi32, #tpu.memory_space<vmem>>, vector<16xi32>,
    }
    %scan3A_285 = arith.constant 64 : i32
    %dma_start3A_286 = arith.constant 0 : i32
    %dma_start3A_287 = arith.constant 0 : i32
    %dma_start3A_288 = tpu.memref_slice %arg3[%dma_start3A_286, %dma_start3A_287] : memref<7x64xf32, #tpu.memory_space<hbm>> -> memref<7x64xf32, #tpu.memory_space<hbm>>
    tpu.enqueue_indirect_dma source(%dma_start3A_288 : memref<7x64xf32, #tpu.memory_space<hbm>>) target(%arg7 : memref<1024x64xf32, #tpu.memory_space<vmem>>) offsets(%arg6 : memref<1024xi32, #tpu.memory_space<vmem>>) semaphore(%arg8 : memref<!tpu.dma_semaphore, #tpu.memory_space<semaphore_mem>>)
    %dma_wait3A_289 = arith.constant 0 : i32
    %dma_wait3A_290 = arith.constant 0 : i32
    %dma_wait3A_291 = tpu.memref_slice %arg3[%dma_wait3A_289, %dma_wait3A_290] : memref<7x64xf32, #tpu.memory_space<hbm>> -> memref<7x64xf32, #tpu.memory_space<hbm>>
    tpu.wait_indirect_dma semaphore(%arg8 : memref<!tpu.dma_semaphore, #tpu.memory_space<semaphore_mem>>) src(%dma_wait3A_291 : memref<7x64xf32, #tpu.memory_space<hbm>>) dst(%arg7 : memref<1024x64xf32, #tpu.memory_space<vmem>>)
    %add3A_292 = arith.constant 20480 : i32
    %add3A_293 = arith.addi %mul3A_2, %add3A_292 : i32
    "tpu.region"() ({
      %run_scoped3A = tpu.sem_alloc : memref<!tpu.dma_semaphore, #tpu.memory_space<semaphore_mem>>
      %dma_start3A_350 = arith.constant 0 : i32
      %dma_start3A_351 = tpu.memref_slice %arg4[%add3A_293, %dma_start3A_350] : memref<819200x64xf32, #tpu.memory_space<hbm>> -> memref<1024x64xf32, #tpu.memory_space<hbm>>
      %dma_start3A_352 = arith.constant 0 : i32
      %dma_start3A_353 = tpu.memref_slice %arg4[%add3A_293, %dma_start3A_352] : memref<819200x64xf32, #tpu.memory_space<hbm>> -> memref<1024x64xf32, #tpu.memory_space<hbm>>
      tpu.enqueue_dma source(%arg7 : memref<1024x64xf32, #tpu.memory_space<vmem>>) target(%dma_start3A_353 : memref<1024x64xf32, #tpu.memory_space<hbm>>) target_semaphore(%run_scoped3A : memref<!tpu.dma_semaphore, #tpu.memory_space<semaphore_mem>>)
      %dma_wait3A_354 = arith.constant 0 : i32
      %dma_wait3A_355 = tpu.memref_slice %arg4[%add3A_293, %dma_wait3A_354] : memref<819200x64xf32, #tpu.memory_space<hbm>> -> memref<1024x64xf32, #tpu.memory_space<hbm>>
      %dma_wait3A_356 = arith.constant 0 : i32
      %dma_wait3A_357 = tpu.memref_slice %arg4[%add3A_293, %dma_wait3A_356] : memref<819200x64xf32, #tpu.memory_space<hbm>> -> memref<1024x64xf32, #tpu.memory_space<hbm>>
      tpu.wait_dma2 semaphore(%run_scoped3A : memref<!tpu.dma_semaphore, #tpu.memory_space<semaphore_mem>>) src(%arg7 : memref<1024x64xf32, #tpu.memory_space<vmem>>) dst(%dma_wait3A_357 : memref<1024x64xf32, #tpu.memory_space<hbm>>)
      tpu.yield
    }) : () -> ()
    %scan3A_294 = arith.constant 0 : i32
    %scan3A_295 = arith.constant 0 : i32
    %scan3A_296 = arith.constant 64 : i32
    %scan3A_297 = arith.addi %scan3A_295, %scan3A_296 : i32
    %scan3A_298 = arith.constant 1 : i32
    scf.for %scan3A_350 = %scan3A_295 to %scan3A_297 step %scan3A_298  : i32 {
      %mul3A_351 = arith.constant 16 : i32
      %mul3A_352 = arith.muli %scan3A_350, %mul3A_351 : i32
      %add3A_353 = arith.constant 21504 : i32
      %add3A_354 = arith.addi %add3A_353, %mul3A_352 : i32
      %get3A = arith.index_cast %add3A_354 : i32 to index
      %get3A_355 = tpu.vector_load %arg5[%get3A] {strides = array<i32>} : memref<25600xi32, #tpu.memory_space<vmem>>, vector<16xi32>,
      %get3A_356 = vector.shape_cast %get3A_355 : vector<16xi32> to vector<16xi32>
      %broadcast_in_dim3A = arith.constant 0 : i32
      %broadcast_in_dim3A_357 = vector.broadcast %broadcast_in_dim3A : i32 to vector<16xi32>
      %ge3A = arith.constant 60000 : i32
      %ge3A_358 = vector.broadcast %ge3A : i32 to vector<16xi32>
      %ge3A_359 = arith.cmpi sge, %get3A_356, %ge3A_358 : vector<16xi32>
      %jit3A = arith.constant 1 : i32
      %jit3A_360 = arith.constant 0 : i32
      %broadcast_in_dim3A_361 = vector.broadcast %jit3A : i32 to vector<16xi32>
      %broadcast_in_dim3A_362 = vector.broadcast %jit3A_360 : i32 to vector<16xi32>
      %select_n3A = arith.select %ge3A_359, %broadcast_in_dim3A_361, %broadcast_in_dim3A_362 : vector<16xi1>, vector<16xi32>
      %add3A_363 = arith.addi %broadcast_in_dim3A_357, %select_n3A : vector<16xi32>
      %ge3A_364 = arith.constant 300000 : i32
      %ge3A_365 = vector.broadcast %ge3A_364 : i32 to vector<16xi32>
      %ge3A_366 = arith.cmpi sge, %get3A_356, %ge3A_365 : vector<16xi32>
      %jit3A_367 = arith.constant 1 : i32
      %jit3A_368 = arith.constant 0 : i32
      %broadcast_in_dim3A_369 = vector.broadcast %jit3A_367 : i32 to vector<16xi32>
      %broadcast_in_dim3A_370 = vector.broadcast %jit3A_368 : i32 to vector<16xi32>
      %select_n3A_371 = arith.select %ge3A_366, %broadcast_in_dim3A_369, %broadcast_in_dim3A_370 : vector<16xi1>, vector<16xi32>
      %add3A_372 = arith.addi %add3A_363, %select_n3A_371 : vector<16xi32>
      %ge3A_373 = arith.constant 1800000 : i32
      %ge3A_374 = vector.broadcast %ge3A_373 : i32 to vector<16xi32>
      %ge3A_375 = arith.cmpi sge, %get3A_356, %ge3A_374 : vector<16xi32>
      %jit3A_376 = arith.constant 1 : i32
      %jit3A_377 = arith.constant 0 : i32
      %broadcast_in_dim3A_378 = vector.broadcast %jit3A_376 : i32 to vector<16xi32>
      %broadcast_in_dim3A_379 = vector.broadcast %jit3A_377 : i32 to vector<16xi32>
      %select_n3A_380 = arith.select %ge3A_375, %broadcast_in_dim3A_378, %broadcast_in_dim3A_379 : vector<16xi1>, vector<16xi32>
      %add3A_381 = arith.addi %add3A_372, %select_n3A_380 : vector<16xi32>
      %ge3A_382 = arith.constant 7200000 : i32
      %ge3A_383 = vector.broadcast %ge3A_382 : i32 to vector<16xi32>
      %ge3A_384 = arith.cmpi sge, %get3A_356, %ge3A_383 : vector<16xi32>
      %jit3A_385 = arith.constant 1 : i32
      %jit3A_386 = arith.constant 0 : i32
      %broadcast_in_dim3A_387 = vector.broadcast %jit3A_385 : i32 to vector<16xi32>
      %broadcast_in_dim3A_388 = vector.broadcast %jit3A_386 : i32 to vector<16xi32>
      %select_n3A_389 = arith.select %ge3A_384, %broadcast_in_dim3A_387, %broadcast_in_dim3A_388 : vector<16xi1>, vector<16xi32>
      %add3A_390 = arith.addi %add3A_381, %select_n3A_389 : vector<16xi32>
      %ge3A_391 = arith.constant 86400000 : i32
      %ge3A_392 = vector.broadcast %ge3A_391 : i32 to vector<16xi32>
      %ge3A_393 = arith.cmpi sge, %get3A_356, %ge3A_392 : vector<16xi32>
      %jit3A_394 = arith.constant 1 : i32
      %jit3A_395 = arith.constant 0 : i32
      %broadcast_in_dim3A_396 = vector.broadcast %jit3A_394 : i32 to vector<16xi32>
      %broadcast_in_dim3A_397 = vector.broadcast %jit3A_395 : i32 to vector<16xi32>
      %select_n3A_398 = arith.select %ge3A_393, %broadcast_in_dim3A_396, %broadcast_in_dim3A_397 : vector<16xi1>, vector<16xi32>
      %add3A_399 = arith.addi %add3A_390, %select_n3A_398 : vector<16xi32>
      %ge3A_400 = arith.constant 604800000 : i32
      %ge3A_401 = vector.broadcast %ge3A_400 : i32 to vector<16xi32>
      %ge3A_402 = arith.cmpi sge, %get3A_356, %ge3A_401 : vector<16xi32>
      %jit3A_403 = arith.constant 1 : i32
      %jit3A_404 = arith.constant 0 : i32
      %broadcast_in_dim3A_405 = vector.broadcast %jit3A_403 : i32 to vector<16xi32>
      %broadcast_in_dim3A_406 = vector.broadcast %jit3A_404 : i32 to vector<16xi32>
      %select_n3A_407 = arith.select %ge3A_402, %broadcast_in_dim3A_405, %broadcast_in_dim3A_406 : vector<16xi1>, vector<16xi32>
      %add3A_408 = arith.addi %add3A_399, %select_n3A_407 : vector<16xi32>
      %mul3A_409 = arith.constant 16 : i32
      %mul3A_410 = arith.muli %scan3A_350, %mul3A_409 : i32
      %swap3A = arith.index_cast %mul3A_410 : i32 to index
      %swap3A_411 = tpu.vector_load %arg6[%swap3A] {strides = array<i32>} : memref<1024xi32, #tpu.memory_space<vmem>>, vector<16xi32>,
      %swap3A_412 = vector.shape_cast %swap3A_411 : vector<16xi32> to vector<16xi32>
      %swap3A_413 = vector.shape_cast %add3A_408 : vector<16xi32> to vector<16xi32>
      tpu.vector_store %arg6[%swap3A], %swap3A_413 {strides = array<i32>} : memref<1024xi32, #tpu.memory_space<vmem>>, vector<16xi32>,
    }
    %scan3A_299 = arith.constant 64 : i32
    %dma_start3A_300 = arith.constant 0 : i32
    %dma_start3A_301 = arith.constant 0 : i32
    %dma_start3A_302 = tpu.memref_slice %arg3[%dma_start3A_300, %dma_start3A_301] : memref<7x64xf32, #tpu.memory_space<hbm>> -> memref<7x64xf32, #tpu.memory_space<hbm>>
    tpu.enqueue_indirect_dma source(%dma_start3A_302 : memref<7x64xf32, #tpu.memory_space<hbm>>) target(%arg7 : memref<1024x64xf32, #tpu.memory_space<vmem>>) offsets(%arg6 : memref<1024xi32, #tpu.memory_space<vmem>>) semaphore(%arg8 : memref<!tpu.dma_semaphore, #tpu.memory_space<semaphore_mem>>)
    %dma_wait3A_303 = arith.constant 0 : i32
    %dma_wait3A_304 = arith.constant 0 : i32
    %dma_wait3A_305 = tpu.memref_slice %arg3[%dma_wait3A_303, %dma_wait3A_304] : memref<7x64xf32, #tpu.memory_space<hbm>> -> memref<7x64xf32, #tpu.memory_space<hbm>>
    tpu.wait_indirect_dma semaphore(%arg8 : memref<!tpu.dma_semaphore, #tpu.memory_space<semaphore_mem>>) src(%dma_wait3A_305 : memref<7x64xf32, #tpu.memory_space<hbm>>) dst(%arg7 : memref<1024x64xf32, #tpu.memory_space<vmem>>)
    %add3A_306 = arith.constant 21504 : i32
    %add3A_307 = arith.addi %mul3A_2, %add3A_306 : i32
    "tpu.region"() ({
      %run_scoped3A = tpu.sem_alloc : memref<!tpu.dma_semaphore, #tpu.memory_space<semaphore_mem>>
      %dma_start3A_350 = arith.constant 0 : i32
      %dma_start3A_351 = tpu.memref_slice %arg4[%add3A_307, %dma_start3A_350] : memref<819200x64xf32, #tpu.memory_space<hbm>> -> memref<1024x64xf32, #tpu.memory_space<hbm>>
      %dma_start3A_352 = arith.constant 0 : i32
      %dma_start3A_353 = tpu.memref_slice %arg4[%add3A_307, %dma_start3A_352] : memref<819200x64xf32, #tpu.memory_space<hbm>> -> memref<1024x64xf32, #tpu.memory_space<hbm>>
      tpu.enqueue_dma source(%arg7 : memref<1024x64xf32, #tpu.memory_space<vmem>>) target(%dma_start3A_353 : memref<1024x64xf32, #tpu.memory_space<hbm>>) target_semaphore(%run_scoped3A : memref<!tpu.dma_semaphore, #tpu.memory_space<semaphore_mem>>)
      %dma_wait3A_354 = arith.constant 0 : i32
      %dma_wait3A_355 = tpu.memref_slice %arg4[%add3A_307, %dma_wait3A_354] : memref<819200x64xf32, #tpu.memory_space<hbm>> -> memref<1024x64xf32, #tpu.memory_space<hbm>>
      %dma_wait3A_356 = arith.constant 0 : i32
      %dma_wait3A_357 = tpu.memref_slice %arg4[%add3A_307, %dma_wait3A_356] : memref<819200x64xf32, #tpu.memory_space<hbm>> -> memref<1024x64xf32, #tpu.memory_space<hbm>>
      tpu.wait_dma2 semaphore(%run_scoped3A : memref<!tpu.dma_semaphore, #tpu.memory_space<semaphore_mem>>) src(%arg7 : memref<1024x64xf32, #tpu.memory_space<vmem>>) dst(%dma_wait3A_357 : memref<1024x64xf32, #tpu.memory_space<hbm>>)
      tpu.yield
    }) : () -> ()
    %scan3A_308 = arith.constant 0 : i32
    %scan3A_309 = arith.constant 0 : i32
    %scan3A_310 = arith.constant 64 : i32
    %scan3A_311 = arith.addi %scan3A_309, %scan3A_310 : i32
    %scan3A_312 = arith.constant 1 : i32
    scf.for %scan3A_350 = %scan3A_309 to %scan3A_311 step %scan3A_312  : i32 {
      %mul3A_351 = arith.constant 16 : i32
      %mul3A_352 = arith.muli %scan3A_350, %mul3A_351 : i32
      %add3A_353 = arith.constant 22528 : i32
      %add3A_354 = arith.addi %add3A_353, %mul3A_352 : i32
      %get3A = arith.index_cast %add3A_354 : i32 to index
      %get3A_355 = tpu.vector_load %arg5[%get3A] {strides = array<i32>} : memref<25600xi32, #tpu.memory_space<vmem>>, vector<16xi32>,
      %get3A_356 = vector.shape_cast %get3A_355 : vector<16xi32> to vector<16xi32>
      %broadcast_in_dim3A = arith.constant 0 : i32
      %broadcast_in_dim3A_357 = vector.broadcast %broadcast_in_dim3A : i32 to vector<16xi32>
      %ge3A = arith.constant 60000 : i32
      %ge3A_358 = vector.broadcast %ge3A : i32 to vector<16xi32>
      %ge3A_359 = arith.cmpi sge, %get3A_356, %ge3A_358 : vector<16xi32>
      %jit3A = arith.constant 1 : i32
      %jit3A_360 = arith.constant 0 : i32
      %broadcast_in_dim3A_361 = vector.broadcast %jit3A : i32 to vector<16xi32>
      %broadcast_in_dim3A_362 = vector.broadcast %jit3A_360 : i32 to vector<16xi32>
      %select_n3A = arith.select %ge3A_359, %broadcast_in_dim3A_361, %broadcast_in_dim3A_362 : vector<16xi1>, vector<16xi32>
      %add3A_363 = arith.addi %broadcast_in_dim3A_357, %select_n3A : vector<16xi32>
      %ge3A_364 = arith.constant 300000 : i32
      %ge3A_365 = vector.broadcast %ge3A_364 : i32 to vector<16xi32>
      %ge3A_366 = arith.cmpi sge, %get3A_356, %ge3A_365 : vector<16xi32>
      %jit3A_367 = arith.constant 1 : i32
      %jit3A_368 = arith.constant 0 : i32
      %broadcast_in_dim3A_369 = vector.broadcast %jit3A_367 : i32 to vector<16xi32>
      %broadcast_in_dim3A_370 = vector.broadcast %jit3A_368 : i32 to vector<16xi32>
      %select_n3A_371 = arith.select %ge3A_366, %broadcast_in_dim3A_369, %broadcast_in_dim3A_370 : vector<16xi1>, vector<16xi32>
      %add3A_372 = arith.addi %add3A_363, %select_n3A_371 : vector<16xi32>
      %ge3A_373 = arith.constant 1800000 : i32
      %ge3A_374 = vector.broadcast %ge3A_373 : i32 to vector<16xi32>
      %ge3A_375 = arith.cmpi sge, %get3A_356, %ge3A_374 : vector<16xi32>
      %jit3A_376 = arith.constant 1 : i32
      %jit3A_377 = arith.constant 0 : i32
      %broadcast_in_dim3A_378 = vector.broadcast %jit3A_376 : i32 to vector<16xi32>
      %broadcast_in_dim3A_379 = vector.broadcast %jit3A_377 : i32 to vector<16xi32>
      %select_n3A_380 = arith.select %ge3A_375, %broadcast_in_dim3A_378, %broadcast_in_dim3A_379 : vector<16xi1>, vector<16xi32>
      %add3A_381 = arith.addi %add3A_372, %select_n3A_380 : vector<16xi32>
      %ge3A_382 = arith.constant 7200000 : i32
      %ge3A_383 = vector.broadcast %ge3A_382 : i32 to vector<16xi32>
      %ge3A_384 = arith.cmpi sge, %get3A_356, %ge3A_383 : vector<16xi32>
      %jit3A_385 = arith.constant 1 : i32
      %jit3A_386 = arith.constant 0 : i32
      %broadcast_in_dim3A_387 = vector.broadcast %jit3A_385 : i32 to vector<16xi32>
      %broadcast_in_dim3A_388 = vector.broadcast %jit3A_386 : i32 to vector<16xi32>
      %select_n3A_389 = arith.select %ge3A_384, %broadcast_in_dim3A_387, %broadcast_in_dim3A_388 : vector<16xi1>, vector<16xi32>
      %add3A_390 = arith.addi %add3A_381, %select_n3A_389 : vector<16xi32>
      %ge3A_391 = arith.constant 86400000 : i32
      %ge3A_392 = vector.broadcast %ge3A_391 : i32 to vector<16xi32>
      %ge3A_393 = arith.cmpi sge, %get3A_356, %ge3A_392 : vector<16xi32>
      %jit3A_394 = arith.constant 1 : i32
      %jit3A_395 = arith.constant 0 : i32
      %broadcast_in_dim3A_396 = vector.broadcast %jit3A_394 : i32 to vector<16xi32>
      %broadcast_in_dim3A_397 = vector.broadcast %jit3A_395 : i32 to vector<16xi32>
      %select_n3A_398 = arith.select %ge3A_393, %broadcast_in_dim3A_396, %broadcast_in_dim3A_397 : vector<16xi1>, vector<16xi32>
      %add3A_399 = arith.addi %add3A_390, %select_n3A_398 : vector<16xi32>
      %ge3A_400 = arith.constant 604800000 : i32
      %ge3A_401 = vector.broadcast %ge3A_400 : i32 to vector<16xi32>
      %ge3A_402 = arith.cmpi sge, %get3A_356, %ge3A_401 : vector<16xi32>
      %jit3A_403 = arith.constant 1 : i32
      %jit3A_404 = arith.constant 0 : i32
      %broadcast_in_dim3A_405 = vector.broadcast %jit3A_403 : i32 to vector<16xi32>
      %broadcast_in_dim3A_406 = vector.broadcast %jit3A_404 : i32 to vector<16xi32>
      %select_n3A_407 = arith.select %ge3A_402, %broadcast_in_dim3A_405, %broadcast_in_dim3A_406 : vector<16xi1>, vector<16xi32>
      %add3A_408 = arith.addi %add3A_399, %select_n3A_407 : vector<16xi32>
      %mul3A_409 = arith.constant 16 : i32
      %mul3A_410 = arith.muli %scan3A_350, %mul3A_409 : i32
      %swap3A = arith.index_cast %mul3A_410 : i32 to index
      %swap3A_411 = tpu.vector_load %arg6[%swap3A] {strides = array<i32>} : memref<1024xi32, #tpu.memory_space<vmem>>, vector<16xi32>,
      %swap3A_412 = vector.shape_cast %swap3A_411 : vector<16xi32> to vector<16xi32>
      %swap3A_413 = vector.shape_cast %add3A_408 : vector<16xi32> to vector<16xi32>
      tpu.vector_store %arg6[%swap3A], %swap3A_413 {strides = array<i32>} : memref<1024xi32, #tpu.memory_space<vmem>>, vector<16xi32>,
    }
    %scan3A_313 = arith.constant 64 : i32
    %dma_start3A_314 = arith.constant 0 : i32
    %dma_start3A_315 = arith.constant 0 : i32
    %dma_start3A_316 = tpu.memref_slice %arg3[%dma_start3A_314, %dma_start3A_315] : memref<7x64xf32, #tpu.memory_space<hbm>> -> memref<7x64xf32, #tpu.memory_space<hbm>>
    tpu.enqueue_indirect_dma source(%dma_start3A_316 : memref<7x64xf32, #tpu.memory_space<hbm>>) target(%arg7 : memref<1024x64xf32, #tpu.memory_space<vmem>>) offsets(%arg6 : memref<1024xi32, #tpu.memory_space<vmem>>) semaphore(%arg8 : memref<!tpu.dma_semaphore, #tpu.memory_space<semaphore_mem>>)
    %dma_wait3A_317 = arith.constant 0 : i32
    %dma_wait3A_318 = arith.constant 0 : i32
    %dma_wait3A_319 = tpu.memref_slice %arg3[%dma_wait3A_317, %dma_wait3A_318] : memref<7x64xf32, #tpu.memory_space<hbm>> -> memref<7x64xf32, #tpu.memory_space<hbm>>
    tpu.wait_indirect_dma semaphore(%arg8 : memref<!tpu.dma_semaphore, #tpu.memory_space<semaphore_mem>>) src(%dma_wait3A_319 : memref<7x64xf32, #tpu.memory_space<hbm>>) dst(%arg7 : memref<1024x64xf32, #tpu.memory_space<vmem>>)
    %add3A_320 = arith.constant 22528 : i32
    %add3A_321 = arith.addi %mul3A_2, %add3A_320 : i32
    "tpu.region"() ({
      %run_scoped3A = tpu.sem_alloc : memref<!tpu.dma_semaphore, #tpu.memory_space<semaphore_mem>>
      %dma_start3A_350 = arith.constant 0 : i32
      %dma_start3A_351 = tpu.memref_slice %arg4[%add3A_321, %dma_start3A_350] : memref<819200x64xf32, #tpu.memory_space<hbm>> -> memref<1024x64xf32, #tpu.memory_space<hbm>>
      %dma_start3A_352 = arith.constant 0 : i32
      %dma_start3A_353 = tpu.memref_slice %arg4[%add3A_321, %dma_start3A_352] : memref<819200x64xf32, #tpu.memory_space<hbm>> -> memref<1024x64xf32, #tpu.memory_space<hbm>>
      tpu.enqueue_dma source(%arg7 : memref<1024x64xf32, #tpu.memory_space<vmem>>) target(%dma_start3A_353 : memref<1024x64xf32, #tpu.memory_space<hbm>>) target_semaphore(%run_scoped3A : memref<!tpu.dma_semaphore, #tpu.memory_space<semaphore_mem>>)
      %dma_wait3A_354 = arith.constant 0 : i32
      %dma_wait3A_355 = tpu.memref_slice %arg4[%add3A_321, %dma_wait3A_354] : memref<819200x64xf32, #tpu.memory_space<hbm>> -> memref<1024x64xf32, #tpu.memory_space<hbm>>
      %dma_wait3A_356 = arith.constant 0 : i32
      %dma_wait3A_357 = tpu.memref_slice %arg4[%add3A_321, %dma_wait3A_356] : memref<819200x64xf32, #tpu.memory_space<hbm>> -> memref<1024x64xf32, #tpu.memory_space<hbm>>
      tpu.wait_dma2 semaphore(%run_scoped3A : memref<!tpu.dma_semaphore, #tpu.memory_space<semaphore_mem>>) src(%arg7 : memref<1024x64xf32, #tpu.memory_space<vmem>>) dst(%dma_wait3A_357 : memref<1024x64xf32, #tpu.memory_space<hbm>>)
      tpu.yield
    }) : () -> ()
    %scan3A_322 = arith.constant 0 : i32
    %scan3A_323 = arith.constant 0 : i32
    %scan3A_324 = arith.constant 64 : i32
    %scan3A_325 = arith.addi %scan3A_323, %scan3A_324 : i32
    %scan3A_326 = arith.constant 1 : i32
    scf.for %scan3A_350 = %scan3A_323 to %scan3A_325 step %scan3A_326  : i32 {
      %mul3A_351 = arith.constant 16 : i32
      %mul3A_352 = arith.muli %scan3A_350, %mul3A_351 : i32
      %add3A_353 = arith.constant 23552 : i32
      %add3A_354 = arith.addi %add3A_353, %mul3A_352 : i32
      %get3A = arith.index_cast %add3A_354 : i32 to index
      %get3A_355 = tpu.vector_load %arg5[%get3A] {strides = array<i32>} : memref<25600xi32, #tpu.memory_space<vmem>>, vector<16xi32>,
      %get3A_356 = vector.shape_cast %get3A_355 : vector<16xi32> to vector<16xi32>
      %broadcast_in_dim3A = arith.constant 0 : i32
      %broadcast_in_dim3A_357 = vector.broadcast %broadcast_in_dim3A : i32 to vector<16xi32>
      %ge3A = arith.constant 60000 : i32
      %ge3A_358 = vector.broadcast %ge3A : i32 to vector<16xi32>
      %ge3A_359 = arith.cmpi sge, %get3A_356, %ge3A_358 : vector<16xi32>
      %jit3A = arith.constant 1 : i32
      %jit3A_360 = arith.constant 0 : i32
      %broadcast_in_dim3A_361 = vector.broadcast %jit3A : i32 to vector<16xi32>
      %broadcast_in_dim3A_362 = vector.broadcast %jit3A_360 : i32 to vector<16xi32>
      %select_n3A = arith.select %ge3A_359, %broadcast_in_dim3A_361, %broadcast_in_dim3A_362 : vector<16xi1>, vector<16xi32>
      %add3A_363 = arith.addi %broadcast_in_dim3A_357, %select_n3A : vector<16xi32>
      %ge3A_364 = arith.constant 300000 : i32
      %ge3A_365 = vector.broadcast %ge3A_364 : i32 to vector<16xi32>
      %ge3A_366 = arith.cmpi sge, %get3A_356, %ge3A_365 : vector<16xi32>
      %jit3A_367 = arith.constant 1 : i32
      %jit3A_368 = arith.constant 0 : i32
      %broadcast_in_dim3A_369 = vector.broadcast %jit3A_367 : i32 to vector<16xi32>
      %broadcast_in_dim3A_370 = vector.broadcast %jit3A_368 : i32 to vector<16xi32>
      %select_n3A_371 = arith.select %ge3A_366, %broadcast_in_dim3A_369, %broadcast_in_dim3A_370 : vector<16xi1>, vector<16xi32>
      %add3A_372 = arith.addi %add3A_363, %select_n3A_371 : vector<16xi32>
      %ge3A_373 = arith.constant 1800000 : i32
      %ge3A_374 = vector.broadcast %ge3A_373 : i32 to vector<16xi32>
      %ge3A_375 = arith.cmpi sge, %get3A_356, %ge3A_374 : vector<16xi32>
      %jit3A_376 = arith.constant 1 : i32
      %jit3A_377 = arith.constant 0 : i32
      %broadcast_in_dim3A_378 = vector.broadcast %jit3A_376 : i32 to vector<16xi32>
      %broadcast_in_dim3A_379 = vector.broadcast %jit3A_377 : i32 to vector<16xi32>
      %select_n3A_380 = arith.select %ge3A_375, %broadcast_in_dim3A_378, %broadcast_in_dim3A_379 : vector<16xi1>, vector<16xi32>
      %add3A_381 = arith.addi %add3A_372, %select_n3A_380 : vector<16xi32>
      %ge3A_382 = arith.constant 7200000 : i32
      %ge3A_383 = vector.broadcast %ge3A_382 : i32 to vector<16xi32>
      %ge3A_384 = arith.cmpi sge, %get3A_356, %ge3A_383 : vector<16xi32>
      %jit3A_385 = arith.constant 1 : i32
      %jit3A_386 = arith.constant 0 : i32
      %broadcast_in_dim3A_387 = vector.broadcast %jit3A_385 : i32 to vector<16xi32>
      %broadcast_in_dim3A_388 = vector.broadcast %jit3A_386 : i32 to vector<16xi32>
      %select_n3A_389 = arith.select %ge3A_384, %broadcast_in_dim3A_387, %broadcast_in_dim3A_388 : vector<16xi1>, vector<16xi32>
      %add3A_390 = arith.addi %add3A_381, %select_n3A_389 : vector<16xi32>
      %ge3A_391 = arith.constant 86400000 : i32
      %ge3A_392 = vector.broadcast %ge3A_391 : i32 to vector<16xi32>
      %ge3A_393 = arith.cmpi sge, %get3A_356, %ge3A_392 : vector<16xi32>
      %jit3A_394 = arith.constant 1 : i32
      %jit3A_395 = arith.constant 0 : i32
      %broadcast_in_dim3A_396 = vector.broadcast %jit3A_394 : i32 to vector<16xi32>
      %broadcast_in_dim3A_397 = vector.broadcast %jit3A_395 : i32 to vector<16xi32>
      %select_n3A_398 = arith.select %ge3A_393, %broadcast_in_dim3A_396, %broadcast_in_dim3A_397 : vector<16xi1>, vector<16xi32>
      %add3A_399 = arith.addi %add3A_390, %select_n3A_398 : vector<16xi32>
      %ge3A_400 = arith.constant 604800000 : i32
      %ge3A_401 = vector.broadcast %ge3A_400 : i32 to vector<16xi32>
      %ge3A_402 = arith.cmpi sge, %get3A_356, %ge3A_401 : vector<16xi32>
      %jit3A_403 = arith.constant 1 : i32
      %jit3A_404 = arith.constant 0 : i32
      %broadcast_in_dim3A_405 = vector.broadcast %jit3A_403 : i32 to vector<16xi32>
      %broadcast_in_dim3A_406 = vector.broadcast %jit3A_404 : i32 to vector<16xi32>
      %select_n3A_407 = arith.select %ge3A_402, %broadcast_in_dim3A_405, %broadcast_in_dim3A_406 : vector<16xi1>, vector<16xi32>
      %add3A_408 = arith.addi %add3A_399, %select_n3A_407 : vector<16xi32>
      %mul3A_409 = arith.constant 16 : i32
      %mul3A_410 = arith.muli %scan3A_350, %mul3A_409 : i32
      %swap3A = arith.index_cast %mul3A_410 : i32 to index
      %swap3A_411 = tpu.vector_load %arg6[%swap3A] {strides = array<i32>} : memref<1024xi32, #tpu.memory_space<vmem>>, vector<16xi32>,
      %swap3A_412 = vector.shape_cast %swap3A_411 : vector<16xi32> to vector<16xi32>
      %swap3A_413 = vector.shape_cast %add3A_408 : vector<16xi32> to vector<16xi32>
      tpu.vector_store %arg6[%swap3A], %swap3A_413 {strides = array<i32>} : memref<1024xi32, #tpu.memory_space<vmem>>, vector<16xi32>,
    }
    %scan3A_327 = arith.constant 64 : i32
    %dma_start3A_328 = arith.constant 0 : i32
    %dma_start3A_329 = arith.constant 0 : i32
    %dma_start3A_330 = tpu.memref_slice %arg3[%dma_start3A_328, %dma_start3A_329] : memref<7x64xf32, #tpu.memory_space<hbm>> -> memref<7x64xf32, #tpu.memory_space<hbm>>
    tpu.enqueue_indirect_dma source(%dma_start3A_330 : memref<7x64xf32, #tpu.memory_space<hbm>>) target(%arg7 : memref<1024x64xf32, #tpu.memory_space<vmem>>) offsets(%arg6 : memref<1024xi32, #tpu.memory_space<vmem>>) semaphore(%arg8 : memref<!tpu.dma_semaphore, #tpu.memory_space<semaphore_mem>>)
    %dma_wait3A_331 = arith.constant 0 : i32
    %dma_wait3A_332 = arith.constant 0 : i32
    %dma_wait3A_333 = tpu.memref_slice %arg3[%dma_wait3A_331, %dma_wait3A_332] : memref<7x64xf32, #tpu.memory_space<hbm>> -> memref<7x64xf32, #tpu.memory_space<hbm>>
    tpu.wait_indirect_dma semaphore(%arg8 : memref<!tpu.dma_semaphore, #tpu.memory_space<semaphore_mem>>) src(%dma_wait3A_333 : memref<7x64xf32, #tpu.memory_space<hbm>>) dst(%arg7 : memref<1024x64xf32, #tpu.memory_space<vmem>>)
    %add3A_334 = arith.constant 23552 : i32
    %add3A_335 = arith.addi %mul3A_2, %add3A_334 : i32
    "tpu.region"() ({
      %run_scoped3A = tpu.sem_alloc : memref<!tpu.dma_semaphore, #tpu.memory_space<semaphore_mem>>
      %dma_start3A_350 = arith.constant 0 : i32
      %dma_start3A_351 = tpu.memref_slice %arg4[%add3A_335, %dma_start3A_350] : memref<819200x64xf32, #tpu.memory_space<hbm>> -> memref<1024x64xf32, #tpu.memory_space<hbm>>
      %dma_start3A_352 = arith.constant 0 : i32
      %dma_start3A_353 = tpu.memref_slice %arg4[%add3A_335, %dma_start3A_352] : memref<819200x64xf32, #tpu.memory_space<hbm>> -> memref<1024x64xf32, #tpu.memory_space<hbm>>
      tpu.enqueue_dma source(%arg7 : memref<1024x64xf32, #tpu.memory_space<vmem>>) target(%dma_start3A_353 : memref<1024x64xf32, #tpu.memory_space<hbm>>) target_semaphore(%run_scoped3A : memref<!tpu.dma_semaphore, #tpu.memory_space<semaphore_mem>>)
      %dma_wait3A_354 = arith.constant 0 : i32
      %dma_wait3A_355 = tpu.memref_slice %arg4[%add3A_335, %dma_wait3A_354] : memref<819200x64xf32, #tpu.memory_space<hbm>> -> memref<1024x64xf32, #tpu.memory_space<hbm>>
      %dma_wait3A_356 = arith.constant 0 : i32
      %dma_wait3A_357 = tpu.memref_slice %arg4[%add3A_335, %dma_wait3A_356] : memref<819200x64xf32, #tpu.memory_space<hbm>> -> memref<1024x64xf32, #tpu.memory_space<hbm>>
      tpu.wait_dma2 semaphore(%run_scoped3A : memref<!tpu.dma_semaphore, #tpu.memory_space<semaphore_mem>>) src(%arg7 : memref<1024x64xf32, #tpu.memory_space<vmem>>) dst(%dma_wait3A_357 : memref<1024x64xf32, #tpu.memory_space<hbm>>)
      tpu.yield
    }) : () -> ()
    %scan3A_336 = arith.constant 0 : i32
    %scan3A_337 = arith.constant 0 : i32
    %scan3A_338 = arith.constant 64 : i32
    %scan3A_339 = arith.addi %scan3A_337, %scan3A_338 : i32
    %scan3A_340 = arith.constant 1 : i32
    scf.for %scan3A_350 = %scan3A_337 to %scan3A_339 step %scan3A_340  : i32 {
      %mul3A_351 = arith.constant 16 : i32
      %mul3A_352 = arith.muli %scan3A_350, %mul3A_351 : i32
      %add3A_353 = arith.constant 24576 : i32
      %add3A_354 = arith.addi %add3A_353, %mul3A_352 : i32
      %get3A = arith.index_cast %add3A_354 : i32 to index
      %get3A_355 = tpu.vector_load %arg5[%get3A] {strides = array<i32>} : memref<25600xi32, #tpu.memory_space<vmem>>, vector<16xi32>,
      %get3A_356 = vector.shape_cast %get3A_355 : vector<16xi32> to vector<16xi32>
      %broadcast_in_dim3A = arith.constant 0 : i32
      %broadcast_in_dim3A_357 = vector.broadcast %broadcast_in_dim3A : i32 to vector<16xi32>
      %ge3A = arith.constant 60000 : i32
      %ge3A_358 = vector.broadcast %ge3A : i32 to vector<16xi32>
      %ge3A_359 = arith.cmpi sge, %get3A_356, %ge3A_358 : vector<16xi32>
      %jit3A = arith.constant 1 : i32
      %jit3A_360 = arith.constant 0 : i32
      %broadcast_in_dim3A_361 = vector.broadcast %jit3A : i32 to vector<16xi32>
      %broadcast_in_dim3A_362 = vector.broadcast %jit3A_360 : i32 to vector<16xi32>
      %select_n3A = arith.select %ge3A_359, %broadcast_in_dim3A_361, %broadcast_in_dim3A_362 : vector<16xi1>, vector<16xi32>
      %add3A_363 = arith.addi %broadcast_in_dim3A_357, %select_n3A : vector<16xi32>
      %ge3A_364 = arith.constant 300000 : i32
      %ge3A_365 = vector.broadcast %ge3A_364 : i32 to vector<16xi32>
      %ge3A_366 = arith.cmpi sge, %get3A_356, %ge3A_365 : vector<16xi32>
      %jit3A_367 = arith.constant 1 : i32
      %jit3A_368 = arith.constant 0 : i32
      %broadcast_in_dim3A_369 = vector.broadcast %jit3A_367 : i32 to vector<16xi32>
      %broadcast_in_dim3A_370 = vector.broadcast %jit3A_368 : i32 to vector<16xi32>
      %select_n3A_371 = arith.select %ge3A_366, %broadcast_in_dim3A_369, %broadcast_in_dim3A_370 : vector<16xi1>, vector<16xi32>
      %add3A_372 = arith.addi %add3A_363, %select_n3A_371 : vector<16xi32>
      %ge3A_373 = arith.constant 1800000 : i32
      %ge3A_374 = vector.broadcast %ge3A_373 : i32 to vector<16xi32>
      %ge3A_375 = arith.cmpi sge, %get3A_356, %ge3A_374 : vector<16xi32>
      %jit3A_376 = arith.constant 1 : i32
      %jit3A_377 = arith.constant 0 : i32
      %broadcast_in_dim3A_378 = vector.broadcast %jit3A_376 : i32 to vector<16xi32>
      %broadcast_in_dim3A_379 = vector.broadcast %jit3A_377 : i32 to vector<16xi32>
      %select_n3A_380 = arith.select %ge3A_375, %broadcast_in_dim3A_378, %broadcast_in_dim3A_379 : vector<16xi1>, vector<16xi32>
      %add3A_381 = arith.addi %add3A_372, %select_n3A_380 : vector<16xi32>
      %ge3A_382 = arith.constant 7200000 : i32
      %ge3A_383 = vector.broadcast %ge3A_382 : i32 to vector<16xi32>
      %ge3A_384 = arith.cmpi sge, %get3A_356, %ge3A_383 : vector<16xi32>
      %jit3A_385 = arith.constant 1 : i32
      %jit3A_386 = arith.constant 0 : i32
      %broadcast_in_dim3A_387 = vector.broadcast %jit3A_385 : i32 to vector<16xi32>
      %broadcast_in_dim3A_388 = vector.broadcast %jit3A_386 : i32 to vector<16xi32>
      %select_n3A_389 = arith.select %ge3A_384, %broadcast_in_dim3A_387, %broadcast_in_dim3A_388 : vector<16xi1>, vector<16xi32>
      %add3A_390 = arith.addi %add3A_381, %select_n3A_389 : vector<16xi32>
      %ge3A_391 = arith.constant 86400000 : i32
      %ge3A_392 = vector.broadcast %ge3A_391 : i32 to vector<16xi32>
      %ge3A_393 = arith.cmpi sge, %get3A_356, %ge3A_392 : vector<16xi32>
      %jit3A_394 = arith.constant 1 : i32
      %jit3A_395 = arith.constant 0 : i32
      %broadcast_in_dim3A_396 = vector.broadcast %jit3A_394 : i32 to vector<16xi32>
      %broadcast_in_dim3A_397 = vector.broadcast %jit3A_395 : i32 to vector<16xi32>
      %select_n3A_398 = arith.select %ge3A_393, %broadcast_in_dim3A_396, %broadcast_in_dim3A_397 : vector<16xi1>, vector<16xi32>
      %add3A_399 = arith.addi %add3A_390, %select_n3A_398 : vector<16xi32>
      %ge3A_400 = arith.constant 604800000 : i32
      %ge3A_401 = vector.broadcast %ge3A_400 : i32 to vector<16xi32>
      %ge3A_402 = arith.cmpi sge, %get3A_356, %ge3A_401 : vector<16xi32>
      %jit3A_403 = arith.constant 1 : i32
      %jit3A_404 = arith.constant 0 : i32
      %broadcast_in_dim3A_405 = vector.broadcast %jit3A_403 : i32 to vector<16xi32>
      %broadcast_in_dim3A_406 = vector.broadcast %jit3A_404 : i32 to vector<16xi32>
      %select_n3A_407 = arith.select %ge3A_402, %broadcast_in_dim3A_405, %broadcast_in_dim3A_406 : vector<16xi1>, vector<16xi32>
      %add3A_408 = arith.addi %add3A_399, %select_n3A_407 : vector<16xi32>
      %mul3A_409 = arith.constant 16 : i32
      %mul3A_410 = arith.muli %scan3A_350, %mul3A_409 : i32
      %swap3A = arith.index_cast %mul3A_410 : i32 to index
      %swap3A_411 = tpu.vector_load %arg6[%swap3A] {strides = array<i32>} : memref<1024xi32, #tpu.memory_space<vmem>>, vector<16xi32>,
      %swap3A_412 = vector.shape_cast %swap3A_411 : vector<16xi32> to vector<16xi32>
      %swap3A_413 = vector.shape_cast %add3A_408 : vector<16xi32> to vector<16xi32>
      tpu.vector_store %arg6[%swap3A], %swap3A_413 {strides = array<i32>} : memref<1024xi32, #tpu.memory_space<vmem>>, vector<16xi32>,
    }
    %scan3A_341 = arith.constant 64 : i32
    %dma_start3A_342 = arith.constant 0 : i32
    %dma_start3A_343 = arith.constant 0 : i32
    %dma_start3A_344 = tpu.memref_slice %arg3[%dma_start3A_342, %dma_start3A_343] : memref<7x64xf32, #tpu.memory_space<hbm>> -> memref<7x64xf32, #tpu.memory_space<hbm>>
    tpu.enqueue_indirect_dma source(%dma_start3A_344 : memref<7x64xf32, #tpu.memory_space<hbm>>) target(%arg7 : memref<1024x64xf32, #tpu.memory_space<vmem>>) offsets(%arg6 : memref<1024xi32, #tpu.memory_space<vmem>>) semaphore(%arg8 : memref<!tpu.dma_semaphore, #tpu.memory_space<semaphore_mem>>)
    %dma_wait3A_345 = arith.constant 0 : i32
    %dma_wait3A_346 = arith.constant 0 : i32
    %dma_wait3A_347 = tpu.memref_slice %arg3[%dma_wait3A_345, %dma_wait3A_346] : memref<7x64xf32, #tpu.memory_space<hbm>> -> memref<7x64xf32, #tpu.memory_space<hbm>>
    tpu.wait_indirect_dma semaphore(%arg8 : memref<!tpu.dma_semaphore, #tpu.memory_space<semaphore_mem>>) src(%dma_wait3A_347 : memref<7x64xf32, #tpu.memory_space<hbm>>) dst(%arg7 : memref<1024x64xf32, #tpu.memory_space<vmem>>)
    %add3A_348 = arith.constant 24576 : i32
    %add3A_349 = arith.addi %mul3A_2, %add3A_348 : i32
    "tpu.region"() ({
      %run_scoped3A = tpu.sem_alloc : memref<!tpu.dma_semaphore, #tpu.memory_space<semaphore_mem>>
      %dma_start3A_350 = arith.constant 0 : i32
      %dma_start3A_351 = tpu.memref_slice %arg4[%add3A_349, %dma_start3A_350] : memref<819200x64xf32, #tpu.memory_space<hbm>> -> memref<1024x64xf32, #tpu.memory_space<hbm>>
      %dma_start3A_352 = arith.constant 0 : i32
      %dma_start3A_353 = tpu.memref_slice %arg4[%add3A_349, %dma_start3A_352] : memref<819200x64xf32, #tpu.memory_space<hbm>> -> memref<1024x64xf32, #tpu.memory_space<hbm>>
      tpu.enqueue_dma source(%arg7 : memref<1024x64xf32, #tpu.memory_space<vmem>>) target(%dma_start3A_353 : memref<1024x64xf32, #tpu.memory_space<hbm>>) target_semaphore(%run_scoped3A : memref<!tpu.dma_semaphore, #tpu.memory_space<semaphore_mem>>)
      %dma_wait3A_354 = arith.constant 0 : i32
      %dma_wait3A_355 = tpu.memref_slice %arg4[%add3A_349, %dma_wait3A_354] : memref<819200x64xf32, #tpu.memory_space<hbm>> -> memref<1024x64xf32, #tpu.memory_space<hbm>>
      %dma_wait3A_356 = arith.constant 0 : i32
      %dma_wait3A_357 = tpu.memref_slice %arg4[%add3A_349, %dma_wait3A_356] : memref<819200x64xf32, #tpu.memory_space<hbm>> -> memref<1024x64xf32, #tpu.memory_space<hbm>>
      tpu.wait_dma2 semaphore(%run_scoped3A : memref<!tpu.dma_semaphore, #tpu.memory_space<semaphore_mem>>) src(%arg7 : memref<1024x64xf32, #tpu.memory_space<vmem>>) dst(%dma_wait3A_357 : memref<1024x64xf32, #tpu.memory_space<hbm>>)
      tpu.yield
    }) : () -> ()
    return
  }
}

</mosaic_0001>

<sc_bundles>
// kernel: kernel.3.cloned.1.call-start
scs
__scs_entry_jumppad:
0x0: {  	(pc) =	sbr.rel $0x88, $3  }
0x1: {  	(tag) =	ssettag $0x0;
	lr =	simm.s32 $0x1  }
0x2: {  	[smem:$0x3F9F] =	sst lr;
	_ =	strace $0xD0000000  }
0x3: {  	_ = 	snop  }
0x4: {  	_ = 	snop  }
0x5: {  	_ = 	snop  }
0x6: {  	_ = 	snop  }
0x7: {  	_ = 	snop  }
__scs_overlays_trampoline_lowered:
0x8: {  	[smem:$0x3FAE] =	sst s0  }
0x9: {  	[smem:$0x3FAF] =	sst s1  }
0xa: {  	[smem:$0x3FB0] =	sst s2  }
0xb: {  	[smem:$0x3FB1] =	sst s3  }
0xc: {  	[smem:$0x3FB2] =	sst s4  }
0xd: {  	[smem:$0x3FB3] =	sst s5  }
0xe: {  	[smem:$0x3FB4] =	sst s6  }
0xf: {  	[smem:$0x3FB5] =	sst s7  }
0x10: {  	[smem:$0x3FB6] =	sst s8  }
0x11: {  	[smem:$0x3FB7] =	sst s9;
	s0 =	simm.s32 @!p0 $0x0  }
0x12: {  	s1 =	sld [smem:$0x3F9D];
	s0 =	simm.s32 @p0 $0x1  }
0x13: {  	[smem:$0x3FB8] =	sst s0;
	s0 =	simm.s32 @!p1 $0x0  }
0x14: {  	s2 =	sld [smem:$0x3F9C];
	s0 =	simm.s32 @p1 $0x1  }
0x15: {  	[smem:$0x3FB9] =	sst s0;
	s0 =	simm.s32 @!p2 $0x0  }
0x16: {  	s3 =	sld [smem:$0x3FDB];
	s0 =	simm.s32 @p2 $0x1  }
0x17: {  	s4 =	simm.s32 $0x1BF5;
	[smem:$0x3FBB] =	sst s0  }
0x18: {  	s0 =	sld [smem:$0x3F9E];
	_ =	swait.ge [sflag:s4], $0x0  }
0x19: {  	s7 =	sld [smem:$0x3F9F]  }
0x1a: {  	s8 =	sadd.s32 $0xFFFFE003, lr  }
0x1b: {  	s9 =	sadd.s32 $0xFFFFFEF7, lr;
	s5 =	simm.s32 $0xFFFFFFFF;
	p2 =	slt.u32 s8, $0xFFFFF086  }
0x1c: {  	p1 =	slt.u32 s9, $0xF7A;
	s5 =	simm.s32 @!p2 $0x0  }
0x1d: {  	s5 =	simm.s32 @p1 $0x1;
	p0 =	seq.s32 s7, s2  }
0x1e: {  	s7 =	smul.u32 @!p0 $0xF7A, s2;
	p2 =	seq.s32 @!p0 s5, $0x0  }
0x1f: {  	s9 =	smul.u32 $0xF7A, s1;
	s8 =	simm.s32 @!p0 $0x1BF5;
	p2 =	por !p2, p0  }
0x20: {  	[sflag:s8] =	ssyncset.s32 @!p0 $0xFFFFF086;
	s6 =	sadd.s32 @!p0 s3, s7;
	s7 =	simm.s32 @!p0 $0x108  }
0x21: {  	s3 =	sadd.s32 s3, s9;
	s6 =	sadd.s32 @!p0 $0x88, s6;
	s7 =	simm.s32 @p2 $0x1082  }
0x22: {  	[simem:s7], [sflag:s8] =	dma.local @!p0 [hbm:s6], $0xF7A  }
0x23: {  	s9 =	sor.u32 $0xD0000000, s2;
	s6 =	simm.s32 $0x108;
	_ =	swait.ge @!p0 [sflag:s8], $0x0  }
0x24: {  	s3 =	sadd.s32 $0x88, s3;
	s6 =	simm.s32 @!p1 $0x1082;
	[sflag:s4] =	ssyncset.s32 $0xFFFFF086  }
0x25: {  	[simem:s6], [sflag:s4] =	dma.local [hbm:s3], $0xF7A  }
0x26: {  	[smem:$0x3F9F] =	sst s1;
	(tag) =	ssettag s2;
	_ =	strace s9  }
0x27: {  	s1 =	sld [smem:$0x3FAF]  }
0x28: {  	s2 =	sld [smem:$0x3FB0]  }
0x29: {  	s4 =	sld [smem:$0x3FB2]  }
0x2a: {  	p0 =	seq.s32 s5, $0x0;
	s5 =	sld [smem:$0x3FB3]  }
0x2b: {  	s6 =	sld [smem:$0x3FB4]  }
0x2c: {  	s7 =	sld [smem:$0x3FB5]  }
0x2d: {  	s3 =	simm.s32 $0x108;
	s8 =	sld [smem:$0x3FB6]  }
0x2e: {  	s3 =	simm.s32 @!p0 $0x1082;
	s9 =	sld [smem:$0x3FB7]  }
0x2f: {  	lr =	sadd.s32 s0, s3;
	s0 =	sld [smem:$0x3FAE]  }
0x30: {  	s3 =	sld [smem:$0x3FB1]  }
0x31: {  	[smem:$0x3FBA] =	sst s10  }
0x32: {  	s10 =	sld [smem:$0x3FB8];
	_ =	sdelay $0x3  }
0x33: {  	p0 =	seq.s32 s10, $0x1;
	s10 =	sld [smem:$0x3FBA];
	_ =	sdelay $0x3  }
0x34: {  	[smem:$0x3FBA] =	sst s10  }
0x35: {  	s10 =	sld [smem:$0x3FB9];
	_ =	sdelay $0x3  }
0x36: {  	p1 =	seq.s32 s10, $0x1;
	s10 =	sld [smem:$0x3FBA];
	_ =	sdelay $0x3  }
0x37: {  	[smem:$0x3FBA] =	sst s10  }
0x38: {  	s10 =	sld [smem:$0x3FBB]  }
0x39: {  	_ = 	snop;
	(pc) =	sbr.ind lr, $3  }
0x3a: {  	_ = 	snop  }
0x3b: {  	_ = 	snop  }
0x3c: {  	p2 =	seq.s32 s10, $0x1;
	s10 =	sld [smem:$0x3FBA]  }
0x3d: {  	_ =	shalt  }
0x3e: {  	_ =	shalt  }
0x3f: {  	_ =	shalt  }
0x40: {  	_ =	shalt  }
0x41: {  	_ =	shalt  }
0x42: {  	_ =	shalt  }
0x43: {  	_ =	shalt  }
0x44: {  	_ =	shalt  }
0x45: {  	_ =	shalt  }
0x46: {  	_ =	shalt  }
0x47: {  	_ =	shalt  }
0x48: {  	_ =	shalt  }
0x49: {  	_ =	shalt  }
0x4a: {  	_ =	shalt  }
0x4b: {  	_ =	shalt  }
0x4c: {  	_ =	shalt  }
0x4d: {  	_ =	shalt  }
0x4e: {  	_ =	shalt  }
0x4f: {  	_ =	shalt  }
0x50: {  	_ =	shalt  }
0x51: {  	_ =	shalt  }
0x52: {  	_ =	shalt  }
0x53: {  	_ =	shalt  }
0x54: {  	_ =	shalt  }
0x55: {  	_ =	shalt  }
0x56: {  	_ =	shalt  }
0x57: {  	_ =	shalt  }
0x58: {  	_ =	shalt  }
0x59: {  	_ =	shalt  }
0x5a: {  	_ =	shalt  }
0x5b: {  	_ =	shalt  }
0x5c: {  	_ =	shalt  }
0x5d: {  	_ =	shalt  }
0x5e: {  	_ =	shalt  }
0x5f: {  	_ =	shalt  }
0x60: {  	_ =	shalt  }
0x61: {  	_ =	shalt  }
0x62: {  	_ =	shalt  }
0x63: {  	_ =	shalt  }
0x64: {  	_ =	shalt  }
0x65: {  	_ =	shalt  }
0x66: {  	_ =	shalt  }
0x67: {  	_ =	shalt  }
0x68: {  	_ =	shalt  }
0x69: {  	_ =	shalt  }
0x6a: {  	_ =	shalt  }
0x6b: {  	_ =	shalt  }
0x6c: {  	_ =	shalt  }
0x6d: {  	_ =	shalt  }
0x6e: {  	_ =	shalt  }
0x6f: {  	_ =	shalt  }
0x70: {  	_ =	shalt  }
0x71: {  	_ =	shalt  }
0x72: {  	_ =	shalt  }
0x73: {  	_ =	shalt  }
0x74: {  	_ =	shalt  }
0x75: {  	_ =	shalt  }
0x76: {  	_ =	shalt  }
0x77: {  	_ =	shalt  }
0x78: {  	_ =	shalt  }
0x79: {  	_ =	shalt  }
0x7a: {  	_ =	shalt  }
0x7b: {  	_ =	shalt  }
0x7c: {  	_ =	shalt  }
0x7d: {  	_ =	shalt  }
0x7e: {  	_ =	shalt  }
0x7f: {  	_ =	shalt  }
0x80: {  	_ =	shalt  }
0x81: {  	_ =	shalt  }
0x82: {  	_ =	shalt  }
0x83: {  	_ =	shalt  }
0x84: {  	_ =	shalt  }
0x85: {  	_ =	shalt  }
0x86: {  	_ =	shalt  }
0x87: {  	_ =	shalt  }
.Lfunc_end0:
.L_simem_size_0:
called_computation.1_lowered:
.L_overlay_start_0:
0x88: {  	s2 =	sld [smem:$0x3FD9]  }
0x89: {  	s3 =	sld [smem:$0x3FFE];
	_ =	sdelay $0x1  }
0x8a: {  	s1 =	srdreg.scid  }
0x8b: {  	s0 =	sand.u32 $0x1, s1  }
0x8c: {  	s17 =	sshll.u32 s0, $0xA;
	s2 =	sadd.s32 s3, s2  }
0x8d: {  	s2 =	sadd.s32 s2, s17  }
0x8e: {  	[smem:$0x3FC6] =	sst s2  }
0x8f: {  	_ = 	snop  }
0x90: {  	s2 =	sld [smem:$0x3FD0];
	(tm) =	ssettm $0x1  }
0x91: {  	s18 =	sld [smem:$0x3FFB];
	_ =	sdelay $0x3  }
0x92: {  	_ =	strace s18  }
0x93: {  	s3 =	sld [smem:$0x3FFC];
	_ =	sdelay $0x3  }
0x94: {  	_ =	strace s3  }
0x95: {  	s3 =	sld [smem:$0x3FFD];
	_ =	sdelay $0x3  }
0x96: {  	_ =	strace s3  }
0x97: {  	_ =	strace $0x8FFFFFFF  }
0x98: {  	s19 =	sld [smem:$0x3FDB];
	_ =	sdelay $0x1  }
0x99: {  	s4 =	simm.s32 $_scs_section_size  }
0x9a: {  	s5 =	simm.s32 $_size__tile_overlayer_lowered;
	s6 =	simm.s32 $_tile_overlayer_lowered  }
0x9b: {  	s22 =	simm.s32 $0x1BFF;
	s21 =	sshll.u32 s6, $0x1;
	s3 =	sadd.s32 s4, s19  }
0x9c: {  	s7 =	simm.s32 $0x0;
	s20 =	sshll.u32 s5, $0x1;
	s5 =	sadd.s32 s21, s3  }
0x9d: {  	[timem:s7], [sflag:s22] =	dma.local [hbm:s5], s20  }
0x9e: {  	_ =	swait.ge [sflag:s22], s20  }
0x9f: {  	s4 =	ssub.s32 $0x0, s20;
	[sflag:s22] =	ssyncset.done $0x0  }
0xa0: {  	[sflag:s22] =	ssyncadd.s32 s4;
	_ =	sdelay $0x1  }
0xa1: {  	s23 =	simm.s32 $0x1B8B  }
0xa2: {  	_ =	swait.ge [sflag:s23], $0x1  }
0xa3: {  	[sflag:s23] =	ssyncset.done $0x0  }
0xa4: {  	s25 =	simm.s32 $0x1B8E;
	s24 =	sld [smem:$0x3FFE];
	[sflag:s23] =	ssyncadd.s32 $0xFFFFFFFF  }
0xa5: {  	s26 =	simm.s32 $execute0_lowered;
	[smem:$0x3FD2] =	sst s25  }
0xa6: {  	s5 =	sshll.u32 s26, $0x1;
	_ =	strace $0x80000046;
	[dreg:$0x1] =	wrdreg $0xFFFFFFFF  }
0xa7: {  	s28 =	simm.s32 $_size_execute0_lowered;
	s3 =	sadd.s32 s3, s5;
	[dreg:$0x0] =	wrdreg $0x0  }
0xa8: {  	s5 =	sshll.u32 s28, $0x1;
	[dreg:$0x2] =	wrdreg s3  }
0xa9: {  	[dreg:$0x3] =	wrdreg s5  }
0xaa: {  	[dreg:$0x4] =	wrdreg $0xC0  }
0xab: {  	_ =	task [dreg:s7], $0x5FFFF  }
0xac: {  	[dreg:$0x1] =	wrdreg $0xFFFFFFFF  }
0xad: {  	[dreg:$0x0] =	wrdreg $0x60  }
0xae: {  	[dreg:$0x2] =	wrdreg s24  }
0xaf: {  	[dreg:$0x3] =	wrdreg s2  }
0xb0: {  	[dreg:$0x4] =	wrdreg $0x9  }
0xb1: {  	_ =	task.clear_ibuf [dreg:s7], $0x5FFFF;
	_ =	strace $0x90000046  }
0xb2: {  	s29 =	simm.s32 $0x9;
	_ =	strace $0x80000048  }
0xb3: {  	_ =	swait.ge [sflag:s29], $0x1  }
0xb4: {  	[sflag:s29] =	ssyncadd.s32 $0xFFFFFFFF  }
0xb5: {  	_ =	strace $0x90000048  }
0xb6: {  	_ =	sfence  }
0xb7: {  	s30 =	sld [smem:$0x0];
	_ =	sdelay $0x2  }
0xb8: {  	s31 =	sshll.u32 s1, $0xD;
	s1 =	sshrl.u32 s1, $0x2  }
0xb9: {  	s3 =	sand.u32 $0x4000, s31;
	s1 =	sadd.s32 s1, s30  }
0xba: {  	s0 =	sor.u32 s3, s0;
	s1 =	sshll.u32 s1, $0x11  }
0xbb: {  	s0 =	sor.u32 s1, s0  }
0xbc: {  	s0 =	sadd.s32 $0x8F2B, s0  }
0xbd: {  	[sflag:s0] =	ssyncadd.remote.s32 $0x1  }
0xbe: {  	_ =	sfence.sel $0xFFFF  }
0xbf: {  	[dreg:$0x0] =	wrdreg $0xFFFFFFFF;
	(pc) =	sbr.abs _section_cstart, $3  }
0xc0: {  	[dreg:$0x1] =	wrdreg $0xFFFFFFFF  }
0xc1: {  	_ =	task.clear_ibuf [dreg:s7], $0x2FFFF;
	_ =	strace $0x9FFFFFFF  }
0xc2: {  	(tm) =	ssettm $0x7FFFFFFF  }
0xc3: {  	_ =	shalt  }
tec
execute0_lowered:
.L_overlay_start_1:
0x0: {  	(tag) =	ssettag $0x1  }
0x1: {  	s0 =	srdreg.scid;
	s2 =	stileid.u32  }
0x2: {  	s0 =	sand.u32 $0x1, s0;
	s2 =	sshll.u32 s2, $0x1  }
0x3: {  	s1 =	rddreg [dreg:$0x0];
	s2 =	sor.u32 s0, s2  }
0x4: {  	s4 =	rddreg [dreg:$0x1];
	s8 =	simm.s32 $0x0;
	s3 =	smul.u32 $0xC80, s2  }
0x5: {  	[smem:$0x7FF] =	sst s8;
	s0 =	ssub.s32 $0x2, s0;
	s5 =	smul.u32 $0x190000, s2  }
0x6: {  	_ =	strace $0x80000047;
	s7 =	sshrl.u32 s0, $0x1;
	s2 =	smul.u32 $0x32000, s2  }
0x7: {  	s0 =	ssub.s32 s0, s7;
	s6 =	sadd.s32 s3, s1;
	s5 =	sshrl.u32 s5, $0x3  }
0x8: {  	s3 =	sadd.s32 $0x800, s1;
	s2 =	sadd.s32 s4, s2;
	s31 =	smax.u32 s0, $0x1  }
0x9: {  	s1 =	simm.s32 $0x2;
	s0 =	simm.s32 $0x400;
	s10 =	sadd.s32 s4, s5  }
0xa: {  	s21 =	sadd.s32 $0xA00, s6;
	[dreg:$0x4] =	wrdreg s2;
	s2 =	simm.s32 $0x6400  }
0xb: {  	s4 =	simm.s32 $0x6800;
	s5 =	simm.s32 $0x1;
	s6 =	simm.s32 $0x0  }
0xc: {  	[dreg:$0x3] =	wrdreg s21;
	s22 =	sadd.s32 $0x2000, s10;
	s23 =	sadd.s32 $0x4000, s10  }
0xd: {  	s24 =	sadd.s32 $0x6000, s10;
	s25 =	sadd.s32 $0x8000, s10;
	s26 =	sadd.s32 $0xA000, s10  }
0xe: {  	s11 =	sadd.s32 $0xC000, s10;
	s12 =	sadd.s32 $0xE000, s10;
	s13 =	sadd.s32 $0x10000, s10  }
0xf: {  	s14 =	sadd.s32 $0x12000, s10;
	s15 =	sadd.s32 $0x14000, s10;
	s16 =	sadd.s32 $0x16000, s10  }
0x10: {  	s17 =	sadd.s32 $0x18000, s10;
	s18 =	sadd.s32 $0x1A000, s10;
	[dreg:$0x5] =	wrdreg s22  }
0x11: {  	s19 =	sadd.s32 $0x1C000, s10;
	s20 =	sadd.s32 $0x1E000, s10;
	[dreg:$0x6] =	wrdreg s23  }
0x12: {  	s21 =	sadd.s32 $0x20000, s10;
	s28 =	sadd.s32 $0x2C000, s10;
	[dreg:$0x7] =	wrdreg s24  }
0x13: {  	s29 =	sadd.s32 $0x2E000, s10;
	s30 =	sadd.s32 $0x30000, s10;
	[dreg:$0x8] =	wrdreg s25  }
0x14: {  	[dreg:$0x9] =	wrdreg s26;
	s22 =	sadd.s32 $0x22000, s10;
	s23 =	sadd.s32 $0x24000, s10  }
0x15: {  	v0 =	vimm.s32 $0x0;
	s24 =	sadd.s32 $0x26000, s10;
	s25 =	sadd.s32 $0x28000, s10;
	s26 =	sadd.s32 $0x2A000, s10  }
.LBB2_1:
0x16: {  	s7 =	rddreg [dreg:$0x3]  }
0x17: {  	[tilespmem:s8], [sflag:$0x2] =	stream.linear.gather [hbm4b:s7+s8], $0x6400, $0x38;
	[tilespmem:$0x16800] =	vst v63  }
0x18: {  	_ =	swait.ge [sflag:s1], $0x6400  }
0x19: {  	[sflag:s1] =	ssyncset.done $0x0  }
0x1a: {  	s7 =	simm.s32 $0x0;
	[sflag:s1] =	ssyncadd.s32 $0xFFFF9C00  }
0x1b: {  	v1 =	vld [tilespmem:s7+$0x0];
	_ =	sdelay $0x4  }
0x1c: {  	vm0 =	vgt.s32 v1, $0xEA5F;
	vm1 =	vgt.s32 v1, $0x493DF  }
0x1d: {  	s8 =	simm.s32 $0x10;
	vm12 =	vgt.s32 v1, $0x1B773F;
	vm13 =	vgt.s32 v1, $0x6DDCFF;
	vm14 =	vgt.s32 v1, $0x5265BFF  }
0x1e: {  	vm15 =	vgt.s32 v1, $0x240C83FF;
	v1 =	vld [tilespmem:s8+$0x0];
	v2 =	vsel vm0, $0x1, v0;
	v3 =	vsel vm1, $0x1, v0  }
0x1f: {  	v2 =	vadd.s32 v3, v2;
	v3 =	vsel vm12, $0x1, v0  }
0x20: {  	v2 =	vadd.s32 v3, v2;
	v3 =	vsel vm13, $0x1, v0  }
0x21: {  	v2 =	vadd.s32 v3, v2;
	v3 =	vsel vm14, $0x1, v0  }
0x22: {  	s9 =	simm.s32 $0x80;
	v2 =	vadd.s32 v3, v2;
	v3 =	vsel vm15, $0x1, v0  }
.LBB2_2:
0x23: {  	s10 =	sshra.s32 s9, $0x2;
	p0 =	sne.s32 s9, $0xFC0;
	s9 =	sadd.s32 $0x40, s9;
	vm0 =	vgt.s32 v1, $0xEA5F;
	vm1 =	vgt.s32 v1, $0x493DF;
	v2 =	vadd.s32 v3, v2;
	v3 =	vmovc v1  }
.Ltmp0:
0x24: {  	v1 =	vld [tilespmem:s10+$0x0];
	v4 =	vsel vm0, $0x1, v0;
	v5 =	vsel vm1, $0x1, v0;
	vm0 =	vgt.s32 v3, $0x1B773F;
	[tilespmem:s7+$0x6400] =	vst v2;
	s7 =	smov.u32 s8;
	s8 =	smov.u32 s10;
	(pc) =	sbr.rel @p0 .LBB2_2-.Ltmp0, $4  }
0x25: {  	v2 =	vadd.s32 v5, v4;
	v4 =	vsel vm0, $0x1, v0;
	vm0 =	vgt.s32 v3, $0x6DDCFF  }
0x26: {  	v2 =	vadd.s32 v4, v2;
	v4 =	vsel vm0, $0x1, v0;
	vm0 =	vgt.s32 v3, $0x5265BFF  }
0x27: {  	v2 =	vadd.s32 v4, v2;
	v4 =	vsel vm0, $0x1, v0;
	vm0 =	vgt.s32 v3, $0x240C83FF  }
0x28: {  	v2 =	vadd.s32 v4, v2;
	v3 =	vsel vm0, $0x1, v0  }
0x29: {  	vm0 =	vgt.s32 v1, $0xEA5F;
	vm1 =	vgt.s32 v1, $0x493DF  }
0x2a: {  	vm6 =	vgt.s32 v1, $0x1B773F;
	v4 =	vsel vm0, $0x1, v0;
	v5 =	vsel vm1, $0x1, v0  }
0x2b: {  	vm7 =	vgt.s32 v1, $0x6DDCFF;
	v4 =	vadd.s32 v5, v4;
	v5 =	vsel vm6, $0x1, v0  }
0x2c: {  	vm8 =	vgt.s32 v1, $0x5265BFF;
	v4 =	vadd.s32 v5, v4;
	v5 =	vsel vm7, $0x1, v0  }
0x2d: {  	vm9 =	vgt.s32 v1, $0x240C83FF;
	v1 =	vsel vm8, $0x1, v0;
	v4 =	vadd.s32 v5, v4  }
0x2e: {  	v2 =	vadd.s32 v3, v2;
	v3 =	vsel vm9, $0x1, v0;
	v1 =	vadd.s32 v1, v4  }
0x2f: {  	[tilespmem:s7+$0x6400] =	vst v2;
	v1 =	vadd.s32 v3, v1  }
0x30: {  	[tilespmem:s8+$0x6400] =	vst v1  }
0x31: {  	[tilespmem:s4], [sflag:$0x1] =	stream.indirect.gather [hbm4b:s3+s0], $0x40, s2, s0, $0xb8;
	[tilespmem:$0x16800] =	vst v63  }
0x32: {  	_ =	swait.ge [sflag:s5], $0x10000  }
0x33: {  	[sflag:s5] =	ssyncset.done $0x0  }
0x34: {  	s9 =	simm.s32 $0x0;
	s10 =	rddreg [dreg:$0x4];
	[sflag:s5] =	ssyncadd.s32 $0xFFFF0000  }
0x35: {  	[hbm4b:s10+s9] =	stream.linear.scatter [tilespmem:s4], [sflag:$0x2], $0x10000, $0x38;
	[tilespmem:$0x16800] =	vst v63  }
0x36: {  	_ =	swait.ge [sflag:s1], $0x10000  }
0x37: {  	[sflag:s1] =	ssyncset.done $0x0  }
0x38: {  	s7 =	simm.s32 $0x0;
	[sflag:s1] =	ssyncadd.s32 $0xFFFF0000  }
0x39: {  	v1 =	vld [tilespmem:s7+$0x400];
	_ =	sdelay $0x4  }
0x3a: {  	vm10 =	vgt.s32 v1, $0xEA5F;
	vm11 =	vgt.s32 v1, $0x493DF  }
0x3b: {  	s8 =	simm.s32 $0x10;
	vm12 =	vgt.s32 v1, $0x1B773F;
	vm13 =	vgt.s32 v1, $0x6DDCFF;
	vm14 =	vgt.s32 v1, $0x5265BFF  }
0x3c: {  	vm15 =	vgt.s32 v1, $0x240C83FF;
	v1 =	vld [tilespmem:s8+$0x400];
	v2 =	vsel vm10, $0x1, v0;
	v3 =	vsel vm11, $0x1, v0  }
0x3d: {  	v2 =	vadd.s32 v3, v2;
	v3 =	vsel vm12, $0x1, v0  }
0x3e: {  	v2 =	vadd.s32 v3, v2;
	v3 =	vsel vm13, $0x1, v0  }
0x3f: {  	v2 =	vadd.s32 v3, v2;
	v3 =	vsel vm14, $0x1, v0  }
0x40: {  	s9 =	simm.s32 $0x80;
	v2 =	vadd.s32 v3, v2;
	v3 =	vsel vm15, $0x1, v0  }
.LBB2_4:
0x41: {  	s10 =	sshra.s32 s9, $0x2;
	p0 =	sne.s32 s9, $0xFC0;
	s9 =	sadd.s32 $0x40, s9;
	vm0 =	vgt.s32 v1, $0xEA5F;
	vm1 =	vgt.s32 v1, $0x493DF;
	v2 =	vadd.s32 v3, v2;
	v3 =	vmovc v1  }
.Ltmp1:
0x42: {  	v1 =	vld [tilespmem:s10+$0x400];
	v4 =	vsel vm0, $0x1, v0;
	v5 =	vsel vm1, $0x1, v0;
	vm0 =	vgt.s32 v3, $0x1B773F;
	[tilespmem:s7+$0x6400] =	vst v2;
	s7 =	smov.u32 s8;
	s8 =	smov.u32 s10;
	(pc) =	sbr.rel @p0 .LBB2_4-.Ltmp1, $4  }
0x43: {  	v2 =	vadd.s32 v5, v4;
	v4 =	vsel vm0, $0x1, v0;
	vm0 =	vgt.s32 v3, $0x6DDCFF  }
0x44: {  	v2 =	vadd.s32 v4, v2;
	v4 =	vsel vm0, $0x1, v0;
	vm0 =	vgt.s32 v3, $0x5265BFF  }
0x45: {  	v2 =	vadd.s32 v4, v2;
	v4 =	vsel vm0, $0x1, v0;
	vm0 =	vgt.s32 v3, $0x240C83FF  }
0x46: {  	v2 =	vadd.s32 v4, v2;
	v3 =	vsel vm0, $0x1, v0  }
0x47: {  	vm0 =	vgt.s32 v1, $0xEA5F;
	vm1 =	vgt.s32 v1, $0x493DF  }
0x48: {  	vm6 =	vgt.s32 v1, $0x1B773F;
	v4 =	vsel vm0, $0x1, v0;
	v5 =	vsel vm1, $0x1, v0  }
0x49: {  	vm7 =	vgt.s32 v1, $0x6DDCFF;
	v4 =	vadd.s32 v5, v4;
	v5 =	vsel vm6, $0x1, v0  }
0x4a: {  	vm8 =	vgt.s32 v1, $0x5265BFF;
	v4 =	vadd.s32 v5, v4;
	v5 =	vsel vm7, $0x1, v0  }
0x4b: {  	vm9 =	vgt.s32 v1, $0x240C83FF;
	v1 =	vsel vm8, $0x1, v0;
	v4 =	vadd.s32 v5, v4  }
0x4c: {  	v2 =	vadd.s32 v3, v2;
	v3 =	vsel vm9, $0x1, v0;
	v1 =	vadd.s32 v1, v4  }
0x4d: {  	[tilespmem:s7+$0x6400] =	vst v2;
	v1 =	vadd.s32 v3, v1  }
0x4e: {  	[tilespmem:s8+$0x6400] =	vst v1  }
0x4f: {  	[tilespmem:s4], [sflag:$0x1] =	stream.indirect.gather [hbm4b:s3+s0], $0x40, s2, s0, $0xb8;
	[tilespmem:$0x16800] =	vst v63  }
0x50: {  	_ =	swait.ge [sflag:s5], $0x10000  }
0x51: {  	[sflag:s5] =	ssyncset.done $0x0  }
0x52: {  	s9 =	simm.s32 $0x0;
	s10 =	rddreg [dreg:$0x5];
	[sflag:s5] =	ssyncadd.s32 $0xFFFF0000  }
0x53: {  	[hbm4b:s10+s9] =	stream.linear.scatter [tilespmem:s4], [sflag:$0x2], $0x10000, $0x38;
	[tilespmem:$0x16800] =	vst v63  }
0x54: {  	_ =	swait.ge [sflag:s1], $0x10000  }
0x55: {  	[sflag:s1] =	ssyncset.done $0x0  }
0x56: {  	s7 =	simm.s32 $0x0;
	[sflag:s1] =	ssyncadd.s32 $0xFFFF0000  }
0x57: {  	v1 =	vld [tilespmem:s7+$0x800];
	_ =	sdelay $0x4  }
0x58: {  	vm10 =	vgt.s32 v1, $0xEA5F;
	vm11 =	vgt.s32 v1, $0x493DF  }
0x59: {  	s8 =	simm.s32 $0x10;
	vm12 =	vgt.s32 v1, $0x1B773F;
	vm13 =	vgt.s32 v1, $0x6DDCFF;
	vm14 =	vgt.s32 v1, $0x5265BFF  }
0x5a: {  	vm15 =	vgt.s32 v1, $0x240C83FF;
	v1 =	vld [tilespmem:s8+$0x800];
	v2 =	vsel vm10, $0x1, v0;
	v3 =	vsel vm11, $0x1, v0  }
0x5b: {  	v2 =	vadd.s32 v3, v2;
	v3 =	vsel vm12, $0x1, v0  }
0x5c: {  	v2 =	vadd.s32 v3, v2;
	v3 =	vsel vm13, $0x1, v0  }
0x5d: {  	v2 =	vadd.s32 v3, v2;
	v3 =	vsel vm14, $0x1, v0  }
0x5e: {  	s9 =	simm.s32 $0x80;
	v2 =	vadd.s32 v3, v2;
	v3 =	vsel vm15, $0x1, v0  }
.LBB2_6:
0x5f: {  	s10 =	sshra.s32 s9, $0x2;
	p0 =	sne.s32 s9, $0xFC0;
	s9 =	sadd.s32 $0x40, s9;
	vm0 =	vgt.s32 v1, $0xEA5F;
	vm1 =	vgt.s32 v1, $0x493DF;
	v2 =	vadd.s32 v3, v2;
	v3 =	vmovc v1  }
.Ltmp2:
0x60: {  	v1 =	vld [tilespmem:s10+$0x800];
	v4 =	vsel vm0, $0x1, v0;
	v5 =	vsel vm1, $0x1, v0;
	vm0 =	vgt.s32 v3, $0x1B773F;
	[tilespmem:s7+$0x6400] =	vst v2;
	s7 =	smov.u32 s8;
	s8 =	smov.u32 s10;
	(pc) =	sbr.rel @p0 .LBB2_6-.Ltmp2, $4  }
0x61: {  	v2 =	vadd.s32 v5, v4;
	v4 =	vsel vm0, $0x1, v0;
	vm0 =	vgt.s32 v3, $0x6DDCFF  }
0x62: {  	v2 =	vadd.s32 v4, v2;
	v4 =	vsel vm0, $0x1, v0;
	vm0 =	vgt.s32 v3, $0x5265BFF  }
0x63: {  	v2 =	vadd.s32 v4, v2;
	v4 =	vsel vm0, $0x1, v0;
	vm0 =	vgt.s32 v3, $0x240C83FF  }
0x64: {  	v2 =	vadd.s32 v4, v2;
	v3 =	vsel vm0, $0x1, v0  }
0x65: {  	vm0 =	vgt.s32 v1, $0xEA5F;
	vm1 =	vgt.s32 v1, $0x493DF  }
0x66: {  	vm6 =	vgt.s32 v1, $0x1B773F;
	v4 =	vsel vm0, $0x1, v0;
	v5 =	vsel vm1, $0x1, v0  }
0x67: {  	vm7 =	vgt.s32 v1, $0x6DDCFF;
	v4 =	vadd.s32 v5, v4;
	v5 =	vsel vm6, $0x1, v0  }
0x68: {  	vm8 =	vgt.s32 v1, $0x5265BFF;
	v4 =	vadd.s32 v5, v4;
	v5 =	vsel vm7, $0x1, v0  }
0x69: {  	vm9 =	vgt.s32 v1, $0x240C83FF;
	v1 =	vsel vm8, $0x1, v0;
	v4 =	vadd.s32 v5, v4  }
0x6a: {  	v2 =	vadd.s32 v3, v2;
	v3 =	vsel vm9, $0x1, v0;
	v1 =	vadd.s32 v1, v4  }
0x6b: {  	[tilespmem:s7+$0x6400] =	vst v2;
	v1 =	vadd.s32 v3, v1  }
0x6c: {  	[tilespmem:s8+$0x6400] =	vst v1  }
0x6d: {  	[tilespmem:s4], [sflag:$0x1] =	stream.indirect.gather [hbm4b:s3+s0], $0x40, s2, s0, $0xb8;
	[tilespmem:$0x16800] =	vst v63  }
0x6e: {  	_ =	swait.ge [sflag:s5], $0x10000  }
0x6f: {  	[sflag:s5] =	ssyncset.done $0x0  }
0x70: {  	s9 =	simm.s32 $0x0;
	s10 =	rddreg [dreg:$0x6];
	[sflag:s5] =	ssyncadd.s32 $0xFFFF0000  }
0x71: {  	[hbm4b:s10+s9] =	stream.linear.scatter [tilespmem:s4], [sflag:$0x2], $0x10000, $0x38;
	[tilespmem:$0x16800] =	vst v63  }
0x72: {  	_ =	swait.ge [sflag:s1], $0x10000  }
0x73: {  	[sflag:s1] =	ssyncset.done $0x0  }
0x74: {  	s7 =	simm.s32 $0x0;
	[sflag:s1] =	ssyncadd.s32 $0xFFFF0000  }
0x75: {  	v1 =	vld [tilespmem:s7+$0xC00];
	_ =	sdelay $0x4  }
0x76: {  	vm10 =	vgt.s32 v1, $0xEA5F;
	vm11 =	vgt.s32 v1, $0x493DF  }
0x77: {  	s8 =	simm.s32 $0x10;
	vm12 =	vgt.s32 v1, $0x1B773F;
	vm13 =	vgt.s32 v1, $0x6DDCFF;
	vm14 =	vgt.s32 v1, $0x5265BFF  }
0x78: {  	vm15 =	vgt.s32 v1, $0x240C83FF;
	v1 =	vld [tilespmem:s8+$0xC00];
	v2 =	vsel vm10, $0x1, v0;
	v3 =	vsel vm11, $0x1, v0  }
0x79: {  	v2 =	vadd.s32 v3, v2;
	v3 =	vsel vm12, $0x1, v0  }
0x7a: {  	v2 =	vadd.s32 v3, v2;
	v3 =	vsel vm13, $0x1, v0  }
0x7b: {  	v2 =	vadd.s32 v3, v2;
	v3 =	vsel vm14, $0x1, v0  }
0x7c: {  	s9 =	simm.s32 $0x80;
	v2 =	vadd.s32 v3, v2;
	v3 =	vsel vm15, $0x1, v0  }
.LBB2_8:
0x7d: {  	s10 =	sshra.s32 s9, $0x2;
	p0 =	sne.s32 s9, $0xFC0;
	s9 =	sadd.s32 $0x40, s9;
	vm0 =	vgt.s32 v1, $0xEA5F;
	vm1 =	vgt.s32 v1, $0x493DF;
	v2 =	vadd.s32 v3, v2;
	v3 =	vmovc v1  }
.Ltmp3:
0x7e: {  	v1 =	vld [tilespmem:s10+$0xC00];
	v4 =	vsel vm0, $0x1, v0;
	v5 =	vsel vm1, $0x1, v0;
	vm0 =	vgt.s32 v3, $0x1B773F;
	[tilespmem:s7+$0x6400] =	vst v2;
	s7 =	smov.u32 s8;
	s8 =	smov.u32 s10;
	(pc) =	sbr.rel @p0 .LBB2_8-.Ltmp3, $4  }
0x7f: {  	v2 =	vadd.s32 v5, v4;
	v4 =	vsel vm0, $0x1, v0;
	vm0 =	vgt.s32 v3, $0x6DDCFF  }
0x80: {  	v2 =	vadd.s32 v4, v2;
	v4 =	vsel vm0, $0x1, v0;
	vm0 =	vgt.s32 v3, $0x5265BFF  }
0x81: {  	v2 =	vadd.s32 v4, v2;
	v4 =	vsel vm0, $0x1, v0;
	vm0 =	vgt.s32 v3, $0x240C83FF  }
0x82: {  	v2 =	vadd.s32 v4, v2;
	v3 =	vsel vm0, $0x1, v0  }
0x83: {  	vm0 =	vgt.s32 v1, $0xEA5F;
	vm1 =	vgt.s32 v1, $0x493DF  }
0x84: {  	vm6 =	vgt.s32 v1, $0x1B773F;
	v4 =	vsel vm0, $0x1, v0;
	v5 =	vsel vm1, $0x1, v0  }
0x85: {  	vm7 =	vgt.s32 v1, $0x6DDCFF;
	v4 =	vadd.s32 v5, v4;
	v5 =	vsel vm6, $0x1, v0  }
0x86: {  	vm8 =	vgt.s32 v1, $0x5265BFF;
	v4 =	vadd.s32 v5, v4;
	v5 =	vsel vm7, $0x1, v0  }
0x87: {  	vm9 =	vgt.s32 v1, $0x240C83FF;
	v1 =	vsel vm8, $0x1, v0;
	v4 =	vadd.s32 v5, v4  }
0x88: {  	v2 =	vadd.s32 v3, v2;
	v3 =	vsel vm9, $0x1, v0;
	v1 =	vadd.s32 v1, v4  }
0x89: {  	[tilespmem:s7+$0x6400] =	vst v2;
	v1 =	vadd.s32 v3, v1  }
0x8a: {  	[tilespmem:s8+$0x6400] =	vst v1  }
0x8b: {  	[tilespmem:s4], [sflag:$0x1] =	stream.indirect.gather [hbm4b:s3+s0], $0x40, s2, s0, $0xb8;
	[tilespmem:$0x16800] =	vst v63  }
0x8c: {  	_ =	swait.ge [sflag:s5], $0x10000  }
0x8d: {  	[sflag:s5] =	ssyncset.done $0x0  }
0x8e: {  	s9 =	simm.s32 $0x0;
	s10 =	rddreg [dreg:$0x7];
	[sflag:s5] =	ssyncadd.s32 $0xFFFF0000  }
0x8f: {  	[hbm4b:s10+s9] =	stream.linear.scatter [tilespmem:s4], [sflag:$0x2], $0x10000, $0x38;
	[tilespmem:$0x16800] =	vst v63  }
0x90: {  	_ =	swait.ge [sflag:s1], $0x10000  }
0x91: {  	[sflag:s1] =	ssyncset.done $0x0  }
0x92: {  	s7 =	simm.s32 $0x0;
	[sflag:s1] =	ssyncadd.s32 $0xFFFF0000  }
0x93: {  	v1 =	vld [tilespmem:s7+$0x1000];
	_ =	sdelay $0x4  }
0x94: {  	vm10 =	vgt.s32 v1, $0xEA5F;
	vm11 =	vgt.s32 v1, $0x493DF  }
0x95: {  	s8 =	simm.s32 $0x10;
	vm12 =	vgt.s32 v1, $0x1B773F;
	vm13 =	vgt.s32 v1, $0x6DDCFF;
	vm14 =	vgt.s32 v1, $0x5265BFF  }
0x96: {  	vm15 =	vgt.s32 v1, $0x240C83FF;
	v1 =	vld [tilespmem:s8+$0x1000];
	v2 =	vsel vm10, $0x1, v0;
	v3 =	vsel vm11, $0x1, v0  }
0x97: {  	v2 =	vadd.s32 v3, v2;
	v3 =	vsel vm12, $0x1, v0  }
0x98: {  	v2 =	vadd.s32 v3, v2;
	v3 =	vsel vm13, $0x1, v0  }
0x99: {  	v2 =	vadd.s32 v3, v2;
	v3 =	vsel vm14, $0x1, v0  }
0x9a: {  	s9 =	simm.s32 $0x80;
	v2 =	vadd.s32 v3, v2;
	v3 =	vsel vm15, $0x1, v0  }
.LBB2_10:
0x9b: {  	s10 =	sshra.s32 s9, $0x2;
	p0 =	sne.s32 s9, $0xFC0;
	s9 =	sadd.s32 $0x40, s9;
	vm0 =	vgt.s32 v1, $0xEA5F;
	vm1 =	vgt.s32 v1, $0x493DF;
	v2 =	vadd.s32 v3, v2;
	v3 =	vmovc v1  }
.Ltmp4:
0x9c: {  	v1 =	vld [tilespmem:s10+$0x1000];
	v4 =	vsel vm0, $0x1, v0;
	v5 =	vsel vm1, $0x1, v0;
	vm0 =	vgt.s32 v3, $0x1B773F;
	[tilespmem:s7+$0x6400] =	vst v2;
	s7 =	smov.u32 s8;
	s8 =	smov.u32 s10;
	(pc) =	sbr.rel @p0 .LBB2_10-.Ltmp4, $4  }
0x9d: {  	v2 =	vadd.s32 v5, v4;
	v4 =	vsel vm0, $0x1, v0;
	vm0 =	vgt.s32 v3, $0x6DDCFF  }
0x9e: {  	v2 =	vadd.s32 v4, v2;
	v4 =	vsel vm0, $0x1, v0;
	vm0 =	vgt.s32 v3, $0x5265BFF  }
0x9f: {  	v2 =	vadd.s32 v4, v2;
	v4 =	vsel vm0, $0x1, v0;
	vm0 =	vgt.s32 v3, $0x240C83FF  }
0xa0: {  	v2 =	vadd.s32 v4, v2;
	v3 =	vsel vm0, $0x1, v0  }
0xa1: {  	vm0 =	vgt.s32 v1, $0xEA5F;
	vm1 =	vgt.s32 v1, $0x493DF  }
0xa2: {  	vm6 =	vgt.s32 v1, $0x1B773F;
	v4 =	vsel vm0, $0x1, v0;
	v5 =	vsel vm1, $0x1, v0  }
0xa3: {  	vm7 =	vgt.s32 v1, $0x6DDCFF;
	v4 =	vadd.s32 v5, v4;
	v5 =	vsel vm6, $0x1, v0  }
0xa4: {  	vm8 =	vgt.s32 v1, $0x5265BFF;
	v4 =	vadd.s32 v5, v4;
	v5 =	vsel vm7, $0x1, v0  }
0xa5: {  	vm9 =	vgt.s32 v1, $0x240C83FF;
	v1 =	vsel vm8, $0x1, v0;
	v4 =	vadd.s32 v5, v4  }
0xa6: {  	v2 =	vadd.s32 v3, v2;
	v3 =	vsel vm9, $0x1, v0;
	v1 =	vadd.s32 v1, v4  }
0xa7: {  	[tilespmem:s7+$0x6400] =	vst v2;
	v1 =	vadd.s32 v3, v1  }
0xa8: {  	[tilespmem:s8+$0x6400] =	vst v1  }
0xa9: {  	[tilespmem:s4], [sflag:$0x1] =	stream.indirect.gather [hbm4b:s3+s0], $0x40, s2, s0, $0xb8;
	[tilespmem:$0x16800] =	vst v63  }
0xaa: {  	_ =	swait.ge [sflag:s5], $0x10000  }
0xab: {  	[sflag:s5] =	ssyncset.done $0x0  }
0xac: {  	s9 =	simm.s32 $0x0;
	s10 =	rddreg [dreg:$0x8];
	[sflag:s5] =	ssyncadd.s32 $0xFFFF0000  }
0xad: {  	[hbm4b:s10+s9] =	stream.linear.scatter [tilespmem:s4], [sflag:$0x2], $0x10000, $0x38;
	[tilespmem:$0x16800] =	vst v63  }
0xae: {  	_ =	swait.ge [sflag:s1], $0x10000  }
0xaf: {  	[sflag:s1] =	ssyncset.done $0x0  }
0xb0: {  	s7 =	simm.s32 $0x0;
	[sflag:s1] =	ssyncadd.s32 $0xFFFF0000  }
0xb1: {  	v1 =	vld [tilespmem:s7+$0x1400];
	_ =	sdelay $0x4  }
0xb2: {  	vm10 =	vgt.s32 v1, $0xEA5F;
	vm11 =	vgt.s32 v1, $0x493DF  }
0xb3: {  	s8 =	simm.s32 $0x10;
	vm12 =	vgt.s32 v1, $0x1B773F;
	vm13 =	vgt.s32 v1, $0x6DDCFF;
	vm14 =	vgt.s32 v1, $0x5265BFF  }
0xb4: {  	vm15 =	vgt.s32 v1, $0x240C83FF;
	v1 =	vld [tilespmem:s8+$0x1400];
	v2 =	vsel vm10, $0x1, v0;
	v3 =	vsel vm11, $0x1, v0  }
0xb5: {  	v2 =	vadd.s32 v3, v2;
	v3 =	vsel vm12, $0x1, v0  }
0xb6: {  	v2 =	vadd.s32 v3, v2;
	v3 =	vsel vm13, $0x1, v0  }
0xb7: {  	v2 =	vadd.s32 v3, v2;
	v3 =	vsel vm14, $0x1, v0  }
0xb8: {  	s9 =	simm.s32 $0x80;
	v2 =	vadd.s32 v3, v2;
	v3 =	vsel vm15, $0x1, v0  }
.LBB2_12:
0xb9: {  	s10 =	sshra.s32 s9, $0x2;
	p0 =	sne.s32 s9, $0xFC0;
	s9 =	sadd.s32 $0x40, s9;
	vm0 =	vgt.s32 v1, $0xEA5F;
	vm1 =	vgt.s32 v1, $0x493DF;
	v2 =	vadd.s32 v3, v2;
	v3 =	vmovc v1  }
.Ltmp5:
0xba: {  	v1 =	vld [tilespmem:s10+$0x1400];
	v4 =	vsel vm0, $0x1, v0;
	v5 =	vsel vm1, $0x1, v0;
	vm0 =	vgt.s32 v3, $0x1B773F;
	[tilespmem:s7+$0x6400] =	vst v2;
	s7 =	smov.u32 s8;
	s8 =	smov.u32 s10;
	(pc) =	sbr.rel @p0 .LBB2_12-.Ltmp5, $4  }
0xbb: {  	v2 =	vadd.s32 v5, v4;
	v4 =	vsel vm0, $0x1, v0;
	vm0 =	vgt.s32 v3, $0x6DDCFF  }
0xbc: {  	v2 =	vadd.s32 v4, v2;
	v4 =	vsel vm0, $0x1, v0;
	vm0 =	vgt.s32 v3, $0x5265BFF  }
0xbd: {  	v2 =	vadd.s32 v4, v2;
	v4 =	vsel vm0, $0x1, v0;
	vm0 =	vgt.s32 v3, $0x240C83FF  }
0xbe: {  	v2 =	vadd.s32 v4, v2;
	v3 =	vsel vm0, $0x1, v0  }
0xbf: {  	vm0 =	vgt.s32 v1, $0xEA5F;
	vm1 =	vgt.s32 v1, $0x493DF  }
0xc0: {  	vm6 =	vgt.s32 v1, $0x1B773F;
	v4 =	vsel vm0, $0x1, v0;
	v5 =	vsel vm1, $0x1, v0  }
0xc1: {  	vm7 =	vgt.s32 v1, $0x6DDCFF;
	v4 =	vadd.s32 v5, v4;
	v5 =	vsel vm6, $0x1, v0  }
0xc2: {  	vm8 =	vgt.s32 v1, $0x5265BFF;
	v4 =	vadd.s32 v5, v4;
	v5 =	vsel vm7, $0x1, v0  }
0xc3: {  	vm9 =	vgt.s32 v1, $0x240C83FF;
	v1 =	vsel vm8, $0x1, v0;
	v4 =	vadd.s32 v5, v4  }
0xc4: {  	v2 =	vadd.s32 v3, v2;
	v3 =	vsel vm9, $0x1, v0;
	v1 =	vadd.s32 v1, v4  }
0xc5: {  	[tilespmem:s7+$0x6400] =	vst v2;
	v1 =	vadd.s32 v3, v1  }
0xc6: {  	[tilespmem:s8+$0x6400] =	vst v1  }
0xc7: {  	[tilespmem:s4], [sflag:$0x1] =	stream.indirect.gather [hbm4b:s3+s0], $0x40, s2, s0, $0xb8;
	[tilespmem:$0x16800] =	vst v63  }
0xc8: {  	_ =	swait.ge [sflag:s5], $0x10000  }
0xc9: {  	[sflag:s5] =	ssyncset.done $0x0  }
0xca: {  	s9 =	simm.s32 $0x0;
	s10 =	rddreg [dreg:$0x9];
	[sflag:s5] =	ssyncadd.s32 $0xFFFF0000  }
0xcb: {  	[hbm4b:s10+s9] =	stream.linear.scatter [tilespmem:s4], [sflag:$0x2], $0x10000, $0x38;
	[tilespmem:$0x16800] =	vst v63  }
0xcc: {  	_ =	swait.ge [sflag:s1], $0x10000  }
0xcd: {  	[sflag:s1] =	ssyncset.done $0x0  }
0xce: {  	s7 =	simm.s32 $0x0;
	[sflag:s1] =	ssyncadd.s32 $0xFFFF0000  }
0xcf: {  	v1 =	vld [tilespmem:s7+$0x1800];
	_ =	sdelay $0x4  }
0xd0: {  	vm10 =	vgt.s32 v1, $0xEA5F;
	vm11 =	vgt.s32 v1, $0x493DF  }
0xd1: {  	s8 =	simm.s32 $0x10;
	vm12 =	vgt.s32 v1, $0x1B773F;
	vm13 =	vgt.s32 v1, $0x6DDCFF;
	vm14 =	vgt.s32 v1, $0x5265BFF  }
0xd2: {  	vm15 =	vgt.s32 v1, $0x240C83FF;
	v1 =	vld [tilespmem:s8+$0x1800];
	v2 =	vsel vm10, $0x1, v0;
	v3 =	vsel vm11, $0x1, v0  }
0xd3: {  	v2 =	vadd.s32 v3, v2;
	v3 =	vsel vm12, $0x1, v0  }
0xd4: {  	v2 =	vadd.s32 v3, v2;
	v3 =	vsel vm13, $0x1, v0  }
0xd5: {  	v2 =	vadd.s32 v3, v2;
	v3 =	vsel vm14, $0x1, v0  }
0xd6: {  	s9 =	simm.s32 $0x80;
	v2 =	vadd.s32 v3, v2;
	v3 =	vsel vm15, $0x1, v0  }
.LBB2_14:
0xd7: {  	s10 =	sshra.s32 s9, $0x2;
	p0 =	sne.s32 s9, $0xFC0;
	s9 =	sadd.s32 $0x40, s9;
	vm0 =	vgt.s32 v1, $0xEA5F;
	vm1 =	vgt.s32 v1, $0x493DF;
	v2 =	vadd.s32 v3, v2;
	v3 =	vmovc v1  }
.Ltmp6:
0xd8: {  	v1 =	vld [tilespmem:s10+$0x1800];
	v4 =	vsel vm0, $0x1, v0;
	v5 =	vsel vm1, $0x1, v0;
	vm0 =	vgt.s32 v3, $0x1B773F;
	[tilespmem:s7+$0x6400] =	vst v2;
	s7 =	smov.u32 s8;
	s8 =	smov.u32 s10;
	(pc) =	sbr.rel @p0 .LBB2_14-.Ltmp6, $4  }
0xd9: {  	v2 =	vadd.s32 v5, v4;
	v4 =	vsel vm0, $0x1, v0;
	vm0 =	vgt.s32 v3, $0x6DDCFF  }
0xda: {  	v2 =	vadd.s32 v4, v2;
	v4 =	vsel vm0, $0x1, v0;
	vm0 =	vgt.s32 v3, $0x5265BFF  }
0xdb: {  	v2 =	vadd.s32 v4, v2;
	v4 =	vsel vm0, $0x1, v0;
	vm0 =	vgt.s32 v3, $0x240C83FF  }
0xdc: {  	v2 =	vadd.s32 v4, v2;
	v3 =	vsel vm0, $0x1, v0  }
0xdd: {  	vm0 =	vgt.s32 v1, $0xEA5F;
	vm1 =	vgt.s32 v1, $0x493DF  }
0xde: {  	vm6 =	vgt.s32 v1, $0x1B773F;
	v4 =	vsel vm0, $0x1, v0;
	v5 =	vsel vm1, $0x1, v0  }
0xdf: {  	vm7 =	vgt.s32 v1, $0x6DDCFF;
	v4 =	vadd.s32 v5, v4;
	v5 =	vsel vm6, $0x1, v0  }
0xe0: {  	vm8 =	vgt.s32 v1, $0x5265BFF;
	v4 =	vadd.s32 v5, v4;
	v5 =	vsel vm7, $0x1, v0  }
0xe1: {  	vm9 =	vgt.s32 v1, $0x240C83FF;
	v1 =	vsel vm8, $0x1, v0;
	v4 =	vadd.s32 v5, v4  }
0xe2: {  	v2 =	vadd.s32 v3, v2;
	v3 =	vsel vm9, $0x1, v0;
	v1 =	vadd.s32 v1, v4  }
0xe3: {  	[tilespmem:s7+$0x6400] =	vst v2;
	v1 =	vadd.s32 v3, v1  }
0xe4: {  	[tilespmem:s8+$0x6400] =	vst v1  }
0xe5: {  	[tilespmem:s4], [sflag:$0x1] =	stream.indirect.gather [hbm4b:s3+s0], $0x40, s2, s0, $0xb8;
	[tilespmem:$0x16800] =	vst v63  }
0xe6: {  	_ =	swait.ge [sflag:s5], $0x10000  }
0xe7: {  	[sflag:s5] =	ssyncset.done $0x0  }
0xe8: {  	s10 =	simm.s32 $0x0;
	[sflag:s5] =	ssyncadd.s32 $0xFFFF0000  }
0xe9: {  	[hbm4b:s11+s10] =	stream.linear.scatter [tilespmem:s4], [sflag:$0x2], $0x10000, $0x38;
	[tilespmem:$0x16800] =	vst v63  }
0xea: {  	_ =	swait.ge [sflag:s1], $0x10000  }
0xeb: {  	[sflag:s1] =	ssyncset.done $0x0  }
0xec: {  	s7 =	simm.s32 $0x0;
	[sflag:s1] =	ssyncadd.s32 $0xFFFF0000  }
0xed: {  	v1 =	vld [tilespmem:s7+$0x1C00];
	_ =	sdelay $0x4  }
0xee: {  	vm10 =	vgt.s32 v1, $0xEA5F;
	vm11 =	vgt.s32 v1, $0x493DF  }
0xef: {  	s8 =	simm.s32 $0x10;
	vm12 =	vgt.s32 v1, $0x1B773F;
	vm13 =	vgt.s32 v1, $0x6DDCFF;
	vm14 =	vgt.s32 v1, $0x5265BFF  }
0xf0: {  	vm15 =	vgt.s32 v1, $0x240C83FF;
	v1 =	vld [tilespmem:s8+$0x1C00];
	v2 =	vsel vm10, $0x1, v0;
	v3 =	vsel vm11, $0x1, v0  }
0xf1: {  	v2 =	vadd.s32 v3, v2;
	v3 =	vsel vm12, $0x1, v0  }
0xf2: {  	v2 =	vadd.s32 v3, v2;
	v3 =	vsel vm13, $0x1, v0  }
0xf3: {  	v2 =	vadd.s32 v3, v2;
	v3 =	vsel vm14, $0x1, v0  }
0xf4: {  	s9 =	simm.s32 $0x80;
	v2 =	vadd.s32 v3, v2;
	v3 =	vsel vm15, $0x1, v0  }
.LBB2_16:
0xf5: {  	s10 =	sshra.s32 s9, $0x2;
	p0 =	sne.s32 s9, $0xFC0;
	s9 =	sadd.s32 $0x40, s9;
	vm0 =	vgt.s32 v1, $0xEA5F;
	vm1 =	vgt.s32 v1, $0x493DF;
	v2 =	vadd.s32 v3, v2;
	v3 =	vmovc v1  }
.Ltmp7:
0xf6: {  	v1 =	vld [tilespmem:s10+$0x1C00];
	v4 =	vsel vm0, $0x1, v0;
	v5 =	vsel vm1, $0x1, v0;
	vm0 =	vgt.s32 v3, $0x1B773F;
	[tilespmem:s7+$0x6400] =	vst v2;
	s7 =	smov.u32 s8;
	s8 =	smov.u32 s10;
	(pc) =	sbr.rel @p0 .LBB2_16-.Ltmp7, $4  }
0xf7: {  	v2 =	vadd.s32 v5, v4;
	v4 =	vsel vm0, $0x1, v0;
	vm0 =	vgt.s32 v3, $0x6DDCFF  }
0xf8: {  	v2 =	vadd.s32 v4, v2;
	v4 =	vsel vm0, $0x1, v0;
	vm0 =	vgt.s32 v3, $0x5265BFF  }
0xf9: {  	v2 =	vadd.s32 v4, v2;
	v4 =	vsel vm0, $0x1, v0;
	vm0 =	vgt.s32 v3, $0x240C83FF  }
0xfa: {  	v2 =	vadd.s32 v4, v2;
	v3 =	vsel vm0, $0x1, v0  }
0xfb: {  	vm0 =	vgt.s32 v1, $0xEA5F;
	vm1 =	vgt.s32 v1, $0x493DF  }
0xfc: {  	vm6 =	vgt.s32 v1, $0x1B773F;
	v4 =	vsel vm0, $0x1, v0;
	v5 =	vsel vm1, $0x1, v0  }
0xfd: {  	vm7 =	vgt.s32 v1, $0x6DDCFF;
	v4 =	vadd.s32 v5, v4;
	v5 =	vsel vm6, $0x1, v0  }
0xfe: {  	vm8 =	vgt.s32 v1, $0x5265BFF;
	v4 =	vadd.s32 v5, v4;
	v5 =	vsel vm7, $0x1, v0  }
0xff: {  	vm9 =	vgt.s32 v1, $0x240C83FF;
	v1 =	vsel vm8, $0x1, v0;
	v4 =	vadd.s32 v5, v4  }
0x100: {  	v2 =	vadd.s32 v3, v2;
	v3 =	vsel vm9, $0x1, v0;
	v1 =	vadd.s32 v1, v4  }
0x101: {  	[tilespmem:s7+$0x6400] =	vst v2;
	v1 =	vadd.s32 v3, v1  }
0x102: {  	[tilespmem:s8+$0x6400] =	vst v1  }
0x103: {  	[tilespmem:s4], [sflag:$0x1] =	stream.indirect.gather [hbm4b:s3+s0], $0x40, s2, s0, $0xb8;
	[tilespmem:$0x16800] =	vst v63  }
0x104: {  	_ =	swait.ge [sflag:s5], $0x10000  }
0x105: {  	[sflag:s5] =	ssyncset.done $0x0  }
0x106: {  	s10 =	simm.s32 $0x0;
	[sflag:s5] =	ssyncadd.s32 $0xFFFF0000  }
0x107: {  	[hbm4b:s12+s10] =	stream.linear.scatter [tilespmem:s4], [sflag:$0x2], $0x10000, $0x38;
	[tilespmem:$0x16800] =	vst v63  }
0x108: {  	_ =	swait.ge [sflag:s1], $0x10000  }
0x109: {  	[sflag:s1] =	ssyncset.done $0x0  }
0x10a: {  	s7 =	simm.s32 $0x0;
	[sflag:s1] =	ssyncadd.s32 $0xFFFF0000  }
0x10b: {  	v1 =	vld [tilespmem:s7+$0x2000];
	_ =	sdelay $0x4  }
0x10c: {  	vm10 =	vgt.s32 v1, $0xEA5F;
	vm11 =	vgt.s32 v1, $0x493DF  }
0x10d: {  	s8 =	simm.s32 $0x10;
	vm12 =	vgt.s32 v1, $0x1B773F;
	vm13 =	vgt.s32 v1, $0x6DDCFF;
	vm14 =	vgt.s32 v1, $0x5265BFF  }
0x10e: {  	vm15 =	vgt.s32 v1, $0x240C83FF;
	v1 =	vld [tilespmem:s8+$0x2000];
	v2 =	vsel vm10, $0x1, v0;
	v3 =	vsel vm11, $0x1, v0  }
0x10f: {  	v2 =	vadd.s32 v3, v2;
	v3 =	vsel vm12, $0x1, v0  }
0x110: {  	v2 =	vadd.s32 v3, v2;
	v3 =	vsel vm13, $0x1, v0  }
0x111: {  	v2 =	vadd.s32 v3, v2;
	v3 =	vsel vm14, $0x1, v0  }
0x112: {  	s9 =	simm.s32 $0x80;
	v2 =	vadd.s32 v3, v2;
	v3 =	vsel vm15, $0x1, v0  }
.LBB2_18:
0x113: {  	s10 =	sshra.s32 s9, $0x2;
	p0 =	sne.s32 s9, $0xFC0;
	s9 =	sadd.s32 $0x40, s9;
	vm0 =	vgt.s32 v1, $0xEA5F;
	vm1 =	vgt.s32 v1, $0x493DF;
	v2 =	vadd.s32 v3, v2;
	v3 =	vmovc v1  }
.Ltmp8:
0x114: {  	v1 =	vld [tilespmem:s10+$0x2000];
	v4 =	vsel vm0, $0x1, v0;
	v5 =	vsel vm1, $0x1, v0;
	vm0 =	vgt.s32 v3, $0x1B773F;
	[tilespmem:s7+$0x6400] =	vst v2;
	s7 =	smov.u32 s8;
	s8 =	smov.u32 s10;
	(pc) =	sbr.rel @p0 .LBB2_18-.Ltmp8, $4  }
0x115: {  	v2 =	vadd.s32 v5, v4;
	v4 =	vsel vm0, $0x1, v0;
	vm0 =	vgt.s32 v3, $0x6DDCFF  }
0x116: {  	v2 =	vadd.s32 v4, v2;
	v4 =	vsel vm0, $0x1, v0;
	vm0 =	vgt.s32 v3, $0x5265BFF  }
0x117: {  	v2 =	vadd.s32 v4, v2;
	v4 =	vsel vm0, $0x1, v0;
	vm0 =	vgt.s32 v3, $0x240C83FF  }
0x118: {  	v2 =	vadd.s32 v4, v2;
	v3 =	vsel vm0, $0x1, v0  }
0x119: {  	vm0 =	vgt.s32 v1, $0xEA5F;
	vm1 =	vgt.s32 v1, $0x493DF  }
0x11a: {  	vm6 =	vgt.s32 v1, $0x1B773F;
	v4 =	vsel vm0, $0x1, v0;
	v5 =	vsel vm1, $0x1, v0  }
0x11b: {  	vm7 =	vgt.s32 v1, $0x6DDCFF;
	v4 =	vadd.s32 v5, v4;
	v5 =	vsel vm6, $0x1, v0  }
0x11c: {  	vm8 =	vgt.s32 v1, $0x5265BFF;
	v4 =	vadd.s32 v5, v4;
	v5 =	vsel vm7, $0x1, v0  }
0x11d: {  	vm9 =	vgt.s32 v1, $0x240C83FF;
	v1 =	vsel vm8, $0x1, v0;
	v4 =	vadd.s32 v5, v4  }
0x11e: {  	v2 =	vadd.s32 v3, v2;
	v3 =	vsel vm9, $0x1, v0;
	v1 =	vadd.s32 v1, v4  }
0x11f: {  	[tilespmem:s7+$0x6400] =	vst v2;
	v1 =	vadd.s32 v3, v1  }
0x120: {  	[tilespmem:s8+$0x6400] =	vst v1  }
0x121: {  	[tilespmem:s4], [sflag:$0x1] =	stream.indirect.gather [hbm4b:s3+s0], $0x40, s2, s0, $0xb8;
	[tilespmem:$0x16800] =	vst v63  }
0x122: {  	_ =	swait.ge [sflag:s5], $0x10000  }
0x123: {  	[sflag:s5] =	ssyncset.done $0x0  }
0x124: {  	s10 =	simm.s32 $0x0;
	[sflag:s5] =	ssyncadd.s32 $0xFFFF0000  }
0x125: {  	[hbm4b:s13+s10] =	stream.linear.scatter [tilespmem:s4], [sflag:$0x2], $0x10000, $0x38;
	[tilespmem:$0x16800] =	vst v63  }
0x126: {  	_ =	swait.ge [sflag:s1], $0x10000  }
0x127: {  	[sflag:s1] =	ssyncset.done $0x0  }
0x128: {  	s7 =	simm.s32 $0x0;
	[sflag:s1] =	ssyncadd.s32 $0xFFFF0000  }
0x129: {  	v1 =	vld [tilespmem:s7+$0x2400];
	_ =	sdelay $0x4  }
0x12a: {  	vm10 =	vgt.s32 v1, $0xEA5F;
	vm11 =	vgt.s32 v1, $0x493DF  }
0x12b: {  	s8 =	simm.s32 $0x10;
	vm12 =	vgt.s32 v1, $0x1B773F;
	vm13 =	vgt.s32 v1, $0x6DDCFF;
	vm14 =	vgt.s32 v1, $0x5265BFF  }
0x12c: {  	vm15 =	vgt.s32 v1, $0x240C83FF;
	v1 =	vld [tilespmem:s8+$0x2400];
	v2 =	vsel vm10, $0x1, v0;
	v3 =	vsel vm11, $0x1, v0  }
0x12d: {  	v2 =	vadd.s32 v3, v2;
	v3 =	vsel vm12, $0x1, v0  }
0x12e: {  	v2 =	vadd.s32 v3, v2;
	v3 =	vsel vm13, $0x1, v0  }
0x12f: {  	v2 =	vadd.s32 v3, v2;
	v3 =	vsel vm14, $0x1, v0  }
0x130: {  	s9 =	simm.s32 $0x80;
	v2 =	vadd.s32 v3, v2;
	v3 =	vsel vm15, $0x1, v0  }
.LBB2_20:
0x131: {  	s10 =	sshra.s32 s9, $0x2;
	p0 =	sne.s32 s9, $0xFC0;
	s9 =	sadd.s32 $0x40, s9;
	vm0 =	vgt.s32 v1, $0xEA5F;
	vm1 =	vgt.s32 v1, $0x493DF;
	v2 =	vadd.s32 v3, v2;
	v3 =	vmovc v1  }
.Ltmp9:
0x132: {  	v1 =	vld [tilespmem:s10+$0x2400];
	v4 =	vsel vm0, $0x1, v0;
	v5 =	vsel vm1, $0x1, v0;
	vm0 =	vgt.s32 v3, $0x1B773F;
	[tilespmem:s7+$0x6400] =	vst v2;
	s7 =	smov.u32 s8;
	s8 =	smov.u32 s10;
	(pc) =	sbr.rel @p0 .LBB2_20-.Ltmp9, $4  }
0x133: {  	v2 =	vadd.s32 v5, v4;
	v4 =	vsel vm0, $0x1, v0;
	vm0 =	vgt.s32 v3, $0x6DDCFF  }
0x134: {  	v2 =	vadd.s32 v4, v2;
	v4 =	vsel vm0, $0x1, v0;
	vm0 =	vgt.s32 v3, $0x5265BFF  }
0x135: {  	v2 =	vadd.s32 v4, v2;
	v4 =	vsel vm0, $0x1, v0;
	vm0 =	vgt.s32 v3, $0x240C83FF  }
0x136: {  	v2 =	vadd.s32 v4, v2;
	v3 =	vsel vm0, $0x1, v0  }
0x137: {  	vm0 =	vgt.s32 v1, $0xEA5F;
	vm1 =	vgt.s32 v1, $0x493DF  }
0x138: {  	vm6 =	vgt.s32 v1, $0x1B773F;
	v4 =	vsel vm0, $0x1, v0;
	v5 =	vsel vm1, $0x1, v0  }
0x139: {  	vm7 =	vgt.s32 v1, $0x6DDCFF;
	v4 =	vadd.s32 v5, v4;
	v5 =	vsel vm6, $0x1, v0  }
0x13a: {  	vm8 =	vgt.s32 v1, $0x5265BFF;
	v4 =	vadd.s32 v5, v4;
	v5 =	vsel vm7, $0x1, v0  }
0x13b: {  	vm9 =	vgt.s32 v1, $0x240C83FF;
	v1 =	vsel vm8, $0x1, v0;
	v4 =	vadd.s32 v5, v4  }
0x13c: {  	v2 =	vadd.s32 v3, v2;
	v3 =	vsel vm9, $0x1, v0;
	v1 =	vadd.s32 v1, v4  }
0x13d: {  	[tilespmem:s7+$0x6400] =	vst v2;
	v1 =	vadd.s32 v3, v1  }
0x13e: {  	[tilespmem:s8+$0x6400] =	vst v1  }
0x13f: {  	[tilespmem:s4], [sflag:$0x1] =	stream.indirect.gather [hbm4b:s3+s0], $0x40, s2, s0, $0xb8;
	[tilespmem:$0x16800] =	vst v63  }
0x140: {  	_ =	swait.ge [sflag:s5], $0x10000  }
0x141: {  	[sflag:s5] =	ssyncset.done $0x0  }
0x142: {  	s10 =	simm.s32 $0x0;
	[sflag:s5] =	ssyncadd.s32 $0xFFFF0000  }
0x143: {  	[hbm4b:s14+s10] =	stream.linear.scatter [tilespmem:s4], [sflag:$0x2], $0x10000, $0x38;
	[tilespmem:$0x16800] =	vst v63  }
0x144: {  	_ =	swait.ge [sflag:s1], $0x10000  }
0x145: {  	[sflag:s1] =	ssyncset.done $0x0  }
0x146: {  	s7 =	simm.s32 $0x0;
	[sflag:s1] =	ssyncadd.s32 $0xFFFF0000  }
0x147: {  	v1 =	vld [tilespmem:s7+$0x2800];
	_ =	sdelay $0x4  }
0x148: {  	vm10 =	vgt.s32 v1, $0xEA5F;
	vm11 =	vgt.s32 v1, $0x493DF  }
0x149: {  	s8 =	simm.s32 $0x10;
	vm12 =	vgt.s32 v1, $0x1B773F;
	vm13 =	vgt.s32 v1, $0x6DDCFF;
	vm14 =	vgt.s32 v1, $0x5265BFF  }
0x14a: {  	vm15 =	vgt.s32 v1, $0x240C83FF;
	v1 =	vld [tilespmem:s8+$0x2800];
	v2 =	vsel vm10, $0x1, v0;
	v3 =	vsel vm11, $0x1, v0  }
0x14b: {  	v2 =	vadd.s32 v3, v2;
	v3 =	vsel vm12, $0x1, v0  }
0x14c: {  	v2 =	vadd.s32 v3, v2;
	v3 =	vsel vm13, $0x1, v0  }
0x14d: {  	v2 =	vadd.s32 v3, v2;
	v3 =	vsel vm14, $0x1, v0  }
0x14e: {  	s9 =	simm.s32 $0x80;
	v2 =	vadd.s32 v3, v2;
	v3 =	vsel vm15, $0x1, v0  }
.LBB2_22:
0x14f: {  	s10 =	sshra.s32 s9, $0x2;
	p0 =	sne.s32 s9, $0xFC0;
	s9 =	sadd.s32 $0x40, s9;
	vm0 =	vgt.s32 v1, $0xEA5F;
	vm1 =	vgt.s32 v1, $0x493DF;
	v2 =	vadd.s32 v3, v2;
	v3 =	vmovc v1  }
.Ltmp10:
0x150: {  	v1 =	vld [tilespmem:s10+$0x2800];
	v4 =	vsel vm0, $0x1, v0;
	v5 =	vsel vm1, $0x1, v0;
	vm0 =	vgt.s32 v3, $0x1B773F;
	[tilespmem:s7+$0x6400] =	vst v2;
	s7 =	smov.u32 s8;
	s8 =	smov.u32 s10;
	(pc) =	sbr.rel @p0 .LBB2_22-.Ltmp10, $4  }
0x151: {  	v2 =	vadd.s32 v5, v4;
	v4 =	vsel vm0, $0x1, v0;
	vm0 =	vgt.s32 v3, $0x6DDCFF  }
0x152: {  	v2 =	vadd.s32 v4, v2;
	v4 =	vsel vm0, $0x1, v0;
	vm0 =	vgt.s32 v3, $0x5265BFF  }
0x153: {  	v2 =	vadd.s32 v4, v2;
	v4 =	vsel vm0, $0x1, v0;
	vm0 =	vgt.s32 v3, $0x240C83FF  }
0x154: {  	v2 =	vadd.s32 v4, v2;
	v3 =	vsel vm0, $0x1, v0  }
0x155: {  	vm0 =	vgt.s32 v1, $0xEA5F;
	vm1 =	vgt.s32 v1, $0x493DF  }
0x156: {  	vm6 =	vgt.s32 v1, $0x1B773F;
	v4 =	vsel vm0, $0x1, v0;
	v5 =	vsel vm1, $0x1, v0  }
0x157: {  	vm7 =	vgt.s32 v1, $0x6DDCFF;
	v4 =	vadd.s32 v5, v4;
	v5 =	vsel vm6, $0x1, v0  }
0x158: {  	vm8 =	vgt.s32 v1, $0x5265BFF;
	v4 =	vadd.s32 v5, v4;
	v5 =	vsel vm7, $0x1, v0  }
0x159: {  	vm9 =	vgt.s32 v1, $0x240C83FF;
	v1 =	vsel vm8, $0x1, v0;
	v4 =	vadd.s32 v5, v4  }
0x15a: {  	v2 =	vadd.s32 v3, v2;
	v3 =	vsel vm9, $0x1, v0;
	v1 =	vadd.s32 v1, v4  }
0x15b: {  	[tilespmem:s7+$0x6400] =	vst v2;
	v1 =	vadd.s32 v3, v1  }
0x15c: {  	[tilespmem:s8+$0x6400] =	vst v1  }
0x15d: {  	[tilespmem:s4], [sflag:$0x1] =	stream.indirect.gather [hbm4b:s3+s0], $0x40, s2, s0, $0xb8;
	[tilespmem:$0x16800] =	vst v63  }
0x15e: {  	_ =	swait.ge [sflag:s5], $0x10000  }
0x15f: {  	[sflag:s5] =	ssyncset.done $0x0  }
0x160: {  	s10 =	simm.s32 $0x0;
	[sflag:s5] =	ssyncadd.s32 $0xFFFF0000  }
0x161: {  	[hbm4b:s15+s10] =	stream.linear.scatter [tilespmem:s4], [sflag:$0x2], $0x10000, $0x38;
	[tilespmem:$0x16800] =	vst v63  }
0x162: {  	_ =	swait.ge [sflag:s1], $0x10000  }
0x163: {  	[sflag:s1] =	ssyncset.done $0x0  }
0x164: {  	s7 =	simm.s32 $0x0;
	[sflag:s1] =	ssyncadd.s32 $0xFFFF0000  }
0x165: {  	v1 =	vld [tilespmem:s7+$0x2C00];
	_ =	sdelay $0x4  }
0x166: {  	vm10 =	vgt.s32 v1, $0xEA5F;
	vm11 =	vgt.s32 v1, $0x493DF  }
0x167: {  	s8 =	simm.s32 $0x10;
	vm12 =	vgt.s32 v1, $0x1B773F;
	vm13 =	vgt.s32 v1, $0x6DDCFF;
	vm14 =	vgt.s32 v1, $0x5265BFF  }
0x168: {  	vm15 =	vgt.s32 v1, $0x240C83FF;
	v1 =	vld [tilespmem:s8+$0x2C00];
	v2 =	vsel vm10, $0x1, v0;
	v3 =	vsel vm11, $0x1, v0  }
0x169: {  	v2 =	vadd.s32 v3, v2;
	v3 =	vsel vm12, $0x1, v0  }
0x16a: {  	v2 =	vadd.s32 v3, v2;
	v3 =	vsel vm13, $0x1, v0  }
0x16b: {  	v2 =	vadd.s32 v3, v2;
	v3 =	vsel vm14, $0x1, v0  }
0x16c: {  	s9 =	simm.s32 $0x80;
	v2 =	vadd.s32 v3, v2;
	v3 =	vsel vm15, $0x1, v0  }
.LBB2_24:
0x16d: {  	s10 =	sshra.s32 s9, $0x2;
	p0 =	sne.s32 s9, $0xFC0;
	s9 =	sadd.s32 $0x40, s9;
	vm0 =	vgt.s32 v1, $0xEA5F;
	vm1 =	vgt.s32 v1, $0x493DF;
	v2 =	vadd.s32 v3, v2;
	v3 =	vmovc v1  }
.Ltmp11:
0x16e: {  	v1 =	vld [tilespmem:s10+$0x2C00];
	v4 =	vsel vm0, $0x1, v0;
	v5 =	vsel vm1, $0x1, v0;
	vm0 =	vgt.s32 v3, $0x1B773F;
	[tilespmem:s7+$0x6400] =	vst v2;
	s7 =	smov.u32 s8;
	s8 =	smov.u32 s10;
	(pc) =	sbr.rel @p0 .LBB2_24-.Ltmp11, $4  }
0x16f: {  	v2 =	vadd.s32 v5, v4;
	v4 =	vsel vm0, $0x1, v0;
	vm0 =	vgt.s32 v3, $0x6DDCFF  }
0x170: {  	v2 =	vadd.s32 v4, v2;
	v4 =	vsel vm0, $0x1, v0;
	vm0 =	vgt.s32 v3, $0x5265BFF  }
0x171: {  	v2 =	vadd.s32 v4, v2;
	v4 =	vsel vm0, $0x1, v0;
	vm0 =	vgt.s32 v3, $0x240C83FF  }
0x172: {  	v2 =	vadd.s32 v4, v2;
	v3 =	vsel vm0, $0x1, v0  }
0x173: {  	vm0 =	vgt.s32 v1, $0xEA5F;
	vm1 =	vgt.s32 v1, $0x493DF  }
0x174: {  	vm6 =	vgt.s32 v1, $0x1B773F;
	v4 =	vsel vm0, $0x1, v0;
	v5 =	vsel vm1, $0x1, v0  }
0x175: {  	vm7 =	vgt.s32 v1, $0x6DDCFF;
	v4 =	vadd.s32 v5, v4;
	v5 =	vsel vm6, $0x1, v0  }
0x176: {  	vm8 =	vgt.s32 v1, $0x5265BFF;
	v4 =	vadd.s32 v5, v4;
	v5 =	vsel vm7, $0x1, v0  }
0x177: {  	vm9 =	vgt.s32 v1, $0x240C83FF;
	v1 =	vsel vm8, $0x1, v0;
	v4 =	vadd.s32 v5, v4  }
0x178: {  	v2 =	vadd.s32 v3, v2;
	v3 =	vsel vm9, $0x1, v0;
	v1 =	vadd.s32 v1, v4  }
0x179: {  	[tilespmem:s7+$0x6400] =	vst v2;
	v1 =	vadd.s32 v3, v1  }
0x17a: {  	[tilespmem:s8+$0x6400] =	vst v1  }
0x17b: {  	[tilespmem:s4], [sflag:$0x1] =	stream.indirect.gather [hbm4b:s3+s0], $0x40, s2, s0, $0xb8;
	[tilespmem:$0x16800] =	vst v63  }
0x17c: {  	_ =	swait.ge [sflag:s5], $0x10000  }
0x17d: {  	[sflag:s5] =	ssyncset.done $0x0  }
0x17e: {  	s10 =	simm.s32 $0x0;
	[sflag:s5] =	ssyncadd.s32 $0xFFFF0000  }
0x17f: {  	[hbm4b:s16+s10] =	stream.linear.scatter [tilespmem:s4], [sflag:$0x2], $0x10000, $0x38;
	[tilespmem:$0x16800] =	vst v63  }
0x180: {  	_ =	swait.ge [sflag:s1], $0x10000  }
0x181: {  	[sflag:s1] =	ssyncset.done $0x0  }
0x182: {  	s7 =	simm.s32 $0x0;
	[sflag:s1] =	ssyncadd.s32 $0xFFFF0000  }
0x183: {  	v1 =	vld [tilespmem:s7+$0x3000];
	_ =	sdelay $0x4  }
0x184: {  	vm10 =	vgt.s32 v1, $0xEA5F;
	vm11 =	vgt.s32 v1, $0x493DF  }
0x185: {  	s8 =	simm.s32 $0x10;
	vm12 =	vgt.s32 v1, $0x1B773F;
	vm13 =	vgt.s32 v1, $0x6DDCFF;
	vm14 =	vgt.s32 v1, $0x5265BFF  }
0x186: {  	vm15 =	vgt.s32 v1, $0x240C83FF;
	v1 =	vld [tilespmem:s8+$0x3000];
	v2 =	vsel vm10, $0x1, v0;
	v3 =	vsel vm11, $0x1, v0  }
0x187: {  	v2 =	vadd.s32 v3, v2;
	v3 =	vsel vm12, $0x1, v0  }
0x188: {  	v2 =	vadd.s32 v3, v2;
	v3 =	vsel vm13, $0x1, v0  }
0x189: {  	v2 =	vadd.s32 v3, v2;
	v3 =	vsel vm14, $0x1, v0  }
0x18a: {  	s9 =	simm.s32 $0x80;
	v2 =	vadd.s32 v3, v2;
	v3 =	vsel vm15, $0x1, v0  }
.LBB2_26:
0x18b: {  	s10 =	sshra.s32 s9, $0x2;
	p0 =	sne.s32 s9, $0xFC0;
	s9 =	sadd.s32 $0x40, s9;
	vm0 =	vgt.s32 v1, $0xEA5F;
	vm1 =	vgt.s32 v1, $0x493DF;
	v2 =	vadd.s32 v3, v2;
	v3 =	vmovc v1  }
.Ltmp12:
0x18c: {  	v1 =	vld [tilespmem:s10+$0x3000];
	v4 =	vsel vm0, $0x1, v0;
	v5 =	vsel vm1, $0x1, v0;
	vm0 =	vgt.s32 v3, $0x1B773F;
	[tilespmem:s7+$0x6400] =	vst v2;
	s7 =	smov.u32 s8;
	s8 =	smov.u32 s10;
	(pc) =	sbr.rel @p0 .LBB2_26-.Ltmp12, $4  }
0x18d: {  	v2 =	vadd.s32 v5, v4;
	v4 =	vsel vm0, $0x1, v0;
	vm0 =	vgt.s32 v3, $0x6DDCFF  }
0x18e: {  	v2 =	vadd.s32 v4, v2;
	v4 =	vsel vm0, $0x1, v0;
	vm0 =	vgt.s32 v3, $0x5265BFF  }
0x18f: {  	v2 =	vadd.s32 v4, v2;
	v4 =	vsel vm0, $0x1, v0;
	vm0 =	vgt.s32 v3, $0x240C83FF  }
0x190: {  	v2 =	vadd.s32 v4, v2;
	v3 =	vsel vm0, $0x1, v0  }
0x191: {  	vm0 =	vgt.s32 v1, $0xEA5F;
	vm1 =	vgt.s32 v1, $0x493DF  }
0x192: {  	vm6 =	vgt.s32 v1, $0x1B773F;
	v4 =	vsel vm0, $0x1, v0;
	v5 =	vsel vm1, $0x1, v0  }
0x193: {  	vm7 =	vgt.s32 v1, $0x6DDCFF;
	v4 =	vadd.s32 v5, v4;
	v5 =	vsel vm6, $0x1, v0  }
0x194: {  	vm8 =	vgt.s32 v1, $0x5265BFF;
	v4 =	vadd.s32 v5, v4;
	v5 =	vsel vm7, $0x1, v0  }
0x195: {  	vm9 =	vgt.s32 v1, $0x240C83FF;
	v1 =	vsel vm8, $0x1, v0;
	v4 =	vadd.s32 v5, v4  }
0x196: {  	v2 =	vadd.s32 v3, v2;
	v3 =	vsel vm9, $0x1, v0;
	v1 =	vadd.s32 v1, v4  }
0x197: {  	[tilespmem:s7+$0x6400] =	vst v2;
	v1 =	vadd.s32 v3, v1  }
0x198: {  	[tilespmem:s8+$0x6400] =	vst v1  }
0x199: {  	[tilespmem:s4], [sflag:$0x1] =	stream.indirect.gather [hbm4b:s3+s0], $0x40, s2, s0, $0xb8;
	[tilespmem:$0x16800] =	vst v63  }
0x19a: {  	_ =	swait.ge [sflag:s5], $0x10000  }
0x19b: {  	[sflag:s5] =	ssyncset.done $0x0  }
0x19c: {  	s10 =	simm.s32 $0x0;
	[sflag:s5] =	ssyncadd.s32 $0xFFFF0000  }
0x19d: {  	[hbm4b:s17+s10] =	stream.linear.scatter [tilespmem:s4], [sflag:$0x2], $0x10000, $0x38;
	[tilespmem:$0x16800] =	vst v63  }
0x19e: {  	_ =	swait.ge [sflag:s1], $0x10000  }
0x19f: {  	[sflag:s1] =	ssyncset.done $0x0  }
0x1a0: {  	s7 =	simm.s32 $0x0;
	[sflag:s1] =	ssyncadd.s32 $0xFFFF0000  }
0x1a1: {  	v1 =	vld [tilespmem:s7+$0x3400];
	_ =	sdelay $0x4  }
0x1a2: {  	vm10 =	vgt.s32 v1, $0xEA5F;
	vm11 =	vgt.s32 v1, $0x493DF  }
0x1a3: {  	s8 =	simm.s32 $0x10;
	vm12 =	vgt.s32 v1, $0x1B773F;
	vm13 =	vgt.s32 v1, $0x6DDCFF;
	vm14 =	vgt.s32 v1, $0x5265BFF  }
0x1a4: {  	vm15 =	vgt.s32 v1, $0x240C83FF;
	v1 =	vld [tilespmem:s8+$0x3400];
	v2 =	vsel vm10, $0x1, v0;
	v3 =	vsel vm11, $0x1, v0  }
0x1a5: {  	v2 =	vadd.s32 v3, v2;
	v3 =	vsel vm12, $0x1, v0  }
0x1a6: {  	v2 =	vadd.s32 v3, v2;
	v3 =	vsel vm13, $0x1, v0  }
0x1a7: {  	v2 =	vadd.s32 v3, v2;
	v3 =	vsel vm14, $0x1, v0  }
0x1a8: {  	s9 =	simm.s32 $0x80;
	v2 =	vadd.s32 v3, v2;
	v3 =	vsel vm15, $0x1, v0  }
.LBB2_28:
0x1a9: {  	s10 =	sshra.s32 s9, $0x2;
	p0 =	sne.s32 s9, $0xFC0;
	s9 =	sadd.s32 $0x40, s9;
	vm0 =	vgt.s32 v1, $0xEA5F;
	vm1 =	vgt.s32 v1, $0x493DF;
	v2 =	vadd.s32 v3, v2;
	v3 =	vmovc v1  }
.Ltmp13:
0x1aa: {  	v1 =	vld [tilespmem:s10+$0x3400];
	v4 =	vsel vm0, $0x1, v0;
	v5 =	vsel vm1, $0x1, v0;
	vm0 =	vgt.s32 v3, $0x1B773F;
	[tilespmem:s7+$0x6400] =	vst v2;
	s7 =	smov.u32 s8;
	s8 =	smov.u32 s10;
	(pc) =	sbr.rel @p0 .LBB2_28-.Ltmp13, $4  }
0x1ab: {  	v2 =	vadd.s32 v5, v4;
	v4 =	vsel vm0, $0x1, v0;
	vm0 =	vgt.s32 v3, $0x6DDCFF  }
0x1ac: {  	v2 =	vadd.s32 v4, v2;
	v4 =	vsel vm0, $0x1, v0;
	vm0 =	vgt.s32 v3, $0x5265BFF  }
0x1ad: {  	v2 =	vadd.s32 v4, v2;
	v4 =	vsel vm0, $0x1, v0;
	vm0 =	vgt.s32 v3, $0x240C83FF  }
0x1ae: {  	v2 =	vadd.s32 v4, v2;
	v3 =	vsel vm0, $0x1, v0  }
0x1af: {  	vm0 =	vgt.s32 v1, $0xEA5F;
	vm1 =	vgt.s32 v1, $0x493DF  }
0x1b0: {  	vm6 =	vgt.s32 v1, $0x1B773F;
	v4 =	vsel vm0, $0x1, v0;
	v5 =	vsel vm1, $0x1, v0  }
0x1b1: {  	vm7 =	vgt.s32 v1, $0x6DDCFF;
	v4 =	vadd.s32 v5, v4;
	v5 =	vsel vm6, $0x1, v0  }
0x1b2: {  	vm8 =	vgt.s32 v1, $0x5265BFF;
	v4 =	vadd.s32 v5, v4;
	v5 =	vsel vm7, $0x1, v0  }
0x1b3: {  	vm9 =	vgt.s32 v1, $0x240C83FF;
	v1 =	vsel vm8, $0x1, v0;
	v4 =	vadd.s32 v5, v4  }
0x1b4: {  	v2 =	vadd.s32 v3, v2;
	v3 =	vsel vm9, $0x1, v0;
	v1 =	vadd.s32 v1, v4  }
0x1b5: {  	[tilespmem:s7+$0x6400] =	vst v2;
	v1 =	vadd.s32 v3, v1  }
0x1b6: {  	[tilespmem:s8+$0x6400] =	vst v1  }
0x1b7: {  	[tilespmem:s4], [sflag:$0x1] =	stream.indirect.gather [hbm4b:s3+s0], $0x40, s2, s0, $0xb8;
	[tilespmem:$0x16800] =	vst v63  }
0x1b8: {  	_ =	swait.ge [sflag:s5], $0x10000  }
0x1b9: {  	[sflag:s5] =	ssyncset.done $0x0  }
0x1ba: {  	s10 =	simm.s32 $0x0;
	[sflag:s5] =	ssyncadd.s32 $0xFFFF0000  }
0x1bb: {  	[hbm4b:s18+s10] =	stream.linear.scatter [tilespmem:s4], [sflag:$0x2], $0x10000, $0x38;
	[tilespmem:$0x16800] =	vst v63  }
0x1bc: {  	_ =	swait.ge [sflag:s1], $0x10000  }
0x1bd: {  	[sflag:s1] =	ssyncset.done $0x0  }
0x1be: {  	s7 =	simm.s32 $0x0;
	[sflag:s1] =	ssyncadd.s32 $0xFFFF0000  }
0x1bf: {  	v1 =	vld [tilespmem:s7+$0x3800];
	_ =	sdelay $0x4  }
0x1c0: {  	vm10 =	vgt.s32 v1, $0xEA5F;
	vm11 =	vgt.s32 v1, $0x493DF  }
0x1c1: {  	s8 =	simm.s32 $0x10;
	vm12 =	vgt.s32 v1, $0x1B773F;
	vm13 =	vgt.s32 v1, $0x6DDCFF;
	vm14 =	vgt.s32 v1, $0x5265BFF  }
0x1c2: {  	vm15 =	vgt.s32 v1, $0x240C83FF;
	v1 =	vld [tilespmem:s8+$0x3800];
	v2 =	vsel vm10, $0x1, v0;
	v3 =	vsel vm11, $0x1, v0  }
0x1c3: {  	v2 =	vadd.s32 v3, v2;
	v3 =	vsel vm12, $0x1, v0  }
0x1c4: {  	v2 =	vadd.s32 v3, v2;
	v3 =	vsel vm13, $0x1, v0  }
0x1c5: {  	v2 =	vadd.s32 v3, v2;
	v3 =	vsel vm14, $0x1, v0  }
0x1c6: {  	s9 =	simm.s32 $0x80;
	v2 =	vadd.s32 v3, v2;
	v3 =	vsel vm15, $0x1, v0  }
.LBB2_30:
0x1c7: {  	s10 =	sshra.s32 s9, $0x2;
	p0 =	sne.s32 s9, $0xFC0;
	s9 =	sadd.s32 $0x40, s9;
	vm0 =	vgt.s32 v1, $0xEA5F;
	vm1 =	vgt.s32 v1, $0x493DF;
	v2 =	vadd.s32 v3, v2;
	v3 =	vmovc v1  }
.Ltmp14:
0x1c8: {  	v1 =	vld [tilespmem:s10+$0x3800];
	v4 =	vsel vm0, $0x1, v0;
	v5 =	vsel vm1, $0x1, v0;
	vm0 =	vgt.s32 v3, $0x1B773F;
	[tilespmem:s7+$0x6400] =	vst v2;
	s7 =	smov.u32 s8;
	s8 =	smov.u32 s10;
	(pc) =	sbr.rel @p0 .LBB2_30-.Ltmp14, $4  }
0x1c9: {  	v2 =	vadd.s32 v5, v4;
	v4 =	vsel vm0, $0x1, v0;
	vm0 =	vgt.s32 v3, $0x6DDCFF  }
0x1ca: {  	v2 =	vadd.s32 v4, v2;
	v4 =	vsel vm0, $0x1, v0;
	vm0 =	vgt.s32 v3, $0x5265BFF  }
0x1cb: {  	v2 =	vadd.s32 v4, v2;
	v4 =	vsel vm0, $0x1, v0;
	vm0 =	vgt.s32 v3, $0x240C83FF  }
0x1cc: {  	v2 =	vadd.s32 v4, v2;
	v3 =	vsel vm0, $0x1, v0  }
0x1cd: {  	vm0 =	vgt.s32 v1, $0xEA5F;
	vm1 =	vgt.s32 v1, $0x493DF  }
0x1ce: {  	vm6 =	vgt.s32 v1, $0x1B773F;
	v4 =	vsel vm0, $0x1, v0;
	v5 =	vsel vm1, $0x1, v0  }
0x1cf: {  	vm7 =	vgt.s32 v1, $0x6DDCFF;
	v4 =	vadd.s32 v5, v4;
	v5 =	vsel vm6, $0x1, v0  }
0x1d0: {  	vm8 =	vgt.s32 v1, $0x5265BFF;
	v4 =	vadd.s32 v5, v4;
	v5 =	vsel vm7, $0x1, v0  }
0x1d1: {  	vm9 =	vgt.s32 v1, $0x240C83FF;
	v1 =	vsel vm8, $0x1, v0;
	v4 =	vadd.s32 v5, v4  }
0x1d2: {  	v2 =	vadd.s32 v3, v2;
	v3 =	vsel vm9, $0x1, v0;
	v1 =	vadd.s32 v1, v4  }
0x1d3: {  	[tilespmem:s7+$0x6400] =	vst v2;
	v1 =	vadd.s32 v3, v1  }
0x1d4: {  	[tilespmem:s8+$0x6400] =	vst v1  }
0x1d5: {  	[tilespmem:s4], [sflag:$0x1] =	stream.indirect.gather [hbm4b:s3+s0], $0x40, s2, s0, $0xb8;
	[tilespmem:$0x16800] =	vst v63  }
0x1d6: {  	_ =	swait.ge [sflag:s5], $0x10000  }
0x1d7: {  	[sflag:s5] =	ssyncset.done $0x0  }
0x1d8: {  	s10 =	simm.s32 $0x0;
	[sflag:s5] =	ssyncadd.s32 $0xFFFF0000  }
0x1d9: {  	[hbm4b:s19+s10] =	stream.linear.scatter [tilespmem:s4], [sflag:$0x2], $0x10000, $0x38;
	[tilespmem:$0x16800] =	vst v63  }
0x1da: {  	_ =	swait.ge [sflag:s1], $0x10000  }
0x1db: {  	[sflag:s1] =	ssyncset.done $0x0  }
0x1dc: {  	s7 =	simm.s32 $0x0;
	[sflag:s1] =	ssyncadd.s32 $0xFFFF0000  }
0x1dd: {  	v1 =	vld [tilespmem:s7+$0x3C00];
	_ =	sdelay $0x4  }
0x1de: {  	vm10 =	vgt.s32 v1, $0xEA5F;
	vm11 =	vgt.s32 v1, $0x493DF  }
0x1df: {  	s8 =	simm.s32 $0x10;
	vm12 =	vgt.s32 v1, $0x1B773F;
	vm13 =	vgt.s32 v1, $0x6DDCFF;
	vm14 =	vgt.s32 v1, $0x5265BFF  }
0x1e0: {  	vm15 =	vgt.s32 v1, $0x240C83FF;
	v1 =	vld [tilespmem:s8+$0x3C00];
	v2 =	vsel vm10, $0x1, v0;
	v3 =	vsel vm11, $0x1, v0  }
0x1e1: {  	v2 =	vadd.s32 v3, v2;
	v3 =	vsel vm12, $0x1, v0  }
0x1e2: {  	v2 =	vadd.s32 v3, v2;
	v3 =	vsel vm13, $0x1, v0  }
0x1e3: {  	v2 =	vadd.s32 v3, v2;
	v3 =	vsel vm14, $0x1, v0  }
0x1e4: {  	s9 =	simm.s32 $0x80;
	v2 =	vadd.s32 v3, v2;
	v3 =	vsel vm15, $0x1, v0  }
.LBB2_32:
0x1e5: {  	s10 =	sshra.s32 s9, $0x2;
	p0 =	sne.s32 s9, $0xFC0;
	s9 =	sadd.s32 $0x40, s9;
	vm0 =	vgt.s32 v1, $0xEA5F;
	vm1 =	vgt.s32 v1, $0x493DF;
	v2 =	vadd.s32 v3, v2;
	v3 =	vmovc v1  }
.Ltmp15:
0x1e6: {  	v1 =	vld [tilespmem:s10+$0x3C00];
	v4 =	vsel vm0, $0x1, v0;
	v5 =	vsel vm1, $0x1, v0;
	vm0 =	vgt.s32 v3, $0x1B773F;
	[tilespmem:s7+$0x6400] =	vst v2;
	s7 =	smov.u32 s8;
	s8 =	smov.u32 s10;
	(pc) =	sbr.rel @p0 .LBB2_32-.Ltmp15, $4  }
0x1e7: {  	v2 =	vadd.s32 v5, v4;
	v4 =	vsel vm0, $0x1, v0;
	vm0 =	vgt.s32 v3, $0x6DDCFF  }
0x1e8: {  	v2 =	vadd.s32 v4, v2;
	v4 =	vsel vm0, $0x1, v0;
	vm0 =	vgt.s32 v3, $0x5265BFF  }
0x1e9: {  	v2 =	vadd.s32 v4, v2;
	v4 =	vsel vm0, $0x1, v0;
	vm0 =	vgt.s32 v3, $0x240C83FF  }
0x1ea: {  	v2 =	vadd.s32 v4, v2;
	v3 =	vsel vm0, $0x1, v0  }
0x1eb: {  	vm0 =	vgt.s32 v1, $0xEA5F;
	vm1 =	vgt.s32 v1, $0x493DF  }
0x1ec: {  	vm6 =	vgt.s32 v1, $0x1B773F;
	v4 =	vsel vm0, $0x1, v0;
	v5 =	vsel vm1, $0x1, v0  }
0x1ed: {  	vm7 =	vgt.s32 v1, $0x6DDCFF;
	v4 =	vadd.s32 v5, v4;
	v5 =	vsel vm6, $0x1, v0  }
0x1ee: {  	vm8 =	vgt.s32 v1, $0x5265BFF;
	v4 =	vadd.s32 v5, v4;
	v5 =	vsel vm7, $0x1, v0  }
0x1ef: {  	vm9 =	vgt.s32 v1, $0x240C83FF;
	v1 =	vsel vm8, $0x1, v0;
	v4 =	vadd.s32 v5, v4  }
0x1f0: {  	v2 =	vadd.s32 v3, v2;
	v3 =	vsel vm9, $0x1, v0;
	v1 =	vadd.s32 v1, v4  }
0x1f1: {  	[tilespmem:s7+$0x6400] =	vst v2;
	v1 =	vadd.s32 v3, v1  }
0x1f2: {  	[tilespmem:s8+$0x6400] =	vst v1  }
0x1f3: {  	[tilespmem:s4], [sflag:$0x1] =	stream.indirect.gather [hbm4b:s3+s0], $0x40, s2, s0, $0xb8;
	[tilespmem:$0x16800] =	vst v63  }
0x1f4: {  	_ =	swait.ge [sflag:s5], $0x10000  }
0x1f5: {  	[sflag:s5] =	ssyncset.done $0x0  }
0x1f6: {  	s10 =	simm.s32 $0x0;
	[sflag:s5] =	ssyncadd.s32 $0xFFFF0000  }
0x1f7: {  	[hbm4b:s20+s10] =	stream.linear.scatter [tilespmem:s4], [sflag:$0x2], $0x10000, $0x38;
	[tilespmem:$0x16800] =	vst v63  }
0x1f8: {  	_ =	swait.ge [sflag:s1], $0x10000  }
0x1f9: {  	[sflag:s1] =	ssyncset.done $0x0  }
0x1fa: {  	s7 =	simm.s32 $0x0;
	[sflag:s1] =	ssyncadd.s32 $0xFFFF0000  }
0x1fb: {  	v1 =	vld [tilespmem:s7+$0x4000];
	_ =	sdelay $0x4  }
0x1fc: {  	vm10 =	vgt.s32 v1, $0xEA5F;
	vm11 =	vgt.s32 v1, $0x493DF  }
0x1fd: {  	s8 =	simm.s32 $0x10;
	vm12 =	vgt.s32 v1, $0x1B773F;
	vm13 =	vgt.s32 v1, $0x6DDCFF;
	vm14 =	vgt.s32 v1, $0x5265BFF  }
0x1fe: {  	vm15 =	vgt.s32 v1, $0x240C83FF;
	v1 =	vld [tilespmem:s8+$0x4000];
	v2 =	vsel vm10, $0x1, v0;
	v3 =	vsel vm11, $0x1, v0  }
0x1ff: {  	v2 =	vadd.s32 v3, v2;
	v3 =	vsel vm12, $0x1, v0  }
0x200: {  	v2 =	vadd.s32 v3, v2;
	v3 =	vsel vm13, $0x1, v0  }
0x201: {  	v2 =	vadd.s32 v3, v2;
	v3 =	vsel vm14, $0x1, v0  }
0x202: {  	s9 =	simm.s32 $0x80;
	v2 =	vadd.s32 v3, v2;
	v3 =	vsel vm15, $0x1, v0  }
.LBB2_34:
0x203: {  	s10 =	sshra.s32 s9, $0x2;
	p0 =	sne.s32 s9, $0xFC0;
	s9 =	sadd.s32 $0x40, s9;
	vm0 =	vgt.s32 v1, $0xEA5F;
	vm1 =	vgt.s32 v1, $0x493DF;
	v2 =	vadd.s32 v3, v2;
	v3 =	vmovc v1  }
.Ltmp16:
0x204: {  	v1 =	vld [tilespmem:s10+$0x4000];
	v4 =	vsel vm0, $0x1, v0;
	v5 =	vsel vm1, $0x1, v0;
	vm0 =	vgt.s32 v3, $0x1B773F;
	[tilespmem:s7+$0x6400] =	vst v2;
	s7 =	smov.u32 s8;
	s8 =	smov.u32 s10;
	(pc) =	sbr.rel @p0 .LBB2_34-.Ltmp16, $4  }
0x205: {  	v2 =	vadd.s32 v5, v4;
	v4 =	vsel vm0, $0x1, v0;
	vm0 =	vgt.s32 v3, $0x6DDCFF  }
0x206: {  	v2 =	vadd.s32 v4, v2;
	v4 =	vsel vm0, $0x1, v0;
	vm0 =	vgt.s32 v3, $0x5265BFF  }
0x207: {  	v2 =	vadd.s32 v4, v2;
	v4 =	vsel vm0, $0x1, v0;
	vm0 =	vgt.s32 v3, $0x240C83FF  }
0x208: {  	v2 =	vadd.s32 v4, v2;
	v3 =	vsel vm0, $0x1, v0  }
0x209: {  	vm0 =	vgt.s32 v1, $0xEA5F;
	vm1 =	vgt.s32 v1, $0x493DF  }
0x20a: {  	vm6 =	vgt.s32 v1, $0x1B773F;
	v4 =	vsel vm0, $0x1, v0;
	v5 =	vsel vm1, $0x1, v0  }
0x20b: {  	vm7 =	vgt.s32 v1, $0x6DDCFF;
	v4 =	vadd.s32 v5, v4;
	v5 =	vsel vm6, $0x1, v0  }
0x20c: {  	vm8 =	vgt.s32 v1, $0x5265BFF;
	v4 =	vadd.s32 v5, v4;
	v5 =	vsel vm7, $0x1, v0  }
0x20d: {  	vm9 =	vgt.s32 v1, $0x240C83FF;
	v1 =	vsel vm8, $0x1, v0;
	v4 =	vadd.s32 v5, v4  }
0x20e: {  	v2 =	vadd.s32 v3, v2;
	v3 =	vsel vm9, $0x1, v0;
	v1 =	vadd.s32 v1, v4  }
0x20f: {  	[tilespmem:s7+$0x6400] =	vst v2;
	v1 =	vadd.s32 v3, v1  }
0x210: {  	[tilespmem:s8+$0x6400] =	vst v1  }
0x211: {  	[tilespmem:s4], [sflag:$0x1] =	stream.indirect.gather [hbm4b:s3+s0], $0x40, s2, s0, $0xb8;
	[tilespmem:$0x16800] =	vst v63  }
0x212: {  	_ =	swait.ge [sflag:s5], $0x10000  }
0x213: {  	[sflag:s5] =	ssyncset.done $0x0  }
0x214: {  	s10 =	simm.s32 $0x0;
	[sflag:s5] =	ssyncadd.s32 $0xFFFF0000  }
0x215: {  	[hbm4b:s21+s10] =	stream.linear.scatter [tilespmem:s4], [sflag:$0x2], $0x10000, $0x38;
	[tilespmem:$0x16800] =	vst v63  }
0x216: {  	_ =	swait.ge [sflag:s1], $0x10000  }
0x217: {  	[sflag:s1] =	ssyncset.done $0x0  }
0x218: {  	s7 =	simm.s32 $0x0;
	[sflag:s1] =	ssyncadd.s32 $0xFFFF0000  }
0x219: {  	v1 =	vld [tilespmem:s7+$0x4400];
	_ =	sdelay $0x4  }
0x21a: {  	vm10 =	vgt.s32 v1, $0xEA5F;
	vm11 =	vgt.s32 v1, $0x493DF  }
0x21b: {  	s8 =	simm.s32 $0x10;
	vm12 =	vgt.s32 v1, $0x1B773F;
	vm13 =	vgt.s32 v1, $0x6DDCFF;
	vm14 =	vgt.s32 v1, $0x5265BFF  }
0x21c: {  	vm15 =	vgt.s32 v1, $0x240C83FF;
	v1 =	vld [tilespmem:s8+$0x4400];
	v2 =	vsel vm10, $0x1, v0;
	v3 =	vsel vm11, $0x1, v0  }
0x21d: {  	v2 =	vadd.s32 v3, v2;
	v3 =	vsel vm12, $0x1, v0  }
0x21e: {  	v2 =	vadd.s32 v3, v2;
	v3 =	vsel vm13, $0x1, v0  }
0x21f: {  	v2 =	vadd.s32 v3, v2;
	v3 =	vsel vm14, $0x1, v0  }
0x220: {  	s9 =	simm.s32 $0x80;
	v2 =	vadd.s32 v3, v2;
	v3 =	vsel vm15, $0x1, v0  }
.LBB2_36:
0x221: {  	s10 =	sshra.s32 s9, $0x2;
	p0 =	sne.s32 s9, $0xFC0;
	s9 =	sadd.s32 $0x40, s9;
	vm0 =	vgt.s32 v1, $0xEA5F;
	vm1 =	vgt.s32 v1, $0x493DF;
	v2 =	vadd.s32 v3, v2;
	v3 =	vmovc v1  }
.Ltmp17:
0x222: {  	v1 =	vld [tilespmem:s10+$0x4400];
	v4 =	vsel vm0, $0x1, v0;
	v5 =	vsel vm1, $0x1, v0;
	vm0 =	vgt.s32 v3, $0x1B773F;
	[tilespmem:s7+$0x6400] =	vst v2;
	s7 =	smov.u32 s8;
	s8 =	smov.u32 s10;
	(pc) =	sbr.rel @p0 .LBB2_36-.Ltmp17, $4  }
0x223: {  	v2 =	vadd.s32 v5, v4;
	v4 =	vsel vm0, $0x1, v0;
	vm0 =	vgt.s32 v3, $0x6DDCFF  }
0x224: {  	v2 =	vadd.s32 v4, v2;
	v4 =	vsel vm0, $0x1, v0;
	vm0 =	vgt.s32 v3, $0x5265BFF  }
0x225: {  	v2 =	vadd.s32 v4, v2;
	v4 =	vsel vm0, $0x1, v0;
	vm0 =	vgt.s32 v3, $0x240C83FF  }
0x226: {  	v2 =	vadd.s32 v4, v2;
	v3 =	vsel vm0, $0x1, v0  }
0x227: {  	vm0 =	vgt.s32 v1, $0xEA5F;
	vm1 =	vgt.s32 v1, $0x493DF  }
0x228: {  	vm6 =	vgt.s32 v1, $0x1B773F;
	v4 =	vsel vm0, $0x1, v0;
	v5 =	vsel vm1, $0x1, v0  }
0x229: {  	vm7 =	vgt.s32 v1, $0x6DDCFF;
	v4 =	vadd.s32 v5, v4;
	v5 =	vsel vm6, $0x1, v0  }
0x22a: {  	vm8 =	vgt.s32 v1, $0x5265BFF;
	v4 =	vadd.s32 v5, v4;
	v5 =	vsel vm7, $0x1, v0  }
0x22b: {  	vm9 =	vgt.s32 v1, $0x240C83FF;
	v1 =	vsel vm8, $0x1, v0;
	v4 =	vadd.s32 v5, v4  }
0x22c: {  	v2 =	vadd.s32 v3, v2;
	v3 =	vsel vm9, $0x1, v0;
	v1 =	vadd.s32 v1, v4  }
0x22d: {  	[tilespmem:s7+$0x6400] =	vst v2;
	v1 =	vadd.s32 v3, v1  }
0x22e: {  	[tilespmem:s8+$0x6400] =	vst v1  }
0x22f: {  	[tilespmem:s4], [sflag:$0x1] =	stream.indirect.gather [hbm4b:s3+s0], $0x40, s2, s0, $0xb8;
	[tilespmem:$0x16800] =	vst v63  }
0x230: {  	_ =	swait.ge [sflag:s5], $0x10000  }
0x231: {  	[sflag:s5] =	ssyncset.done $0x0  }
0x232: {  	s10 =	simm.s32 $0x0;
	[sflag:s5] =	ssyncadd.s32 $0xFFFF0000  }
0x233: {  	[hbm4b:s22+s10] =	stream.linear.scatter [tilespmem:s4], [sflag:$0x2], $0x10000, $0x38;
	[tilespmem:$0x16800] =	vst v63  }
0x234: {  	_ =	swait.ge [sflag:s1], $0x10000  }
0x235: {  	[sflag:s1] =	ssyncset.done $0x0  }
0x236: {  	s7 =	simm.s32 $0x0;
	[sflag:s1] =	ssyncadd.s32 $0xFFFF0000  }
0x237: {  	v1 =	vld [tilespmem:s7+$0x4800];
	_ =	sdelay $0x4  }
0x238: {  	vm10 =	vgt.s32 v1, $0xEA5F;
	vm11 =	vgt.s32 v1, $0x493DF  }
0x239: {  	s8 =	simm.s32 $0x10;
	vm12 =	vgt.s32 v1, $0x1B773F;
	vm13 =	vgt.s32 v1, $0x6DDCFF;
	vm14 =	vgt.s32 v1, $0x5265BFF  }
0x23a: {  	vm15 =	vgt.s32 v1, $0x240C83FF;
	v1 =	vld [tilespmem:s8+$0x4800];
	v2 =	vsel vm10, $0x1, v0;
	v3 =	vsel vm11, $0x1, v0  }
0x23b: {  	v2 =	vadd.s32 v3, v2;
	v3 =	vsel vm12, $0x1, v0  }
0x23c: {  	v2 =	vadd.s32 v3, v2;
	v3 =	vsel vm13, $0x1, v0  }
0x23d: {  	v2 =	vadd.s32 v3, v2;
	v3 =	vsel vm14, $0x1, v0  }
0x23e: {  	s9 =	simm.s32 $0x80;
	v2 =	vadd.s32 v3, v2;
	v3 =	vsel vm15, $0x1, v0  }
.LBB2_38:
0x23f: {  	s10 =	sshra.s32 s9, $0x2;
	p0 =	sne.s32 s9, $0xFC0;
	s9 =	sadd.s32 $0x40, s9;
	vm0 =	vgt.s32 v1, $0xEA5F;
	vm1 =	vgt.s32 v1, $0x493DF;
	v2 =	vadd.s32 v3, v2;
	v3 =	vmovc v1  }
.Ltmp18:
0x240: {  	v1 =	vld [tilespmem:s10+$0x4800];
	v4 =	vsel vm0, $0x1, v0;
	v5 =	vsel vm1, $0x1, v0;
	vm0 =	vgt.s32 v3, $0x1B773F;
	[tilespmem:s7+$0x6400] =	vst v2;
	s7 =	smov.u32 s8;
	s8 =	smov.u32 s10;
	(pc) =	sbr.rel @p0 .LBB2_38-.Ltmp18, $4  }
0x241: {  	v2 =	vadd.s32 v5, v4;
	v4 =	vsel vm0, $0x1, v0;
	vm0 =	vgt.s32 v3, $0x6DDCFF  }
0x242: {  	v2 =	vadd.s32 v4, v2;
	v4 =	vsel vm0, $0x1, v0;
	vm0 =	vgt.s32 v3, $0x5265BFF  }
0x243: {  	v2 =	vadd.s32 v4, v2;
	v4 =	vsel vm0, $0x1, v0;
	vm0 =	vgt.s32 v3, $0x240C83FF  }
0x244: {  	v2 =	vadd.s32 v4, v2;
	v3 =	vsel vm0, $0x1, v0  }
0x245: {  	vm0 =	vgt.s32 v1, $0xEA5F;
	vm1 =	vgt.s32 v1, $0x493DF  }
0x246: {  	vm6 =	vgt.s32 v1, $0x1B773F;
	v4 =	vsel vm0, $0x1, v0;
	v5 =	vsel vm1, $0x1, v0  }
0x247: {  	vm7 =	vgt.s32 v1, $0x6DDCFF;
	v4 =	vadd.s32 v5, v4;
	v5 =	vsel vm6, $0x1, v0  }
0x248: {  	vm8 =	vgt.s32 v1, $0x5265BFF;
	v4 =	vadd.s32 v5, v4;
	v5 =	vsel vm7, $0x1, v0  }
0x249: {  	vm9 =	vgt.s32 v1, $0x240C83FF;
	v1 =	vsel vm8, $0x1, v0;
	v4 =	vadd.s32 v5, v4  }
0x24a: {  	v2 =	vadd.s32 v3, v2;
	v3 =	vsel vm9, $0x1, v0;
	v1 =	vadd.s32 v1, v4  }
0x24b: {  	[tilespmem:s7+$0x6400] =	vst v2;
	v1 =	vadd.s32 v3, v1  }
0x24c: {  	[tilespmem:s8+$0x6400] =	vst v1  }
0x24d: {  	[tilespmem:s4], [sflag:$0x1] =	stream.indirect.gather [hbm4b:s3+s0], $0x40, s2, s0, $0xb8;
	[tilespmem:$0x16800] =	vst v63  }
0x24e: {  	_ =	swait.ge [sflag:s5], $0x10000  }
0x24f: {  	[sflag:s5] =	ssyncset.done $0x0  }
0x250: {  	s10 =	simm.s32 $0x0;
	[sflag:s5] =	ssyncadd.s32 $0xFFFF0000  }
0x251: {  	[hbm4b:s23+s10] =	stream.linear.scatter [tilespmem:s4], [sflag:$0x2], $0x10000, $0x38;
	[tilespmem:$0x16800] =	vst v63  }
0x252: {  	_ =	swait.ge [sflag:s1], $0x10000  }
0x253: {  	[sflag:s1] =	ssyncset.done $0x0  }
0x254: {  	s7 =	simm.s32 $0x0;
	[sflag:s1] =	ssyncadd.s32 $0xFFFF0000  }
0x255: {  	v1 =	vld [tilespmem:s7+$0x4C00];
	_ =	sdelay $0x4  }
0x256: {  	vm10 =	vgt.s32 v1, $0xEA5F;
	vm11 =	vgt.s32 v1, $0x493DF  }
0x257: {  	s8 =	simm.s32 $0x10;
	vm12 =	vgt.s32 v1, $0x1B773F;
	vm13 =	vgt.s32 v1, $0x6DDCFF;
	vm14 =	vgt.s32 v1, $0x5265BFF  }
0x258: {  	vm15 =	vgt.s32 v1, $0x240C83FF;
	v1 =	vld [tilespmem:s8+$0x4C00];
	v2 =	vsel vm10, $0x1, v0;
	v3 =	vsel vm11, $0x1, v0  }
0x259: {  	v2 =	vadd.s32 v3, v2;
	v3 =	vsel vm12, $0x1, v0  }
0x25a: {  	v2 =	vadd.s32 v3, v2;
	v3 =	vsel vm13, $0x1, v0  }
0x25b: {  	v2 =	vadd.s32 v3, v2;
	v3 =	vsel vm14, $0x1, v0  }
0x25c: {  	s9 =	simm.s32 $0x80;
	v2 =	vadd.s32 v3, v2;
	v3 =	vsel vm15, $0x1, v0  }
.LBB2_40:
0x25d: {  	s10 =	sshra.s32 s9, $0x2;
	p0 =	sne.s32 s9, $0xFC0;
	s9 =	sadd.s32 $0x40, s9;
	vm0 =	vgt.s32 v1, $0xEA5F;
	vm1 =	vgt.s32 v1, $0x493DF;
	v2 =	vadd.s32 v3, v2;
	v3 =	vmovc v1  }
.Ltmp19:
0x25e: {  	v1 =	vld [tilespmem:s10+$0x4C00];
	v4 =	vsel vm0, $0x1, v0;
	v5 =	vsel vm1, $0x1, v0;
	vm0 =	vgt.s32 v3, $0x1B773F;
	[tilespmem:s7+$0x6400] =	vst v2;
	s7 =	smov.u32 s8;
	s8 =	smov.u32 s10;
	(pc) =	sbr.rel @p0 .LBB2_40-.Ltmp19, $4  }
0x25f: {  	v2 =	vadd.s32 v5, v4;
	v4 =	vsel vm0, $0x1, v0;
	vm0 =	vgt.s32 v3, $0x6DDCFF  }
0x260: {  	v2 =	vadd.s32 v4, v2;
	v4 =	vsel vm0, $0x1, v0;
	vm0 =	vgt.s32 v3, $0x5265BFF  }
0x261: {  	v2 =	vadd.s32 v4, v2;
	v4 =	vsel vm0, $0x1, v0;
	vm0 =	vgt.s32 v3, $0x240C83FF  }
0x262: {  	v2 =	vadd.s32 v4, v2;
	v3 =	vsel vm0, $0x1, v0  }
0x263: {  	vm0 =	vgt.s32 v1, $0xEA5F;
	vm1 =	vgt.s32 v1, $0x493DF  }
0x264: {  	vm6 =	vgt.s32 v1, $0x1B773F;
	v4 =	vsel vm0, $0x1, v0;
	v5 =	vsel vm1, $0x1, v0  }
0x265: {  	vm7 =	vgt.s32 v1, $0x6DDCFF;
	v4 =	vadd.s32 v5, v4;
	v5 =	vsel vm6, $0x1, v0  }
0x266: {  	vm8 =	vgt.s32 v1, $0x5265BFF;
	v4 =	vadd.s32 v5, v4;
	v5 =	vsel vm7, $0x1, v0  }
0x267: {  	vm9 =	vgt.s32 v1, $0x240C83FF;
	v1 =	vsel vm8, $0x1, v0;
	v4 =	vadd.s32 v5, v4  }
0x268: {  	v2 =	vadd.s32 v3, v2;
	v3 =	vsel vm9, $0x1, v0;
	v1 =	vadd.s32 v1, v4  }
0x269: {  	[tilespmem:s7+$0x6400] =	vst v2;
	v1 =	vadd.s32 v3, v1  }
0x26a: {  	[tilespmem:s8+$0x6400] =	vst v1  }
0x26b: {  	[tilespmem:s4], [sflag:$0x1] =	stream.indirect.gather [hbm4b:s3+s0], $0x40, s2, s0, $0xb8;
	[tilespmem:$0x16800] =	vst v63  }
0x26c: {  	_ =	swait.ge [sflag:s5], $0x10000  }
0x26d: {  	[sflag:s5] =	ssyncset.done $0x0  }
0x26e: {  	s10 =	simm.s32 $0x0;
	[sflag:s5] =	ssyncadd.s32 $0xFFFF0000  }
0x26f: {  	[hbm4b:s24+s10] =	stream.linear.scatter [tilespmem:s4], [sflag:$0x2], $0x10000, $0x38;
	[tilespmem:$0x16800] =	vst v63  }
0x270: {  	_ =	swait.ge [sflag:s1], $0x10000  }
0x271: {  	[sflag:s1] =	ssyncset.done $0x0  }
0x272: {  	s7 =	simm.s32 $0x0;
	[sflag:s1] =	ssyncadd.s32 $0xFFFF0000  }
0x273: {  	v1 =	vld [tilespmem:s7+$0x5000];
	_ =	sdelay $0x4  }
0x274: {  	vm10 =	vgt.s32 v1, $0xEA5F;
	vm11 =	vgt.s32 v1, $0x493DF  }
0x275: {  	s8 =	simm.s32 $0x10;
	vm12 =	vgt.s32 v1, $0x1B773F;
	vm13 =	vgt.s32 v1, $0x6DDCFF;
	vm14 =	vgt.s32 v1, $0x5265BFF  }
0x276: {  	vm15 =	vgt.s32 v1, $0x240C83FF;
	v1 =	vld [tilespmem:s8+$0x5000];
	v2 =	vsel vm10, $0x1, v0;
	v3 =	vsel vm11, $0x1, v0  }
0x277: {  	v2 =	vadd.s32 v3, v2;
	v3 =	vsel vm12, $0x1, v0  }
0x278: {  	v2 =	vadd.s32 v3, v2;
	v3 =	vsel vm13, $0x1, v0  }
0x279: {  	v2 =	vadd.s32 v3, v2;
	v3 =	vsel vm14, $0x1, v0  }
0x27a: {  	s9 =	simm.s32 $0x80;
	v2 =	vadd.s32 v3, v2;
	v3 =	vsel vm15, $0x1, v0  }
.LBB2_42:
0x27b: {  	s10 =	sshra.s32 s9, $0x2;
	p0 =	sne.s32 s9, $0xFC0;
	s9 =	sadd.s32 $0x40, s9;
	vm0 =	vgt.s32 v1, $0xEA5F;
	vm1 =	vgt.s32 v1, $0x493DF;
	v2 =	vadd.s32 v3, v2;
	v3 =	vmovc v1  }
.Ltmp20:
0x27c: {  	v1 =	vld [tilespmem:s10+$0x5000];
	v4 =	vsel vm0, $0x1, v0;
	v5 =	vsel vm1, $0x1, v0;
	vm0 =	vgt.s32 v3, $0x1B773F;
	[tilespmem:s7+$0x6400] =	vst v2;
	s7 =	smov.u32 s8;
	s8 =	smov.u32 s10;
	(pc) =	sbr.rel @p0 .LBB2_42-.Ltmp20, $4  }
0x27d: {  	v2 =	vadd.s32 v5, v4;
	v4 =	vsel vm0, $0x1, v0;
	vm0 =	vgt.s32 v3, $0x6DDCFF  }
0x27e: {  	v2 =	vadd.s32 v4, v2;
	v4 =	vsel vm0, $0x1, v0;
	vm0 =	vgt.s32 v3, $0x5265BFF  }
0x27f: {  	v2 =	vadd.s32 v4, v2;
	v4 =	vsel vm0, $0x1, v0;
	vm0 =	vgt.s32 v3, $0x240C83FF  }
0x280: {  	v2 =	vadd.s32 v4, v2;
	v3 =	vsel vm0, $0x1, v0  }
0x281: {  	vm0 =	vgt.s32 v1, $0xEA5F;
	vm1 =	vgt.s32 v1, $0x493DF  }
0x282: {  	vm6 =	vgt.s32 v1, $0x1B773F;
	v4 =	vsel vm0, $0x1, v0;
	v5 =	vsel vm1, $0x1, v0  }
0x283: {  	vm7 =	vgt.s32 v1, $0x6DDCFF;
	v4 =	vadd.s32 v5, v4;
	v5 =	vsel vm6, $0x1, v0  }
0x284: {  	vm8 =	vgt.s32 v1, $0x5265BFF;
	v4 =	vadd.s32 v5, v4;
	v5 =	vsel vm7, $0x1, v0  }
0x285: {  	vm9 =	vgt.s32 v1, $0x240C83FF;
	v1 =	vsel vm8, $0x1, v0;
	v4 =	vadd.s32 v5, v4  }
0x286: {  	v2 =	vadd.s32 v3, v2;
	v3 =	vsel vm9, $0x1, v0;
	v1 =	vadd.s32 v1, v4  }
0x287: {  	[tilespmem:s7+$0x6400] =	vst v2;
	v1 =	vadd.s32 v3, v1  }
0x288: {  	[tilespmem:s8+$0x6400] =	vst v1  }
0x289: {  	[tilespmem:s4], [sflag:$0x1] =	stream.indirect.gather [hbm4b:s3+s0], $0x40, s2, s0, $0xb8;
	[tilespmem:$0x16800] =	vst v63  }
0x28a: {  	_ =	swait.ge [sflag:s5], $0x10000  }
0x28b: {  	[sflag:s5] =	ssyncset.done $0x0  }
0x28c: {  	s10 =	simm.s32 $0x0;
	[sflag:s5] =	ssyncadd.s32 $0xFFFF0000  }
0x28d: {  	[hbm4b:s25+s10] =	stream.linear.scatter [tilespmem:s4], [sflag:$0x2], $0x10000, $0x38;
	[tilespmem:$0x16800] =	vst v63  }
0x28e: {  	_ =	swait.ge [sflag:s1], $0x10000  }
0x28f: {  	[sflag:s1] =	ssyncset.done $0x0  }
0x290: {  	s7 =	simm.s32 $0x0;
	[sflag:s1] =	ssyncadd.s32 $0xFFFF0000  }
0x291: {  	v1 =	vld [tilespmem:s7+$0x5400];
	_ =	sdelay $0x4  }
0x292: {  	vm10 =	vgt.s32 v1, $0xEA5F;
	vm11 =	vgt.s32 v1, $0x493DF  }
0x293: {  	s8 =	simm.s32 $0x10;
	vm12 =	vgt.s32 v1, $0x1B773F;
	vm13 =	vgt.s32 v1, $0x6DDCFF;
	vm14 =	vgt.s32 v1, $0x5265BFF  }
0x294: {  	vm15 =	vgt.s32 v1, $0x240C83FF;
	v1 =	vld [tilespmem:s8+$0x5400];
	v2 =	vsel vm10, $0x1, v0;
	v3 =	vsel vm11, $0x1, v0  }
0x295: {  	v2 =	vadd.s32 v3, v2;
	v3 =	vsel vm12, $0x1, v0  }
0x296: {  	v2 =	vadd.s32 v3, v2;
	v3 =	vsel vm13, $0x1, v0  }
0x297: {  	v2 =	vadd.s32 v3, v2;
	v3 =	vsel vm14, $0x1, v0  }
0x298: {  	s9 =	simm.s32 $0x80;
	v2 =	vadd.s32 v3, v2;
	v3 =	vsel vm15, $0x1, v0  }
.LBB2_44:
0x299: {  	s10 =	sshra.s32 s9, $0x2;
	p0 =	sne.s32 s9, $0xFC0;
	s9 =	sadd.s32 $0x40, s9;
	vm0 =	vgt.s32 v1, $0xEA5F;
	vm1 =	vgt.s32 v1, $0x493DF;
	v2 =	vadd.s32 v3, v2;
	v3 =	vmovc v1  }
.Ltmp21:
0x29a: {  	v1 =	vld [tilespmem:s10+$0x5400];
	v4 =	vsel vm0, $0x1, v0;
	v5 =	vsel vm1, $0x1, v0;
	vm0 =	vgt.s32 v3, $0x1B773F;
	[tilespmem:s7+$0x6400] =	vst v2;
	s7 =	smov.u32 s8;
	s8 =	smov.u32 s10;
	(pc) =	sbr.rel @p0 .LBB2_44-.Ltmp21, $4  }
0x29b: {  	v2 =	vadd.s32 v5, v4;
	v4 =	vsel vm0, $0x1, v0;
	vm0 =	vgt.s32 v3, $0x6DDCFF  }
0x29c: {  	v2 =	vadd.s32 v4, v2;
	v4 =	vsel vm0, $0x1, v0;
	vm0 =	vgt.s32 v3, $0x5265BFF  }
0x29d: {  	v2 =	vadd.s32 v4, v2;
	v4 =	vsel vm0, $0x1, v0;
	vm0 =	vgt.s32 v3, $0x240C83FF  }
0x29e: {  	v2 =	vadd.s32 v4, v2;
	v3 =	vsel vm0, $0x1, v0  }
0x29f: {  	vm0 =	vgt.s32 v1, $0xEA5F;
	vm1 =	vgt.s32 v1, $0x493DF  }
0x2a0: {  	vm6 =	vgt.s32 v1, $0x1B773F;
	v4 =	vsel vm0, $0x1, v0;
	v5 =	vsel vm1, $0x1, v0  }
0x2a1: {  	vm7 =	vgt.s32 v1, $0x6DDCFF;
	v4 =	vadd.s32 v5, v4;
	v5 =	vsel vm6, $0x1, v0  }
0x2a2: {  	vm8 =	vgt.s32 v1, $0x5265BFF;
	v4 =	vadd.s32 v5, v4;
	v5 =	vsel vm7, $0x1, v0  }
0x2a3: {  	vm9 =	vgt.s32 v1, $0x240C83FF;
	v1 =	vsel vm8, $0x1, v0;
	v4 =	vadd.s32 v5, v4  }
0x2a4: {  	v2 =	vadd.s32 v3, v2;
	v3 =	vsel vm9, $0x1, v0;
	v1 =	vadd.s32 v1, v4  }
0x2a5: {  	[tilespmem:s7+$0x6400] =	vst v2;
	v1 =	vadd.s32 v3, v1  }
0x2a6: {  	[tilespmem:s8+$0x6400] =	vst v1  }
0x2a7: {  	[tilespmem:s4], [sflag:$0x1] =	stream.indirect.gather [hbm4b:s3+s0], $0x40, s2, s0, $0xb8;
	[tilespmem:$0x16800] =	vst v63  }
0x2a8: {  	_ =	swait.ge [sflag:s5], $0x10000  }
0x2a9: {  	[sflag:s5] =	ssyncset.done $0x0  }
0x2aa: {  	s10 =	simm.s32 $0x0;
	[sflag:s5] =	ssyncadd.s32 $0xFFFF0000  }
0x2ab: {  	[hbm4b:s26+s10] =	stream.linear.scatter [tilespmem:s4], [sflag:$0x2], $0x10000, $0x38;
	[tilespmem:$0x16800] =	vst v63  }
0x2ac: {  	_ =	swait.ge [sflag:s1], $0x10000  }
0x2ad: {  	[sflag:s1] =	ssyncset.done $0x0  }
0x2ae: {  	s7 =	simm.s32 $0x0;
	[sflag:s1] =	ssyncadd.s32 $0xFFFF0000  }
0x2af: {  	v1 =	vld [tilespmem:s7+$0x5800];
	_ =	sdelay $0x4  }
0x2b0: {  	vm10 =	vgt.s32 v1, $0xEA5F;
	vm11 =	vgt.s32 v1, $0x493DF  }
0x2b1: {  	s8 =	simm.s32 $0x10;
	vm12 =	vgt.s32 v1, $0x1B773F;
	vm13 =	vgt.s32 v1, $0x6DDCFF;
	vm14 =	vgt.s32 v1, $0x5265BFF  }
0x2b2: {  	vm15 =	vgt.s32 v1, $0x240C83FF;
	v1 =	vld [tilespmem:s8+$0x5800];
	v2 =	vsel vm10, $0x1, v0;
	v3 =	vsel vm11, $0x1, v0  }
0x2b3: {  	v2 =	vadd.s32 v3, v2;
	v3 =	vsel vm12, $0x1, v0  }
0x2b4: {  	v2 =	vadd.s32 v3, v2;
	v3 =	vsel vm13, $0x1, v0  }
0x2b5: {  	v2 =	vadd.s32 v3, v2;
	v3 =	vsel vm14, $0x1, v0  }
0x2b6: {  	s9 =	simm.s32 $0x80;
	v2 =	vadd.s32 v3, v2;
	v3 =	vsel vm15, $0x1, v0  }
.LBB2_46:
0x2b7: {  	s10 =	sshra.s32 s9, $0x2;
	p0 =	sne.s32 s9, $0xFC0;
	s9 =	sadd.s32 $0x40, s9;
	vm0 =	vgt.s32 v1, $0xEA5F;
	vm1 =	vgt.s32 v1, $0x493DF;
	v2 =	vadd.s32 v3, v2;
	v3 =	vmovc v1  }
.Ltmp22:
0x2b8: {  	v1 =	vld [tilespmem:s10+$0x5800];
	v4 =	vsel vm0, $0x1, v0;
	v5 =	vsel vm1, $0x1, v0;
	vm0 =	vgt.s32 v3, $0x1B773F;
	[tilespmem:s7+$0x6400] =	vst v2;
	s7 =	smov.u32 s8;
	s8 =	smov.u32 s10;
	(pc) =	sbr.rel @p0 .LBB2_46-.Ltmp22, $4  }
0x2b9: {  	v2 =	vadd.s32 v5, v4;
	v4 =	vsel vm0, $0x1, v0;
	vm0 =	vgt.s32 v3, $0x6DDCFF  }
0x2ba: {  	v2 =	vadd.s32 v4, v2;
	v4 =	vsel vm0, $0x1, v0;
	vm0 =	vgt.s32 v3, $0x5265BFF  }
0x2bb: {  	v2 =	vadd.s32 v4, v2;
	v4 =	vsel vm0, $0x1, v0;
	vm0 =	vgt.s32 v3, $0x240C83FF  }
0x2bc: {  	v2 =	vadd.s32 v4, v2;
	v3 =	vsel vm0, $0x1, v0  }
0x2bd: {  	vm0 =	vgt.s32 v1, $0xEA5F;
	vm1 =	vgt.s32 v1, $0x493DF  }
0x2be: {  	vm6 =	vgt.s32 v1, $0x1B773F;
	v4 =	vsel vm0, $0x1, v0;
	v5 =	vsel vm1, $0x1, v0  }
0x2bf: {  	vm7 =	vgt.s32 v1, $0x6DDCFF;
	v4 =	vadd.s32 v5, v4;
	v5 =	vsel vm6, $0x1, v0  }
0x2c0: {  	vm8 =	vgt.s32 v1, $0x5265BFF;
	v4 =	vadd.s32 v5, v4;
	v5 =	vsel vm7, $0x1, v0  }
0x2c1: {  	vm9 =	vgt.s32 v1, $0x240C83FF;
	v1 =	vsel vm8, $0x1, v0;
	v4 =	vadd.s32 v5, v4  }
0x2c2: {  	v2 =	vadd.s32 v3, v2;
	v3 =	vsel vm9, $0x1, v0;
	v1 =	vadd.s32 v1, v4  }
0x2c3: {  	[tilespmem:s7+$0x6400] =	vst v2;
	v1 =	vadd.s32 v3, v1  }
0x2c4: {  	[tilespmem:s8+$0x6400] =	vst v1  }
0x2c5: {  	[tilespmem:s4], [sflag:$0x1] =	stream.indirect.gather [hbm4b:s3+s0], $0x40, s2, s0, $0xb8;
	[tilespmem:$0x16800] =	vst v63  }
0x2c6: {  	_ =	swait.ge [sflag:s5], $0x10000  }
0x2c7: {  	[sflag:s5] =	ssyncset.done $0x0  }
0x2c8: {  	s10 =	simm.s32 $0x0;
	[sflag:s5] =	ssyncadd.s32 $0xFFFF0000  }
0x2c9: {  	[hbm4b:s28+s10] =	stream.linear.scatter [tilespmem:s4], [sflag:$0x2], $0x10000, $0x38;
	[tilespmem:$0x16800] =	vst v63  }
0x2ca: {  	_ =	swait.ge [sflag:s1], $0x10000  }
0x2cb: {  	[sflag:s1] =	ssyncset.done $0x0  }
0x2cc: {  	s7 =	simm.s32 $0x0;
	[sflag:s1] =	ssyncadd.s32 $0xFFFF0000  }
0x2cd: {  	v1 =	vld [tilespmem:s7+$0x5C00];
	_ =	sdelay $0x4  }
0x2ce: {  	vm10 =	vgt.s32 v1, $0xEA5F;
	vm11 =	vgt.s32 v1, $0x493DF  }
0x2cf: {  	s8 =	simm.s32 $0x10;
	vm12 =	vgt.s32 v1, $0x1B773F;
	vm13 =	vgt.s32 v1, $0x6DDCFF;
	vm14 =	vgt.s32 v1, $0x5265BFF  }
0x2d0: {  	vm15 =	vgt.s32 v1, $0x240C83FF;
	v1 =	vld [tilespmem:s8+$0x5C00];
	v2 =	vsel vm10, $0x1, v0;
	v3 =	vsel vm11, $0x1, v0  }
0x2d1: {  	v2 =	vadd.s32 v3, v2;
	v3 =	vsel vm12, $0x1, v0  }
0x2d2: {  	v2 =	vadd.s32 v3, v2;
	v3 =	vsel vm13, $0x1, v0  }
0x2d3: {  	v2 =	vadd.s32 v3, v2;
	v3 =	vsel vm14, $0x1, v0  }
0x2d4: {  	s9 =	simm.s32 $0x80;
	v2 =	vadd.s32 v3, v2;
	v3 =	vsel vm15, $0x1, v0  }
.LBB2_48:
0x2d5: {  	s10 =	sshra.s32 s9, $0x2;
	p0 =	sne.s32 s9, $0xFC0;
	s9 =	sadd.s32 $0x40, s9;
	vm0 =	vgt.s32 v1, $0xEA5F;
	vm1 =	vgt.s32 v1, $0x493DF;
	v2 =	vadd.s32 v3, v2;
	v3 =	vmovc v1  }
.Ltmp23:
0x2d6: {  	v1 =	vld [tilespmem:s10+$0x5C00];
	v4 =	vsel vm0, $0x1, v0;
	v5 =	vsel vm1, $0x1, v0;
	vm0 =	vgt.s32 v3, $0x1B773F;
	[tilespmem:s7+$0x6400] =	vst v2;
	s7 =	smov.u32 s8;
	s8 =	smov.u32 s10;
	(pc) =	sbr.rel @p0 .LBB2_48-.Ltmp23, $4  }
0x2d7: {  	v2 =	vadd.s32 v5, v4;
	v4 =	vsel vm0, $0x1, v0;
	vm0 =	vgt.s32 v3, $0x6DDCFF  }
0x2d8: {  	v2 =	vadd.s32 v4, v2;
	v4 =	vsel vm0, $0x1, v0;
	vm0 =	vgt.s32 v3, $0x5265BFF  }
0x2d9: {  	v2 =	vadd.s32 v4, v2;
	v4 =	vsel vm0, $0x1, v0;
	vm0 =	vgt.s32 v3, $0x240C83FF  }
0x2da: {  	v2 =	vadd.s32 v4, v2;
	v3 =	vsel vm0, $0x1, v0  }
0x2db: {  	vm0 =	vgt.s32 v1, $0xEA5F;
	vm1 =	vgt.s32 v1, $0x493DF  }
0x2dc: {  	vm6 =	vgt.s32 v1, $0x1B773F;
	v4 =	vsel vm0, $0x1, v0;
	v5 =	vsel vm1, $0x1, v0  }
0x2dd: {  	vm7 =	vgt.s32 v1, $0x6DDCFF;
	v4 =	vadd.s32 v5, v4;
	v5 =	vsel vm6, $0x1, v0  }
0x2de: {  	vm8 =	vgt.s32 v1, $0x5265BFF;
	v4 =	vadd.s32 v5, v4;
	v5 =	vsel vm7, $0x1, v0  }
0x2df: {  	vm9 =	vgt.s32 v1, $0x240C83FF;
	v1 =	vsel vm8, $0x1, v0;
	v4 =	vadd.s32 v5, v4  }
0x2e0: {  	v2 =	vadd.s32 v3, v2;
	v3 =	vsel vm9, $0x1, v0;
	v1 =	vadd.s32 v1, v4  }
0x2e1: {  	[tilespmem:s7+$0x6400] =	vst v2;
	v1 =	vadd.s32 v3, v1  }
0x2e2: {  	[tilespmem:s8+$0x6400] =	vst v1  }
0x2e3: {  	[tilespmem:s4], [sflag:$0x1] =	stream.indirect.gather [hbm4b:s3+s0], $0x40, s2, s0, $0xb8;
	[tilespmem:$0x16800] =	vst v63  }
0x2e4: {  	_ =	swait.ge [sflag:s5], $0x10000  }
0x2e5: {  	[sflag:s5] =	ssyncset.done $0x0  }
0x2e6: {  	s10 =	simm.s32 $0x0;
	[sflag:s5] =	ssyncadd.s32 $0xFFFF0000  }
0x2e7: {  	[hbm4b:s29+s10] =	stream.linear.scatter [tilespmem:s4], [sflag:$0x2], $0x10000, $0x38;
	[tilespmem:$0x16800] =	vst v63  }
0x2e8: {  	_ =	swait.ge [sflag:s1], $0x10000  }
0x2e9: {  	[sflag:s1] =	ssyncset.done $0x0  }
0x2ea: {  	s7 =	simm.s32 $0x0;
	[sflag:s1] =	ssyncadd.s32 $0xFFFF0000  }
0x2eb: {  	v1 =	vld [tilespmem:s7+$0x6000];
	_ =	sdelay $0x4  }
0x2ec: {  	vm10 =	vgt.s32 v1, $0xEA5F;
	vm11 =	vgt.s32 v1, $0x493DF  }
0x2ed: {  	s8 =	simm.s32 $0x10;
	vm12 =	vgt.s32 v1, $0x1B773F;
	vm13 =	vgt.s32 v1, $0x6DDCFF;
	vm14 =	vgt.s32 v1, $0x5265BFF  }
0x2ee: {  	vm15 =	vgt.s32 v1, $0x240C83FF;
	v1 =	vld [tilespmem:s8+$0x6000];
	v2 =	vsel vm10, $0x1, v0;
	v3 =	vsel vm11, $0x1, v0  }
0x2ef: {  	v2 =	vadd.s32 v3, v2;
	v3 =	vsel vm12, $0x1, v0  }
0x2f0: {  	v2 =	vadd.s32 v3, v2;
	v3 =	vsel vm13, $0x1, v0  }
0x2f1: {  	v2 =	vadd.s32 v3, v2;
	v3 =	vsel vm14, $0x1, v0  }
0x2f2: {  	s9 =	simm.s32 $0x80;
	v2 =	vadd.s32 v3, v2;
	v3 =	vsel vm15, $0x1, v0  }
.LBB2_50:
0x2f3: {  	s10 =	sshra.s32 s9, $0x2;
	p0 =	sne.s32 s9, $0xFC0;
	s9 =	sadd.s32 $0x40, s9;
	vm0 =	vgt.s32 v1, $0xEA5F;
	vm1 =	vgt.s32 v1, $0x493DF;
	v2 =	vadd.s32 v3, v2;
	v3 =	vmovc v1  }
.Ltmp24:
0x2f4: {  	v1 =	vld [tilespmem:s10+$0x6000];
	v4 =	vsel vm0, $0x1, v0;
	v5 =	vsel vm1, $0x1, v0;
	vm0 =	vgt.s32 v3, $0x1B773F;
	[tilespmem:s7+$0x6400] =	vst v2;
	s7 =	smov.u32 s8;
	s8 =	smov.u32 s10;
	(pc) =	sbr.rel @p0 .LBB2_50-.Ltmp24, $4  }
0x2f5: {  	v2 =	vadd.s32 v5, v4;
	v4 =	vsel vm0, $0x1, v0;
	vm0 =	vgt.s32 v3, $0x6DDCFF  }
0x2f6: {  	v2 =	vadd.s32 v4, v2;
	v4 =	vsel vm0, $0x1, v0;
	vm0 =	vgt.s32 v3, $0x5265BFF  }
0x2f7: {  	v2 =	vadd.s32 v4, v2;
	v4 =	vsel vm0, $0x1, v0;
	vm0 =	vgt.s32 v3, $0x240C83FF  }
0x2f8: {  	v2 =	vadd.s32 v4, v2;
	v3 =	vsel vm0, $0x1, v0  }
0x2f9: {  	vm0 =	vgt.s32 v1, $0xEA5F;
	vm1 =	vgt.s32 v1, $0x493DF  }
0x2fa: {  	vm12 =	vgt.s32 v1, $0x1B773F;
	v4 =	vsel vm0, $0x1, v0;
	v5 =	vsel vm1, $0x1, v0  }
0x2fb: {  	vm13 =	vgt.s32 v1, $0x6DDCFF;
	v62 =	vsel vm12, $0x1, v0;
	v4 =	vadd.s32 v5, v4  }
0x2fc: {  	vm14 =	vgt.s32 v1, $0x5265BFF;
	v63 =	vsel vm13, $0x1, v0;
	v4 =	vadd.s32 v62, v4  }
0x2fd: {  	vm15 =	vgt.s32 v1, $0x240C83FF;
	v1 =	vsel vm14, $0x1, v0;
	v4 =	vadd.s32 v63, v4  }
0x2fe: {  	v2 =	vadd.s32 v3, v2;
	v3 =	vsel vm15, $0x1, v0;
	v1 =	vadd.s32 v1, v4  }
0x2ff: {  	[tilespmem:s7+$0x6400] =	vst v2;
	v1 =	vadd.s32 v3, v1  }
0x300: {  	[tilespmem:s8+$0x6400] =	vst v1  }
0x301: {  	[tilespmem:s4], [sflag:$0x1] =	stream.indirect.gather [hbm4b:s3+s0], $0x40, s2, s0, $0xb8;
	[tilespmem:$0x16800] =	vst v63  }
0x302: {  	s6 =	sadd.s32 $0x1, s6;
	_ =	swait.ge [sflag:s5], $0x10000  }
0x303: {  	p0 =	sne.s32 s6, s31;
	[sflag:s5] =	ssyncset.done $0x0  }
.Ltmp25:
0x304: {  	s8 =	simm.s32 $0x0;
	[sflag:s5] =	ssyncadd.s32 $0xFFFF0000;
	(pc) =	sbr.rel @p0 .LBB2_1-.Ltmp25, $4  }
0x305: {  	[hbm4b:s30+s8] =	stream.linear.scatter [tilespmem:s4], [sflag:$0x2], $0x10000, $0x38;
	[tilespmem:$0x16800] =	vst v63  }
0x306: {  	_ =	swait.ge [sflag:s1], $0x10000  }
0x307: {  	[sflag:s1] =	ssyncset.done $0x0  }
0x308: {  	[sflag:s1] =	ssyncadd.s32 $0xFFFF0000  }
0x309: {  	_ =	sfence.sel $0x180000  }
0x30a: {  	[bflag:$0x0] =	sbarrier.arrive $0xFFFF  }
0x30b: {  	_ =	strace $0x90000047  }
0x30c: {  	s0 =	stileid.u32;
	[bflag:$0x2] =	sbarrier.arrive $0xFFFF  }
0x30d: {  	p0 =	sne.s32 s0, $0x0;
	s0 =	rddreg [dreg:$0x2]  }
0x30e: {  	s0 =	sadd.s32 @!p0 $0x100000, s0  }
0x30f: {  	[sflag:s0] =	ssyncadd.tile.s32 @!p0 $0x1;
	_ =	shalt  }
.Lfunc_end2:
_tile_overlayer_lowered:
.L_overlay_start_2:
0x310: {  	(tag) =	ssettag $0x2  }
0x311: {  	s0 =	rddreg [dreg:$0x0];
	s2 =	stileid.u32  }
0x312: {  	s1 =	rddreg [dreg:$0x1];
	p0 =	sne.s32 s2, $0x0  }
0x313: {  	s3 =	rddreg [dreg:$0x2];
	[bflag:$0x3] =	sbarrier.arrive $0xFFFF;
	s2 =	simm.s32 @!p0 $0x1C02  }
0x314: {  	[timem:s3], [sflag:s2] =	dma.local @!p0 [hbm:s0], s1  }
0x315: {  	s0 =	simm.s32 @!p0 $0x2  }
0x316: {  	_ =	swait.ge @!p0 [sflag:s0], s1  }
0x317: {  	s1 =	ssub.s32 @!p0 $0x0, s1;
	[sflag:s0] =	ssyncset.done @!p0 $0x0  }
0x318: {  	[sflag:s0] =	ssyncadd.s32 @!p0 s1  }
0x319: {  	[bflag:$0x3] =	sbarrier.arrive $0xFFFF  }
0x31a: {  	_ =	shalt  }

// kernel: sparse-core-data-format-call.cloned.1.call-start
scs
called_computation_lowered:
.L_overlay_start_0:
0x0: {  	s2 =	sld [smem:$0x3FD9]  }
0x1: {  	s3 =	sld [smem:$0x3FFE];
	_ =	sdelay $0x1  }
0x2: {  	s1 =	srdreg.scid  }
0x3: {  	s0 =	sand.u32 $0x1, s1  }
0x4: {  	s18 =	sshll.u32 s0, $0xA;
	s2 =	sadd.s32 s3, s2  }
0x5: {  	s2 =	sadd.s32 s2, s18  }
0x6: {  	[smem:$0x3FC6] =	sst s2  }
0x7: {  	_ = 	snop  }
0x8: {  	s2 =	sld [smem:$0x3FD0];
	(tm) =	ssettm $0x1  }
0x9: {  	s19 =	sld [smem:$0x3FFB];
	_ =	sdelay $0x3  }
0xa: {  	_ =	strace s19  }
0xb: {  	s3 =	sld [smem:$0x3FFC];
	_ =	sdelay $0x3  }
0xc: {  	_ =	strace s3  }
0xd: {  	s3 =	sld [smem:$0x3FFD];
	_ =	sdelay $0x3  }
0xe: {  	_ =	strace s3  }
0xf: {  	_ =	strace $0x8FFFFFFF  }
0x10: {  	s20 =	sld [smem:$0x3FDB];
	_ =	sdelay $0x1  }
0x11: {  	s4 =	simm.s32 $_scs_section_size  }
0x12: {  	s5 =	simm.s32 $_size__tile_overlayer_lowered;
	s6 =	simm.s32 $_tile_overlayer_lowered  }
0x13: {  	s23 =	simm.s32 $0x1BFF;
	s22 =	sshll.u32 s6, $0x1;
	s3 =	sadd.s32 s4, s20  }
0x14: {  	s7 =	simm.s32 $0x0;
	s21 =	sshll.u32 s5, $0x1;
	s5 =	sadd.s32 s22, s3  }
0x15: {  	[timem:s7], [sflag:s23] =	dma.local [hbm:s5], s21  }
0x16: {  	_ =	swait.ge [sflag:s23], s21  }
0x17: {  	s4 =	ssub.s32 $0x0, s21;
	[sflag:s23] =	ssyncset.done $0x0  }
0x18: {  	[sflag:s23] =	ssyncadd.s32 s4;
	_ =	sdelay $0x1  }
0x19: {  	s24 =	simm.s32 $0x1B8B  }
0x1a: {  	_ =	swait.ge [sflag:s24], $0x1  }
0x1b: {  	[sflag:s24] =	ssyncset.done $0x0  }
0x1c: {  	s26 =	simm.s32 $0x1B8E;
	s25 =	sld [smem:$0x3FFE];
	[sflag:s24] =	ssyncadd.s32 $0xFFFFFFFF  }
0x1d: {  	s27 =	simm.s32 $execute0_lowered;
	[smem:$0x3FD2] =	sst s26  }
0x1e: {  	s5 =	sshll.u32 s27, $0x1;
	_ =	strace $0x80000049;
	[dreg:$0x1] =	wrdreg $0xFFFFFFFF  }
0x1f: {  	s28 =	simm.s32 $_size_execute0_lowered;
	s3 =	sadd.s32 s3, s5;
	[dreg:$0x0] =	wrdreg $0x0  }
0x20: {  	s5 =	sshll.u32 s28, $0x1;
	[dreg:$0x2] =	wrdreg s3  }
0x21: {  	[dreg:$0x3] =	wrdreg s5  }
0x22: {  	[dreg:$0x4] =	wrdreg $0xC0  }
0x23: {  	_ =	task [dreg:s7], $0x5FFFF  }
0x24: {  	[dreg:$0x1] =	wrdreg $0xFFFFFFFF  }
0x25: {  	[dreg:$0x0] =	wrdreg $0x60  }
0x26: {  	[dreg:$0x2] =	wrdreg s25  }
0x27: {  	[dreg:$0x3] =	wrdreg s2  }
0x28: {  	[dreg:$0x4] =	wrdreg $0x9  }
0x29: {  	_ =	task.clear_ibuf [dreg:s7], $0x5FFFF;
	_ =	strace $0x90000049  }
0x2a: {  	s29 =	simm.s32 $0x9;
	_ =	strace $0x8000004B  }
0x2b: {  	_ =	swait.ge [sflag:s29], $0x1  }
0x2c: {  	[sflag:s29] =	ssyncadd.s32 $0xFFFFFFFF  }
0x2d: {  	_ =	strace $0x9000004B  }
0x2e: {  	_ =	sfence  }
0x2f: {  	s30 =	sld [smem:$0x0];
	_ =	sdelay $0x2  }
0x30: {  	s31 =	sshll.u32 s1, $0xD;
	s1 =	sshrl.u32 s1, $0x2  }
0x31: {  	s3 =	sand.u32 $0x4000, s31;
	s1 =	sadd.s32 s1, s30  }
0x32: {  	s0 =	sor.u32 s3, s0;
	s1 =	sshll.u32 s1, $0x11  }
0x33: {  	s0 =	sor.u32 s1, s0  }
0x34: {  	s0 =	sadd.s32 $0x8F2B, s0  }
0x35: {  	[sflag:s0] =	ssyncadd.remote.s32 $0x1  }
0x36: {  	_ =	sfence.sel $0xFFFF  }
0x37: {  	[dreg:$0x0] =	wrdreg $0xFFFFFFFF;
	(pc) =	sbr.abs _section_cstart, $3  }
0x38: {  	[dreg:$0x1] =	wrdreg $0xFFFFFFFF  }
0x39: {  	_ =	task.clear_ibuf [dreg:s7], $0x2FFFF;
	_ =	strace $0x9FFFFFFF  }
0x3a: {  	(tm) =	ssettm $0x7FFFFFFF  }
0x3b: {  	_ =	shalt  }
tec
execute0_lowered:
.L_overlay_start_1:
0x0: {  	(tag) =	ssettag $0x1  }
0x1: {  	s0 =	srdreg.scid  }
0x2: {  	s1 =	sshll.u32 s0, $0x4  }
0x3: {  	s0 =	stileid.u32;
	s1 =	sand.u32 $0x10, s1  }
0x4: {  	s1 =	sor.u32 s0, s1  }
0x5: {  	s6 =	rddreg [dreg:$0x0];
	s4 =	simm.s32 $0x1;
	s2 =	sshll.u32 s1, $0x7  }
0x6: {  	s7 =	simm.s32 $0x2;
	s12 =	simm.s32 $0x0;
	s1 =	ssub.s32 $0x1000, s2  }
0x7: {  	s8 =	simm.s32 $0x8000;
	s13 =	simm.s32 $0x0;
	s3 =	sand.u32 $0xF80, s1  }
0x8: {  	s9 =	simm.s32 $0x0;
	s5 =	sshrl.u32 s1, $0xC;
	p0 =	sne.s32 s3, $0x0  }
.Ltmp0:
0x9: {  	s1 =	rddreg [dreg:$0x2];
	s4 =	simm.s32 @!p0 $0x0;
	(pc) =	sbr.rel .LBB1_1-.Ltmp0, $4  }
0xa: {  	s11 =	simm.s32 $0x0;
	s3 =	rddreg [dreg:$0x1];
	s5 =	sadd.s32 s4, s5  }
0xb: {  	_ =	strace $0x8000004A;
	s4 =	simm.s32 $0x1;
	s5 =	smul.u32 $0xC8, s5  }
0xc: {  	s6 =	sadd.s32 $0x800, s6;
	s10 =	smov.u32 s2;
	[sflag:s4] =	ssyncpa.u1 $0x0  }
0xd: {  	p0 =	por $0x0, $0x0;
	[sflag:s7] =	ssyncpa.u1 $0x0;
	s7 =	sor.u32 $0x1, s5  }
.LBB1_4:
0xe: {  	s16 =	sshll.u32 s13, $0x3;
	s17 =	sand.u32 $0x78, s13  }
0xf: {  	s30 =	sand.u32 $0x7E00, s13;
	s12 =	sshll.u32 s12, $0xF;
	s16 =	sand.u32 $0xC00, s16  }
0x10: {  	[tilespmem:s15+$0x810 ss:$0x81] =	vst.msk $0xffff, v2;
	s31 =	sand.u32 $0x7, s13;
	s16 =	sor.u32 s17, s16;
	s17 =	sadd.s32 s3, s30  }
0x11: {  	[tilespmem:s15+$0x1020 ss:$0x81] =	vst.msk $0xffff, v0;
	s13 =	sshll.u32 s31, $0x12;
	s12 =	sadd.s32 s12, s17;
	s16 =	sshrl.u32 s16, $0x3  }
0x12: {  	[tilespmem:s15+$0x0 ss:$0x81] =	vst.msk $0xffff, v1;
	s13 =	sor.u32 $0x400, s13;
	s12 =	sadd.s32 s16, s12  }
0x13: {  	[hbm4b:s12+s13] =	stream.strided.scatter [tilespmem:s14], [sflag:$0x2], $0x2000, s8, s13, $0x20;
	[tilespmem:$0x8080] =	vst v63  }
.LBB1_5:
0x14: {  	s14 =	sadd.s32 $0x1, s9  }
0x15: {  	s12 =	sadd.s32 $0x1000, s10;
	s16 =	smov.u32 s10;
	p2 =	sgt.s32 s14, $0xC7  }
0x16: {  	s16 =	smov.u32 @p2 s12  }
0x17: {  	s14 =	simm.s32 @p2 $0x0;
	p2 =	sgt.s32 s16, $0xFFF  }
0x18: {  	s16 =	smov.u32 @p2 s2;
	p2 =	sne.s32 s11, s7  }
.Ltmp1:
0x19: {  	p1 =	slt.u32 s11, $0x2;
	(pc) =	sbr.rel @!p2 .LBB1_6-.Ltmp1, $4  }
0x1a: {  	s15 =	simm.s32 @!p1 $0x2  }
0x1b: {  	s13 =	smov.u32 s10;
	p0 =	por !p0, !p0;
	_ =	swait.ge @!p1 [sflag:s15], $0x2000  }
0x1c: {  	s12 =	smov.u32 s9;
	[sflag:s15] =	ssyncset.done @!p1 $0x0;
	s9 =	smov.u32 s14  }
0x1d: {  	s11 =	sadd.s32 $0x1, s11;
	[sflag:s15] =	ssyncadd.s32 @!p1 $0xFFFFE000;
	s10 =	smov.u32 s16  }
.LBB1_1:
0x1e: {  	p1 =	sge.u32 s11, s5  }
0x1f: {  	s14 =	sand.u32 @!p1 $0x1FFFFFF, s9  }
0x20: {  	s15 =	smulhi.u32 @!p1 $0x147AE15, s14;
	_ =	sdelay $0x1  }
0x21: {  	s15 =	smul.u32 @!p1 $0xC8, s15  }
0x22: {  	s16 =	sxor.u32 @!p1 $0xFFFFFFFF, s11;
	s17 =	smul.u32 @!p1 $0xC80, s10  }
0x23: {  	s31 =	sadd.s32 $0xFFFFFFFF, s11;
	s16 =	sshll.u32 @!p1 s16, $0xD;
	s14 =	ssub.s32 @!p1 s14, s15  }
0x24: {  	s15 =	sand.u32 @!p1 $0x2000, s16;
	s16 =	sadd.s32 @!p1 s6, s17;
	s14 =	sshll.u32 @!p1 s14, $0x4  }
0x25: {  	s17 =	simm.s32 @!p1 $0x6400;
	s14 =	sadd.s32 @!p1 s14, s16;
	s16 =	simm.s32 @!p1 $0x40  }
0x26: {  	[tilespmem:s15], [sflag:$0x1] =	stream.strided.gather @!p1 [hbm4b:s14+s16], $0x2000, s17, s16, $0x38;
	[tilespmem:$0x8080] =	vst v63  }
0x27: {  	p1 =	sge.u32 s31, s5  }
.Ltmp2:
0x28: {  	_ = 	snop;
	(pc) =	sbr.rel @p1 .LBB1_5-.Ltmp2, $1  }
0x29: {  	_ =	sdelay $0x3  }
0x2a: {  	s14 =	simm.s32 $0x1  }
0x2b: {  	_ =	swait.ge [sflag:s4], $0x2000;
	s14 =	simm.s32 @!p0 $0x0  }
0x2c: {  	[sflag:s4] =	ssyncset.done $0x0;
	s15 =	sshll.u32 s14, $0xD  }
0x2d: {  	[sflag:s4] =	ssyncadd.s32 $0xFFFFE000;
	s18 =	sor.u32 $0x20, s15  }
0x2e: {  	s14 =	smul.u32 $0x8100, s14;
	v3 =	vld [tilespmem:s18+$0x10]  }
0x2f: {  	s30 =	sand.u32 $0x1, s11;
	v2 =	vld [tilespmem:s18+$0xFFFFFFF0]  }
0x30: {  	s15 =	smul.u32 $0x8100, s30;
	s14 =	sshrl.u32 s14, $0x2;
	v0 =	vld [tilespmem:s18+$0x0]  }
0x31: {  	v1 =	vld [tilespmem:s18+$0xFFFFFFE0];
	s16 =	sor.u32 $0x4000, s14  }
0x32: {  	s31 =	sshrl.u32 s15, $0x2;
	s15 =	sadd.s32 $0x0, s16  }
0x33: {  	s17 =	simm.s32 $0x4;
	s18 =	sadd.s32 $0x40, s18;
	s14 =	sor.u32 $0x4000, s31;
	[tilespmem:s15+$0x1830 ss:$0x81] =	vst.msk $0xffff, v3  }
.LBB1_3:
0x34: {  	v3 =	vld [tilespmem:s18+$0x10];
	p1 =	sne.s32 s17, $0x1FC;
	[tilespmem:s15+$0x810 ss:$0x81] =	vst.msk $0xffff, v2;
	s19 =	smov.u32 s17;
	s17 =	sadd.s32 $0x4, s17  }
.Ltmp3:
0x35: {  	v2 =	vld [tilespmem:s18+$0xFFFFFFF0];
	[tilespmem:s15+$0x1020 ss:$0x81] =	vst.msk $0xffff, v0;
	(pc) =	sbr.rel @p1 .LBB1_3-.Ltmp3, $4  }
0x36: {  	v0 =	vld [tilespmem:s18+$0x0];
	[tilespmem:s15+$0x0 ss:$0x81] =	vst.msk $0xffff, v1  }
0x37: {  	s15 =	sshra.s32 s19, $0x2;
	v1 =	vld [tilespmem:s18+$0xFFFFFFE0]  }
0x38: {  	s15 =	sadd.s32 s15, s16  }
0x39: {  	s18 =	sadd.s32 $0x40, s18;
	[tilespmem:s15+$0x1830 ss:$0x81] =	vst.msk $0xffff, v3  }
.Ltmp4:
0x3a: {  	_ = 	snop;
	(pc) =	sbr.rel .LBB1_4-.Ltmp4, $1  }
0x3b: {  	_ =	sdelay $0x3  }
.LBB1_6:
0x3c: {  	_ =	sfence.sel $0x180000  }
0x3d: {  	s2 =	simm.s32 $0x1;
	[bflag:$0x0] =	sbarrier.arrive $0xFFFF  }
0x3e: {  	s31 =	simm.s32 $0x2;
	[sflag:s2] =	ssyncpa.u1 $0x1  }
0x3f: {  	[sflag:s31] =	ssyncpa.u1 $0x1  }
0x40: {  	p0 =	sne.s32 s0, $0x0;
	_ =	strace $0x9000004A  }
0x41: {  	s0 =	sadd.s32 @!p0 $0x100000, s1;
	[bflag:$0x2] =	sbarrier.arrive $0xFFFF  }
0x42: {  	[sflag:s0] =	ssyncadd.tile.s32 @!p0 $0x1;
	_ =	shalt  }
.Lfunc_end1:
_tile_overlayer_lowered:
.L_overlay_start_2:
0x43: {  	(tag) =	ssettag $0x2  }
0x44: {  	s0 =	rddreg [dreg:$0x0];
	s2 =	stileid.u32  }
0x45: {  	s1 =	rddreg [dreg:$0x1];
	p0 =	sne.s32 s2, $0x0  }
0x46: {  	s3 =	rddreg [dreg:$0x2];
	[bflag:$0x3] =	sbarrier.arrive $0xFFFF;
	s2 =	simm.s32 @!p0 $0x1C01  }
0x47: {  	[timem:s3], [sflag:s2] =	dma.local @!p0 [hbm:s0], s1  }
0x48: {  	s0 =	simm.s32 @!p0 $0x1  }
0x49: {  	_ =	swait.ge @!p0 [sflag:s0], s1  }
0x4a: {  	s1 =	ssub.s32 @!p0 $0x0, s1;
	[sflag:s0] =	ssyncset.done @!p0 $0x0  }
0x4b: {  	[sflag:s0] =	ssyncadd.s32 @!p0 s1  }
0x4c: {  	[bflag:$0x3] =	sbarrier.arrive $0xFFFF  }
0x4d: {  	_ =	shalt  }

</sc_bundles>
